<compile_context>
chip_gen: v7x
topology: tpu7x:2x2x1
jax: 0.10.2.dev20260603
libtpu: 0.0.44.dev20260713+nightly
codegen_flags: <defaults>
</compile_context>

<pallas_src>
import functools

import jax
import jax.numpy as jnp
from jax import lax
from jax.experimental import pallas as pl
from jax.experimental.pallas import tpu as pltpu
from jax.experimental.pallas import tpu_sc as plsc

_BASE_LOD = 9
_N = 262144
_V = 2000000
_D = 16
_L = 16

_PB = 128
_NB = _N // _PB
_RPB = _PB * 8


@functools.lru_cache(maxsize=None)
def _make_convert(nc, ns):
    nw = nc * ns
    nchunk = _V // 128
    per_w = (nchunk + nw - 1) // nw
    mesh = plsc.VectorSubcoreMesh(core_axis_name="c", subcore_axis_name="s")

    @functools.partial(
        pl.kernel,
        mesh=mesh,
        compiler_params=pltpu.CompilerParams(
            needs_layout_passes=False, use_tc_tiling_on_sc=False),
        out_type=jax.ShapeDtypeStruct((_V, _D), jnp.float32),
        scratch_types=[
            pltpu.VMEM((8, _D, 128), jnp.float32),
            pltpu.VMEM((_D, 129), jnp.float32),
            pltpu.VMEM((8, 128, _D), jnp.float32),
            pltpu.SemaphoreType.DMA((8,)),
            pltpu.SemaphoreType.DMA((8,)),
        ],
    )
    def conv_kernel(fv_hbm, out_hbm, in_v, pad_v, out_v, isems, osems):
        wid = lax.axis_index("s") * nc + lax.axis_index("c")
        start = wid * per_w
        cnt = jnp.minimum(per_w, nchunk - start)
        lane = lax.iota(jnp.int32, _L)
        depth = 8

        def issue(c, q):
            m = c * 8
            pltpu.async_copy(fv_hbm.at[0, pl.ds(m, 8)],
                             in_v.at[q, pl.ds(0, 8)],
                             isems.at[q])
            pltpu.async_copy(fv_hbm.at[1, pl.ds(m, 8)],
                             in_v.at[q, pl.ds(8, 8)],
                             isems.at[q])

        for q0 in range(depth - 1):
            @pl.when(q0 < cnt)
            def _():
                issue(start + q0, q0)

        def body(i, carry):
            p = jnp.bitwise_and(i, depth - 1)
            c = start + i

            @pl.when(i + depth - 1 < cnt)
            def _():
                issue(c + depth - 1,
                      jnp.bitwise_and(i + depth - 1, depth - 1))

            pltpu.make_async_copy(
                fv_hbm.at[0, pl.ds(0, 16)],
                in_v.at[p],
                isems.at[p],
            ).wait()

            @pl.when(i >= depth)
            def _():
                pltpu.make_async_copy(
                    out_v.at[p], out_hbm.at[pl.ds(0, 128)], osems.at[p]
                ).wait()

            @plsc.parallel_loop(0, _D, unroll=4)
            def _(d):
                for s in range(8):
                    pad_v[d, pl.ds(s * _L, _L)] = in_v[p, d, pl.ds(s * _L, _L)]

            @plsc.parallel_loop(0, 128, unroll=8)
            def _(k):
                row = plsc.load_gather(pad_v, [lane, lane * 0 + k])
                out_v[p, k] = row
            pltpu.async_copy(out_v.at[p],
                             out_hbm.at[pl.ds(c * 128, 128)],
                             osems.at[p])
            return carry

        lax.fori_loop(0, cnt, body, 0)
        for p0 in range(depth):
            @pl.when(p0 < cnt)
            def _():
                pltpu.make_async_copy(
                    out_v.at[p0], out_hbm.at[pl.ds(0, 128)], osems.at[p0]
                ).wait()

    return conv_kernel


@functools.lru_cache(maxsize=None)
def _make_kernel(nc, ns):
    nw = nc * ns
    bpw = _NB // nw
    ppw = _N // nw
    mesh = plsc.VectorSubcoreMesh(core_axis_name="c", subcore_axis_name="s")

    @functools.partial(
        pl.kernel,
        mesh=mesh,
        compiler_params=pltpu.CompilerParams(
            needs_layout_passes=False, use_tc_tiling_on_sc=False),
        out_type=jax.ShapeDtypeStruct((2, _NB, 8, _PB), jnp.float32),
        scratch_types=[
            pltpu.VMEM((4, 8, _PB), jnp.int32),
            pltpu.VMEM((4, _RPB, _D), jnp.float32),
            pltpu.VMEM((ppw,), jnp.float32),
            pltpu.VMEM((ppw,), jnp.float32),
            pltpu.VMEM((ppw,), jnp.float32),
            pltpu.VMEM((_RPB,), jnp.float32),
            pltpu.VMEM((_PB, 17), jnp.float32),
            pltpu.VMEM((2, _D, _PB), jnp.float32),
            pltpu.VMEM((_L,), jnp.float32),
            pltpu.SemaphoreType.DMA((4,)),
            pltpu.SemaphoreType.DMA((2,)),
        ],
    )
    def spc_kernel(x0_hbm, x1_hbm, x2_hbm, cidx_hbm, feat_hbm, res_hbm,
                   out_hbm, idx_v, rows_v, x0_v, x1_v, x2_v, coeff_v, pad_v,
                   outT_v, res_v, sems, osems):
        wid = lax.axis_index("s") * nc + lax.axis_index("c")
        base_blk = wid * bpw
        base_pt = wid * ppw
        pltpu.sync_copy(res_hbm, res_v)
        pltpu.sync_copy(x0_hbm.at[pl.ds(pl.multiple_of(base_pt, ppw), ppw)],
                        x0_v)
        pltpu.sync_copy(x1_hbm.at[pl.ds(pl.multiple_of(base_pt, ppw), ppw)],
                        x1_v)
        pltpu.sync_copy(x2_hbm.at[pl.ds(pl.multiple_of(base_pt, ppw), ppw)],
                        x2_v)
        res = res_v[...]
        lane = lax.iota(jnp.int32, _L)

        def issue(blk, q):
            pltpu.sync_copy(cidx_hbm.at[blk], idx_v.at[q])
            for j in range(8):
                pltpu.async_copy(
                    feat_hbm.at[idx_v.at[q, j]],
                    rows_v.at[q, pl.ds(j * _PB, _PB)],
                    sems.at[q],
                )

        for q0 in range(3):
            issue(base_blk + q0, q0)

        def block_body(b, carry):
            p = jnp.bitwise_and(b, 3)

            @pl.when(b < bpw - 3)
            def _():
                issue(base_blk + b + 3, jnp.bitwise_and(b + 3, 3))

            pltpu.make_async_copy(
                feat_hbm.at[pl.ds(0, _RPB)], rows_v.at[p], sems.at[p]
            ).wait()

            s_in_w = b * _PB

            @plsc.parallel_loop(0, _PB // _L, unroll=4)
            def grp_body(g):
                s = g * _L
                f0 = x0_v[pl.ds(s_in_w + s, _L)] * res
                f1 = x1_v[pl.ds(s_in_w + s, _L)] * res
                f2 = x2_v[pl.ds(s_in_w + s, _L)] * res
                f0 = f0 - f0.astype(jnp.int32).astype(jnp.float32)
                f1 = f1 - f1.astype(jnp.int32).astype(jnp.float32)
                f2 = f2 - f2.astype(jnp.int32).astype(jnp.float32)
                a0 = 1.0 - f0
                a1 = 1.0 - f1
                a2 = 1.0 - f2
                p00 = a0 * a1
                p01 = a0 * f1
                p10 = f0 * a1
                p11 = f0 * f1
                cs = (p00 * a2, p00 * f2, p01 * a2, p01 * f2,
                      p10 * a2, p10 * f2, p11 * a2, p11 * f2)
                sbase = lane * 8 + s * 8
                for j in range(8):
                    plsc.store_scatter(coeff_v, [sbase + j], cs[j])

            @plsc.parallel_loop(0, _PB // 2, unroll=8)
            def pair_body(m):
                k = m * 2
                r = m * 16
                cv = coeff_v[pl.ds(r, _L)]
                acc0 = cv[0] * rows_v[p, k]
                acc1 = cv[8] * rows_v[p, k + 1]
                for j in range(1, 8):
                    acc0 = acc0 + cv[j] * rows_v[p, j * _PB + k]
                    acc1 = acc1 + cv[8 + j] * rows_v[p, j * _PB + k + 1]
                pad_v[k, pl.ds(0, _L)] = acc0
                pad_v[k + 1, pl.ds(0, _L)] = acc1

            po = jnp.bitwise_and(b, 1)

            @pl.when(b >= 2)
            def _():
                pltpu.make_async_copy(
                    outT_v.at[po], out_hbm.at[0, pl.ds(0, 2)], osems.at[po]
                ).wait()

            @plsc.parallel_loop(0, 8 * _D, unroll=8)
            def trans_body(t):
                d = lax.div(t, 8)
                s = lax.rem(t, 8)
                row = plsc.load_gather(
                    pad_v, [s * _L + lane, lane * 0 + d])
                outT_v[po, d, pl.ds(s * _L, _L)] = row

            cb_out = base_blk + b
            pltpu.async_copy(outT_v.at[po, pl.ds(0, 8)],
                             out_hbm.at[0, cb_out], osems.at[po])
            pltpu.async_copy(outT_v.at[po, pl.ds(8, 8)],
                             out_hbm.at[1, cb_out], osems.at[po])
            return carry

        lax.fori_loop(0, bpw, block_body, 0)
        for p0 in range(2):
            pltpu.make_async_copy(
                outT_v.at[p0], out_hbm.at[0, pl.ds(0, 2)], osems.at[p0]
            ).wait()

    return spc_kernel


def kernel(x, corner_idx, features, lod):
    res = (jnp.asarray(2, jnp.int32) ** (lod + _BASE_LOD)).astype(jnp.float32)
    res_vec = jnp.full((_L,), 1.0, jnp.float32) * res
    x0 = x[:, 0]
    x1 = x[:, 1]
    x2 = x[:, 2]
    cidx_view = corner_idx.T.reshape(8, _NB, _PB).transpose(1, 0, 2)
    fview = (features.T.reshape(2, 8, _V // 128, 128)
             .transpose(0, 2, 1, 3).reshape(2, _V // 16, 128))
    info = plsc.get_sparse_core_info()
    conv = _make_convert(info.num_cores, info.num_subcores)
    feat_rm = conv(fview)
    k = _make_kernel(info.num_cores, info.num_subcores)
    out_view = k(x0, x1, x2, cidx_view, feat_rm, res_vec)
    return out_view.transpose(0, 2, 1, 3).reshape(_D, _N).T

# --- scband reference (transcript-rebuilt; emitter-appended) ---
"""Pipeline reference for scband-spc-85469849190654 (READ-ONLY COPY).

The authoritative reference and input builder live on the scoring server;
editing this copy changes nothing except your own understanding.
"""

import jax, jax.numpy as jnp
import numpy as np

BASE_LOD = 9
N = 262144
V = 2000000
D = 16


def _trilinear_coeffs(frac):
    # frac: [N, 3] fractional coordinates within the voxel
    # 8 corner bit patterns (z, y, x order; ordering is a fixed convention
    # matching spc_ops.points_to_coeffs corner enumeration)
    corners = jnp.array([[(j >> 2) & 1, (j >> 1) & 1, j & 1] for j in range(8)],
                        dtype=frac.dtype)  # [8, 3]
    f = frac[:, None, :]  # [N, 1, 3]
    w = jnp.where(corners[None] > 0, f, 1.0 - f)  # [N, 8, 3]
    coeffs = jnp.prod(w, axis=-1)  # [N, 8]
    # torch.clamp(coeffs, 0.0, 1.0) in original interpolate()
    return jnp.clip(coeffs, 0.0, 1.0)


def setup_inputs(seed: int = 0) -> dict:
    key = jax.random.key(seed)
    k1, k2, k3 = jax.random.split(key, 3)
    # query points in [0, 1)^3 (normalized coords)
    x = jax.random.uniform(k1, (N, 3), dtype=jnp.float32)
    # trinkets[pidx]: per-point indices of the 8 dual-octree corner features
    corner_idx = jax.random.randint(k2, (N, 8), 0, V, dtype=jnp.int32)
    # learned feature table (features[lod]), initialized with feature_std=0.01
    features = jax.random.normal(k3, (V, D), dtype=jnp.float32) * 0.01
    lod = 0
    return {"x": x, "corner_idx": corner_idx, "features": features, "lod": lod}


def reference(x, corner_idx, features, lod):
    # SPC.interpolate: quantize point -> trilinear coeffs vs. voxel corner,
    # gather 8 corner features via trinkets, weighted sum (_interpolate).
    res = jnp.asarray(2, dtype=jnp.int32) ** (lod + BASE_LOD)
    coords = x * res  # points_to_coords
    frac = coords - jnp.floor(coords)
    coeffs = _trilinear_coeffs(frac)  # [N, 8]
    feats = jnp.take(features, corner_idx, axis=0)  # [N, 8, D] gather
    # _interpolate: (coeffs[..., None] * feats).sum(-2)
    out = jnp.sum(coeffs[..., None] * feats, axis=-2)  # [N, D]
    return out

if __name__ == "__main__":
    import jax
    _d = setup_inputs()
    print(jax.jit(kernel)(*tuple(_d.values())))

</pallas_src>

<mosaic_0001>
#map = affine_map<(d0, d1) -> (0, 0, 0)>
#map1 = affine_map<(d0, d1) -> (0, 0)>
module attributes {stable_mosaic.version = 14 : i64} {
  func.func @conv_kernel(%arg0: i32, %arg1: i32, %arg2: memref<2x125000x128xf32, #tpu.memory_space<hbm>>, %arg3: memref<2000000x16xf32, #tpu.memory_space<hbm>>, %arg4: memref<8x16x128xf32, #tpu.memory_space<vmem>>, %arg5: memref<16x129xf32, #tpu.memory_space<vmem>>, %arg6: memref<8x128x16xf32, #tpu.memory_space<vmem>>, %arg7: memref<8x!tpu.dma_semaphore, #tpu.memory_space<semaphore_mem>>, %arg8: memref<8x!tpu.dma_semaphore, #tpu.memory_space<semaphore_mem>>) attributes {dimension_semantics = [#tpu.dimension_semantics<core_parallel>, #tpu.dimension_semantics<subcore_parallel>], iteration_bounds = array<i64: 2, 16>, scalar_prefetch = 0 : i64, scratch_operands = 5 : i64, tpu.core_type = #tpu.core_type<sc_vector_subcore>, window_params = [{transform_indices = #map}, {transform_indices = #map1}]} {
    %mul3A = arith.constant 2 : i32
    %mul3A_0 = arith.muli %arg1, %mul3A : i32
    %add3A = arith.addi %mul3A_0, %arg0 : i32
    %mul3A_1 = arith.constant 489 : i32
    %mul3A_2 = arith.muli %add3A, %mul3A_1 : i32
    %sub3A = arith.constant 15625 : i32
    %sub3A_3 = arith.subi %sub3A, %mul3A_2 : i32
    %min3A = arith.constant 489 : i32
    %min3A_4 = arith.minsi %min3A, %sub3A_3 : i32
    %iota3A = tpu.iota {dimensions = array<i32: 0>} : vector<16xi32>
    %gt3A = arith.constant 0 : i32
    %gt3A_5 = arith.cmpi sgt, %min3A_4, %gt3A : i32
    %convert_element_type3A = arith.extui %gt3A_5 : i1 to i32
    %cond3A = arith.constant 0 : i32
    %cond3A_6 = arith.cmpi ne, %convert_element_type3A, %cond3A : i32
    scf.if %cond3A_6 {
      %add3A_86 = arith.constant 0 : i32
      %add3A_87 = arith.addi %mul3A_2, %add3A_86 : i32
      %mul3A_88 = arith.constant 8 : i32
      %mul3A_89 = arith.muli %add3A_87, %mul3A_88 : i32
      %dma_start3A = arith.constant 0 : i32
      %dma_start3A_90 = arith.constant 0 : i32
      %dma_start3A_91 = arith.constant 0 : i32
      %dma_start3A_92 = arith.constant 0 : i32
      %dma_start3A_93 = arith.constant 0 : i32
      %dma_start3A_94 = tpu.memref_slice %arg4[%dma_start3A_90, %dma_start3A_92, %dma_start3A_93] : memref<8x16x128xf32, #tpu.memory_space<vmem>> -> memref<1x8x128xf32, #tpu.memory_space<vmem>>
      %dma_start3A_95 = tpu.memref_squeeze %dma_start3A_94 : memref<1x8x128xf32, #tpu.memory_space<vmem>> -> memref<8x128xf32, #tpu.memory_space<vmem>>
      %dma_start3A_96 = arith.constant 0 : i32
      %dma_start3A_97 = tpu.memref_slice %arg2[%dma_start3A, %mul3A_89, %dma_start3A_96] : memref<2x125000x128xf32, #tpu.memory_space<hbm>> -> memref<1x8x128xf32, #tpu.memory_space<hbm>>
      %dma_start3A_98 = tpu.memref_squeeze %dma_start3A_97 : memref<1x8x128xf32, #tpu.memory_space<hbm>> -> memref<8x128xf32, #tpu.memory_space<hbm>>
      %dma_start3A_99 = tpu.memref_slice %arg7[%dma_start3A_91] : memref<8x!tpu.dma_semaphore, #tpu.memory_space<semaphore_mem>> -> memref<1x!tpu.dma_semaphore, #tpu.memory_space<semaphore_mem>>
      %dma_start3A_100 = tpu.memref_squeeze %dma_start3A_99 : memref<1x!tpu.dma_semaphore, #tpu.memory_space<semaphore_mem>> -> memref<!tpu.dma_semaphore, #tpu.memory_space<semaphore_mem>>
      %dma_start3A_101 = arith.constant 0 : i32
      %dma_start3A_102 = arith.constant 0 : i32
      %dma_start3A_103 = tpu.memref_slice %arg4[%dma_start3A_90, %dma_start3A_101, %dma_start3A_102] : memref<8x16x128xf32, #tpu.memory_space<vmem>> -> memref<1x8x128xf32, #tpu.memory_space<vmem>>
      %dma_start3A_104 = tpu.memref_squeeze %dma_start3A_103 : memref<1x8x128xf32, #tpu.memory_space<vmem>> -> memref<8x128xf32, #tpu.memory_space<vmem>>
      %dma_start3A_105 = arith.constant 0 : i32
      %dma_start3A_106 = tpu.memref_slice %arg2[%dma_start3A, %mul3A_89, %dma_start3A_105] : memref<2x125000x128xf32, #tpu.memory_space<hbm>> -> memref<1x8x128xf32, #tpu.memory_space<hbm>>
      %dma_start3A_107 = tpu.memref_squeeze %dma_start3A_106 : memref<1x8x128xf32, #tpu.memory_space<hbm>> -> memref<8x128xf32, #tpu.memory_space<hbm>>
      tpu.enqueue_dma source(%dma_start3A_107 : memref<8x128xf32, #tpu.memory_space<hbm>>) target(%dma_start3A_104 : memref<8x128xf32, #tpu.memory_space<vmem>>) target_semaphore(%dma_start3A_100 : memref<!tpu.dma_semaphore, #tpu.memory_space<semaphore_mem>>)
      %dma_start3A_108 = arith.constant 1 : i32
      %dma_start3A_109 = arith.constant 0 : i32
      %dma_start3A_110 = arith.constant 0 : i32
      %dma_start3A_111 = arith.constant 8 : i32
      %dma_start3A_112 = arith.constant 0 : i32
      %dma_start3A_113 = tpu.memref_slice %arg4[%dma_start3A_109, %dma_start3A_111, %dma_start3A_112] : memref<8x16x128xf32, #tpu.memory_space<vmem>> -> memref<1x8x128xf32, #tpu.memory_space<vmem>>
      %dma_start3A_114 = tpu.memref_squeeze %dma_start3A_113 : memref<1x8x128xf32, #tpu.memory_space<vmem>> -> memref<8x128xf32, #tpu.memory_space<vmem>>
      %dma_start3A_115 = arith.constant 0 : i32
      %dma_start3A_116 = tpu.memref_slice %arg2[%dma_start3A_108, %mul3A_89, %dma_start3A_115] : memref<2x125000x128xf32, #tpu.memory_space<hbm>> -> memref<1x8x128xf32, #tpu.memory_space<hbm>>
      %dma_start3A_117 = tpu.memref_squeeze %dma_start3A_116 : memref<1x8x128xf32, #tpu.memory_space<hbm>> -> memref<8x128xf32, #tpu.memory_space<hbm>>
      %dma_start3A_118 = tpu.memref_slice %arg7[%dma_start3A_110] : memref<8x!tpu.dma_semaphore, #tpu.memory_space<semaphore_mem>> -> memref<1x!tpu.dma_semaphore, #tpu.memory_space<semaphore_mem>>
      %dma_start3A_119 = tpu.memref_squeeze %dma_start3A_118 : memref<1x!tpu.dma_semaphore, #tpu.memory_space<semaphore_mem>> -> memref<!tpu.dma_semaphore, #tpu.memory_space<semaphore_mem>>
      %dma_start3A_120 = arith.constant 8 : i32
      %dma_start3A_121 = arith.constant 0 : i32
      %dma_start3A_122 = tpu.memref_slice %arg4[%dma_start3A_109, %dma_start3A_120, %dma_start3A_121] : memref<8x16x128xf32, #tpu.memory_space<vmem>> -> memref<1x8x128xf32, #tpu.memory_space<vmem>>
      %dma_start3A_123 = tpu.memref_squeeze %dma_start3A_122 : memref<1x8x128xf32, #tpu.memory_space<vmem>> -> memref<8x128xf32, #tpu.memory_space<vmem>>
      %dma_start3A_124 = arith.constant 0 : i32
      %dma_start3A_125 = tpu.memref_slice %arg2[%dma_start3A_108, %mul3A_89, %dma_start3A_124] : memref<2x125000x128xf32, #tpu.memory_space<hbm>> -> memref<1x8x128xf32, #tpu.memory_space<hbm>>
      %dma_start3A_126 = tpu.memref_squeeze %dma_start3A_125 : memref<1x8x128xf32, #tpu.memory_space<hbm>> -> memref<8x128xf32, #tpu.memory_space<hbm>>
      tpu.enqueue_dma source(%dma_start3A_126 : memref<8x128xf32, #tpu.memory_space<hbm>>) target(%dma_start3A_123 : memref<8x128xf32, #tpu.memory_space<vmem>>) target_semaphore(%dma_start3A_119 : memref<!tpu.dma_semaphore, #tpu.memory_space<semaphore_mem>>)
    } else {
    }
    %gt3A_7 = arith.constant 1 : i32
    %gt3A_8 = arith.cmpi sgt, %min3A_4, %gt3A_7 : i32
    %convert_element_type3A_9 = arith.extui %gt3A_8 : i1 to i32
    %cond3A_10 = arith.constant 0 : i32
    %cond3A_11 = arith.cmpi ne, %convert_element_type3A_9, %cond3A_10 : i32
    scf.if %cond3A_11 {
      %add3A_86 = arith.constant 1 : i32
      %add3A_87 = arith.addi %mul3A_2, %add3A_86 : i32
      %mul3A_88 = arith.constant 8 : i32
      %mul3A_89 = arith.muli %add3A_87, %mul3A_88 : i32
      %dma_start3A = arith.constant 0 : i32
      %dma_start3A_90 = arith.constant 1 : i32
      %dma_start3A_91 = arith.constant 1 : i32
      %dma_start3A_92 = arith.constant 0 : i32
      %dma_start3A_93 = arith.constant 0 : i32
      %dma_start3A_94 = tpu.memref_slice %arg4[%dma_start3A_90, %dma_start3A_92, %dma_start3A_93] : memref<8x16x128xf32, #tpu.memory_space<vmem>> -> memref<1x8x128xf32, #tpu.memory_space<vmem>>
      %dma_start3A_95 = tpu.memref_squeeze %dma_start3A_94 : memref<1x8x128xf32, #tpu.memory_space<vmem>> -> memref<8x128xf32, #tpu.memory_space<vmem>>
      %dma_start3A_96 = arith.constant 0 : i32
      %dma_start3A_97 = tpu.memref_slice %arg2[%dma_start3A, %mul3A_89, %dma_start3A_96] : memref<2x125000x128xf32, #tpu.memory_space<hbm>> -> memref<1x8x128xf32, #tpu.memory_space<hbm>>
      %dma_start3A_98 = tpu.memref_squeeze %dma_start3A_97 : memref<1x8x128xf32, #tpu.memory_space<hbm>> -> memref<8x128xf32, #tpu.memory_space<hbm>>
      %dma_start3A_99 = tpu.memref_slice %arg7[%dma_start3A_91] : memref<8x!tpu.dma_semaphore, #tpu.memory_space<semaphore_mem>> -> memref<1x!tpu.dma_semaphore, #tpu.memory_space<semaphore_mem>>
      %dma_start3A_100 = tpu.memref_squeeze %dma_start3A_99 : memref<1x!tpu.dma_semaphore, #tpu.memory_space<semaphore_mem>> -> memref<!tpu.dma_semaphore, #tpu.memory_space<semaphore_mem>>
      %dma_start3A_101 = arith.constant 0 : i32
      %dma_start3A_102 = arith.constant 0 : i32
      %dma_start3A_103 = tpu.memref_slice %arg4[%dma_start3A_90, %dma_start3A_101, %dma_start3A_102] : memref<8x16x128xf32, #tpu.memory_space<vmem>> -> memref<1x8x128xf32, #tpu.memory_space<vmem>>
      %dma_start3A_104 = tpu.memref_squeeze %dma_start3A_103 : memref<1x8x128xf32, #tpu.memory_space<vmem>> -> memref<8x128xf32, #tpu.memory_space<vmem>>
      %dma_start3A_105 = arith.constant 0 : i32
      %dma_start3A_106 = tpu.memref_slice %arg2[%dma_start3A, %mul3A_89, %dma_start3A_105] : memref<2x125000x128xf32, #tpu.memory_space<hbm>> -> memref<1x8x128xf32, #tpu.memory_space<hbm>>
      %dma_start3A_107 = tpu.memref_squeeze %dma_start3A_106 : memref<1x8x128xf32, #tpu.memory_space<hbm>> -> memref<8x128xf32, #tpu.memory_space<hbm>>
      tpu.enqueue_dma source(%dma_start3A_107 : memref<8x128xf32, #tpu.memory_space<hbm>>) target(%dma_start3A_104 : memref<8x128xf32, #tpu.memory_space<vmem>>) target_semaphore(%dma_start3A_100 : memref<!tpu.dma_semaphore, #tpu.memory_space<semaphore_mem>>)
      %dma_start3A_108 = arith.constant 1 : i32
      %dma_start3A_109 = arith.constant 1 : i32
      %dma_start3A_110 = arith.constant 1 : i32
      %dma_start3A_111 = arith.constant 8 : i32
      %dma_start3A_112 = arith.constant 0 : i32
      %dma_start3A_113 = tpu.memref_slice %arg4[%dma_start3A_109, %dma_start3A_111, %dma_start3A_112] : memref<8x16x128xf32, #tpu.memory_space<vmem>> -> memref<1x8x128xf32, #tpu.memory_space<vmem>>
      %dma_start3A_114 = tpu.memref_squeeze %dma_start3A_113 : memref<1x8x128xf32, #tpu.memory_space<vmem>> -> memref<8x128xf32, #tpu.memory_space<vmem>>
      %dma_start3A_115 = arith.constant 0 : i32
      %dma_start3A_116 = tpu.memref_slice %arg2[%dma_start3A_108, %mul3A_89, %dma_start3A_115] : memref<2x125000x128xf32, #tpu.memory_space<hbm>> -> memref<1x8x128xf32, #tpu.memory_space<hbm>>
      %dma_start3A_117 = tpu.memref_squeeze %dma_start3A_116 : memref<1x8x128xf32, #tpu.memory_space<hbm>> -> memref<8x128xf32, #tpu.memory_space<hbm>>
      %dma_start3A_118 = tpu.memref_slice %arg7[%dma_start3A_110] : memref<8x!tpu.dma_semaphore, #tpu.memory_space<semaphore_mem>> -> memref<1x!tpu.dma_semaphore, #tpu.memory_space<semaphore_mem>>
      %dma_start3A_119 = tpu.memref_squeeze %dma_start3A_118 : memref<1x!tpu.dma_semaphore, #tpu.memory_space<semaphore_mem>> -> memref<!tpu.dma_semaphore, #tpu.memory_space<semaphore_mem>>
      %dma_start3A_120 = arith.constant 8 : i32
      %dma_start3A_121 = arith.constant 0 : i32
      %dma_start3A_122 = tpu.memref_slice %arg4[%dma_start3A_109, %dma_start3A_120, %dma_start3A_121] : memref<8x16x128xf32, #tpu.memory_space<vmem>> -> memref<1x8x128xf32, #tpu.memory_space<vmem>>
      %dma_start3A_123 = tpu.memref_squeeze %dma_start3A_122 : memref<1x8x128xf32, #tpu.memory_space<vmem>> -> memref<8x128xf32, #tpu.memory_space<vmem>>
      %dma_start3A_124 = arith.constant 0 : i32
      %dma_start3A_125 = tpu.memref_slice %arg2[%dma_start3A_108, %mul3A_89, %dma_start3A_124] : memref<2x125000x128xf32, #tpu.memory_space<hbm>> -> memref<1x8x128xf32, #tpu.memory_space<hbm>>
      %dma_start3A_126 = tpu.memref_squeeze %dma_start3A_125 : memref<1x8x128xf32, #tpu.memory_space<hbm>> -> memref<8x128xf32, #tpu.memory_space<hbm>>
      tpu.enqueue_dma source(%dma_start3A_126 : memref<8x128xf32, #tpu.memory_space<hbm>>) target(%dma_start3A_123 : memref<8x128xf32, #tpu.memory_space<vmem>>) target_semaphore(%dma_start3A_119 : memref<!tpu.dma_semaphore, #tpu.memory_space<semaphore_mem>>)
    } else {
    }
    %gt3A_12 = arith.constant 2 : i32
    %gt3A_13 = arith.cmpi sgt, %min3A_4, %gt3A_12 : i32
    %convert_element_type3A_14 = arith.extui %gt3A_13 : i1 to i32
    %cond3A_15 = arith.constant 0 : i32
    %cond3A_16 = arith.cmpi ne, %convert_element_type3A_14, %cond3A_15 : i32
    scf.if %cond3A_16 {
      %add3A_86 = arith.constant 2 : i32
      %add3A_87 = arith.addi %mul3A_2, %add3A_86 : i32
      %mul3A_88 = arith.constant 8 : i32
      %mul3A_89 = arith.muli %add3A_87, %mul3A_88 : i32
      %dma_start3A = arith.constant 0 : i32
      %dma_start3A_90 = arith.constant 2 : i32
      %dma_start3A_91 = arith.constant 2 : i32
      %dma_start3A_92 = arith.constant 0 : i32
      %dma_start3A_93 = arith.constant 0 : i32
      %dma_start3A_94 = tpu.memref_slice %arg4[%dma_start3A_90, %dma_start3A_92, %dma_start3A_93] : memref<8x16x128xf32, #tpu.memory_space<vmem>> -> memref<1x8x128xf32, #tpu.memory_space<vmem>>
      %dma_start3A_95 = tpu.memref_squeeze %dma_start3A_94 : memref<1x8x128xf32, #tpu.memory_space<vmem>> -> memref<8x128xf32, #tpu.memory_space<vmem>>
      %dma_start3A_96 = arith.constant 0 : i32
      %dma_start3A_97 = tpu.memref_slice %arg2[%dma_start3A, %mul3A_89, %dma_start3A_96] : memref<2x125000x128xf32, #tpu.memory_space<hbm>> -> memref<1x8x128xf32, #tpu.memory_space<hbm>>
      %dma_start3A_98 = tpu.memref_squeeze %dma_start3A_97 : memref<1x8x128xf32, #tpu.memory_space<hbm>> -> memref<8x128xf32, #tpu.memory_space<hbm>>
      %dma_start3A_99 = tpu.memref_slice %arg7[%dma_start3A_91] : memref<8x!tpu.dma_semaphore, #tpu.memory_space<semaphore_mem>> -> memref<1x!tpu.dma_semaphore, #tpu.memory_space<semaphore_mem>>
      %dma_start3A_100 = tpu.memref_squeeze %dma_start3A_99 : memref<1x!tpu.dma_semaphore, #tpu.memory_space<semaphore_mem>> -> memref<!tpu.dma_semaphore, #tpu.memory_space<semaphore_mem>>
      %dma_start3A_101 = arith.constant 0 : i32
      %dma_start3A_102 = arith.constant 0 : i32
      %dma_start3A_103 = tpu.memref_slice %arg4[%dma_start3A_90, %dma_start3A_101, %dma_start3A_102] : memref<8x16x128xf32, #tpu.memory_space<vmem>> -> memref<1x8x128xf32, #tpu.memory_space<vmem>>
      %dma_start3A_104 = tpu.memref_squeeze %dma_start3A_103 : memref<1x8x128xf32, #tpu.memory_space<vmem>> -> memref<8x128xf32, #tpu.memory_space<vmem>>
      %dma_start3A_105 = arith.constant 0 : i32
      %dma_start3A_106 = tpu.memref_slice %arg2[%dma_start3A, %mul3A_89, %dma_start3A_105] : memref<2x125000x128xf32, #tpu.memory_space<hbm>> -> memref<1x8x128xf32, #tpu.memory_space<hbm>>
      %dma_start3A_107 = tpu.memref_squeeze %dma_start3A_106 : memref<1x8x128xf32, #tpu.memory_space<hbm>> -> memref<8x128xf32, #tpu.memory_space<hbm>>
      tpu.enqueue_dma source(%dma_start3A_107 : memref<8x128xf32, #tpu.memory_space<hbm>>) target(%dma_start3A_104 : memref<8x128xf32, #tpu.memory_space<vmem>>) target_semaphore(%dma_start3A_100 : memref<!tpu.dma_semaphore, #tpu.memory_space<semaphore_mem>>)
      %dma_start3A_108 = arith.constant 1 : i32
      %dma_start3A_109 = arith.constant 2 : i32
      %dma_start3A_110 = arith.constant 2 : i32
      %dma_start3A_111 = arith.constant 8 : i32
      %dma_start3A_112 = arith.constant 0 : i32
      %dma_start3A_113 = tpu.memref_slice %arg4[%dma_start3A_109, %dma_start3A_111, %dma_start3A_112] : memref<8x16x128xf32, #tpu.memory_space<vmem>> -> memref<1x8x128xf32, #tpu.memory_space<vmem>>
      %dma_start3A_114 = tpu.memref_squeeze %dma_start3A_113 : memref<1x8x128xf32, #tpu.memory_space<vmem>> -> memref<8x128xf32, #tpu.memory_space<vmem>>
      %dma_start3A_115 = arith.constant 0 : i32
      %dma_start3A_116 = tpu.memref_slice %arg2[%dma_start3A_108, %mul3A_89, %dma_start3A_115] : memref<2x125000x128xf32, #tpu.memory_space<hbm>> -> memref<1x8x128xf32, #tpu.memory_space<hbm>>
      %dma_start3A_117 = tpu.memref_squeeze %dma_start3A_116 : memref<1x8x128xf32, #tpu.memory_space<hbm>> -> memref<8x128xf32, #tpu.memory_space<hbm>>
      %dma_start3A_118 = tpu.memref_slice %arg7[%dma_start3A_110] : memref<8x!tpu.dma_semaphore, #tpu.memory_space<semaphore_mem>> -> memref<1x!tpu.dma_semaphore, #tpu.memory_space<semaphore_mem>>
      %dma_start3A_119 = tpu.memref_squeeze %dma_start3A_118 : memref<1x!tpu.dma_semaphore, #tpu.memory_space<semaphore_mem>> -> memref<!tpu.dma_semaphore, #tpu.memory_space<semaphore_mem>>
      %dma_start3A_120 = arith.constant 8 : i32
      %dma_start3A_121 = arith.constant 0 : i32
      %dma_start3A_122 = tpu.memref_slice %arg4[%dma_start3A_109, %dma_start3A_120, %dma_start3A_121] : memref<8x16x128xf32, #tpu.memory_space<vmem>> -> memref<1x8x128xf32, #tpu.memory_space<vmem>>
      %dma_start3A_123 = tpu.memref_squeeze %dma_start3A_122 : memref<1x8x128xf32, #tpu.memory_space<vmem>> -> memref<8x128xf32, #tpu.memory_space<vmem>>
      %dma_start3A_124 = arith.constant 0 : i32
      %dma_start3A_125 = tpu.memref_slice %arg2[%dma_start3A_108, %mul3A_89, %dma_start3A_124] : memref<2x125000x128xf32, #tpu.memory_space<hbm>> -> memref<1x8x128xf32, #tpu.memory_space<hbm>>
      %dma_start3A_126 = tpu.memref_squeeze %dma_start3A_125 : memref<1x8x128xf32, #tpu.memory_space<hbm>> -> memref<8x128xf32, #tpu.memory_space<hbm>>
      tpu.enqueue_dma source(%dma_start3A_126 : memref<8x128xf32, #tpu.memory_space<hbm>>) target(%dma_start3A_123 : memref<8x128xf32, #tpu.memory_space<vmem>>) target_semaphore(%dma_start3A_119 : memref<!tpu.dma_semaphore, #tpu.memory_space<semaphore_mem>>)
    } else {
    }
    %gt3A_17 = arith.constant 3 : i32
    %gt3A_18 = arith.cmpi sgt, %min3A_4, %gt3A_17 : i32
    %convert_element_type3A_19 = arith.extui %gt3A_18 : i1 to i32
    %cond3A_20 = arith.constant 0 : i32
    %cond3A_21 = arith.cmpi ne, %convert_element_type3A_19, %cond3A_20 : i32
    scf.if %cond3A_21 {
      %add3A_86 = arith.constant 3 : i32
      %add3A_87 = arith.addi %mul3A_2, %add3A_86 : i32
      %mul3A_88 = arith.constant 8 : i32
      %mul3A_89 = arith.muli %add3A_87, %mul3A_88 : i32
      %dma_start3A = arith.constant 0 : i32
      %dma_start3A_90 = arith.constant 3 : i32
      %dma_start3A_91 = arith.constant 3 : i32
      %dma_start3A_92 = arith.constant 0 : i32
      %dma_start3A_93 = arith.constant 0 : i32
      %dma_start3A_94 = tpu.memref_slice %arg4[%dma_start3A_90, %dma_start3A_92, %dma_start3A_93] : memref<8x16x128xf32, #tpu.memory_space<vmem>> -> memref<1x8x128xf32, #tpu.memory_space<vmem>>
      %dma_start3A_95 = tpu.memref_squeeze %dma_start3A_94 : memref<1x8x128xf32, #tpu.memory_space<vmem>> -> memref<8x128xf32, #tpu.memory_space<vmem>>
      %dma_start3A_96 = arith.constant 0 : i32
      %dma_start3A_97 = tpu.memref_slice %arg2[%dma_start3A, %mul3A_89, %dma_start3A_96] : memref<2x125000x128xf32, #tpu.memory_space<hbm>> -> memref<1x8x128xf32, #tpu.memory_space<hbm>>
      %dma_start3A_98 = tpu.memref_squeeze %dma_start3A_97 : memref<1x8x128xf32, #tpu.memory_space<hbm>> -> memref<8x128xf32, #tpu.memory_space<hbm>>
      %dma_start3A_99 = tpu.memref_slice %arg7[%dma_start3A_91] : memref<8x!tpu.dma_semaphore, #tpu.memory_space<semaphore_mem>> -> memref<1x!tpu.dma_semaphore, #tpu.memory_space<semaphore_mem>>
      %dma_start3A_100 = tpu.memref_squeeze %dma_start3A_99 : memref<1x!tpu.dma_semaphore, #tpu.memory_space<semaphore_mem>> -> memref<!tpu.dma_semaphore, #tpu.memory_space<semaphore_mem>>
      %dma_start3A_101 = arith.constant 0 : i32
      %dma_start3A_102 = arith.constant 0 : i32
      %dma_start3A_103 = tpu.memref_slice %arg4[%dma_start3A_90, %dma_start3A_101, %dma_start3A_102] : memref<8x16x128xf32, #tpu.memory_space<vmem>> -> memref<1x8x128xf32, #tpu.memory_space<vmem>>
      %dma_start3A_104 = tpu.memref_squeeze %dma_start3A_103 : memref<1x8x128xf32, #tpu.memory_space<vmem>> -> memref<8x128xf32, #tpu.memory_space<vmem>>
      %dma_start3A_105 = arith.constant 0 : i32
      %dma_start3A_106 = tpu.memref_slice %arg2[%dma_start3A, %mul3A_89, %dma_start3A_105] : memref<2x125000x128xf32, #tpu.memory_space<hbm>> -> memref<1x8x128xf32, #tpu.memory_space<hbm>>
      %dma_start3A_107 = tpu.memref_squeeze %dma_start3A_106 : memref<1x8x128xf32, #tpu.memory_space<hbm>> -> memref<8x128xf32, #tpu.memory_space<hbm>>
      tpu.enqueue_dma source(%dma_start3A_107 : memref<8x128xf32, #tpu.memory_space<hbm>>) target(%dma_start3A_104 : memref<8x128xf32, #tpu.memory_space<vmem>>) target_semaphore(%dma_start3A_100 : memref<!tpu.dma_semaphore, #tpu.memory_space<semaphore_mem>>)
      %dma_start3A_108 = arith.constant 1 : i32
      %dma_start3A_109 = arith.constant 3 : i32
      %dma_start3A_110 = arith.constant 3 : i32
      %dma_start3A_111 = arith.constant 8 : i32
      %dma_start3A_112 = arith.constant 0 : i32
      %dma_start3A_113 = tpu.memref_slice %arg4[%dma_start3A_109, %dma_start3A_111, %dma_start3A_112] : memref<8x16x128xf32, #tpu.memory_space<vmem>> -> memref<1x8x128xf32, #tpu.memory_space<vmem>>
      %dma_start3A_114 = tpu.memref_squeeze %dma_start3A_113 : memref<1x8x128xf32, #tpu.memory_space<vmem>> -> memref<8x128xf32, #tpu.memory_space<vmem>>
      %dma_start3A_115 = arith.constant 0 : i32
      %dma_start3A_116 = tpu.memref_slice %arg2[%dma_start3A_108, %mul3A_89, %dma_start3A_115] : memref<2x125000x128xf32, #tpu.memory_space<hbm>> -> memref<1x8x128xf32, #tpu.memory_space<hbm>>
      %dma_start3A_117 = tpu.memref_squeeze %dma_start3A_116 : memref<1x8x128xf32, #tpu.memory_space<hbm>> -> memref<8x128xf32, #tpu.memory_space<hbm>>
      %dma_start3A_118 = tpu.memref_slice %arg7[%dma_start3A_110] : memref<8x!tpu.dma_semaphore, #tpu.memory_space<semaphore_mem>> -> memref<1x!tpu.dma_semaphore, #tpu.memory_space<semaphore_mem>>
      %dma_start3A_119 = tpu.memref_squeeze %dma_start3A_118 : memref<1x!tpu.dma_semaphore, #tpu.memory_space<semaphore_mem>> -> memref<!tpu.dma_semaphore, #tpu.memory_space<semaphore_mem>>
      %dma_start3A_120 = arith.constant 8 : i32
      %dma_start3A_121 = arith.constant 0 : i32
      %dma_start3A_122 = tpu.memref_slice %arg4[%dma_start3A_109, %dma_start3A_120, %dma_start3A_121] : memref<8x16x128xf32, #tpu.memory_space<vmem>> -> memref<1x8x128xf32, #tpu.memory_space<vmem>>
      %dma_start3A_123 = tpu.memref_squeeze %dma_start3A_122 : memref<1x8x128xf32, #tpu.memory_space<vmem>> -> memref<8x128xf32, #tpu.memory_space<vmem>>
      %dma_start3A_124 = arith.constant 0 : i32
      %dma_start3A_125 = tpu.memref_slice %arg2[%dma_start3A_108, %mul3A_89, %dma_start3A_124] : memref<2x125000x128xf32, #tpu.memory_space<hbm>> -> memref<1x8x128xf32, #tpu.memory_space<hbm>>
      %dma_start3A_126 = tpu.memref_squeeze %dma_start3A_125 : memref<1x8x128xf32, #tpu.memory_space<hbm>> -> memref<8x128xf32, #tpu.memory_space<hbm>>
      tpu.enqueue_dma source(%dma_start3A_126 : memref<8x128xf32, #tpu.memory_space<hbm>>) target(%dma_start3A_123 : memref<8x128xf32, #tpu.memory_space<vmem>>) target_semaphore(%dma_start3A_119 : memref<!tpu.dma_semaphore, #tpu.memory_space<semaphore_mem>>)
    } else {
    }
    %gt3A_22 = arith.constant 4 : i32
    %gt3A_23 = arith.cmpi sgt, %min3A_4, %gt3A_22 : i32
    %convert_element_type3A_24 = arith.extui %gt3A_23 : i1 to i32
    %cond3A_25 = arith.constant 0 : i32
    %cond3A_26 = arith.cmpi ne, %convert_element_type3A_24, %cond3A_25 : i32
    scf.if %cond3A_26 {
      %add3A_86 = arith.constant 4 : i32
      %add3A_87 = arith.addi %mul3A_2, %add3A_86 : i32
      %mul3A_88 = arith.constant 8 : i32
      %mul3A_89 = arith.muli %add3A_87, %mul3A_88 : i32
      %dma_start3A = arith.constant 0 : i32
      %dma_start3A_90 = arith.constant 4 : i32
      %dma_start3A_91 = arith.constant 4 : i32
      %dma_start3A_92 = arith.constant 0 : i32
      %dma_start3A_93 = arith.constant 0 : i32
      %dma_start3A_94 = tpu.memref_slice %arg4[%dma_start3A_90, %dma_start3A_92, %dma_start3A_93] : memref<8x16x128xf32, #tpu.memory_space<vmem>> -> memref<1x8x128xf32, #tpu.memory_space<vmem>>
      %dma_start3A_95 = tpu.memref_squeeze %dma_start3A_94 : memref<1x8x128xf32, #tpu.memory_space<vmem>> -> memref<8x128xf32, #tpu.memory_space<vmem>>
      %dma_start3A_96 = arith.constant 0 : i32
      %dma_start3A_97 = tpu.memref_slice %arg2[%dma_start3A, %mul3A_89, %dma_start3A_96] : memref<2x125000x128xf32, #tpu.memory_space<hbm>> -> memref<1x8x128xf32, #tpu.memory_space<hbm>>
      %dma_start3A_98 = tpu.memref_squeeze %dma_start3A_97 : memref<1x8x128xf32, #tpu.memory_space<hbm>> -> memref<8x128xf32, #tpu.memory_space<hbm>>
      %dma_start3A_99 = tpu.memref_slice %arg7[%dma_start3A_91] : memref<8x!tpu.dma_semaphore, #tpu.memory_space<semaphore_mem>> -> memref<1x!tpu.dma_semaphore, #tpu.memory_space<semaphore_mem>>
      %dma_start3A_100 = tpu.memref_squeeze %dma_start3A_99 : memref<1x!tpu.dma_semaphore, #tpu.memory_space<semaphore_mem>> -> memref<!tpu.dma_semaphore, #tpu.memory_space<semaphore_mem>>
      %dma_start3A_101 = arith.constant 0 : i32
      %dma_start3A_102 = arith.constant 0 : i32
      %dma_start3A_103 = tpu.memref_slice %arg4[%dma_start3A_90, %dma_start3A_101, %dma_start3A_102] : memref<8x16x128xf32, #tpu.memory_space<vmem>> -> memref<1x8x128xf32, #tpu.memory_space<vmem>>
      %dma_start3A_104 = tpu.memref_squeeze %dma_start3A_103 : memref<1x8x128xf32, #tpu.memory_space<vmem>> -> memref<8x128xf32, #tpu.memory_space<vmem>>
      %dma_start3A_105 = arith.constant 0 : i32
      %dma_start3A_106 = tpu.memref_slice %arg2[%dma_start3A, %mul3A_89, %dma_start3A_105] : memref<2x125000x128xf32, #tpu.memory_space<hbm>> -> memref<1x8x128xf32, #tpu.memory_space<hbm>>
      %dma_start3A_107 = tpu.memref_squeeze %dma_start3A_106 : memref<1x8x128xf32, #tpu.memory_space<hbm>> -> memref<8x128xf32, #tpu.memory_space<hbm>>
      tpu.enqueue_dma source(%dma_start3A_107 : memref<8x128xf32, #tpu.memory_space<hbm>>) target(%dma_start3A_104 : memref<8x128xf32, #tpu.memory_space<vmem>>) target_semaphore(%dma_start3A_100 : memref<!tpu.dma_semaphore, #tpu.memory_space<semaphore_mem>>)
      %dma_start3A_108 = arith.constant 1 : i32
      %dma_start3A_109 = arith.constant 4 : i32
      %dma_start3A_110 = arith.constant 4 : i32
      %dma_start3A_111 = arith.constant 8 : i32
      %dma_start3A_112 = arith.constant 0 : i32
      %dma_start3A_113 = tpu.memref_slice %arg4[%dma_start3A_109, %dma_start3A_111, %dma_start3A_112] : memref<8x16x128xf32, #tpu.memory_space<vmem>> -> memref<1x8x128xf32, #tpu.memory_space<vmem>>
      %dma_start3A_114 = tpu.memref_squeeze %dma_start3A_113 : memref<1x8x128xf32, #tpu.memory_space<vmem>> -> memref<8x128xf32, #tpu.memory_space<vmem>>
      %dma_start3A_115 = arith.constant 0 : i32
      %dma_start3A_116 = tpu.memref_slice %arg2[%dma_start3A_108, %mul3A_89, %dma_start3A_115] : memref<2x125000x128xf32, #tpu.memory_space<hbm>> -> memref<1x8x128xf32, #tpu.memory_space<hbm>>
      %dma_start3A_117 = tpu.memref_squeeze %dma_start3A_116 : memref<1x8x128xf32, #tpu.memory_space<hbm>> -> memref<8x128xf32, #tpu.memory_space<hbm>>
      %dma_start3A_118 = tpu.memref_slice %arg7[%dma_start3A_110] : memref<8x!tpu.dma_semaphore, #tpu.memory_space<semaphore_mem>> -> memref<1x!tpu.dma_semaphore, #tpu.memory_space<semaphore_mem>>
      %dma_start3A_119 = tpu.memref_squeeze %dma_start3A_118 : memref<1x!tpu.dma_semaphore, #tpu.memory_space<semaphore_mem>> -> memref<!tpu.dma_semaphore, #tpu.memory_space<semaphore_mem>>
      %dma_start3A_120 = arith.constant 8 : i32
      %dma_start3A_121 = arith.constant 0 : i32
      %dma_start3A_122 = tpu.memref_slice %arg4[%dma_start3A_109, %dma_start3A_120, %dma_start3A_121] : memref<8x16x128xf32, #tpu.memory_space<vmem>> -> memref<1x8x128xf32, #tpu.memory_space<vmem>>
      %dma_start3A_123 = tpu.memref_squeeze %dma_start3A_122 : memref<1x8x128xf32, #tpu.memory_space<vmem>> -> memref<8x128xf32, #tpu.memory_space<vmem>>
      %dma_start3A_124 = arith.constant 0 : i32
      %dma_start3A_125 = tpu.memref_slice %arg2[%dma_start3A_108, %mul3A_89, %dma_start3A_124] : memref<2x125000x128xf32, #tpu.memory_space<hbm>> -> memref<1x8x128xf32, #tpu.memory_space<hbm>>
      %dma_start3A_126 = tpu.memref_squeeze %dma_start3A_125 : memref<1x8x128xf32, #tpu.memory_space<hbm>> -> memref<8x128xf32, #tpu.memory_space<hbm>>
      tpu.enqueue_dma source(%dma_start3A_126 : memref<8x128xf32, #tpu.memory_space<hbm>>) target(%dma_start3A_123 : memref<8x128xf32, #tpu.memory_space<vmem>>) target_semaphore(%dma_start3A_119 : memref<!tpu.dma_semaphore, #tpu.memory_space<semaphore_mem>>)
    } else {
    }
    %gt3A_27 = arith.constant 5 : i32
    %gt3A_28 = arith.cmpi sgt, %min3A_4, %gt3A_27 : i32
    %convert_element_type3A_29 = arith.extui %gt3A_28 : i1 to i32
    %cond3A_30 = arith.constant 0 : i32
    %cond3A_31 = arith.cmpi ne, %convert_element_type3A_29, %cond3A_30 : i32
    scf.if %cond3A_31 {
      %add3A_86 = arith.constant 5 : i32
      %add3A_87 = arith.addi %mul3A_2, %add3A_86 : i32
      %mul3A_88 = arith.constant 8 : i32
      %mul3A_89 = arith.muli %add3A_87, %mul3A_88 : i32
      %dma_start3A = arith.constant 0 : i32
      %dma_start3A_90 = arith.constant 5 : i32
      %dma_start3A_91 = arith.constant 5 : i32
      %dma_start3A_92 = arith.constant 0 : i32
      %dma_start3A_93 = arith.constant 0 : i32
      %dma_start3A_94 = tpu.memref_slice %arg4[%dma_start3A_90, %dma_start3A_92, %dma_start3A_93] : memref<8x16x128xf32, #tpu.memory_space<vmem>> -> memref<1x8x128xf32, #tpu.memory_space<vmem>>
      %dma_start3A_95 = tpu.memref_squeeze %dma_start3A_94 : memref<1x8x128xf32, #tpu.memory_space<vmem>> -> memref<8x128xf32, #tpu.memory_space<vmem>>
      %dma_start3A_96 = arith.constant 0 : i32
      %dma_start3A_97 = tpu.memref_slice %arg2[%dma_start3A, %mul3A_89, %dma_start3A_96] : memref<2x125000x128xf32, #tpu.memory_space<hbm>> -> memref<1x8x128xf32, #tpu.memory_space<hbm>>
      %dma_start3A_98 = tpu.memref_squeeze %dma_start3A_97 : memref<1x8x128xf32, #tpu.memory_space<hbm>> -> memref<8x128xf32, #tpu.memory_space<hbm>>
      %dma_start3A_99 = tpu.memref_slice %arg7[%dma_start3A_91] : memref<8x!tpu.dma_semaphore, #tpu.memory_space<semaphore_mem>> -> memref<1x!tpu.dma_semaphore, #tpu.memory_space<semaphore_mem>>
      %dma_start3A_100 = tpu.memref_squeeze %dma_start3A_99 : memref<1x!tpu.dma_semaphore, #tpu.memory_space<semaphore_mem>> -> memref<!tpu.dma_semaphore, #tpu.memory_space<semaphore_mem>>
      %dma_start3A_101 = arith.constant 0 : i32
      %dma_start3A_102 = arith.constant 0 : i32
      %dma_start3A_103 = tpu.memref_slice %arg4[%dma_start3A_90, %dma_start3A_101, %dma_start3A_102] : memref<8x16x128xf32, #tpu.memory_space<vmem>> -> memref<1x8x128xf32, #tpu.memory_space<vmem>>
      %dma_start3A_104 = tpu.memref_squeeze %dma_start3A_103 : memref<1x8x128xf32, #tpu.memory_space<vmem>> -> memref<8x128xf32, #tpu.memory_space<vmem>>
      %dma_start3A_105 = arith.constant 0 : i32
      %dma_start3A_106 = tpu.memref_slice %arg2[%dma_start3A, %mul3A_89, %dma_start3A_105] : memref<2x125000x128xf32, #tpu.memory_space<hbm>> -> memref<1x8x128xf32, #tpu.memory_space<hbm>>
      %dma_start3A_107 = tpu.memref_squeeze %dma_start3A_106 : memref<1x8x128xf32, #tpu.memory_space<hbm>> -> memref<8x128xf32, #tpu.memory_space<hbm>>
      tpu.enqueue_dma source(%dma_start3A_107 : memref<8x128xf32, #tpu.memory_space<hbm>>) target(%dma_start3A_104 : memref<8x128xf32, #tpu.memory_space<vmem>>) target_semaphore(%dma_start3A_100 : memref<!tpu.dma_semaphore, #tpu.memory_space<semaphore_mem>>)
      %dma_start3A_108 = arith.constant 1 : i32
      %dma_start3A_109 = arith.constant 5 : i32
      %dma_start3A_110 = arith.constant 5 : i32
      %dma_start3A_111 = arith.constant 8 : i32
      %dma_start3A_112 = arith.constant 0 : i32
      %dma_start3A_113 = tpu.memref_slice %arg4[%dma_start3A_109, %dma_start3A_111, %dma_start3A_112] : memref<8x16x128xf32, #tpu.memory_space<vmem>> -> memref<1x8x128xf32, #tpu.memory_space<vmem>>
      %dma_start3A_114 = tpu.memref_squeeze %dma_start3A_113 : memref<1x8x128xf32, #tpu.memory_space<vmem>> -> memref<8x128xf32, #tpu.memory_space<vmem>>
      %dma_start3A_115 = arith.constant 0 : i32
      %dma_start3A_116 = tpu.memref_slice %arg2[%dma_start3A_108, %mul3A_89, %dma_start3A_115] : memref<2x125000x128xf32, #tpu.memory_space<hbm>> -> memref<1x8x128xf32, #tpu.memory_space<hbm>>
      %dma_start3A_117 = tpu.memref_squeeze %dma_start3A_116 : memref<1x8x128xf32, #tpu.memory_space<hbm>> -> memref<8x128xf32, #tpu.memory_space<hbm>>
      %dma_start3A_118 = tpu.memref_slice %arg7[%dma_start3A_110] : memref<8x!tpu.dma_semaphore, #tpu.memory_space<semaphore_mem>> -> memref<1x!tpu.dma_semaphore, #tpu.memory_space<semaphore_mem>>
      %dma_start3A_119 = tpu.memref_squeeze %dma_start3A_118 : memref<1x!tpu.dma_semaphore, #tpu.memory_space<semaphore_mem>> -> memref<!tpu.dma_semaphore, #tpu.memory_space<semaphore_mem>>
      %dma_start3A_120 = arith.constant 8 : i32
      %dma_start3A_121 = arith.constant 0 : i32
      %dma_start3A_122 = tpu.memref_slice %arg4[%dma_start3A_109, %dma_start3A_120, %dma_start3A_121] : memref<8x16x128xf32, #tpu.memory_space<vmem>> -> memref<1x8x128xf32, #tpu.memory_space<vmem>>
      %dma_start3A_123 = tpu.memref_squeeze %dma_start3A_122 : memref<1x8x128xf32, #tpu.memory_space<vmem>> -> memref<8x128xf32, #tpu.memory_space<vmem>>
      %dma_start3A_124 = arith.constant 0 : i32
      %dma_start3A_125 = tpu.memref_slice %arg2[%dma_start3A_108, %mul3A_89, %dma_start3A_124] : memref<2x125000x128xf32, #tpu.memory_space<hbm>> -> memref<1x8x128xf32, #tpu.memory_space<hbm>>
      %dma_start3A_126 = tpu.memref_squeeze %dma_start3A_125 : memref<1x8x128xf32, #tpu.memory_space<hbm>> -> memref<8x128xf32, #tpu.memory_space<hbm>>
      tpu.enqueue_dma source(%dma_start3A_126 : memref<8x128xf32, #tpu.memory_space<hbm>>) target(%dma_start3A_123 : memref<8x128xf32, #tpu.memory_space<vmem>>) target_semaphore(%dma_start3A_119 : memref<!tpu.dma_semaphore, #tpu.memory_space<semaphore_mem>>)
    } else {
    }
    %gt3A_32 = arith.constant 6 : i32
    %gt3A_33 = arith.cmpi sgt, %min3A_4, %gt3A_32 : i32
    %convert_element_type3A_34 = arith.extui %gt3A_33 : i1 to i32
    %cond3A_35 = arith.constant 0 : i32
    %cond3A_36 = arith.cmpi ne, %convert_element_type3A_34, %cond3A_35 : i32
    scf.if %cond3A_36 {
      %add3A_86 = arith.constant 6 : i32
      %add3A_87 = arith.addi %mul3A_2, %add3A_86 : i32
      %mul3A_88 = arith.constant 8 : i32
      %mul3A_89 = arith.muli %add3A_87, %mul3A_88 : i32
      %dma_start3A = arith.constant 0 : i32
      %dma_start3A_90 = arith.constant 6 : i32
      %dma_start3A_91 = arith.constant 6 : i32
      %dma_start3A_92 = arith.constant 0 : i32
      %dma_start3A_93 = arith.constant 0 : i32
      %dma_start3A_94 = tpu.memref_slice %arg4[%dma_start3A_90, %dma_start3A_92, %dma_start3A_93] : memref<8x16x128xf32, #tpu.memory_space<vmem>> -> memref<1x8x128xf32, #tpu.memory_space<vmem>>
      %dma_start3A_95 = tpu.memref_squeeze %dma_start3A_94 : memref<1x8x128xf32, #tpu.memory_space<vmem>> -> memref<8x128xf32, #tpu.memory_space<vmem>>
      %dma_start3A_96 = arith.constant 0 : i32
      %dma_start3A_97 = tpu.memref_slice %arg2[%dma_start3A, %mul3A_89, %dma_start3A_96] : memref<2x125000x128xf32, #tpu.memory_space<hbm>> -> memref<1x8x128xf32, #tpu.memory_space<hbm>>
      %dma_start3A_98 = tpu.memref_squeeze %dma_start3A_97 : memref<1x8x128xf32, #tpu.memory_space<hbm>> -> memref<8x128xf32, #tpu.memory_space<hbm>>
      %dma_start3A_99 = tpu.memref_slice %arg7[%dma_start3A_91] : memref<8x!tpu.dma_semaphore, #tpu.memory_space<semaphore_mem>> -> memref<1x!tpu.dma_semaphore, #tpu.memory_space<semaphore_mem>>
      %dma_start3A_100 = tpu.memref_squeeze %dma_start3A_99 : memref<1x!tpu.dma_semaphore, #tpu.memory_space<semaphore_mem>> -> memref<!tpu.dma_semaphore, #tpu.memory_space<semaphore_mem>>
      %dma_start3A_101 = arith.constant 0 : i32
      %dma_start3A_102 = arith.constant 0 : i32
      %dma_start3A_103 = tpu.memref_slice %arg4[%dma_start3A_90, %dma_start3A_101, %dma_start3A_102] : memref<8x16x128xf32, #tpu.memory_space<vmem>> -> memref<1x8x128xf32, #tpu.memory_space<vmem>>
      %dma_start3A_104 = tpu.memref_squeeze %dma_start3A_103 : memref<1x8x128xf32, #tpu.memory_space<vmem>> -> memref<8x128xf32, #tpu.memory_space<vmem>>
      %dma_start3A_105 = arith.constant 0 : i32
      %dma_start3A_106 = tpu.memref_slice %arg2[%dma_start3A, %mul3A_89, %dma_start3A_105] : memref<2x125000x128xf32, #tpu.memory_space<hbm>> -> memref<1x8x128xf32, #tpu.memory_space<hbm>>
      %dma_start3A_107 = tpu.memref_squeeze %dma_start3A_106 : memref<1x8x128xf32, #tpu.memory_space<hbm>> -> memref<8x128xf32, #tpu.memory_space<hbm>>
      tpu.enqueue_dma source(%dma_start3A_107 : memref<8x128xf32, #tpu.memory_space<hbm>>) target(%dma_start3A_104 : memref<8x128xf32, #tpu.memory_space<vmem>>) target_semaphore(%dma_start3A_100 : memref<!tpu.dma_semaphore, #tpu.memory_space<semaphore_mem>>)
      %dma_start3A_108 = arith.constant 1 : i32
      %dma_start3A_109 = arith.constant 6 : i32
      %dma_start3A_110 = arith.constant 6 : i32
      %dma_start3A_111 = arith.constant 8 : i32
      %dma_start3A_112 = arith.constant 0 : i32
      %dma_start3A_113 = tpu.memref_slice %arg4[%dma_start3A_109, %dma_start3A_111, %dma_start3A_112] : memref<8x16x128xf32, #tpu.memory_space<vmem>> -> memref<1x8x128xf32, #tpu.memory_space<vmem>>
      %dma_start3A_114 = tpu.memref_squeeze %dma_start3A_113 : memref<1x8x128xf32, #tpu.memory_space<vmem>> -> memref<8x128xf32, #tpu.memory_space<vmem>>
      %dma_start3A_115 = arith.constant 0 : i32
      %dma_start3A_116 = tpu.memref_slice %arg2[%dma_start3A_108, %mul3A_89, %dma_start3A_115] : memref<2x125000x128xf32, #tpu.memory_space<hbm>> -> memref<1x8x128xf32, #tpu.memory_space<hbm>>
      %dma_start3A_117 = tpu.memref_squeeze %dma_start3A_116 : memref<1x8x128xf32, #tpu.memory_space<hbm>> -> memref<8x128xf32, #tpu.memory_space<hbm>>
      %dma_start3A_118 = tpu.memref_slice %arg7[%dma_start3A_110] : memref<8x!tpu.dma_semaphore, #tpu.memory_space<semaphore_mem>> -> memref<1x!tpu.dma_semaphore, #tpu.memory_space<semaphore_mem>>
      %dma_start3A_119 = tpu.memref_squeeze %dma_start3A_118 : memref<1x!tpu.dma_semaphore, #tpu.memory_space<semaphore_mem>> -> memref<!tpu.dma_semaphore, #tpu.memory_space<semaphore_mem>>
      %dma_start3A_120 = arith.constant 8 : i32
      %dma_start3A_121 = arith.constant 0 : i32
      %dma_start3A_122 = tpu.memref_slice %arg4[%dma_start3A_109, %dma_start3A_120, %dma_start3A_121] : memref<8x16x128xf32, #tpu.memory_space<vmem>> -> memref<1x8x128xf32, #tpu.memory_space<vmem>>
      %dma_start3A_123 = tpu.memref_squeeze %dma_start3A_122 : memref<1x8x128xf32, #tpu.memory_space<vmem>> -> memref<8x128xf32, #tpu.memory_space<vmem>>
      %dma_start3A_124 = arith.constant 0 : i32
      %dma_start3A_125 = tpu.memref_slice %arg2[%dma_start3A_108, %mul3A_89, %dma_start3A_124] : memref<2x125000x128xf32, #tpu.memory_space<hbm>> -> memref<1x8x128xf32, #tpu.memory_space<hbm>>
      %dma_start3A_126 = tpu.memref_squeeze %dma_start3A_125 : memref<1x8x128xf32, #tpu.memory_space<hbm>> -> memref<8x128xf32, #tpu.memory_space<hbm>>
      tpu.enqueue_dma source(%dma_start3A_126 : memref<8x128xf32, #tpu.memory_space<hbm>>) target(%dma_start3A_123 : memref<8x128xf32, #tpu.memory_space<vmem>>) target_semaphore(%dma_start3A_119 : memref<!tpu.dma_semaphore, #tpu.memory_space<semaphore_mem>>)
    } else {
    }
    %while3A = arith.constant 0 : i32
    %while3A_37 = arith.constant 0 : i32
    %while3A_38 = arith.subi %min3A_4, %while3A_37 : i32
    %while3A_39 = arith.addi %while3A_37, %while3A_38 : i32
    %while3A_40 = arith.constant 1 : i32
    %while3A_41 = arith.divsi %while3A_38, %while3A_40 : i32
    %while3A_42 = arith.muli %while3A_41, %while3A_40 : i32
    %while3A_43 = arith.addi %while3A_37, %while3A_42 : i32
    %while3A_44 = arith.constant 1 : i32
    scf.for %while3A_86 = %while3A_37 to %while3A_43 step %while3A_44  : i32 {
      %and3A = arith.constant 7 : i32
      %and3A_87 = arith.andi %while3A_86, %and3A : i32
      %add3A_88 = arith.addi %mul3A_2, %while3A_86 : i32
      %add3A_89 = arith.constant 8 : i32
      %add3A_90 = arith.addi %while3A_86, %add3A_89 : i32
      %sub3A_91 = arith.constant 1 : i32
      %sub3A_92 = arith.subi %add3A_90, %sub3A_91 : i32
      %lt3A = arith.cmpi slt, %sub3A_92, %min3A_4 : i32
      %convert_element_type3A_93 = arith.extui %lt3A : i1 to i32
      %cond3A_94 = arith.constant 0 : i32
      %cond3A_95 = arith.cmpi ne, %convert_element_type3A_93, %cond3A_94 : i32
      scf.if %cond3A_95 {
        %add3A_138 = arith.constant 8 : i32
        %add3A_139 = arith.addi %add3A_88, %add3A_138 : i32
        %sub3A_140 = arith.constant 1 : i32
        %sub3A_141 = arith.subi %add3A_139, %sub3A_140 : i32
        %add3A_142 = arith.constant 8 : i32
        %add3A_143 = arith.addi %while3A_86, %add3A_142 : i32
        %sub3A_144 = arith.constant 1 : i32
        %sub3A_145 = arith.subi %add3A_143, %sub3A_144 : i32
        %and3A_146 = arith.constant 7 : i32
        %and3A_147 = arith.andi %sub3A_145, %and3A_146 : i32
        %mul3A_148 = arith.constant 8 : i32
        %mul3A_149 = arith.muli %sub3A_141, %mul3A_148 : i32
        %dma_start3A_150 = arith.constant 0 : i32
        %dma_start3A_151 = arith.constant 0 : i32
        %dma_start3A_152 = arith.constant 0 : i32
        %dma_start3A_153 = tpu.memref_slice %arg4[%and3A_147, %dma_start3A_151, %dma_start3A_152] : memref<8x16x128xf32, #tpu.memory_space<vmem>> -> memref<1x8x128xf32, #tpu.memory_space<vmem>>
        %dma_start3A_154 = tpu.memref_squeeze %dma_start3A_153 : memref<1x8x128xf32, #tpu.memory_space<vmem>> -> memref<8x128xf32, #tpu.memory_space<vmem>>
        %dma_start3A_155 = arith.constant 0 : i32
        %dma_start3A_156 = tpu.memref_slice %arg2[%dma_start3A_150, %mul3A_149, %dma_start3A_155] : memref<2x125000x128xf32, #tpu.memory_space<hbm>> -> memref<1x8x128xf32, #tpu.memory_space<hbm>>
        %dma_start3A_157 = tpu.memref_squeeze %dma_start3A_156 : memref<1x8x128xf32, #tpu.memory_space<hbm>> -> memref<8x128xf32, #tpu.memory_space<hbm>>
        %dma_start3A_158 = tpu.memref_slice %arg7[%and3A_147] : memref<8x!tpu.dma_semaphore, #tpu.memory_space<semaphore_mem>> -> memref<1x!tpu.dma_semaphore, #tpu.memory_space<semaphore_mem>>
        %dma_start3A_159 = tpu.memref_squeeze %dma_start3A_158 : memref<1x!tpu.dma_semaphore, #tpu.memory_space<semaphore_mem>> -> memref<!tpu.dma_semaphore, #tpu.memory_space<semaphore_mem>>
        %dma_start3A_160 = arith.constant 0 : i32
        %dma_start3A_161 = arith.constant 0 : i32
        %dma_start3A_162 = tpu.memref_slice %arg4[%and3A_147, %dma_start3A_160, %dma_start3A_161] : memref<8x16x128xf32, #tpu.memory_space<vmem>> -> memref<1x8x128xf32, #tpu.memory_space<vmem>>
        %dma_start3A_163 = tpu.memref_squeeze %dma_start3A_162 : memref<1x8x128xf32, #tpu.memory_space<vmem>> -> memref<8x128xf32, #tpu.memory_space<vmem>>
        %dma_start3A_164 = arith.constant 0 : i32
        %dma_start3A_165 = tpu.memref_slice %arg2[%dma_start3A_150, %mul3A_149, %dma_start3A_164] : memref<2x125000x128xf32, #tpu.memory_space<hbm>> -> memref<1x8x128xf32, #tpu.memory_space<hbm>>
        %dma_start3A_166 = tpu.memref_squeeze %dma_start3A_165 : memref<1x8x128xf32, #tpu.memory_space<hbm>> -> memref<8x128xf32, #tpu.memory_space<hbm>>
        tpu.enqueue_dma source(%dma_start3A_166 : memref<8x128xf32, #tpu.memory_space<hbm>>) target(%dma_start3A_163 : memref<8x128xf32, #tpu.memory_space<vmem>>) target_semaphore(%dma_start3A_159 : memref<!tpu.dma_semaphore, #tpu.memory_space<semaphore_mem>>)
        %dma_start3A_167 = arith.constant 1 : i32
        %dma_start3A_168 = arith.constant 8 : i32
        %dma_start3A_169 = arith.constant 0 : i32
        %dma_start3A_170 = tpu.memref_slice %arg4[%and3A_147, %dma_start3A_168, %dma_start3A_169] : memref<8x16x128xf32, #tpu.memory_space<vmem>> -> memref<1x8x128xf32, #tpu.memory_space<vmem>>
        %dma_start3A_171 = tpu.memref_squeeze %dma_start3A_170 : memref<1x8x128xf32, #tpu.memory_space<vmem>> -> memref<8x128xf32, #tpu.memory_space<vmem>>
        %dma_start3A_172 = arith.constant 0 : i32
        %dma_start3A_173 = tpu.memref_slice %arg2[%dma_start3A_167, %mul3A_149, %dma_start3A_172] : memref<2x125000x128xf32, #tpu.memory_space<hbm>> -> memref<1x8x128xf32, #tpu.memory_space<hbm>>
        %dma_start3A_174 = tpu.memref_squeeze %dma_start3A_173 : memref<1x8x128xf32, #tpu.memory_space<hbm>> -> memref<8x128xf32, #tpu.memory_space<hbm>>
        %dma_start3A_175 = tpu.memref_slice %arg7[%and3A_147] : memref<8x!tpu.dma_semaphore, #tpu.memory_space<semaphore_mem>> -> memref<1x!tpu.dma_semaphore, #tpu.memory_space<semaphore_mem>>
        %dma_start3A_176 = tpu.memref_squeeze %dma_start3A_175 : memref<1x!tpu.dma_semaphore, #tpu.memory_space<semaphore_mem>> -> memref<!tpu.dma_semaphore, #tpu.memory_space<semaphore_mem>>
        %dma_start3A_177 = arith.constant 8 : i32
        %dma_start3A_178 = arith.constant 0 : i32
        %dma_start3A_179 = tpu.memref_slice %arg4[%and3A_147, %dma_start3A_177, %dma_start3A_178] : memref<8x16x128xf32, #tpu.memory_space<vmem>> -> memref<1x8x128xf32, #tpu.memory_space<vmem>>
        %dma_start3A_180 = tpu.memref_squeeze %dma_start3A_179 : memref<1x8x128xf32, #tpu.memory_space<vmem>> -> memref<8x128xf32, #tpu.memory_space<vmem>>
        %dma_start3A_181 = arith.constant 0 : i32
        %dma_start3A_182 = tpu.memref_slice %arg2[%dma_start3A_167, %mul3A_149, %dma_start3A_181] : memref<2x125000x128xf32, #tpu.memory_space<hbm>> -> memref<1x8x128xf32, #tpu.memory_space<hbm>>
        %dma_start3A_183 = tpu.memref_squeeze %dma_start3A_182 : memref<1x8x128xf32, #tpu.memory_space<hbm>> -> memref<8x128xf32, #tpu.memory_space<hbm>>
        tpu.enqueue_dma source(%dma_start3A_183 : memref<8x128xf32, #tpu.memory_space<hbm>>) target(%dma_start3A_180 : memref<8x128xf32, #tpu.memory_space<vmem>>) target_semaphore(%dma_start3A_176 : memref<!tpu.dma_semaphore, #tpu.memory_space<semaphore_mem>>)
      } else {
      }
      %dma_wait3A = arith.constant 0 : i32
      %dma_wait3A_96 = arith.constant 0 : i32
      %dma_wait3A_97 = arith.constant 0 : i32
      %dma_wait3A_98 = tpu.memref_slice %arg4[%and3A_87, %dma_wait3A_96, %dma_wait3A_97] : memref<8x16x128xf32, #tpu.memory_space<vmem>> -> memref<1x16x128xf32, #tpu.memory_space<vmem>>
      %dma_wait3A_99 = tpu.memref_squeeze %dma_wait3A_98 : memref<1x16x128xf32, #tpu.memory_space<vmem>> -> memref<16x128xf32, #tpu.memory_space<vmem>>
      %dma_wait3A_100 = arith.constant 0 : i32
      %dma_wait3A_101 = arith.constant 0 : i32
      %dma_wait3A_102 = tpu.memref_slice %arg2[%dma_wait3A, %dma_wait3A_100, %dma_wait3A_101] : memref<2x125000x128xf32, #tpu.memory_space<hbm>> -> memref<1x16x128xf32, #tpu.memory_space<hbm>>
      %dma_wait3A_103 = tpu.memref_squeeze %dma_wait3A_102 : memref<1x16x128xf32, #tpu.memory_space<hbm>> -> memref<16x128xf32, #tpu.memory_space<hbm>>
      %dma_wait3A_104 = tpu.memref_slice %arg7[%and3A_87] : memref<8x!tpu.dma_semaphore, #tpu.memory_space<semaphore_mem>> -> memref<1x!tpu.dma_semaphore, #tpu.memory_space<semaphore_mem>>
      %dma_wait3A_105 = tpu.memref_squeeze %dma_wait3A_104 : memref<1x!tpu.dma_semaphore, #tpu.memory_space<semaphore_mem>> -> memref<!tpu.dma_semaphore, #tpu.memory_space<semaphore_mem>>
      %dma_wait3A_106 = arith.constant 0 : i32
      %dma_wait3A_107 = arith.constant 0 : i32
      %dma_wait3A_108 = tpu.memref_slice %arg4[%and3A_87, %dma_wait3A_106, %dma_wait3A_107] : memref<8x16x128xf32, #tpu.memory_space<vmem>> -> memref<1x16x128xf32, #tpu.memory_space<vmem>>
      %dma_wait3A_109 = tpu.memref_squeeze %dma_wait3A_108 : memref<1x16x128xf32, #tpu.memory_space<vmem>> -> memref<16x128xf32, #tpu.memory_space<vmem>>
      %dma_wait3A_110 = arith.constant 0 : i32
      %dma_wait3A_111 = arith.constant 0 : i32
      %dma_wait3A_112 = tpu.memref_slice %arg2[%dma_wait3A, %dma_wait3A_110, %dma_wait3A_111] : memref<2x125000x128xf32, #tpu.memory_space<hbm>> -> memref<1x16x128xf32, #tpu.memory_space<hbm>>
      %dma_wait3A_113 = tpu.memref_squeeze %dma_wait3A_112 : memref<1x16x128xf32, #tpu.memory_space<hbm>> -> memref<16x128xf32, #tpu.memory_space<hbm>>
      tpu.wait_dma2 semaphore(%dma_wait3A_105 : memref<!tpu.dma_semaphore, #tpu.memory_space<semaphore_mem>>) src(%dma_wait3A_113 : memref<16x128xf32, #tpu.memory_space<hbm>>) dst(%dma_wait3A_109 : memref<16x128xf32, #tpu.memory_space<vmem>>)
      %ge3A = arith.constant 8 : i32
      %ge3A_114 = arith.cmpi sge, %while3A_86, %ge3A : i32
      %convert_element_type3A_115 = arith.extui %ge3A_114 : i1 to i32
      %cond3A_116 = arith.constant 0 : i32
      %cond3A_117 = arith.cmpi ne, %convert_element_type3A_115, %cond3A_116 : i32
      scf.if %cond3A_117 {
        %dma_wait3A_138 = arith.constant 0 : i32
        %dma_wait3A_139 = arith.constant 0 : i32
        %dma_wait3A_140 = tpu.memref_slice %arg6[%and3A_87, %dma_wait3A_138, %dma_wait3A_139] : memref<8x128x16xf32, #tpu.memory_space<vmem>> -> memref<1x128x16xf32, #tpu.memory_space<vmem>>
        %dma_wait3A_141 = tpu.memref_squeeze %dma_wait3A_140 : memref<1x128x16xf32, #tpu.memory_space<vmem>> -> memref<128x16xf32, #tpu.memory_space<vmem>>
        %dma_wait3A_142 = arith.constant 0 : i32
        %dma_wait3A_143 = arith.constant 0 : i32
        %dma_wait3A_144 = tpu.memref_slice %arg3[%dma_wait3A_142, %dma_wait3A_143] : memref<2000000x16xf32, #tpu.memory_space<hbm>> -> memref<128x16xf32, #tpu.memory_space<hbm>>
        %dma_wait3A_145 = tpu.memref_slice %arg8[%and3A_87] : memref<8x!tpu.dma_semaphore, #tpu.memory_space<semaphore_mem>> -> memref<1x!tpu.dma_semaphore, #tpu.memory_space<semaphore_mem>>
        %dma_wait3A_146 = tpu.memref_squeeze %dma_wait3A_145 : memref<1x!tpu.dma_semaphore, #tpu.memory_space<semaphore_mem>> -> memref<!tpu.dma_semaphore, #tpu.memory_space<semaphore_mem>>
        %dma_wait3A_147 = arith.constant 0 : i32
        %dma_wait3A_148 = arith.constant 0 : i32
        %dma_wait3A_149 = tpu.memref_slice %arg3[%dma_wait3A_147, %dma_wait3A_148] : memref<2000000x16xf32, #tpu.memory_space<hbm>> -> memref<128x16xf32, #tpu.memory_space<hbm>>
        %dma_wait3A_150 = arith.constant 0 : i32
        %dma_wait3A_151 = arith.constant 0 : i32
        %dma_wait3A_152 = tpu.memref_slice %arg6[%and3A_87, %dma_wait3A_150, %dma_wait3A_151] : memref<8x128x16xf32, #tpu.memory_space<vmem>> -> memref<1x128x16xf32, #tpu.memory_space<vmem>>
        %dma_wait3A_153 = tpu.memref_squeeze %dma_wait3A_152 : memref<1x128x16xf32, #tpu.memory_space<vmem>> -> memref<128x16xf32, #tpu.memory_space<vmem>>
        tpu.wait_dma2 semaphore(%dma_wait3A_146 : memref<!tpu.dma_semaphore, #tpu.memory_space<semaphore_mem>>) src(%dma_wait3A_153 : memref<128x16xf32, #tpu.memory_space<vmem>>) dst(%dma_wait3A_149 : memref<128x16xf32, #tpu.memory_space<hbm>>)
      } else {
      }
      %parallel_loop3A = arith.constant 0 : i32
      %parallel_loop3A_118 = arith.constant 16 : i32
      %parallel_loop3A_119 = arith.constant 1 : i32
      scf.for %parallel_loop3A_138 = %parallel_loop3A to %parallel_loop3A_118 step %parallel_loop3A_119  : i32 {
        %parallel_loop3A_139 = arith.index_cast %and3A_87 : i32 to index
        %parallel_loop3A_140 = arith.index_cast %parallel_loop3A_138 : i32 to index
        %parallel_loop3A_141 = arith.constant 0 : index
        %parallel_loop3A_142 = tpu.vector_load %arg4[%parallel_loop3A_139, %parallel_loop3A_140, %parallel_loop3A_141] {strides = array<i32>} : memref<8x16x128xf32, #tpu.memory_space<vmem>>, vector<16xf32>,
        %parallel_loop3A_143 = arith.index_cast %parallel_loop3A_138 : i32 to index
        %parallel_loop3A_144 = arith.constant 0 : index
        %parallel_loop3A_145 = tpu.vector_load %arg5[%parallel_loop3A_143, %parallel_loop3A_144] {strides = array<i32>} : memref<16x129xf32, #tpu.memory_space<vmem>>, vector<16xf32>,
        tpu.vector_store %arg5[%parallel_loop3A_143, %parallel_loop3A_144], %parallel_loop3A_142 {strides = array<i32>} : memref<16x129xf32, #tpu.memory_space<vmem>>, vector<16xf32>,
        %parallel_loop3A_146 = arith.index_cast %and3A_87 : i32 to index
        %parallel_loop3A_147 = arith.index_cast %parallel_loop3A_138 : i32 to index
        %parallel_loop3A_148 = arith.constant 16 : index
        %parallel_loop3A_149 = tpu.vector_load %arg4[%parallel_loop3A_146, %parallel_loop3A_147, %parallel_loop3A_148] {strides = array<i32>} : memref<8x16x128xf32, #tpu.memory_space<vmem>>, vector<16xf32>,
        %parallel_loop3A_150 = arith.index_cast %parallel_loop3A_138 : i32 to index
        %parallel_loop3A_151 = arith.constant 16 : index
        %parallel_loop3A_152 = tpu.vector_load %arg5[%parallel_loop3A_150, %parallel_loop3A_151] {strides = array<i32>} : memref<16x129xf32, #tpu.memory_space<vmem>>, vector<16xf32>,
        tpu.vector_store %arg5[%parallel_loop3A_150, %parallel_loop3A_151], %parallel_loop3A_149 {strides = array<i32>} : memref<16x129xf32, #tpu.memory_space<vmem>>, vector<16xf32>,
        %parallel_loop3A_153 = arith.index_cast %and3A_87 : i32 to index
        %parallel_loop3A_154 = arith.index_cast %parallel_loop3A_138 : i32 to index
        %parallel_loop3A_155 = arith.constant 32 : index
        %parallel_loop3A_156 = tpu.vector_load %arg4[%parallel_loop3A_153, %parallel_loop3A_154, %parallel_loop3A_155] {strides = array<i32>} : memref<8x16x128xf32, #tpu.memory_space<vmem>>, vector<16xf32>,
        %parallel_loop3A_157 = arith.index_cast %parallel_loop3A_138 : i32 to index
        %parallel_loop3A_158 = arith.constant 32 : index
        %parallel_loop3A_159 = tpu.vector_load %arg5[%parallel_loop3A_157, %parallel_loop3A_158] {strides = array<i32>} : memref<16x129xf32, #tpu.memory_space<vmem>>, vector<16xf32>,
        tpu.vector_store %arg5[%parallel_loop3A_157, %parallel_loop3A_158], %parallel_loop3A_156 {strides = array<i32>} : memref<16x129xf32, #tpu.memory_space<vmem>>, vector<16xf32>,
        %parallel_loop3A_160 = arith.index_cast %and3A_87 : i32 to index
        %parallel_loop3A_161 = arith.index_cast %parallel_loop3A_138 : i32 to index
        %parallel_loop3A_162 = arith.constant 48 : index
        %parallel_loop3A_163 = tpu.vector_load %arg4[%parallel_loop3A_160, %parallel_loop3A_161, %parallel_loop3A_162] {strides = array<i32>} : memref<8x16x128xf32, #tpu.memory_space<vmem>>, vector<16xf32>,
        %parallel_loop3A_164 = arith.index_cast %parallel_loop3A_138 : i32 to index
        %parallel_loop3A_165 = arith.constant 48 : index
        %parallel_loop3A_166 = tpu.vector_load %arg5[%parallel_loop3A_164, %parallel_loop3A_165] {strides = array<i32>} : memref<16x129xf32, #tpu.memory_space<vmem>>, vector<16xf32>,
        tpu.vector_store %arg5[%parallel_loop3A_164, %parallel_loop3A_165], %parallel_loop3A_163 {strides = array<i32>} : memref<16x129xf32, #tpu.memory_space<vmem>>, vector<16xf32>,
        %parallel_loop3A_167 = arith.index_cast %and3A_87 : i32 to index
        %parallel_loop3A_168 = arith.index_cast %parallel_loop3A_138 : i32 to index
        %parallel_loop3A_169 = arith.constant 64 : index
        %parallel_loop3A_170 = tpu.vector_load %arg4[%parallel_loop3A_167, %parallel_loop3A_168, %parallel_loop3A_169] {strides = array<i32>} : memref<8x16x128xf32, #tpu.memory_space<vmem>>, vector<16xf32>,
        %parallel_loop3A_171 = arith.index_cast %parallel_loop3A_138 : i32 to index
        %parallel_loop3A_172 = arith.constant 64 : index
        %parallel_loop3A_173 = tpu.vector_load %arg5[%parallel_loop3A_171, %parallel_loop3A_172] {strides = array<i32>} : memref<16x129xf32, #tpu.memory_space<vmem>>, vector<16xf32>,
        tpu.vector_store %arg5[%parallel_loop3A_171, %parallel_loop3A_172], %parallel_loop3A_170 {strides = array<i32>} : memref<16x129xf32, #tpu.memory_space<vmem>>, vector<16xf32>,
        %parallel_loop3A_174 = arith.index_cast %and3A_87 : i32 to index
        %parallel_loop3A_175 = arith.index_cast %parallel_loop3A_138 : i32 to index
        %parallel_loop3A_176 = arith.constant 80 : index
        %parallel_loop3A_177 = tpu.vector_load %arg4[%parallel_loop3A_174, %parallel_loop3A_175, %parallel_loop3A_176] {strides = array<i32>} : memref<8x16x128xf32, #tpu.memory_space<vmem>>, vector<16xf32>,
        %parallel_loop3A_178 = arith.index_cast %parallel_loop3A_138 : i32 to index
        %parallel_loop3A_179 = arith.constant 80 : index
        %parallel_loop3A_180 = tpu.vector_load %arg5[%parallel_loop3A_178, %parallel_loop3A_179] {strides = array<i32>} : memref<16x129xf32, #tpu.memory_space<vmem>>, vector<16xf32>,
        tpu.vector_store %arg5[%parallel_loop3A_178, %parallel_loop3A_179], %parallel_loop3A_177 {strides = array<i32>} : memref<16x129xf32, #tpu.memory_space<vmem>>, vector<16xf32>,
        %parallel_loop3A_181 = arith.index_cast %and3A_87 : i32 to index
        %parallel_loop3A_182 = arith.index_cast %parallel_loop3A_138 : i32 to index
        %parallel_loop3A_183 = arith.constant 96 : index
        %parallel_loop3A_184 = tpu.vector_load %arg4[%parallel_loop3A_181, %parallel_loop3A_182, %parallel_loop3A_183] {strides = array<i32>} : memref<8x16x128xf32, #tpu.memory_space<vmem>>, vector<16xf32>,
        %parallel_loop3A_185 = arith.index_cast %parallel_loop3A_138 : i32 to index
        %parallel_loop3A_186 = arith.constant 96 : index
        %parallel_loop3A_187 = tpu.vector_load %arg5[%parallel_loop3A_185, %parallel_loop3A_186] {strides = array<i32>} : memref<16x129xf32, #tpu.memory_space<vmem>>, vector<16xf32>,
        tpu.vector_store %arg5[%parallel_loop3A_185, %parallel_loop3A_186], %parallel_loop3A_184 {strides = array<i32>} : memref<16x129xf32, #tpu.memory_space<vmem>>, vector<16xf32>,
        %parallel_loop3A_188 = arith.index_cast %and3A_87 : i32 to index
        %parallel_loop3A_189 = arith.index_cast %parallel_loop3A_138 : i32 to index
        %parallel_loop3A_190 = arith.constant 112 : index
        %parallel_loop3A_191 = tpu.vector_load %arg4[%parallel_loop3A_188, %parallel_loop3A_189, %parallel_loop3A_190] {strides = array<i32>} : memref<8x16x128xf32, #tpu.memory_space<vmem>>, vector<16xf32>,
        %parallel_loop3A_192 = arith.index_cast %parallel_loop3A_138 : i32 to index
        %parallel_loop3A_193 = arith.constant 112 : index
        %parallel_loop3A_194 = tpu.vector_load %arg5[%parallel_loop3A_192, %parallel_loop3A_193] {strides = array<i32>} : memref<16x129xf32, #tpu.memory_space<vmem>>, vector<16xf32>,
        tpu.vector_store %arg5[%parallel_loop3A_192, %parallel_loop3A_193], %parallel_loop3A_191 {strides = array<i32>} : memref<16x129xf32, #tpu.memory_space<vmem>>, vector<16xf32>,
      } {sc.loop_unroll_factor = 4 : i64, sc.parallel_access}
      %parallel_loop3A_120 = arith.constant 0 : i32
      %parallel_loop3A_121 = arith.constant 128 : i32
      %parallel_loop3A_122 = arith.constant 1 : i32
      scf.for %parallel_loop3A_138 = %parallel_loop3A_120 to %parallel_loop3A_121 step %parallel_loop3A_122  : i32 {
        %parallel_loop3A_139 = arith.constant 0 : i32
        %parallel_loop3A_140 = vector.broadcast %parallel_loop3A_139 : i32 to vector<16xi32>
        %parallel_loop3A_141 = arith.muli %iota3A, %parallel_loop3A_140 : vector<16xi32>
        %parallel_loop3A_142 = vector.broadcast %parallel_loop3A_138 : i32 to vector<16xi32>
        %parallel_loop3A_143 = arith.addi %parallel_loop3A_141, %parallel_loop3A_142 : vector<16xi32>
        %parallel_loop3A_144 = tpu.vector_load_idx %arg5[%iota3A, %parallel_loop3A_143] : memref<16x129xf32, #tpu.memory_space<vmem>>[vector<16xi32>, vector<16xi32>], vector<16xf32>,
        %parallel_loop3A_145 = arith.index_cast %and3A_87 : i32 to index
        %parallel_loop3A_146 = arith.index_cast %parallel_loop3A_138 : i32 to index
        %parallel_loop3A_147 = arith.constant 0 : index
        %parallel_loop3A_148 = tpu.vector_load %arg6[%parallel_loop3A_145, %parallel_loop3A_146, %parallel_loop3A_147] {strides = array<i32>} : memref<8x128x16xf32, #tpu.memory_space<vmem>>, vector<16xf32>,
        tpu.vector_store %arg6[%parallel_loop3A_145, %parallel_loop3A_146, %parallel_loop3A_147], %parallel_loop3A_144 {strides = array<i32>} : memref<8x128x16xf32, #tpu.memory_space<vmem>>, vector<16xf32>,
      } {sc.loop_unroll_factor = 8 : i64, sc.parallel_access}
      %mul3A_123 = arith.constant 128 : i32
      %mul3A_124 = arith.muli %add3A_88, %mul3A_123 : i32
      %dma_start3A = arith.constant 0 : i32
      %dma_start3A_125 = arith.constant 0 : i32
      %dma_start3A_126 = tpu.memref_slice %arg6[%and3A_87, %dma_start3A, %dma_start3A_125] : memref<8x128x16xf32, #tpu.memory_space<vmem>> -> memref<1x128x16xf32, #tpu.memory_space<vmem>>
      %dma_start3A_127 = tpu.memref_squeeze %dma_start3A_126 : memref<1x128x16xf32, #tpu.memory_space<vmem>> -> memref<128x16xf32, #tpu.memory_space<vmem>>
      %dma_start3A_128 = arith.constant 0 : i32
      %dma_start3A_129 = tpu.memref_slice %arg3[%mul3A_124, %dma_start3A_128] : memref<2000000x16xf32, #tpu.memory_space<hbm>> -> memref<128x16xf32, #tpu.memory_space<hbm>>
      %dma_start3A_130 = tpu.memref_slice %arg8[%and3A_87] : memref<8x!tpu.dma_semaphore, #tpu.memory_space<semaphore_mem>> -> memref<1x!tpu.dma_semaphore, #tpu.memory_space<semaphore_mem>>
      %dma_start3A_131 = tpu.memref_squeeze %dma_start3A_130 : memref<1x!tpu.dma_semaphore, #tpu.memory_space<semaphore_mem>> -> memref<!tpu.dma_semaphore, #tpu.memory_space<semaphore_mem>>
      %dma_start3A_132 = arith.constant 0 : i32
      %dma_start3A_133 = tpu.memref_slice %arg3[%mul3A_124, %dma_start3A_132] : memref<2000000x16xf32, #tpu.memory_space<hbm>> -> memref<128x16xf32, #tpu.memory_space<hbm>>
      %dma_start3A_134 = arith.constant 0 : i32
      %dma_start3A_135 = arith.constant 0 : i32
      %dma_start3A_136 = tpu.memref_slice %arg6[%and3A_87, %dma_start3A_134, %dma_start3A_135] : memref<8x128x16xf32, #tpu.memory_space<vmem>> -> memref<1x128x16xf32, #tpu.memory_space<vmem>>
      %dma_start3A_137 = tpu.memref_squeeze %dma_start3A_136 : memref<1x128x16xf32, #tpu.memory_space<vmem>> -> memref<128x16xf32, #tpu.memory_space<vmem>>
      tpu.enqueue_dma source(%dma_start3A_137 : memref<128x16xf32, #tpu.memory_space<vmem>>) target(%dma_start3A_133 : memref<128x16xf32, #tpu.memory_space<hbm>>) target_semaphore(%dma_start3A_131 : memref<!tpu.dma_semaphore, #tpu.memory_space<semaphore_mem>>)
    }
    %while3A_45 = arith.constant 1 : i32
    scf.for %while3A_86 = %while3A_43 to %while3A_39 step %while3A_45  : i32 {
      %and3A = arith.constant 7 : i32
      %and3A_87 = arith.andi %while3A_86, %and3A : i32
      %add3A_88 = arith.addi %mul3A_2, %while3A_86 : i32
      %add3A_89 = arith.constant 8 : i32
      %add3A_90 = arith.addi %while3A_86, %add3A_89 : i32
      %sub3A_91 = arith.constant 1 : i32
      %sub3A_92 = arith.subi %add3A_90, %sub3A_91 : i32
      %lt3A = arith.cmpi slt, %sub3A_92, %min3A_4 : i32
      %convert_element_type3A_93 = arith.extui %lt3A : i1 to i32
      %cond3A_94 = arith.constant 0 : i32
      %cond3A_95 = arith.cmpi ne, %convert_element_type3A_93, %cond3A_94 : i32
      scf.if %cond3A_95 {
        %add3A_138 = arith.constant 8 : i32
        %add3A_139 = arith.addi %add3A_88, %add3A_138 : i32
        %sub3A_140 = arith.constant 1 : i32
        %sub3A_141 = arith.subi %add3A_139, %sub3A_140 : i32
        %add3A_142 = arith.constant 8 : i32
        %add3A_143 = arith.addi %while3A_86, %add3A_142 : i32
        %sub3A_144 = arith.constant 1 : i32
        %sub3A_145 = arith.subi %add3A_143, %sub3A_144 : i32
        %and3A_146 = arith.constant 7 : i32
        %and3A_147 = arith.andi %sub3A_145, %and3A_146 : i32
        %mul3A_148 = arith.constant 8 : i32
        %mul3A_149 = arith.muli %sub3A_141, %mul3A_148 : i32
        %dma_start3A_150 = arith.constant 0 : i32
        %dma_start3A_151 = arith.constant 0 : i32
        %dma_start3A_152 = arith.constant 0 : i32
        %dma_start3A_153 = tpu.memref_slice %arg4[%and3A_147, %dma_start3A_151, %dma_start3A_152] : memref<8x16x128xf32, #tpu.memory_space<vmem>> -> memref<1x8x128xf32, #tpu.memory_space<vmem>>
        %dma_start3A_154 = tpu.memref_squeeze %dma_start3A_153 : memref<1x8x128xf32, #tpu.memory_space<vmem>> -> memref<8x128xf32, #tpu.memory_space<vmem>>
        %dma_start3A_155 = arith.constant 0 : i32
        %dma_start3A_156 = tpu.memref_slice %arg2[%dma_start3A_150, %mul3A_149, %dma_start3A_155] : memref<2x125000x128xf32, #tpu.memory_space<hbm>> -> memref<1x8x128xf32, #tpu.memory_space<hbm>>
        %dma_start3A_157 = tpu.memref_squeeze %dma_start3A_156 : memref<1x8x128xf32, #tpu.memory_space<hbm>> -> memref<8x128xf32, #tpu.memory_space<hbm>>
        %dma_start3A_158 = tpu.memref_slice %arg7[%and3A_147] : memref<8x!tpu.dma_semaphore, #tpu.memory_space<semaphore_mem>> -> memref<1x!tpu.dma_semaphore, #tpu.memory_space<semaphore_mem>>
        %dma_start3A_159 = tpu.memref_squeeze %dma_start3A_158 : memref<1x!tpu.dma_semaphore, #tpu.memory_space<semaphore_mem>> -> memref<!tpu.dma_semaphore, #tpu.memory_space<semaphore_mem>>
        %dma_start3A_160 = arith.constant 0 : i32
        %dma_start3A_161 = arith.constant 0 : i32
        %dma_start3A_162 = tpu.memref_slice %arg4[%and3A_147, %dma_start3A_160, %dma_start3A_161] : memref<8x16x128xf32, #tpu.memory_space<vmem>> -> memref<1x8x128xf32, #tpu.memory_space<vmem>>
        %dma_start3A_163 = tpu.memref_squeeze %dma_start3A_162 : memref<1x8x128xf32, #tpu.memory_space<vmem>> -> memref<8x128xf32, #tpu.memory_space<vmem>>
        %dma_start3A_164 = arith.constant 0 : i32
        %dma_start3A_165 = tpu.memref_slice %arg2[%dma_start3A_150, %mul3A_149, %dma_start3A_164] : memref<2x125000x128xf32, #tpu.memory_space<hbm>> -> memref<1x8x128xf32, #tpu.memory_space<hbm>>
        %dma_start3A_166 = tpu.memref_squeeze %dma_start3A_165 : memref<1x8x128xf32, #tpu.memory_space<hbm>> -> memref<8x128xf32, #tpu.memory_space<hbm>>
        tpu.enqueue_dma source(%dma_start3A_166 : memref<8x128xf32, #tpu.memory_space<hbm>>) target(%dma_start3A_163 : memref<8x128xf32, #tpu.memory_space<vmem>>) target_semaphore(%dma_start3A_159 : memref<!tpu.dma_semaphore, #tpu.memory_space<semaphore_mem>>)
        %dma_start3A_167 = arith.constant 1 : i32
        %dma_start3A_168 = arith.constant 8 : i32
        %dma_start3A_169 = arith.constant 0 : i32
        %dma_start3A_170 = tpu.memref_slice %arg4[%and3A_147, %dma_start3A_168, %dma_start3A_169] : memref<8x16x128xf32, #tpu.memory_space<vmem>> -> memref<1x8x128xf32, #tpu.memory_space<vmem>>
        %dma_start3A_171 = tpu.memref_squeeze %dma_start3A_170 : memref<1x8x128xf32, #tpu.memory_space<vmem>> -> memref<8x128xf32, #tpu.memory_space<vmem>>
        %dma_start3A_172 = arith.constant 0 : i32
        %dma_start3A_173 = tpu.memref_slice %arg2[%dma_start3A_167, %mul3A_149, %dma_start3A_172] : memref<2x125000x128xf32, #tpu.memory_space<hbm>> -> memref<1x8x128xf32, #tpu.memory_space<hbm>>
        %dma_start3A_174 = tpu.memref_squeeze %dma_start3A_173 : memref<1x8x128xf32, #tpu.memory_space<hbm>> -> memref<8x128xf32, #tpu.memory_space<hbm>>
        %dma_start3A_175 = tpu.memref_slice %arg7[%and3A_147] : memref<8x!tpu.dma_semaphore, #tpu.memory_space<semaphore_mem>> -> memref<1x!tpu.dma_semaphore, #tpu.memory_space<semaphore_mem>>
        %dma_start3A_176 = tpu.memref_squeeze %dma_start3A_175 : memref<1x!tpu.dma_semaphore, #tpu.memory_space<semaphore_mem>> -> memref<!tpu.dma_semaphore, #tpu.memory_space<semaphore_mem>>
        %dma_start3A_177 = arith.constant 8 : i32
        %dma_start3A_178 = arith.constant 0 : i32
        %dma_start3A_179 = tpu.memref_slice %arg4[%and3A_147, %dma_start3A_177, %dma_start3A_178] : memref<8x16x128xf32, #tpu.memory_space<vmem>> -> memref<1x8x128xf32, #tpu.memory_space<vmem>>
        %dma_start3A_180 = tpu.memref_squeeze %dma_start3A_179 : memref<1x8x128xf32, #tpu.memory_space<vmem>> -> memref<8x128xf32, #tpu.memory_space<vmem>>
        %dma_start3A_181 = arith.constant 0 : i32
        %dma_start3A_182 = tpu.memref_slice %arg2[%dma_start3A_167, %mul3A_149, %dma_start3A_181] : memref<2x125000x128xf32, #tpu.memory_space<hbm>> -> memref<1x8x128xf32, #tpu.memory_space<hbm>>
        %dma_start3A_183 = tpu.memref_squeeze %dma_start3A_182 : memref<1x8x128xf32, #tpu.memory_space<hbm>> -> memref<8x128xf32, #tpu.memory_space<hbm>>
        tpu.enqueue_dma source(%dma_start3A_183 : memref<8x128xf32, #tpu.memory_space<hbm>>) target(%dma_start3A_180 : memref<8x128xf32, #tpu.memory_space<vmem>>) target_semaphore(%dma_start3A_176 : memref<!tpu.dma_semaphore, #tpu.memory_space<semaphore_mem>>)
      } else {
      }
      %dma_wait3A = arith.constant 0 : i32
      %dma_wait3A_96 = arith.constant 0 : i32
      %dma_wait3A_97 = arith.constant 0 : i32
      %dma_wait3A_98 = tpu.memref_slice %arg4[%and3A_87, %dma_wait3A_96, %dma_wait3A_97] : memref<8x16x128xf32, #tpu.memory_space<vmem>> -> memref<1x16x128xf32, #tpu.memory_space<vmem>>
      %dma_wait3A_99 = tpu.memref_squeeze %dma_wait3A_98 : memref<1x16x128xf32, #tpu.memory_space<vmem>> -> memref<16x128xf32, #tpu.memory_space<vmem>>
      %dma_wait3A_100 = arith.constant 0 : i32
      %dma_wait3A_101 = arith.constant 0 : i32
      %dma_wait3A_102 = tpu.memref_slice %arg2[%dma_wait3A, %dma_wait3A_100, %dma_wait3A_101] : memref<2x125000x128xf32, #tpu.memory_space<hbm>> -> memref<1x16x128xf32, #tpu.memory_space<hbm>>
      %dma_wait3A_103 = tpu.memref_squeeze %dma_wait3A_102 : memref<1x16x128xf32, #tpu.memory_space<hbm>> -> memref<16x128xf32, #tpu.memory_space<hbm>>
      %dma_wait3A_104 = tpu.memref_slice %arg7[%and3A_87] : memref<8x!tpu.dma_semaphore, #tpu.memory_space<semaphore_mem>> -> memref<1x!tpu.dma_semaphore, #tpu.memory_space<semaphore_mem>>
      %dma_wait3A_105 = tpu.memref_squeeze %dma_wait3A_104 : memref<1x!tpu.dma_semaphore, #tpu.memory_space<semaphore_mem>> -> memref<!tpu.dma_semaphore, #tpu.memory_space<semaphore_mem>>
      %dma_wait3A_106 = arith.constant 0 : i32
      %dma_wait3A_107 = arith.constant 0 : i32
      %dma_wait3A_108 = tpu.memref_slice %arg4[%and3A_87, %dma_wait3A_106, %dma_wait3A_107] : memref<8x16x128xf32, #tpu.memory_space<vmem>> -> memref<1x16x128xf32, #tpu.memory_space<vmem>>
      %dma_wait3A_109 = tpu.memref_squeeze %dma_wait3A_108 : memref<1x16x128xf32, #tpu.memory_space<vmem>> -> memref<16x128xf32, #tpu.memory_space<vmem>>
      %dma_wait3A_110 = arith.constant 0 : i32
      %dma_wait3A_111 = arith.constant 0 : i32
      %dma_wait3A_112 = tpu.memref_slice %arg2[%dma_wait3A, %dma_wait3A_110, %dma_wait3A_111] : memref<2x125000x128xf32, #tpu.memory_space<hbm>> -> memref<1x16x128xf32, #tpu.memory_space<hbm>>
      %dma_wait3A_113 = tpu.memref_squeeze %dma_wait3A_112 : memref<1x16x128xf32, #tpu.memory_space<hbm>> -> memref<16x128xf32, #tpu.memory_space<hbm>>
      tpu.wait_dma2 semaphore(%dma_wait3A_105 : memref<!tpu.dma_semaphore, #tpu.memory_space<semaphore_mem>>) src(%dma_wait3A_113 : memref<16x128xf32, #tpu.memory_space<hbm>>) dst(%dma_wait3A_109 : memref<16x128xf32, #tpu.memory_space<vmem>>)
      %ge3A = arith.constant 8 : i32
      %ge3A_114 = arith.cmpi sge, %while3A_86, %ge3A : i32
      %convert_element_type3A_115 = arith.extui %ge3A_114 : i1 to i32
      %cond3A_116 = arith.constant 0 : i32
      %cond3A_117 = arith.cmpi ne, %convert_element_type3A_115, %cond3A_116 : i32
      scf.if %cond3A_117 {
        %dma_wait3A_138 = arith.constant 0 : i32
        %dma_wait3A_139 = arith.constant 0 : i32
        %dma_wait3A_140 = tpu.memref_slice %arg6[%and3A_87, %dma_wait3A_138, %dma_wait3A_139] : memref<8x128x16xf32, #tpu.memory_space<vmem>> -> memref<1x128x16xf32, #tpu.memory_space<vmem>>
        %dma_wait3A_141 = tpu.memref_squeeze %dma_wait3A_140 : memref<1x128x16xf32, #tpu.memory_space<vmem>> -> memref<128x16xf32, #tpu.memory_space<vmem>>
        %dma_wait3A_142 = arith.constant 0 : i32
        %dma_wait3A_143 = arith.constant 0 : i32
        %dma_wait3A_144 = tpu.memref_slice %arg3[%dma_wait3A_142, %dma_wait3A_143] : memref<2000000x16xf32, #tpu.memory_space<hbm>> -> memref<128x16xf32, #tpu.memory_space<hbm>>
        %dma_wait3A_145 = tpu.memref_slice %arg8[%and3A_87] : memref<8x!tpu.dma_semaphore, #tpu.memory_space<semaphore_mem>> -> memref<1x!tpu.dma_semaphore, #tpu.memory_space<semaphore_mem>>
        %dma_wait3A_146 = tpu.memref_squeeze %dma_wait3A_145 : memref<1x!tpu.dma_semaphore, #tpu.memory_space<semaphore_mem>> -> memref<!tpu.dma_semaphore, #tpu.memory_space<semaphore_mem>>
        %dma_wait3A_147 = arith.constant 0 : i32
        %dma_wait3A_148 = arith.constant 0 : i32
        %dma_wait3A_149 = tpu.memref_slice %arg3[%dma_wait3A_147, %dma_wait3A_148] : memref<2000000x16xf32, #tpu.memory_space<hbm>> -> memref<128x16xf32, #tpu.memory_space<hbm>>
        %dma_wait3A_150 = arith.constant 0 : i32
        %dma_wait3A_151 = arith.constant 0 : i32
        %dma_wait3A_152 = tpu.memref_slice %arg6[%and3A_87, %dma_wait3A_150, %dma_wait3A_151] : memref<8x128x16xf32, #tpu.memory_space<vmem>> -> memref<1x128x16xf32, #tpu.memory_space<vmem>>
        %dma_wait3A_153 = tpu.memref_squeeze %dma_wait3A_152 : memref<1x128x16xf32, #tpu.memory_space<vmem>> -> memref<128x16xf32, #tpu.memory_space<vmem>>
        tpu.wait_dma2 semaphore(%dma_wait3A_146 : memref<!tpu.dma_semaphore, #tpu.memory_space<semaphore_mem>>) src(%dma_wait3A_153 : memref<128x16xf32, #tpu.memory_space<vmem>>) dst(%dma_wait3A_149 : memref<128x16xf32, #tpu.memory_space<hbm>>)
      } else {
      }
      %parallel_loop3A = arith.constant 0 : i32
      %parallel_loop3A_118 = arith.constant 16 : i32
      %parallel_loop3A_119 = arith.constant 1 : i32
      scf.for %parallel_loop3A_138 = %parallel_loop3A to %parallel_loop3A_118 step %parallel_loop3A_119  : i32 {
        %parallel_loop3A_139 = arith.index_cast %and3A_87 : i32 to index
        %parallel_loop3A_140 = arith.index_cast %parallel_loop3A_138 : i32 to index
        %parallel_loop3A_141 = arith.constant 0 : index
        %parallel_loop3A_142 = tpu.vector_load %arg4[%parallel_loop3A_139, %parallel_loop3A_140, %parallel_loop3A_141] {strides = array<i32>} : memref<8x16x128xf32, #tpu.memory_space<vmem>>, vector<16xf32>,
        %parallel_loop3A_143 = arith.index_cast %parallel_loop3A_138 : i32 to index
        %parallel_loop3A_144 = arith.constant 0 : index
        %parallel_loop3A_145 = tpu.vector_load %arg5[%parallel_loop3A_143, %parallel_loop3A_144] {strides = array<i32>} : memref<16x129xf32, #tpu.memory_space<vmem>>, vector<16xf32>,
        tpu.vector_store %arg5[%parallel_loop3A_143, %parallel_loop3A_144], %parallel_loop3A_142 {strides = array<i32>} : memref<16x129xf32, #tpu.memory_space<vmem>>, vector<16xf32>,
        %parallel_loop3A_146 = arith.index_cast %and3A_87 : i32 to index
        %parallel_loop3A_147 = arith.index_cast %parallel_loop3A_138 : i32 to index
        %parallel_loop3A_148 = arith.constant 16 : index
        %parallel_loop3A_149 = tpu.vector_load %arg4[%parallel_loop3A_146, %parallel_loop3A_147, %parallel_loop3A_148] {strides = array<i32>} : memref<8x16x128xf32, #tpu.memory_space<vmem>>, vector<16xf32>,
        %parallel_loop3A_150 = arith.index_cast %parallel_loop3A_138 : i32 to index
        %parallel_loop3A_151 = arith.constant 16 : index
        %parallel_loop3A_152 = tpu.vector_load %arg5[%parallel_loop3A_150, %parallel_loop3A_151] {strides = array<i32>} : memref<16x129xf32, #tpu.memory_space<vmem>>, vector<16xf32>,
        tpu.vector_store %arg5[%parallel_loop3A_150, %parallel_loop3A_151], %parallel_loop3A_149 {strides = array<i32>} : memref<16x129xf32, #tpu.memory_space<vmem>>, vector<16xf32>,
        %parallel_loop3A_153 = arith.index_cast %and3A_87 : i32 to index
        %parallel_loop3A_154 = arith.index_cast %parallel_loop3A_138 : i32 to index
        %parallel_loop3A_155 = arith.constant 32 : index
        %parallel_loop3A_156 = tpu.vector_load %arg4[%parallel_loop3A_153, %parallel_loop3A_154, %parallel_loop3A_155] {strides = array<i32>} : memref<8x16x128xf32, #tpu.memory_space<vmem>>, vector<16xf32>,
        %parallel_loop3A_157 = arith.index_cast %parallel_loop3A_138 : i32 to index
        %parallel_loop3A_158 = arith.constant 32 : index
        %parallel_loop3A_159 = tpu.vector_load %arg5[%parallel_loop3A_157, %parallel_loop3A_158] {strides = array<i32>} : memref<16x129xf32, #tpu.memory_space<vmem>>, vector<16xf32>,
        tpu.vector_store %arg5[%parallel_loop3A_157, %parallel_loop3A_158], %parallel_loop3A_156 {strides = array<i32>} : memref<16x129xf32, #tpu.memory_space<vmem>>, vector<16xf32>,
        %parallel_loop3A_160 = arith.index_cast %and3A_87 : i32 to index
        %parallel_loop3A_161 = arith.index_cast %parallel_loop3A_138 : i32 to index
        %parallel_loop3A_162 = arith.constant 48 : index
        %parallel_loop3A_163 = tpu.vector_load %arg4[%parallel_loop3A_160, %parallel_loop3A_161, %parallel_loop3A_162] {strides = array<i32>} : memref<8x16x128xf32, #tpu.memory_space<vmem>>, vector<16xf32>,
        %parallel_loop3A_164 = arith.index_cast %parallel_loop3A_138 : i32 to index
        %parallel_loop3A_165 = arith.constant 48 : index
        %parallel_loop3A_166 = tpu.vector_load %arg5[%parallel_loop3A_164, %parallel_loop3A_165] {strides = array<i32>} : memref<16x129xf32, #tpu.memory_space<vmem>>, vector<16xf32>,
        tpu.vector_store %arg5[%parallel_loop3A_164, %parallel_loop3A_165], %parallel_loop3A_163 {strides = array<i32>} : memref<16x129xf32, #tpu.memory_space<vmem>>, vector<16xf32>,
        %parallel_loop3A_167 = arith.index_cast %and3A_87 : i32 to index
        %parallel_loop3A_168 = arith.index_cast %parallel_loop3A_138 : i32 to index
        %parallel_loop3A_169 = arith.constant 64 : index
        %parallel_loop3A_170 = tpu.vector_load %arg4[%parallel_loop3A_167, %parallel_loop3A_168, %parallel_loop3A_169] {strides = array<i32>} : memref<8x16x128xf32, #tpu.memory_space<vmem>>, vector<16xf32>,
        %parallel_loop3A_171 = arith.index_cast %parallel_loop3A_138 : i32 to index
        %parallel_loop3A_172 = arith.constant 64 : index
        %parallel_loop3A_173 = tpu.vector_load %arg5[%parallel_loop3A_171, %parallel_loop3A_172] {strides = array<i32>} : memref<16x129xf32, #tpu.memory_space<vmem>>, vector<16xf32>,
        tpu.vector_store %arg5[%parallel_loop3A_171, %parallel_loop3A_172], %parallel_loop3A_170 {strides = array<i32>} : memref<16x129xf32, #tpu.memory_space<vmem>>, vector<16xf32>,
        %parallel_loop3A_174 = arith.index_cast %and3A_87 : i32 to index
        %parallel_loop3A_175 = arith.index_cast %parallel_loop3A_138 : i32 to index
        %parallel_loop3A_176 = arith.constant 80 : index
        %parallel_loop3A_177 = tpu.vector_load %arg4[%parallel_loop3A_174, %parallel_loop3A_175, %parallel_loop3A_176] {strides = array<i32>} : memref<8x16x128xf32, #tpu.memory_space<vmem>>, vector<16xf32>,
        %parallel_loop3A_178 = arith.index_cast %parallel_loop3A_138 : i32 to index
        %parallel_loop3A_179 = arith.constant 80 : index
        %parallel_loop3A_180 = tpu.vector_load %arg5[%parallel_loop3A_178, %parallel_loop3A_179] {strides = array<i32>} : memref<16x129xf32, #tpu.memory_space<vmem>>, vector<16xf32>,
        tpu.vector_store %arg5[%parallel_loop3A_178, %parallel_loop3A_179], %parallel_loop3A_177 {strides = array<i32>} : memref<16x129xf32, #tpu.memory_space<vmem>>, vector<16xf32>,
        %parallel_loop3A_181 = arith.index_cast %and3A_87 : i32 to index
        %parallel_loop3A_182 = arith.index_cast %parallel_loop3A_138 : i32 to index
        %parallel_loop3A_183 = arith.constant 96 : index
        %parallel_loop3A_184 = tpu.vector_load %arg4[%parallel_loop3A_181, %parallel_loop3A_182, %parallel_loop3A_183] {strides = array<i32>} : memref<8x16x128xf32, #tpu.memory_space<vmem>>, vector<16xf32>,
        %parallel_loop3A_185 = arith.index_cast %parallel_loop3A_138 : i32 to index
        %parallel_loop3A_186 = arith.constant 96 : index
        %parallel_loop3A_187 = tpu.vector_load %arg5[%parallel_loop3A_185, %parallel_loop3A_186] {strides = array<i32>} : memref<16x129xf32, #tpu.memory_space<vmem>>, vector<16xf32>,
        tpu.vector_store %arg5[%parallel_loop3A_185, %parallel_loop3A_186], %parallel_loop3A_184 {strides = array<i32>} : memref<16x129xf32, #tpu.memory_space<vmem>>, vector<16xf32>,
        %parallel_loop3A_188 = arith.index_cast %and3A_87 : i32 to index
        %parallel_loop3A_189 = arith.index_cast %parallel_loop3A_138 : i32 to index
        %parallel_loop3A_190 = arith.constant 112 : index
        %parallel_loop3A_191 = tpu.vector_load %arg4[%parallel_loop3A_188, %parallel_loop3A_189, %parallel_loop3A_190] {strides = array<i32>} : memref<8x16x128xf32, #tpu.memory_space<vmem>>, vector<16xf32>,
        %parallel_loop3A_192 = arith.index_cast %parallel_loop3A_138 : i32 to index
        %parallel_loop3A_193 = arith.constant 112 : index
        %parallel_loop3A_194 = tpu.vector_load %arg5[%parallel_loop3A_192, %parallel_loop3A_193] {strides = array<i32>} : memref<16x129xf32, #tpu.memory_space<vmem>>, vector<16xf32>,
        tpu.vector_store %arg5[%parallel_loop3A_192, %parallel_loop3A_193], %parallel_loop3A_191 {strides = array<i32>} : memref<16x129xf32, #tpu.memory_space<vmem>>, vector<16xf32>,
      } {sc.loop_unroll_factor = 4 : i64, sc.parallel_access}
      %parallel_loop3A_120 = arith.constant 0 : i32
      %parallel_loop3A_121 = arith.constant 128 : i32
      %parallel_loop3A_122 = arith.constant 1 : i32
      scf.for %parallel_loop3A_138 = %parallel_loop3A_120 to %parallel_loop3A_121 step %parallel_loop3A_122  : i32 {
        %parallel_loop3A_139 = arith.constant 0 : i32
        %parallel_loop3A_140 = vector.broadcast %parallel_loop3A_139 : i32 to vector<16xi32>
        %parallel_loop3A_141 = arith.muli %iota3A, %parallel_loop3A_140 : vector<16xi32>
        %parallel_loop3A_142 = vector.broadcast %parallel_loop3A_138 : i32 to vector<16xi32>
        %parallel_loop3A_143 = arith.addi %parallel_loop3A_141, %parallel_loop3A_142 : vector<16xi32>
        %parallel_loop3A_144 = tpu.vector_load_idx %arg5[%iota3A, %parallel_loop3A_143] : memref<16x129xf32, #tpu.memory_space<vmem>>[vector<16xi32>, vector<16xi32>], vector<16xf32>,
        %parallel_loop3A_145 = arith.index_cast %and3A_87 : i32 to index
        %parallel_loop3A_146 = arith.index_cast %parallel_loop3A_138 : i32 to index
        %parallel_loop3A_147 = arith.constant 0 : index
        %parallel_loop3A_148 = tpu.vector_load %arg6[%parallel_loop3A_145, %parallel_loop3A_146, %parallel_loop3A_147] {strides = array<i32>} : memref<8x128x16xf32, #tpu.memory_space<vmem>>, vector<16xf32>,
        tpu.vector_store %arg6[%parallel_loop3A_145, %parallel_loop3A_146, %parallel_loop3A_147], %parallel_loop3A_144 {strides = array<i32>} : memref<8x128x16xf32, #tpu.memory_space<vmem>>, vector<16xf32>,
      } {sc.loop_unroll_factor = 8 : i64, sc.parallel_access}
      %mul3A_123 = arith.constant 128 : i32
      %mul3A_124 = arith.muli %add3A_88, %mul3A_123 : i32
      %dma_start3A = arith.constant 0 : i32
      %dma_start3A_125 = arith.constant 0 : i32
      %dma_start3A_126 = tpu.memref_slice %arg6[%and3A_87, %dma_start3A, %dma_start3A_125] : memref<8x128x16xf32, #tpu.memory_space<vmem>> -> memref<1x128x16xf32, #tpu.memory_space<vmem>>
      %dma_start3A_127 = tpu.memref_squeeze %dma_start3A_126 : memref<1x128x16xf32, #tpu.memory_space<vmem>> -> memref<128x16xf32, #tpu.memory_space<vmem>>
      %dma_start3A_128 = arith.constant 0 : i32
      %dma_start3A_129 = tpu.memref_slice %arg3[%mul3A_124, %dma_start3A_128] : memref<2000000x16xf32, #tpu.memory_space<hbm>> -> memref<128x16xf32, #tpu.memory_space<hbm>>
      %dma_start3A_130 = tpu.memref_slice %arg8[%and3A_87] : memref<8x!tpu.dma_semaphore, #tpu.memory_space<semaphore_mem>> -> memref<1x!tpu.dma_semaphore, #tpu.memory_space<semaphore_mem>>
      %dma_start3A_131 = tpu.memref_squeeze %dma_start3A_130 : memref<1x!tpu.dma_semaphore, #tpu.memory_space<semaphore_mem>> -> memref<!tpu.dma_semaphore, #tpu.memory_space<semaphore_mem>>
      %dma_start3A_132 = arith.constant 0 : i32
      %dma_start3A_133 = tpu.memref_slice %arg3[%mul3A_124, %dma_start3A_132] : memref<2000000x16xf32, #tpu.memory_space<hbm>> -> memref<128x16xf32, #tpu.memory_space<hbm>>
      %dma_start3A_134 = arith.constant 0 : i32
      %dma_start3A_135 = arith.constant 0 : i32
      %dma_start3A_136 = tpu.memref_slice %arg6[%and3A_87, %dma_start3A_134, %dma_start3A_135] : memref<8x128x16xf32, #tpu.memory_space<vmem>> -> memref<1x128x16xf32, #tpu.memory_space<vmem>>
      %dma_start3A_137 = tpu.memref_squeeze %dma_start3A_136 : memref<1x128x16xf32, #tpu.memory_space<vmem>> -> memref<128x16xf32, #tpu.memory_space<vmem>>
      tpu.enqueue_dma source(%dma_start3A_137 : memref<128x16xf32, #tpu.memory_space<vmem>>) target(%dma_start3A_133 : memref<128x16xf32, #tpu.memory_space<hbm>>) target_semaphore(%dma_start3A_131 : memref<!tpu.dma_semaphore, #tpu.memory_space<semaphore_mem>>)
    }
    %gt3A_46 = arith.constant 0 : i32
    %gt3A_47 = arith.cmpi sgt, %min3A_4, %gt3A_46 : i32
    %convert_element_type3A_48 = arith.extui %gt3A_47 : i1 to i32
    %cond3A_49 = arith.constant 0 : i32
    %cond3A_50 = arith.cmpi ne, %convert_element_type3A_48, %cond3A_49 : i32
    scf.if %cond3A_50 {
      %dma_wait3A = arith.constant 0 : i32
      %dma_wait3A_86 = arith.constant 0 : i32
      %dma_wait3A_87 = arith.constant 0 : i32
      %dma_wait3A_88 = arith.constant 0 : i32
      %dma_wait3A_89 = tpu.memref_slice %arg6[%dma_wait3A, %dma_wait3A_87, %dma_wait3A_88] : memref<8x128x16xf32, #tpu.memory_space<vmem>> -> memref<1x128x16xf32, #tpu.memory_space<vmem>>
      %dma_wait3A_90 = tpu.memref_squeeze %dma_wait3A_89 : memref<1x128x16xf32, #tpu.memory_space<vmem>> -> memref<128x16xf32, #tpu.memory_space<vmem>>
      %dma_wait3A_91 = arith.constant 0 : i32
      %dma_wait3A_92 = arith.constant 0 : i32
      %dma_wait3A_93 = tpu.memref_slice %arg3[%dma_wait3A_91, %dma_wait3A_92] : memref<2000000x16xf32, #tpu.memory_space<hbm>> -> memref<128x16xf32, #tpu.memory_space<hbm>>
      %dma_wait3A_94 = tpu.memref_slice %arg8[%dma_wait3A_86] : memref<8x!tpu.dma_semaphore, #tpu.memory_space<semaphore_mem>> -> memref<1x!tpu.dma_semaphore, #tpu.memory_space<semaphore_mem>>
      %dma_wait3A_95 = tpu.memref_squeeze %dma_wait3A_94 : memref<1x!tpu.dma_semaphore, #tpu.memory_space<semaphore_mem>> -> memref<!tpu.dma_semaphore, #tpu.memory_space<semaphore_mem>>
      %dma_wait3A_96 = arith.constant 0 : i32
      %dma_wait3A_97 = arith.constant 0 : i32
      %dma_wait3A_98 = tpu.memref_slice %arg3[%dma_wait3A_96, %dma_wait3A_97] : memref<2000000x16xf32, #tpu.memory_space<hbm>> -> memref<128x16xf32, #tpu.memory_space<hbm>>
      %dma_wait3A_99 = arith.constant 0 : i32
      %dma_wait3A_100 = arith.constant 0 : i32
      %dma_wait3A_101 = tpu.memref_slice %arg6[%dma_wait3A, %dma_wait3A_99, %dma_wait3A_100] : memref<8x128x16xf32, #tpu.memory_space<vmem>> -> memref<1x128x16xf32, #tpu.memory_space<vmem>>
      %dma_wait3A_102 = tpu.memref_squeeze %dma_wait3A_101 : memref<1x128x16xf32, #tpu.memory_space<vmem>> -> memref<128x16xf32, #tpu.memory_space<vmem>>
      tpu.wait_dma2 semaphore(%dma_wait3A_95 : memref<!tpu.dma_semaphore, #tpu.memory_space<semaphore_mem>>) src(%dma_wait3A_102 : memref<128x16xf32, #tpu.memory_space<vmem>>) dst(%dma_wait3A_98 : memref<128x16xf32, #tpu.memory_space<hbm>>)
    } else {
    }
    %gt3A_51 = arith.constant 1 : i32
    %gt3A_52 = arith.cmpi sgt, %min3A_4, %gt3A_51 : i32
    %convert_element_type3A_53 = arith.extui %gt3A_52 : i1 to i32
    %cond3A_54 = arith.constant 0 : i32
    %cond3A_55 = arith.cmpi ne, %convert_element_type3A_53, %cond3A_54 : i32
    scf.if %cond3A_55 {
      %dma_wait3A = arith.constant 1 : i32
      %dma_wait3A_86 = arith.constant 1 : i32
      %dma_wait3A_87 = arith.constant 0 : i32
      %dma_wait3A_88 = arith.constant 0 : i32
      %dma_wait3A_89 = tpu.memref_slice %arg6[%dma_wait3A, %dma_wait3A_87, %dma_wait3A_88] : memref<8x128x16xf32, #tpu.memory_space<vmem>> -> memref<1x128x16xf32, #tpu.memory_space<vmem>>
      %dma_wait3A_90 = tpu.memref_squeeze %dma_wait3A_89 : memref<1x128x16xf32, #tpu.memory_space<vmem>> -> memref<128x16xf32, #tpu.memory_space<vmem>>
      %dma_wait3A_91 = arith.constant 0 : i32
      %dma_wait3A_92 = arith.constant 0 : i32
      %dma_wait3A_93 = tpu.memref_slice %arg3[%dma_wait3A_91, %dma_wait3A_92] : memref<2000000x16xf32, #tpu.memory_space<hbm>> -> memref<128x16xf32, #tpu.memory_space<hbm>>
      %dma_wait3A_94 = tpu.memref_slice %arg8[%dma_wait3A_86] : memref<8x!tpu.dma_semaphore, #tpu.memory_space<semaphore_mem>> -> memref<1x!tpu.dma_semaphore, #tpu.memory_space<semaphore_mem>>
      %dma_wait3A_95 = tpu.memref_squeeze %dma_wait3A_94 : memref<1x!tpu.dma_semaphore, #tpu.memory_space<semaphore_mem>> -> memref<!tpu.dma_semaphore, #tpu.memory_space<semaphore_mem>>
      %dma_wait3A_96 = arith.constant 0 : i32
      %dma_wait3A_97 = arith.constant 0 : i32
      %dma_wait3A_98 = tpu.memref_slice %arg3[%dma_wait3A_96, %dma_wait3A_97] : memref<2000000x16xf32, #tpu.memory_space<hbm>> -> memref<128x16xf32, #tpu.memory_space<hbm>>
      %dma_wait3A_99 = arith.constant 0 : i32
      %dma_wait3A_100 = arith.constant 0 : i32
      %dma_wait3A_101 = tpu.memref_slice %arg6[%dma_wait3A, %dma_wait3A_99, %dma_wait3A_100] : memref<8x128x16xf32, #tpu.memory_space<vmem>> -> memref<1x128x16xf32, #tpu.memory_space<vmem>>
      %dma_wait3A_102 = tpu.memref_squeeze %dma_wait3A_101 : memref<1x128x16xf32, #tpu.memory_space<vmem>> -> memref<128x16xf32, #tpu.memory_space<vmem>>
      tpu.wait_dma2 semaphore(%dma_wait3A_95 : memref<!tpu.dma_semaphore, #tpu.memory_space<semaphore_mem>>) src(%dma_wait3A_102 : memref<128x16xf32, #tpu.memory_space<vmem>>) dst(%dma_wait3A_98 : memref<128x16xf32, #tpu.memory_space<hbm>>)
    } else {
    }
    %gt3A_56 = arith.constant 2 : i32
    %gt3A_57 = arith.cmpi sgt, %min3A_4, %gt3A_56 : i32
    %convert_element_type3A_58 = arith.extui %gt3A_57 : i1 to i32
    %cond3A_59 = arith.constant 0 : i32
    %cond3A_60 = arith.cmpi ne, %convert_element_type3A_58, %cond3A_59 : i32
    scf.if %cond3A_60 {
      %dma_wait3A = arith.constant 2 : i32
      %dma_wait3A_86 = arith.constant 2 : i32
      %dma_wait3A_87 = arith.constant 0 : i32
      %dma_wait3A_88 = arith.constant 0 : i32
      %dma_wait3A_89 = tpu.memref_slice %arg6[%dma_wait3A, %dma_wait3A_87, %dma_wait3A_88] : memref<8x128x16xf32, #tpu.memory_space<vmem>> -> memref<1x128x16xf32, #tpu.memory_space<vmem>>
      %dma_wait3A_90 = tpu.memref_squeeze %dma_wait3A_89 : memref<1x128x16xf32, #tpu.memory_space<vmem>> -> memref<128x16xf32, #tpu.memory_space<vmem>>
      %dma_wait3A_91 = arith.constant 0 : i32
      %dma_wait3A_92 = arith.constant 0 : i32
      %dma_wait3A_93 = tpu.memref_slice %arg3[%dma_wait3A_91, %dma_wait3A_92] : memref<2000000x16xf32, #tpu.memory_space<hbm>> -> memref<128x16xf32, #tpu.memory_space<hbm>>
      %dma_wait3A_94 = tpu.memref_slice %arg8[%dma_wait3A_86] : memref<8x!tpu.dma_semaphore, #tpu.memory_space<semaphore_mem>> -> memref<1x!tpu.dma_semaphore, #tpu.memory_space<semaphore_mem>>
      %dma_wait3A_95 = tpu.memref_squeeze %dma_wait3A_94 : memref<1x!tpu.dma_semaphore, #tpu.memory_space<semaphore_mem>> -> memref<!tpu.dma_semaphore, #tpu.memory_space<semaphore_mem>>
      %dma_wait3A_96 = arith.constant 0 : i32
      %dma_wait3A_97 = arith.constant 0 : i32
      %dma_wait3A_98 = tpu.memref_slice %arg3[%dma_wait3A_96, %dma_wait3A_97] : memref<2000000x16xf32, #tpu.memory_space<hbm>> -> memref<128x16xf32, #tpu.memory_space<hbm>>
      %dma_wait3A_99 = arith.constant 0 : i32
      %dma_wait3A_100 = arith.constant 0 : i32
      %dma_wait3A_101 = tpu.memref_slice %arg6[%dma_wait3A, %dma_wait3A_99, %dma_wait3A_100] : memref<8x128x16xf32, #tpu.memory_space<vmem>> -> memref<1x128x16xf32, #tpu.memory_space<vmem>>
      %dma_wait3A_102 = tpu.memref_squeeze %dma_wait3A_101 : memref<1x128x16xf32, #tpu.memory_space<vmem>> -> memref<128x16xf32, #tpu.memory_space<vmem>>
      tpu.wait_dma2 semaphore(%dma_wait3A_95 : memref<!tpu.dma_semaphore, #tpu.memory_space<semaphore_mem>>) src(%dma_wait3A_102 : memref<128x16xf32, #tpu.memory_space<vmem>>) dst(%dma_wait3A_98 : memref<128x16xf32, #tpu.memory_space<hbm>>)
    } else {
    }
    %gt3A_61 = arith.constant 3 : i32
    %gt3A_62 = arith.cmpi sgt, %min3A_4, %gt3A_61 : i32
    %convert_element_type3A_63 = arith.extui %gt3A_62 : i1 to i32
    %cond3A_64 = arith.constant 0 : i32
    %cond3A_65 = arith.cmpi ne, %convert_element_type3A_63, %cond3A_64 : i32
    scf.if %cond3A_65 {
      %dma_wait3A = arith.constant 3 : i32
      %dma_wait3A_86 = arith.constant 3 : i32
      %dma_wait3A_87 = arith.constant 0 : i32
      %dma_wait3A_88 = arith.constant 0 : i32
      %dma_wait3A_89 = tpu.memref_slice %arg6[%dma_wait3A, %dma_wait3A_87, %dma_wait3A_88] : memref<8x128x16xf32, #tpu.memory_space<vmem>> -> memref<1x128x16xf32, #tpu.memory_space<vmem>>
      %dma_wait3A_90 = tpu.memref_squeeze %dma_wait3A_89 : memref<1x128x16xf32, #tpu.memory_space<vmem>> -> memref<128x16xf32, #tpu.memory_space<vmem>>
      %dma_wait3A_91 = arith.constant 0 : i32
      %dma_wait3A_92 = arith.constant 0 : i32
      %dma_wait3A_93 = tpu.memref_slice %arg3[%dma_wait3A_91, %dma_wait3A_92] : memref<2000000x16xf32, #tpu.memory_space<hbm>> -> memref<128x16xf32, #tpu.memory_space<hbm>>
      %dma_wait3A_94 = tpu.memref_slice %arg8[%dma_wait3A_86] : memref<8x!tpu.dma_semaphore, #tpu.memory_space<semaphore_mem>> -> memref<1x!tpu.dma_semaphore, #tpu.memory_space<semaphore_mem>>
      %dma_wait3A_95 = tpu.memref_squeeze %dma_wait3A_94 : memref<1x!tpu.dma_semaphore, #tpu.memory_space<semaphore_mem>> -> memref<!tpu.dma_semaphore, #tpu.memory_space<semaphore_mem>>
      %dma_wait3A_96 = arith.constant 0 : i32
      %dma_wait3A_97 = arith.constant 0 : i32
      %dma_wait3A_98 = tpu.memref_slice %arg3[%dma_wait3A_96, %dma_wait3A_97] : memref<2000000x16xf32, #tpu.memory_space<hbm>> -> memref<128x16xf32, #tpu.memory_space<hbm>>
      %dma_wait3A_99 = arith.constant 0 : i32
      %dma_wait3A_100 = arith.constant 0 : i32
      %dma_wait3A_101 = tpu.memref_slice %arg6[%dma_wait3A, %dma_wait3A_99, %dma_wait3A_100] : memref<8x128x16xf32, #tpu.memory_space<vmem>> -> memref<1x128x16xf32, #tpu.memory_space<vmem>>
      %dma_wait3A_102 = tpu.memref_squeeze %dma_wait3A_101 : memref<1x128x16xf32, #tpu.memory_space<vmem>> -> memref<128x16xf32, #tpu.memory_space<vmem>>
      tpu.wait_dma2 semaphore(%dma_wait3A_95 : memref<!tpu.dma_semaphore, #tpu.memory_space<semaphore_mem>>) src(%dma_wait3A_102 : memref<128x16xf32, #tpu.memory_space<vmem>>) dst(%dma_wait3A_98 : memref<128x16xf32, #tpu.memory_space<hbm>>)
    } else {
    }
    %gt3A_66 = arith.constant 4 : i32
    %gt3A_67 = arith.cmpi sgt, %min3A_4, %gt3A_66 : i32
    %convert_element_type3A_68 = arith.extui %gt3A_67 : i1 to i32
    %cond3A_69 = arith.constant 0 : i32
    %cond3A_70 = arith.cmpi ne, %convert_element_type3A_68, %cond3A_69 : i32
    scf.if %cond3A_70 {
      %dma_wait3A = arith.constant 4 : i32
      %dma_wait3A_86 = arith.constant 4 : i32
      %dma_wait3A_87 = arith.constant 0 : i32
      %dma_wait3A_88 = arith.constant 0 : i32
      %dma_wait3A_89 = tpu.memref_slice %arg6[%dma_wait3A, %dma_wait3A_87, %dma_wait3A_88] : memref<8x128x16xf32, #tpu.memory_space<vmem>> -> memref<1x128x16xf32, #tpu.memory_space<vmem>>
      %dma_wait3A_90 = tpu.memref_squeeze %dma_wait3A_89 : memref<1x128x16xf32, #tpu.memory_space<vmem>> -> memref<128x16xf32, #tpu.memory_space<vmem>>
      %dma_wait3A_91 = arith.constant 0 : i32
      %dma_wait3A_92 = arith.constant 0 : i32
      %dma_wait3A_93 = tpu.memref_slice %arg3[%dma_wait3A_91, %dma_wait3A_92] : memref<2000000x16xf32, #tpu.memory_space<hbm>> -> memref<128x16xf32, #tpu.memory_space<hbm>>
      %dma_wait3A_94 = tpu.memref_slice %arg8[%dma_wait3A_86] : memref<8x!tpu.dma_semaphore, #tpu.memory_space<semaphore_mem>> -> memref<1x!tpu.dma_semaphore, #tpu.memory_space<semaphore_mem>>
      %dma_wait3A_95 = tpu.memref_squeeze %dma_wait3A_94 : memref<1x!tpu.dma_semaphore, #tpu.memory_space<semaphore_mem>> -> memref<!tpu.dma_semaphore, #tpu.memory_space<semaphore_mem>>
      %dma_wait3A_96 = arith.constant 0 : i32
      %dma_wait3A_97 = arith.constant 0 : i32
      %dma_wait3A_98 = tpu.memref_slice %arg3[%dma_wait3A_96, %dma_wait3A_97] : memref<2000000x16xf32, #tpu.memory_space<hbm>> -> memref<128x16xf32, #tpu.memory_space<hbm>>
      %dma_wait3A_99 = arith.constant 0 : i32
      %dma_wait3A_100 = arith.constant 0 : i32
      %dma_wait3A_101 = tpu.memref_slice %arg6[%dma_wait3A, %dma_wait3A_99, %dma_wait3A_100] : memref<8x128x16xf32, #tpu.memory_space<vmem>> -> memref<1x128x16xf32, #tpu.memory_space<vmem>>
      %dma_wait3A_102 = tpu.memref_squeeze %dma_wait3A_101 : memref<1x128x16xf32, #tpu.memory_space<vmem>> -> memref<128x16xf32, #tpu.memory_space<vmem>>
      tpu.wait_dma2 semaphore(%dma_wait3A_95 : memref<!tpu.dma_semaphore, #tpu.memory_space<semaphore_mem>>) src(%dma_wait3A_102 : memref<128x16xf32, #tpu.memory_space<vmem>>) dst(%dma_wait3A_98 : memref<128x16xf32, #tpu.memory_space<hbm>>)
    } else {
    }
    %gt3A_71 = arith.constant 5 : i32
    %gt3A_72 = arith.cmpi sgt, %min3A_4, %gt3A_71 : i32
    %convert_element_type3A_73 = arith.extui %gt3A_72 : i1 to i32
    %cond3A_74 = arith.constant 0 : i32
    %cond3A_75 = arith.cmpi ne, %convert_element_type3A_73, %cond3A_74 : i32
    scf.if %cond3A_75 {
      %dma_wait3A = arith.constant 5 : i32
      %dma_wait3A_86 = arith.constant 5 : i32
      %dma_wait3A_87 = arith.constant 0 : i32
      %dma_wait3A_88 = arith.constant 0 : i32
      %dma_wait3A_89 = tpu.memref_slice %arg6[%dma_wait3A, %dma_wait3A_87, %dma_wait3A_88] : memref<8x128x16xf32, #tpu.memory_space<vmem>> -> memref<1x128x16xf32, #tpu.memory_space<vmem>>
      %dma_wait3A_90 = tpu.memref_squeeze %dma_wait3A_89 : memref<1x128x16xf32, #tpu.memory_space<vmem>> -> memref<128x16xf32, #tpu.memory_space<vmem>>
      %dma_wait3A_91 = arith.constant 0 : i32
      %dma_wait3A_92 = arith.constant 0 : i32
      %dma_wait3A_93 = tpu.memref_slice %arg3[%dma_wait3A_91, %dma_wait3A_92] : memref<2000000x16xf32, #tpu.memory_space<hbm>> -> memref<128x16xf32, #tpu.memory_space<hbm>>
      %dma_wait3A_94 = tpu.memref_slice %arg8[%dma_wait3A_86] : memref<8x!tpu.dma_semaphore, #tpu.memory_space<semaphore_mem>> -> memref<1x!tpu.dma_semaphore, #tpu.memory_space<semaphore_mem>>
      %dma_wait3A_95 = tpu.memref_squeeze %dma_wait3A_94 : memref<1x!tpu.dma_semaphore, #tpu.memory_space<semaphore_mem>> -> memref<!tpu.dma_semaphore, #tpu.memory_space<semaphore_mem>>
      %dma_wait3A_96 = arith.constant 0 : i32
      %dma_wait3A_97 = arith.constant 0 : i32
      %dma_wait3A_98 = tpu.memref_slice %arg3[%dma_wait3A_96, %dma_wait3A_97] : memref<2000000x16xf32, #tpu.memory_space<hbm>> -> memref<128x16xf32, #tpu.memory_space<hbm>>
      %dma_wait3A_99 = arith.constant 0 : i32
      %dma_wait3A_100 = arith.constant 0 : i32
      %dma_wait3A_101 = tpu.memref_slice %arg6[%dma_wait3A, %dma_wait3A_99, %dma_wait3A_100] : memref<8x128x16xf32, #tpu.memory_space<vmem>> -> memref<1x128x16xf32, #tpu.memory_space<vmem>>
      %dma_wait3A_102 = tpu.memref_squeeze %dma_wait3A_101 : memref<1x128x16xf32, #tpu.memory_space<vmem>> -> memref<128x16xf32, #tpu.memory_space<vmem>>
      tpu.wait_dma2 semaphore(%dma_wait3A_95 : memref<!tpu.dma_semaphore, #tpu.memory_space<semaphore_mem>>) src(%dma_wait3A_102 : memref<128x16xf32, #tpu.memory_space<vmem>>) dst(%dma_wait3A_98 : memref<128x16xf32, #tpu.memory_space<hbm>>)
    } else {
    }
    %gt3A_76 = arith.constant 6 : i32
    %gt3A_77 = arith.cmpi sgt, %min3A_4, %gt3A_76 : i32
    %convert_element_type3A_78 = arith.extui %gt3A_77 : i1 to i32
    %cond3A_79 = arith.constant 0 : i32
    %cond3A_80 = arith.cmpi ne, %convert_element_type3A_78, %cond3A_79 : i32
    scf.if %cond3A_80 {
      %dma_wait3A = arith.constant 6 : i32
      %dma_wait3A_86 = arith.constant 6 : i32
      %dma_wait3A_87 = arith.constant 0 : i32
      %dma_wait3A_88 = arith.constant 0 : i32
      %dma_wait3A_89 = tpu.memref_slice %arg6[%dma_wait3A, %dma_wait3A_87, %dma_wait3A_88] : memref<8x128x16xf32, #tpu.memory_space<vmem>> -> memref<1x128x16xf32, #tpu.memory_space<vmem>>
      %dma_wait3A_90 = tpu.memref_squeeze %dma_wait3A_89 : memref<1x128x16xf32, #tpu.memory_space<vmem>> -> memref<128x16xf32, #tpu.memory_space<vmem>>
      %dma_wait3A_91 = arith.constant 0 : i32
      %dma_wait3A_92 = arith.constant 0 : i32
      %dma_wait3A_93 = tpu.memref_slice %arg3[%dma_wait3A_91, %dma_wait3A_92] : memref<2000000x16xf32, #tpu.memory_space<hbm>> -> memref<128x16xf32, #tpu.memory_space<hbm>>
      %dma_wait3A_94 = tpu.memref_slice %arg8[%dma_wait3A_86] : memref<8x!tpu.dma_semaphore, #tpu.memory_space<semaphore_mem>> -> memref<1x!tpu.dma_semaphore, #tpu.memory_space<semaphore_mem>>
      %dma_wait3A_95 = tpu.memref_squeeze %dma_wait3A_94 : memref<1x!tpu.dma_semaphore, #tpu.memory_space<semaphore_mem>> -> memref<!tpu.dma_semaphore, #tpu.memory_space<semaphore_mem>>
      %dma_wait3A_96 = arith.constant 0 : i32
      %dma_wait3A_97 = arith.constant 0 : i32
      %dma_wait3A_98 = tpu.memref_slice %arg3[%dma_wait3A_96, %dma_wait3A_97] : memref<2000000x16xf32, #tpu.memory_space<hbm>> -> memref<128x16xf32, #tpu.memory_space<hbm>>
      %dma_wait3A_99 = arith.constant 0 : i32
      %dma_wait3A_100 = arith.constant 0 : i32
      %dma_wait3A_101 = tpu.memref_slice %arg6[%dma_wait3A, %dma_wait3A_99, %dma_wait3A_100] : memref<8x128x16xf32, #tpu.memory_space<vmem>> -> memref<1x128x16xf32, #tpu.memory_space<vmem>>
      %dma_wait3A_102 = tpu.memref_squeeze %dma_wait3A_101 : memref<1x128x16xf32, #tpu.memory_space<vmem>> -> memref<128x16xf32, #tpu.memory_space<vmem>>
      tpu.wait_dma2 semaphore(%dma_wait3A_95 : memref<!tpu.dma_semaphore, #tpu.memory_space<semaphore_mem>>) src(%dma_wait3A_102 : memref<128x16xf32, #tpu.memory_space<vmem>>) dst(%dma_wait3A_98 : memref<128x16xf32, #tpu.memory_space<hbm>>)
    } else {
    }
    %gt3A_81 = arith.constant 7 : i32
    %gt3A_82 = arith.cmpi sgt, %min3A_4, %gt3A_81 : i32
    %convert_element_type3A_83 = arith.extui %gt3A_82 : i1 to i32
    %cond3A_84 = arith.constant 0 : i32
    %cond3A_85 = arith.cmpi ne, %convert_element_type3A_83, %cond3A_84 : i32
    scf.if %cond3A_85 {
      %dma_wait3A = arith.constant 7 : i32
      %dma_wait3A_86 = arith.constant 7 : i32
      %dma_wait3A_87 = arith.constant 0 : i32
      %dma_wait3A_88 = arith.constant 0 : i32
      %dma_wait3A_89 = tpu.memref_slice %arg6[%dma_wait3A, %dma_wait3A_87, %dma_wait3A_88] : memref<8x128x16xf32, #tpu.memory_space<vmem>> -> memref<1x128x16xf32, #tpu.memory_space<vmem>>
      %dma_wait3A_90 = tpu.memref_squeeze %dma_wait3A_89 : memref<1x128x16xf32, #tpu.memory_space<vmem>> -> memref<128x16xf32, #tpu.memory_space<vmem>>
      %dma_wait3A_91 = arith.constant 0 : i32
      %dma_wait3A_92 = arith.constant 0 : i32
      %dma_wait3A_93 = tpu.memref_slice %arg3[%dma_wait3A_91, %dma_wait3A_92] : memref<2000000x16xf32, #tpu.memory_space<hbm>> -> memref<128x16xf32, #tpu.memory_space<hbm>>
      %dma_wait3A_94 = tpu.memref_slice %arg8[%dma_wait3A_86] : memref<8x!tpu.dma_semaphore, #tpu.memory_space<semaphore_mem>> -> memref<1x!tpu.dma_semaphore, #tpu.memory_space<semaphore_mem>>
      %dma_wait3A_95 = tpu.memref_squeeze %dma_wait3A_94 : memref<1x!tpu.dma_semaphore, #tpu.memory_space<semaphore_mem>> -> memref<!tpu.dma_semaphore, #tpu.memory_space<semaphore_mem>>
      %dma_wait3A_96 = arith.constant 0 : i32
      %dma_wait3A_97 = arith.constant 0 : i32
      %dma_wait3A_98 = tpu.memref_slice %arg3[%dma_wait3A_96, %dma_wait3A_97] : memref<2000000x16xf32, #tpu.memory_space<hbm>> -> memref<128x16xf32, #tpu.memory_space<hbm>>
      %dma_wait3A_99 = arith.constant 0 : i32
      %dma_wait3A_100 = arith.constant 0 : i32
      %dma_wait3A_101 = tpu.memref_slice %arg6[%dma_wait3A, %dma_wait3A_99, %dma_wait3A_100] : memref<8x128x16xf32, #tpu.memory_space<vmem>> -> memref<1x128x16xf32, #tpu.memory_space<vmem>>
      %dma_wait3A_102 = tpu.memref_squeeze %dma_wait3A_101 : memref<1x128x16xf32, #tpu.memory_space<vmem>> -> memref<128x16xf32, #tpu.memory_space<vmem>>
      tpu.wait_dma2 semaphore(%dma_wait3A_95 : memref<!tpu.dma_semaphore, #tpu.memory_space<semaphore_mem>>) src(%dma_wait3A_102 : memref<128x16xf32, #tpu.memory_space<vmem>>) dst(%dma_wait3A_98 : memref<128x16xf32, #tpu.memory_space<hbm>>)
    } else {
    }
    return
  }
}

#map = affine_map<(d0, d1) -> (0)>
#map1 = affine_map<(d0, d1) -> (0, 0, 0)>
#map2 = affine_map<(d0, d1) -> (0, 0)>
#map3 = affine_map<(d0, d1) -> (0, 0, 0, 0)>
module attributes {stable_mosaic.version = 14 : i64} {
  func.func @spc_kernel(%arg0: i32, %arg1: i32, %arg2: memref<262144xf32, #tpu.memory_space<hbm>>, %arg3: memref<262144xf32, #tpu.memory_space<hbm>>, %arg4: memref<262144xf32, #tpu.memory_space<hbm>>, %arg5: memref<2048x8x128xi32, #tpu.memory_space<hbm>>, %arg6: memref<2000000x16xf32, #tpu.memory_space<hbm>>, %arg7: memref<16xf32, #tpu.memory_space<hbm>>, %arg8: memref<2x2048x8x128xf32, #tpu.memory_space<hbm>>, %arg9: memref<4x8x128xi32, #tpu.memory_space<vmem>>, %arg10: memref<4x1024x16xf32, #tpu.memory_space<vmem>>, %arg11: memref<8192xf32, #tpu.memory_space<vmem>>, %arg12: memref<8192xf32, #tpu.memory_space<vmem>>, %arg13: memref<8192xf32, #tpu.memory_space<vmem>>, %arg14: memref<1024xf32, #tpu.memory_space<vmem>>, %arg15: memref<128x17xf32, #tpu.memory_space<vmem>>, %arg16: memref<2x16x128xf32, #tpu.memory_space<vmem>>, %arg17: memref<16xf32, #tpu.memory_space<vmem>>, %arg18: memref<4x!tpu.dma_semaphore, #tpu.memory_space<semaphore_mem>>, %arg19: memref<2x!tpu.dma_semaphore, #tpu.memory_space<semaphore_mem>>) attributes {dimension_semantics = [#tpu.dimension_semantics<core_parallel>, #tpu.dimension_semantics<subcore_parallel>], iteration_bounds = array<i64: 2, 16>, scalar_prefetch = 0 : i64, scratch_operands = 11 : i64, tpu.core_type = #tpu.core_type<sc_vector_subcore>, window_params = [{transform_indices = #map}, {transform_indices = #map}, {transform_indices = #map}, {transform_indices = #map1}, {transform_indices = #map2}, {transform_indices = #map}, {transform_indices = #map3}]} {
    %mul3A = arith.constant 2 : i32
    %mul3A_0 = arith.muli %arg1, %mul3A : i32
    %add3A = arith.addi %mul3A_0, %arg0 : i32
    %mul3A_1 = arith.constant 64 : i32
    %mul3A_2 = arith.muli %add3A, %mul3A_1 : i32
    %mul3A_3 = arith.constant 8192 : i32
    %mul3A_4 = arith.muli %add3A, %mul3A_3 : i32
    "tpu.region"() ({
      %run_scoped3A_449 = tpu.sem_alloc : memref<!tpu.dma_semaphore, #tpu.memory_space<semaphore_mem>>
      tpu.enqueue_dma source(%arg7 : memref<16xf32, #tpu.memory_space<hbm>>) target(%arg17 : memref<16xf32, #tpu.memory_space<vmem>>) target_semaphore(%run_scoped3A_449 : memref<!tpu.dma_semaphore, #tpu.memory_space<semaphore_mem>>)
      tpu.wait_dma2 semaphore(%run_scoped3A_449 : memref<!tpu.dma_semaphore, #tpu.memory_space<semaphore_mem>>) src(%arg7 : memref<16xf32, #tpu.memory_space<hbm>>) dst(%arg17 : memref<16xf32, #tpu.memory_space<vmem>>)
      tpu.yield
    }) : () -> ()
    %multiple_of3A = tpu.assume_multiple %mul3A_4, 8192 : i32
    "tpu.region"() ({
      %run_scoped3A_449 = tpu.sem_alloc : memref<!tpu.dma_semaphore, #tpu.memory_space<semaphore_mem>>
      %dma_start3A_450 = tpu.memref_slice %arg2[%multiple_of3A] : memref<262144xf32, #tpu.memory_space<hbm>> -> memref<8192xf32, #tpu.memory_space<hbm>>
      %dma_start3A_451 = tpu.memref_slice %arg2[%multiple_of3A] : memref<262144xf32, #tpu.memory_space<hbm>> -> memref<8192xf32, #tpu.memory_space<hbm>>
      tpu.enqueue_dma source(%dma_start3A_451 : memref<8192xf32, #tpu.memory_space<hbm>>) target(%arg11 : memref<8192xf32, #tpu.memory_space<vmem>>) target_semaphore(%run_scoped3A_449 : memref<!tpu.dma_semaphore, #tpu.memory_space<semaphore_mem>>)
      %dma_wait3A_452 = tpu.memref_slice %arg2[%multiple_of3A] : memref<262144xf32, #tpu.memory_space<hbm>> -> memref<8192xf32, #tpu.memory_space<hbm>>
      %dma_wait3A_453 = tpu.memref_slice %arg2[%multiple_of3A] : memref<262144xf32, #tpu.memory_space<hbm>> -> memref<8192xf32, #tpu.memory_space<hbm>>
      tpu.wait_dma2 semaphore(%run_scoped3A_449 : memref<!tpu.dma_semaphore, #tpu.memory_space<semaphore_mem>>) src(%dma_wait3A_453 : memref<8192xf32, #tpu.memory_space<hbm>>) dst(%arg11 : memref<8192xf32, #tpu.memory_space<vmem>>)
      tpu.yield
    }) : () -> ()
    %multiple_of3A_5 = tpu.assume_multiple %mul3A_4, 8192 : i32
    "tpu.region"() ({
      %run_scoped3A_449 = tpu.sem_alloc : memref<!tpu.dma_semaphore, #tpu.memory_space<semaphore_mem>>
      %dma_start3A_450 = tpu.memref_slice %arg3[%multiple_of3A_5] : memref<262144xf32, #tpu.memory_space<hbm>> -> memref<8192xf32, #tpu.memory_space<hbm>>
      %dma_start3A_451 = tpu.memref_slice %arg3[%multiple_of3A_5] : memref<262144xf32, #tpu.memory_space<hbm>> -> memref<8192xf32, #tpu.memory_space<hbm>>
      tpu.enqueue_dma source(%dma_start3A_451 : memref<8192xf32, #tpu.memory_space<hbm>>) target(%arg12 : memref<8192xf32, #tpu.memory_space<vmem>>) target_semaphore(%run_scoped3A_449 : memref<!tpu.dma_semaphore, #tpu.memory_space<semaphore_mem>>)
      %dma_wait3A_452 = tpu.memref_slice %arg3[%multiple_of3A_5] : memref<262144xf32, #tpu.memory_space<hbm>> -> memref<8192xf32, #tpu.memory_space<hbm>>
      %dma_wait3A_453 = tpu.memref_slice %arg3[%multiple_of3A_5] : memref<262144xf32, #tpu.memory_space<hbm>> -> memref<8192xf32, #tpu.memory_space<hbm>>
      tpu.wait_dma2 semaphore(%run_scoped3A_449 : memref<!tpu.dma_semaphore, #tpu.memory_space<semaphore_mem>>) src(%dma_wait3A_453 : memref<8192xf32, #tpu.memory_space<hbm>>) dst(%arg12 : memref<8192xf32, #tpu.memory_space<vmem>>)
      tpu.yield
    }) : () -> ()
    %multiple_of3A_6 = tpu.assume_multiple %mul3A_4, 8192 : i32
    "tpu.region"() ({
      %run_scoped3A_449 = tpu.sem_alloc : memref<!tpu.dma_semaphore, #tpu.memory_space<semaphore_mem>>
      %dma_start3A_450 = tpu.memref_slice %arg4[%multiple_of3A_6] : memref<262144xf32, #tpu.memory_space<hbm>> -> memref<8192xf32, #tpu.memory_space<hbm>>
      %dma_start3A_451 = tpu.memref_slice %arg4[%multiple_of3A_6] : memref<262144xf32, #tpu.memory_space<hbm>> -> memref<8192xf32, #tpu.memory_space<hbm>>
      tpu.enqueue_dma source(%dma_start3A_451 : memref<8192xf32, #tpu.memory_space<hbm>>) target(%arg13 : memref<8192xf32, #tpu.memory_space<vmem>>) target_semaphore(%run_scoped3A_449 : memref<!tpu.dma_semaphore, #tpu.memory_space<semaphore_mem>>)
      %dma_wait3A_452 = tpu.memref_slice %arg4[%multiple_of3A_6] : memref<262144xf32, #tpu.memory_space<hbm>> -> memref<8192xf32, #tpu.memory_space<hbm>>
      %dma_wait3A_453 = tpu.memref_slice %arg4[%multiple_of3A_6] : memref<262144xf32, #tpu.memory_space<hbm>> -> memref<8192xf32, #tpu.memory_space<hbm>>
      tpu.wait_dma2 semaphore(%run_scoped3A_449 : memref<!tpu.dma_semaphore, #tpu.memory_space<semaphore_mem>>) src(%dma_wait3A_453 : memref<8192xf32, #tpu.memory_space<hbm>>) dst(%arg13 : memref<8192xf32, #tpu.memory_space<vmem>>)
      tpu.yield
    }) : () -> ()
    %get3A = arith.constant 0 : index
    %get3A_7 = tpu.vector_load %arg17[%get3A] {strides = array<i32>} : memref<16xf32, #tpu.memory_space<vmem>>, vector<16xf32>,
    %iota3A = tpu.iota {dimensions = array<i32: 0>} : vector<16xi32>
    %add3A_8 = arith.constant 0 : i32
    %add3A_9 = arith.addi %mul3A_2, %add3A_8 : i32
    %run_scoped3A = arith.constant 0 : i32
    "tpu.region"() ({
      %run_scoped3A_449 = tpu.sem_alloc : memref<!tpu.dma_semaphore, #tpu.memory_space<semaphore_mem>>
      %dma_start3A_450 = arith.constant 0 : i32
      %dma_start3A_451 = arith.constant 0 : i32
      %dma_start3A_452 = tpu.memref_slice %arg9[%run_scoped3A, %dma_start3A_450, %dma_start3A_451] : memref<4x8x128xi32, #tpu.memory_space<vmem>> -> memref<1x8x128xi32, #tpu.memory_space<vmem>>
      %dma_start3A_453 = tpu.memref_squeeze %dma_start3A_452 : memref<1x8x128xi32, #tpu.memory_space<vmem>> -> memref<8x128xi32, #tpu.memory_space<vmem>>
      %dma_start3A_454 = arith.constant 0 : i32
      %dma_start3A_455 = arith.constant 0 : i32
      %dma_start3A_456 = tpu.memref_slice %arg5[%add3A_9, %dma_start3A_454, %dma_start3A_455] : memref<2048x8x128xi32, #tpu.memory_space<hbm>> -> memref<1x8x128xi32, #tpu.memory_space<hbm>>
      %dma_start3A_457 = tpu.memref_squeeze %dma_start3A_456 : memref<1x8x128xi32, #tpu.memory_space<hbm>> -> memref<8x128xi32, #tpu.memory_space<hbm>>
      %dma_start3A_458 = arith.constant 0 : i32
      %dma_start3A_459 = arith.constant 0 : i32
      %dma_start3A_460 = tpu.memref_slice %arg9[%run_scoped3A, %dma_start3A_458, %dma_start3A_459] : memref<4x8x128xi32, #tpu.memory_space<vmem>> -> memref<1x8x128xi32, #tpu.memory_space<vmem>>
      %dma_start3A_461 = tpu.memref_squeeze %dma_start3A_460 : memref<1x8x128xi32, #tpu.memory_space<vmem>> -> memref<8x128xi32, #tpu.memory_space<vmem>>
      %dma_start3A_462 = arith.constant 0 : i32
      %dma_start3A_463 = arith.constant 0 : i32
      %dma_start3A_464 = tpu.memref_slice %arg5[%add3A_9, %dma_start3A_462, %dma_start3A_463] : memref<2048x8x128xi32, #tpu.memory_space<hbm>> -> memref<1x8x128xi32, #tpu.memory_space<hbm>>
      %dma_start3A_465 = tpu.memref_squeeze %dma_start3A_464 : memref<1x8x128xi32, #tpu.memory_space<hbm>> -> memref<8x128xi32, #tpu.memory_space<hbm>>
      tpu.enqueue_dma source(%dma_start3A_465 : memref<8x128xi32, #tpu.memory_space<hbm>>) target(%dma_start3A_461 : memref<8x128xi32, #tpu.memory_space<vmem>>) target_semaphore(%run_scoped3A_449 : memref<!tpu.dma_semaphore, #tpu.memory_space<semaphore_mem>>)
      %dma_wait3A_466 = arith.constant 0 : i32
      %dma_wait3A_467 = arith.constant 0 : i32
      %dma_wait3A_468 = tpu.memref_slice %arg9[%run_scoped3A, %dma_wait3A_466, %dma_wait3A_467] : memref<4x8x128xi32, #tpu.memory_space<vmem>> -> memref<1x8x128xi32, #tpu.memory_space<vmem>>
      %dma_wait3A_469 = tpu.memref_squeeze %dma_wait3A_468 : memref<1x8x128xi32, #tpu.memory_space<vmem>> -> memref<8x128xi32, #tpu.memory_space<vmem>>
      %dma_wait3A_470 = arith.constant 0 : i32
      %dma_wait3A_471 = arith.constant 0 : i32
      %dma_wait3A_472 = tpu.memref_slice %arg5[%add3A_9, %dma_wait3A_470, %dma_wait3A_471] : memref<2048x8x128xi32, #tpu.memory_space<hbm>> -> memref<1x8x128xi32, #tpu.memory_space<hbm>>
      %dma_wait3A_473 = tpu.memref_squeeze %dma_wait3A_472 : memref<1x8x128xi32, #tpu.memory_space<hbm>> -> memref<8x128xi32, #tpu.memory_space<hbm>>
      %dma_wait3A_474 = arith.constant 0 : i32
      %dma_wait3A_475 = arith.constant 0 : i32
      %dma_wait3A_476 = tpu.memref_slice %arg9[%run_scoped3A, %dma_wait3A_474, %dma_wait3A_475] : memref<4x8x128xi32, #tpu.memory_space<vmem>> -> memref<1x8x128xi32, #tpu.memory_space<vmem>>
      %dma_wait3A_477 = tpu.memref_squeeze %dma_wait3A_476 : memref<1x8x128xi32, #tpu.memory_space<vmem>> -> memref<8x128xi32, #tpu.memory_space<vmem>>
      %dma_wait3A_478 = arith.constant 0 : i32
      %dma_wait3A_479 = arith.constant 0 : i32
      %dma_wait3A_480 = tpu.memref_slice %arg5[%add3A_9, %dma_wait3A_478, %dma_wait3A_479] : memref<2048x8x128xi32, #tpu.memory_space<hbm>> -> memref<1x8x128xi32, #tpu.memory_space<hbm>>
      %dma_wait3A_481 = tpu.memref_squeeze %dma_wait3A_480 : memref<1x8x128xi32, #tpu.memory_space<hbm>> -> memref<8x128xi32, #tpu.memory_space<hbm>>
      tpu.wait_dma2 semaphore(%run_scoped3A_449 : memref<!tpu.dma_semaphore, #tpu.memory_space<semaphore_mem>>) src(%dma_wait3A_481 : memref<8x128xi32, #tpu.memory_space<hbm>>) dst(%dma_wait3A_477 : memref<8x128xi32, #tpu.memory_space<vmem>>)
      tpu.yield
    }) : () -> ()
    %dma_start3A = arith.constant 0 : i32
    %dma_start3A_10 = arith.constant 0 : i32
    %dma_start3A_11 = arith.constant 0 : i32
    %dma_start3A_12 = arith.constant 0 : i32
    %dma_start3A_13 = arith.constant 0 : i32
    %dma_start3A_14 = arith.constant 0 : i32
    %dma_start3A_15 = tpu.memref_slice %arg10[%dma_start3A_11, %dma_start3A_13, %dma_start3A_14] : memref<4x1024x16xf32, #tpu.memory_space<vmem>> -> memref<1x128x16xf32, #tpu.memory_space<vmem>>
    %dma_start3A_16 = tpu.memref_squeeze %dma_start3A_15 : memref<1x128x16xf32, #tpu.memory_space<vmem>> -> memref<128x16xf32, #tpu.memory_space<vmem>>
    %dma_start3A_17 = arith.constant 0 : i32
    %dma_start3A_18 = tpu.memref_slice %arg9[%dma_start3A, %dma_start3A_10, %dma_start3A_17] : memref<4x8x128xi32, #tpu.memory_space<vmem>> -> memref<1x1x128xi32, #tpu.memory_space<vmem>>
    %dma_start3A_19 = tpu.memref_squeeze %dma_start3A_18 : memref<1x1x128xi32, #tpu.memory_space<vmem>> -> memref<128xi32, #tpu.memory_space<vmem>>
    %dma_start3A_20 = arith.constant 0 : i32
    %dma_start3A_21 = arith.constant 0 : i32
    %dma_start3A_22 = tpu.memref_slice %arg6[%dma_start3A_20, %dma_start3A_21] : memref<2000000x16xf32, #tpu.memory_space<hbm>> -> memref<2000000x16xf32, #tpu.memory_space<hbm>>
    %dma_start3A_23 = tpu.memref_slice %arg18[%dma_start3A_12] : memref<4x!tpu.dma_semaphore, #tpu.memory_space<semaphore_mem>> -> memref<1x!tpu.dma_semaphore, #tpu.memory_space<semaphore_mem>>
    %dma_start3A_24 = tpu.memref_squeeze %dma_start3A_23 : memref<1x!tpu.dma_semaphore, #tpu.memory_space<semaphore_mem>> -> memref<!tpu.dma_semaphore, #tpu.memory_space<semaphore_mem>>
    tpu.enqueue_indirect_dma source(%dma_start3A_22 : memref<2000000x16xf32, #tpu.memory_space<hbm>>) target(%dma_start3A_16 : memref<128x16xf32, #tpu.memory_space<vmem>>) offsets(%dma_start3A_19 : memref<128xi32, #tpu.memory_space<vmem>>) semaphore(%dma_start3A_24 : memref<!tpu.dma_semaphore, #tpu.memory_space<semaphore_mem>>)
    %dma_start3A_25 = arith.constant 0 : i32
    %dma_start3A_26 = arith.constant 1 : i32
    %dma_start3A_27 = arith.constant 0 : i32
    %dma_start3A_28 = arith.constant 0 : i32
    %dma_start3A_29 = arith.constant 128 : i32
    %dma_start3A_30 = arith.constant 0 : i32
    %dma_start3A_31 = tpu.memref_slice %arg10[%dma_start3A_27, %dma_start3A_29, %dma_start3A_30] : memref<4x1024x16xf32, #tpu.memory_space<vmem>> -> memref<1x128x16xf32, #tpu.memory_space<vmem>>
    %dma_start3A_32 = tpu.memref_squeeze %dma_start3A_31 : memref<1x128x16xf32, #tpu.memory_space<vmem>> -> memref<128x16xf32, #tpu.memory_space<vmem>>
    %dma_start3A_33 = arith.constant 0 : i32
    %dma_start3A_34 = tpu.memref_slice %arg9[%dma_start3A_25, %dma_start3A_26, %dma_start3A_33] : memref<4x8x128xi32, #tpu.memory_space<vmem>> -> memref<1x1x128xi32, #tpu.memory_space<vmem>>
    %dma_start3A_35 = tpu.memref_squeeze %dma_start3A_34 : memref<1x1x128xi32, #tpu.memory_space<vmem>> -> memref<128xi32, #tpu.memory_space<vmem>>
    %dma_start3A_36 = arith.constant 0 : i32
    %dma_start3A_37 = arith.constant 0 : i32
    %dma_start3A_38 = tpu.memref_slice %arg6[%dma_start3A_36, %dma_start3A_37] : memref<2000000x16xf32, #tpu.memory_space<hbm>> -> memref<2000000x16xf32, #tpu.memory_space<hbm>>
    %dma_start3A_39 = tpu.memref_slice %arg18[%dma_start3A_28] : memref<4x!tpu.dma_semaphore, #tpu.memory_space<semaphore_mem>> -> memref<1x!tpu.dma_semaphore, #tpu.memory_space<semaphore_mem>>
    %dma_start3A_40 = tpu.memref_squeeze %dma_start3A_39 : memref<1x!tpu.dma_semaphore, #tpu.memory_space<semaphore_mem>> -> memref<!tpu.dma_semaphore, #tpu.memory_space<semaphore_mem>>
    tpu.enqueue_indirect_dma source(%dma_start3A_38 : memref<2000000x16xf32, #tpu.memory_space<hbm>>) target(%dma_start3A_32 : memref<128x16xf32, #tpu.memory_space<vmem>>) offsets(%dma_start3A_35 : memref<128xi32, #tpu.memory_space<vmem>>) semaphore(%dma_start3A_40 : memref<!tpu.dma_semaphore, #tpu.memory_space<semaphore_mem>>)
    %dma_start3A_41 = arith.constant 0 : i32
    %dma_start3A_42 = arith.constant 2 : i32
    %dma_start3A_43 = arith.constant 0 : i32
    %dma_start3A_44 = arith.constant 0 : i32
    %dma_start3A_45 = arith.constant 256 : i32
    %dma_start3A_46 = arith.constant 0 : i32
    %dma_start3A_47 = tpu.memref_slice %arg10[%dma_start3A_43, %dma_start3A_45, %dma_start3A_46] : memref<4x1024x16xf32, #tpu.memory_space<vmem>> -> memref<1x128x16xf32, #tpu.memory_space<vmem>>
    %dma_start3A_48 = tpu.memref_squeeze %dma_start3A_47 : memref<1x128x16xf32, #tpu.memory_space<vmem>> -> memref<128x16xf32, #tpu.memory_space<vmem>>
    %dma_start3A_49 = arith.constant 0 : i32
    %dma_start3A_50 = tpu.memref_slice %arg9[%dma_start3A_41, %dma_start3A_42, %dma_start3A_49] : memref<4x8x128xi32, #tpu.memory_space<vmem>> -> memref<1x1x128xi32, #tpu.memory_space<vmem>>
    %dma_start3A_51 = tpu.memref_squeeze %dma_start3A_50 : memref<1x1x128xi32, #tpu.memory_space<vmem>> -> memref<128xi32, #tpu.memory_space<vmem>>
    %dma_start3A_52 = arith.constant 0 : i32
    %dma_start3A_53 = arith.constant 0 : i32
    %dma_start3A_54 = tpu.memref_slice %arg6[%dma_start3A_52, %dma_start3A_53] : memref<2000000x16xf32, #tpu.memory_space<hbm>> -> memref<2000000x16xf32, #tpu.memory_space<hbm>>
    %dma_start3A_55 = tpu.memref_slice %arg18[%dma_start3A_44] : memref<4x!tpu.dma_semaphore, #tpu.memory_space<semaphore_mem>> -> memref<1x!tpu.dma_semaphore, #tpu.memory_space<semaphore_mem>>
    %dma_start3A_56 = tpu.memref_squeeze %dma_start3A_55 : memref<1x!tpu.dma_semaphore, #tpu.memory_space<semaphore_mem>> -> memref<!tpu.dma_semaphore, #tpu.memory_space<semaphore_mem>>
    tpu.enqueue_indirect_dma source(%dma_start3A_54 : memref<2000000x16xf32, #tpu.memory_space<hbm>>) target(%dma_start3A_48 : memref<128x16xf32, #tpu.memory_space<vmem>>) offsets(%dma_start3A_51 : memref<128xi32, #tpu.memory_space<vmem>>) semaphore(%dma_start3A_56 : memref<!tpu.dma_semaphore, #tpu.memory_space<semaphore_mem>>)
    %dma_start3A_57 = arith.constant 0 : i32
    %dma_start3A_58 = arith.constant 3 : i32
    %dma_start3A_59 = arith.constant 0 : i32
    %dma_start3A_60 = arith.constant 0 : i32
    %dma_start3A_61 = arith.constant 384 : i32
    %dma_start3A_62 = arith.constant 0 : i32
    %dma_start3A_63 = tpu.memref_slice %arg10[%dma_start3A_59, %dma_start3A_61, %dma_start3A_62] : memref<4x1024x16xf32, #tpu.memory_space<vmem>> -> memref<1x128x16xf32, #tpu.memory_space<vmem>>
    %dma_start3A_64 = tpu.memref_squeeze %dma_start3A_63 : memref<1x128x16xf32, #tpu.memory_space<vmem>> -> memref<128x16xf32, #tpu.memory_space<vmem>>
    %dma_start3A_65 = arith.constant 0 : i32
    %dma_start3A_66 = tpu.memref_slice %arg9[%dma_start3A_57, %dma_start3A_58, %dma_start3A_65] : memref<4x8x128xi32, #tpu.memory_space<vmem>> -> memref<1x1x128xi32, #tpu.memory_space<vmem>>
    %dma_start3A_67 = tpu.memref_squeeze %dma_start3A_66 : memref<1x1x128xi32, #tpu.memory_space<vmem>> -> memref<128xi32, #tpu.memory_space<vmem>>
    %dma_start3A_68 = arith.constant 0 : i32
    %dma_start3A_69 = arith.constant 0 : i32
    %dma_start3A_70 = tpu.memref_slice %arg6[%dma_start3A_68, %dma_start3A_69] : memref<2000000x16xf32, #tpu.memory_space<hbm>> -> memref<2000000x16xf32, #tpu.memory_space<hbm>>
    %dma_start3A_71 = tpu.memref_slice %arg18[%dma_start3A_60] : memref<4x!tpu.dma_semaphore, #tpu.memory_space<semaphore_mem>> -> memref<1x!tpu.dma_semaphore, #tpu.memory_space<semaphore_mem>>
    %dma_start3A_72 = tpu.memref_squeeze %dma_start3A_71 : memref<1x!tpu.dma_semaphore, #tpu.memory_space<semaphore_mem>> -> memref<!tpu.dma_semaphore, #tpu.memory_space<semaphore_mem>>
    tpu.enqueue_indirect_dma source(%dma_start3A_70 : memref<2000000x16xf32, #tpu.memory_space<hbm>>) target(%dma_start3A_64 : memref<128x16xf32, #tpu.memory_space<vmem>>) offsets(%dma_start3A_67 : memref<128xi32, #tpu.memory_space<vmem>>) semaphore(%dma_start3A_72 : memref<!tpu.dma_semaphore, #tpu.memory_space<semaphore_mem>>)
    %dma_start3A_73 = arith.constant 0 : i32
    %dma_start3A_74 = arith.constant 4 : i32
    %dma_start3A_75 = arith.constant 0 : i32
    %dma_start3A_76 = arith.constant 0 : i32
    %dma_start3A_77 = arith.constant 512 : i32
    %dma_start3A_78 = arith.constant 0 : i32
    %dma_start3A_79 = tpu.memref_slice %arg10[%dma_start3A_75, %dma_start3A_77, %dma_start3A_78] : memref<4x1024x16xf32, #tpu.memory_space<vmem>> -> memref<1x128x16xf32, #tpu.memory_space<vmem>>
    %dma_start3A_80 = tpu.memref_squeeze %dma_start3A_79 : memref<1x128x16xf32, #tpu.memory_space<vmem>> -> memref<128x16xf32, #tpu.memory_space<vmem>>
    %dma_start3A_81 = arith.constant 0 : i32
    %dma_start3A_82 = tpu.memref_slice %arg9[%dma_start3A_73, %dma_start3A_74, %dma_start3A_81] : memref<4x8x128xi32, #tpu.memory_space<vmem>> -> memref<1x1x128xi32, #tpu.memory_space<vmem>>
    %dma_start3A_83 = tpu.memref_squeeze %dma_start3A_82 : memref<1x1x128xi32, #tpu.memory_space<vmem>> -> memref<128xi32, #tpu.memory_space<vmem>>
    %dma_start3A_84 = arith.constant 0 : i32
    %dma_start3A_85 = arith.constant 0 : i32
    %dma_start3A_86 = tpu.memref_slice %arg6[%dma_start3A_84, %dma_start3A_85] : memref<2000000x16xf32, #tpu.memory_space<hbm>> -> memref<2000000x16xf32, #tpu.memory_space<hbm>>
    %dma_start3A_87 = tpu.memref_slice %arg18[%dma_start3A_76] : memref<4x!tpu.dma_semaphore, #tpu.memory_space<semaphore_mem>> -> memref<1x!tpu.dma_semaphore, #tpu.memory_space<semaphore_mem>>
    %dma_start3A_88 = tpu.memref_squeeze %dma_start3A_87 : memref<1x!tpu.dma_semaphore, #tpu.memory_space<semaphore_mem>> -> memref<!tpu.dma_semaphore, #tpu.memory_space<semaphore_mem>>
    tpu.enqueue_indirect_dma source(%dma_start3A_86 : memref<2000000x16xf32, #tpu.memory_space<hbm>>) target(%dma_start3A_80 : memref<128x16xf32, #tpu.memory_space<vmem>>) offsets(%dma_start3A_83 : memref<128xi32, #tpu.memory_space<vmem>>) semaphore(%dma_start3A_88 : memref<!tpu.dma_semaphore, #tpu.memory_space<semaphore_mem>>)
    %dma_start3A_89 = arith.constant 0 : i32
    %dma_start3A_90 = arith.constant 5 : i32
    %dma_start3A_91 = arith.constant 0 : i32
    %dma_start3A_92 = arith.constant 0 : i32
    %dma_start3A_93 = arith.constant 640 : i32
    %dma_start3A_94 = arith.constant 0 : i32
    %dma_start3A_95 = tpu.memref_slice %arg10[%dma_start3A_91, %dma_start3A_93, %dma_start3A_94] : memref<4x1024x16xf32, #tpu.memory_space<vmem>> -> memref<1x128x16xf32, #tpu.memory_space<vmem>>
    %dma_start3A_96 = tpu.memref_squeeze %dma_start3A_95 : memref<1x128x16xf32, #tpu.memory_space<vmem>> -> memref<128x16xf32, #tpu.memory_space<vmem>>
    %dma_start3A_97 = arith.constant 0 : i32
    %dma_start3A_98 = tpu.memref_slice %arg9[%dma_start3A_89, %dma_start3A_90, %dma_start3A_97] : memref<4x8x128xi32, #tpu.memory_space<vmem>> -> memref<1x1x128xi32, #tpu.memory_space<vmem>>
    %dma_start3A_99 = tpu.memref_squeeze %dma_start3A_98 : memref<1x1x128xi32, #tpu.memory_space<vmem>> -> memref<128xi32, #tpu.memory_space<vmem>>
    %dma_start3A_100 = arith.constant 0 : i32
    %dma_start3A_101 = arith.constant 0 : i32
    %dma_start3A_102 = tpu.memref_slice %arg6[%dma_start3A_100, %dma_start3A_101] : memref<2000000x16xf32, #tpu.memory_space<hbm>> -> memref<2000000x16xf32, #tpu.memory_space<hbm>>
    %dma_start3A_103 = tpu.memref_slice %arg18[%dma_start3A_92] : memref<4x!tpu.dma_semaphore, #tpu.memory_space<semaphore_mem>> -> memref<1x!tpu.dma_semaphore, #tpu.memory_space<semaphore_mem>>
    %dma_start3A_104 = tpu.memref_squeeze %dma_start3A_103 : memref<1x!tpu.dma_semaphore, #tpu.memory_space<semaphore_mem>> -> memref<!tpu.dma_semaphore, #tpu.memory_space<semaphore_mem>>
    tpu.enqueue_indirect_dma source(%dma_start3A_102 : memref<2000000x16xf32, #tpu.memory_space<hbm>>) target(%dma_start3A_96 : memref<128x16xf32, #tpu.memory_space<vmem>>) offsets(%dma_start3A_99 : memref<128xi32, #tpu.memory_space<vmem>>) semaphore(%dma_start3A_104 : memref<!tpu.dma_semaphore, #tpu.memory_space<semaphore_mem>>)
    %dma_start3A_105 = arith.constant 0 : i32
    %dma_start3A_106 = arith.constant 6 : i32
    %dma_start3A_107 = arith.constant 0 : i32
    %dma_start3A_108 = arith.constant 0 : i32
    %dma_start3A_109 = arith.constant 768 : i32
    %dma_start3A_110 = arith.constant 0 : i32
    %dma_start3A_111 = tpu.memref_slice %arg10[%dma_start3A_107, %dma_start3A_109, %dma_start3A_110] : memref<4x1024x16xf32, #tpu.memory_space<vmem>> -> memref<1x128x16xf32, #tpu.memory_space<vmem>>
    %dma_start3A_112 = tpu.memref_squeeze %dma_start3A_111 : memref<1x128x16xf32, #tpu.memory_space<vmem>> -> memref<128x16xf32, #tpu.memory_space<vmem>>
    %dma_start3A_113 = arith.constant 0 : i32
    %dma_start3A_114 = tpu.memref_slice %arg9[%dma_start3A_105, %dma_start3A_106, %dma_start3A_113] : memref<4x8x128xi32, #tpu.memory_space<vmem>> -> memref<1x1x128xi32, #tpu.memory_space<vmem>>
    %dma_start3A_115 = tpu.memref_squeeze %dma_start3A_114 : memref<1x1x128xi32, #tpu.memory_space<vmem>> -> memref<128xi32, #tpu.memory_space<vmem>>
    %dma_start3A_116 = arith.constant 0 : i32
    %dma_start3A_117 = arith.constant 0 : i32
    %dma_start3A_118 = tpu.memref_slice %arg6[%dma_start3A_116, %dma_start3A_117] : memref<2000000x16xf32, #tpu.memory_space<hbm>> -> memref<2000000x16xf32, #tpu.memory_space<hbm>>
    %dma_start3A_119 = tpu.memref_slice %arg18[%dma_start3A_108] : memref<4x!tpu.dma_semaphore, #tpu.memory_space<semaphore_mem>> -> memref<1x!tpu.dma_semaphore, #tpu.memory_space<semaphore_mem>>
    %dma_start3A_120 = tpu.memref_squeeze %dma_start3A_119 : memref<1x!tpu.dma_semaphore, #tpu.memory_space<semaphore_mem>> -> memref<!tpu.dma_semaphore, #tpu.memory_space<semaphore_mem>>
    tpu.enqueue_indirect_dma source(%dma_start3A_118 : memref<2000000x16xf32, #tpu.memory_space<hbm>>) target(%dma_start3A_112 : memref<128x16xf32, #tpu.memory_space<vmem>>) offsets(%dma_start3A_115 : memref<128xi32, #tpu.memory_space<vmem>>) semaphore(%dma_start3A_120 : memref<!tpu.dma_semaphore, #tpu.memory_space<semaphore_mem>>)
    %dma_start3A_121 = arith.constant 0 : i32
    %dma_start3A_122 = arith.constant 7 : i32
    %dma_start3A_123 = arith.constant 0 : i32
    %dma_start3A_124 = arith.constant 0 : i32
    %dma_start3A_125 = arith.constant 896 : i32
    %dma_start3A_126 = arith.constant 0 : i32
    %dma_start3A_127 = tpu.memref_slice %arg10[%dma_start3A_123, %dma_start3A_125, %dma_start3A_126] : memref<4x1024x16xf32, #tpu.memory_space<vmem>> -> memref<1x128x16xf32, #tpu.memory_space<vmem>>
    %dma_start3A_128 = tpu.memref_squeeze %dma_start3A_127 : memref<1x128x16xf32, #tpu.memory_space<vmem>> -> memref<128x16xf32, #tpu.memory_space<vmem>>
    %dma_start3A_129 = arith.constant 0 : i32
    %dma_start3A_130 = tpu.memref_slice %arg9[%dma_start3A_121, %dma_start3A_122, %dma_start3A_129] : memref<4x8x128xi32, #tpu.memory_space<vmem>> -> memref<1x1x128xi32, #tpu.memory_space<vmem>>
    %dma_start3A_131 = tpu.memref_squeeze %dma_start3A_130 : memref<1x1x128xi32, #tpu.memory_space<vmem>> -> memref<128xi32, #tpu.memory_space<vmem>>
    %dma_start3A_132 = arith.constant 0 : i32
    %dma_start3A_133 = arith.constant 0 : i32
    %dma_start3A_134 = tpu.memref_slice %arg6[%dma_start3A_132, %dma_start3A_133] : memref<2000000x16xf32, #tpu.memory_space<hbm>> -> memref<2000000x16xf32, #tpu.memory_space<hbm>>
    %dma_start3A_135 = tpu.memref_slice %arg18[%dma_start3A_124] : memref<4x!tpu.dma_semaphore, #tpu.memory_space<semaphore_mem>> -> memref<1x!tpu.dma_semaphore, #tpu.memory_space<semaphore_mem>>
    %dma_start3A_136 = tpu.memref_squeeze %dma_start3A_135 : memref<1x!tpu.dma_semaphore, #tpu.memory_space<semaphore_mem>> -> memref<!tpu.dma_semaphore, #tpu.memory_space<semaphore_mem>>
    tpu.enqueue_indirect_dma source(%dma_start3A_134 : memref<2000000x16xf32, #tpu.memory_space<hbm>>) target(%dma_start3A_128 : memref<128x16xf32, #tpu.memory_space<vmem>>) offsets(%dma_start3A_131 : memref<128xi32, #tpu.memory_space<vmem>>) semaphore(%dma_start3A_136 : memref<!tpu.dma_semaphore, #tpu.memory_space<semaphore_mem>>)
    %add3A_137 = arith.constant 1 : i32
    %add3A_138 = arith.addi %mul3A_2, %add3A_137 : i32
    %run_scoped3A_139 = arith.constant 1 : i32
    "tpu.region"() ({
      %run_scoped3A_449 = tpu.sem_alloc : memref<!tpu.dma_semaphore, #tpu.memory_space<semaphore_mem>>
      %dma_start3A_450 = arith.constant 0 : i32
      %dma_start3A_451 = arith.constant 0 : i32
      %dma_start3A_452 = tpu.memref_slice %arg9[%run_scoped3A_139, %dma_start3A_450, %dma_start3A_451] : memref<4x8x128xi32, #tpu.memory_space<vmem>> -> memref<1x8x128xi32, #tpu.memory_space<vmem>>
      %dma_start3A_453 = tpu.memref_squeeze %dma_start3A_452 : memref<1x8x128xi32, #tpu.memory_space<vmem>> -> memref<8x128xi32, #tpu.memory_space<vmem>>
      %dma_start3A_454 = arith.constant 0 : i32
      %dma_start3A_455 = arith.constant 0 : i32
      %dma_start3A_456 = tpu.memref_slice %arg5[%add3A_138, %dma_start3A_454, %dma_start3A_455] : memref<2048x8x128xi32, #tpu.memory_space<hbm>> -> memref<1x8x128xi32, #tpu.memory_space<hbm>>
      %dma_start3A_457 = tpu.memref_squeeze %dma_start3A_456 : memref<1x8x128xi32, #tpu.memory_space<hbm>> -> memref<8x128xi32, #tpu.memory_space<hbm>>
      %dma_start3A_458 = arith.constant 0 : i32
      %dma_start3A_459 = arith.constant 0 : i32
      %dma_start3A_460 = tpu.memref_slice %arg9[%run_scoped3A_139, %dma_start3A_458, %dma_start3A_459] : memref<4x8x128xi32, #tpu.memory_space<vmem>> -> memref<1x8x128xi32, #tpu.memory_space<vmem>>
      %dma_start3A_461 = tpu.memref_squeeze %dma_start3A_460 : memref<1x8x128xi32, #tpu.memory_space<vmem>> -> memref<8x128xi32, #tpu.memory_space<vmem>>
      %dma_start3A_462 = arith.constant 0 : i32
      %dma_start3A_463 = arith.constant 0 : i32
      %dma_start3A_464 = tpu.memref_slice %arg5[%add3A_138, %dma_start3A_462, %dma_start3A_463] : memref<2048x8x128xi32, #tpu.memory_space<hbm>> -> memref<1x8x128xi32, #tpu.memory_space<hbm>>
      %dma_start3A_465 = tpu.memref_squeeze %dma_start3A_464 : memref<1x8x128xi32, #tpu.memory_space<hbm>> -> memref<8x128xi32, #tpu.memory_space<hbm>>
      tpu.enqueue_dma source(%dma_start3A_465 : memref<8x128xi32, #tpu.memory_space<hbm>>) target(%dma_start3A_461 : memref<8x128xi32, #tpu.memory_space<vmem>>) target_semaphore(%run_scoped3A_449 : memref<!tpu.dma_semaphore, #tpu.memory_space<semaphore_mem>>)
      %dma_wait3A_466 = arith.constant 0 : i32
      %dma_wait3A_467 = arith.constant 0 : i32
      %dma_wait3A_468 = tpu.memref_slice %arg9[%run_scoped3A_139, %dma_wait3A_466, %dma_wait3A_467] : memref<4x8x128xi32, #tpu.memory_space<vmem>> -> memref<1x8x128xi32, #tpu.memory_space<vmem>>
      %dma_wait3A_469 = tpu.memref_squeeze %dma_wait3A_468 : memref<1x8x128xi32, #tpu.memory_space<vmem>> -> memref<8x128xi32, #tpu.memory_space<vmem>>
      %dma_wait3A_470 = arith.constant 0 : i32
      %dma_wait3A_471 = arith.constant 0 : i32
      %dma_wait3A_472 = tpu.memref_slice %arg5[%add3A_138, %dma_wait3A_470, %dma_wait3A_471] : memref<2048x8x128xi32, #tpu.memory_space<hbm>> -> memref<1x8x128xi32, #tpu.memory_space<hbm>>
      %dma_wait3A_473 = tpu.memref_squeeze %dma_wait3A_472 : memref<1x8x128xi32, #tpu.memory_space<hbm>> -> memref<8x128xi32, #tpu.memory_space<hbm>>
      %dma_wait3A_474 = arith.constant 0 : i32
      %dma_wait3A_475 = arith.constant 0 : i32
      %dma_wait3A_476 = tpu.memref_slice %arg9[%run_scoped3A_139, %dma_wait3A_474, %dma_wait3A_475] : memref<4x8x128xi32, #tpu.memory_space<vmem>> -> memref<1x8x128xi32, #tpu.memory_space<vmem>>
      %dma_wait3A_477 = tpu.memref_squeeze %dma_wait3A_476 : memref<1x8x128xi32, #tpu.memory_space<vmem>> -> memref<8x128xi32, #tpu.memory_space<vmem>>
      %dma_wait3A_478 = arith.constant 0 : i32
      %dma_wait3A_479 = arith.constant 0 : i32
      %dma_wait3A_480 = tpu.memref_slice %arg5[%add3A_138, %dma_wait3A_478, %dma_wait3A_479] : memref<2048x8x128xi32, #tpu.memory_space<hbm>> -> memref<1x8x128xi32, #tpu.memory_space<hbm>>
      %dma_wait3A_481 = tpu.memref_squeeze %dma_wait3A_480 : memref<1x8x128xi32, #tpu.memory_space<hbm>> -> memref<8x128xi32, #tpu.memory_space<hbm>>
      tpu.wait_dma2 semaphore(%run_scoped3A_449 : memref<!tpu.dma_semaphore, #tpu.memory_space<semaphore_mem>>) src(%dma_wait3A_481 : memref<8x128xi32, #tpu.memory_space<hbm>>) dst(%dma_wait3A_477 : memref<8x128xi32, #tpu.memory_space<vmem>>)
      tpu.yield
    }) : () -> ()
    %dma_start3A_140 = arith.constant 1 : i32
    %dma_start3A_141 = arith.constant 0 : i32
    %dma_start3A_142 = arith.constant 1 : i32
    %dma_start3A_143 = arith.constant 1 : i32
    %dma_start3A_144 = arith.constant 0 : i32
    %dma_start3A_145 = arith.constant 0 : i32
    %dma_start3A_146 = tpu.memref_slice %arg10[%dma_start3A_142, %dma_start3A_144, %dma_start3A_145] : memref<4x1024x16xf32, #tpu.memory_space<vmem>> -> memref<1x128x16xf32, #tpu.memory_space<vmem>>
    %dma_start3A_147 = tpu.memref_squeeze %dma_start3A_146 : memref<1x128x16xf32, #tpu.memory_space<vmem>> -> memref<128x16xf32, #tpu.memory_space<vmem>>
    %dma_start3A_148 = arith.constant 0 : i32
    %dma_start3A_149 = tpu.memref_slice %arg9[%dma_start3A_140, %dma_start3A_141, %dma_start3A_148] : memref<4x8x128xi32, #tpu.memory_space<vmem>> -> memref<1x1x128xi32, #tpu.memory_space<vmem>>
    %dma_start3A_150 = tpu.memref_squeeze %dma_start3A_149 : memref<1x1x128xi32, #tpu.memory_space<vmem>> -> memref<128xi32, #tpu.memory_space<vmem>>
    %dma_start3A_151 = arith.constant 0 : i32
    %dma_start3A_152 = arith.constant 0 : i32
    %dma_start3A_153 = tpu.memref_slice %arg6[%dma_start3A_151, %dma_start3A_152] : memref<2000000x16xf32, #tpu.memory_space<hbm>> -> memref<2000000x16xf32, #tpu.memory_space<hbm>>
    %dma_start3A_154 = tpu.memref_slice %arg18[%dma_start3A_143] : memref<4x!tpu.dma_semaphore, #tpu.memory_space<semaphore_mem>> -> memref<1x!tpu.dma_semaphore, #tpu.memory_space<semaphore_mem>>
    %dma_start3A_155 = tpu.memref_squeeze %dma_start3A_154 : memref<1x!tpu.dma_semaphore, #tpu.memory_space<semaphore_mem>> -> memref<!tpu.dma_semaphore, #tpu.memory_space<semaphore_mem>>
    tpu.enqueue_indirect_dma source(%dma_start3A_153 : memref<2000000x16xf32, #tpu.memory_space<hbm>>) target(%dma_start3A_147 : memref<128x16xf32, #tpu.memory_space<vmem>>) offsets(%dma_start3A_150 : memref<128xi32, #tpu.memory_space<vmem>>) semaphore(%dma_start3A_155 : memref<!tpu.dma_semaphore, #tpu.memory_space<semaphore_mem>>)
    %dma_start3A_156 = arith.constant 1 : i32
    %dma_start3A_157 = arith.constant 1 : i32
    %dma_start3A_158 = arith.constant 1 : i32
    %dma_start3A_159 = arith.constant 1 : i32
    %dma_start3A_160 = arith.constant 128 : i32
    %dma_start3A_161 = arith.constant 0 : i32
    %dma_start3A_162 = tpu.memref_slice %arg10[%dma_start3A_158, %dma_start3A_160, %dma_start3A_161] : memref<4x1024x16xf32, #tpu.memory_space<vmem>> -> memref<1x128x16xf32, #tpu.memory_space<vmem>>
    %dma_start3A_163 = tpu.memref_squeeze %dma_start3A_162 : memref<1x128x16xf32, #tpu.memory_space<vmem>> -> memref<128x16xf32, #tpu.memory_space<vmem>>
    %dma_start3A_164 = arith.constant 0 : i32
    %dma_start3A_165 = tpu.memref_slice %arg9[%dma_start3A_156, %dma_start3A_157, %dma_start3A_164] : memref<4x8x128xi32, #tpu.memory_space<vmem>> -> memref<1x1x128xi32, #tpu.memory_space<vmem>>
    %dma_start3A_166 = tpu.memref_squeeze %dma_start3A_165 : memref<1x1x128xi32, #tpu.memory_space<vmem>> -> memref<128xi32, #tpu.memory_space<vmem>>
    %dma_start3A_167 = arith.constant 0 : i32
    %dma_start3A_168 = arith.constant 0 : i32
    %dma_start3A_169 = tpu.memref_slice %arg6[%dma_start3A_167, %dma_start3A_168] : memref<2000000x16xf32, #tpu.memory_space<hbm>> -> memref<2000000x16xf32, #tpu.memory_space<hbm>>
    %dma_start3A_170 = tpu.memref_slice %arg18[%dma_start3A_159] : memref<4x!tpu.dma_semaphore, #tpu.memory_space<semaphore_mem>> -> memref<1x!tpu.dma_semaphore, #tpu.memory_space<semaphore_mem>>
    %dma_start3A_171 = tpu.memref_squeeze %dma_start3A_170 : memref<1x!tpu.dma_semaphore, #tpu.memory_space<semaphore_mem>> -> memref<!tpu.dma_semaphore, #tpu.memory_space<semaphore_mem>>
    tpu.enqueue_indirect_dma source(%dma_start3A_169 : memref<2000000x16xf32, #tpu.memory_space<hbm>>) target(%dma_start3A_163 : memref<128x16xf32, #tpu.memory_space<vmem>>) offsets(%dma_start3A_166 : memref<128xi32, #tpu.memory_space<vmem>>) semaphore(%dma_start3A_171 : memref<!tpu.dma_semaphore, #tpu.memory_space<semaphore_mem>>)
    %dma_start3A_172 = arith.constant 1 : i32
    %dma_start3A_173 = arith.constant 2 : i32
    %dma_start3A_174 = arith.constant 1 : i32
    %dma_start3A_175 = arith.constant 1 : i32
    %dma_start3A_176 = arith.constant 256 : i32
    %dma_start3A_177 = arith.constant 0 : i32
    %dma_start3A_178 = tpu.memref_slice %arg10[%dma_start3A_174, %dma_start3A_176, %dma_start3A_177] : memref<4x1024x16xf32, #tpu.memory_space<vmem>> -> memref<1x128x16xf32, #tpu.memory_space<vmem>>
    %dma_start3A_179 = tpu.memref_squeeze %dma_start3A_178 : memref<1x128x16xf32, #tpu.memory_space<vmem>> -> memref<128x16xf32, #tpu.memory_space<vmem>>
    %dma_start3A_180 = arith.constant 0 : i32
    %dma_start3A_181 = tpu.memref_slice %arg9[%dma_start3A_172, %dma_start3A_173, %dma_start3A_180] : memref<4x8x128xi32, #tpu.memory_space<vmem>> -> memref<1x1x128xi32, #tpu.memory_space<vmem>>
    %dma_start3A_182 = tpu.memref_squeeze %dma_start3A_181 : memref<1x1x128xi32, #tpu.memory_space<vmem>> -> memref<128xi32, #tpu.memory_space<vmem>>
    %dma_start3A_183 = arith.constant 0 : i32
    %dma_start3A_184 = arith.constant 0 : i32
    %dma_start3A_185 = tpu.memref_slice %arg6[%dma_start3A_183, %dma_start3A_184] : memref<2000000x16xf32, #tpu.memory_space<hbm>> -> memref<2000000x16xf32, #tpu.memory_space<hbm>>
    %dma_start3A_186 = tpu.memref_slice %arg18[%dma_start3A_175] : memref<4x!tpu.dma_semaphore, #tpu.memory_space<semaphore_mem>> -> memref<1x!tpu.dma_semaphore, #tpu.memory_space<semaphore_mem>>
    %dma_start3A_187 = tpu.memref_squeeze %dma_start3A_186 : memref<1x!tpu.dma_semaphore, #tpu.memory_space<semaphore_mem>> -> memref<!tpu.dma_semaphore, #tpu.memory_space<semaphore_mem>>
    tpu.enqueue_indirect_dma source(%dma_start3A_185 : memref<2000000x16xf32, #tpu.memory_space<hbm>>) target(%dma_start3A_179 : memref<128x16xf32, #tpu.memory_space<vmem>>) offsets(%dma_start3A_182 : memref<128xi32, #tpu.memory_space<vmem>>) semaphore(%dma_start3A_187 : memref<!tpu.dma_semaphore, #tpu.memory_space<semaphore_mem>>)
    %dma_start3A_188 = arith.constant 1 : i32
    %dma_start3A_189 = arith.constant 3 : i32
    %dma_start3A_190 = arith.constant 1 : i32
    %dma_start3A_191 = arith.constant 1 : i32
    %dma_start3A_192 = arith.constant 384 : i32
    %dma_start3A_193 = arith.constant 0 : i32
    %dma_start3A_194 = tpu.memref_slice %arg10[%dma_start3A_190, %dma_start3A_192, %dma_start3A_193] : memref<4x1024x16xf32, #tpu.memory_space<vmem>> -> memref<1x128x16xf32, #tpu.memory_space<vmem>>
    %dma_start3A_195 = tpu.memref_squeeze %dma_start3A_194 : memref<1x128x16xf32, #tpu.memory_space<vmem>> -> memref<128x16xf32, #tpu.memory_space<vmem>>
    %dma_start3A_196 = arith.constant 0 : i32
    %dma_start3A_197 = tpu.memref_slice %arg9[%dma_start3A_188, %dma_start3A_189, %dma_start3A_196] : memref<4x8x128xi32, #tpu.memory_space<vmem>> -> memref<1x1x128xi32, #tpu.memory_space<vmem>>
    %dma_start3A_198 = tpu.memref_squeeze %dma_start3A_197 : memref<1x1x128xi32, #tpu.memory_space<vmem>> -> memref<128xi32, #tpu.memory_space<vmem>>
    %dma_start3A_199 = arith.constant 0 : i32
    %dma_start3A_200 = arith.constant 0 : i32
    %dma_start3A_201 = tpu.memref_slice %arg6[%dma_start3A_199, %dma_start3A_200] : memref<2000000x16xf32, #tpu.memory_space<hbm>> -> memref<2000000x16xf32, #tpu.memory_space<hbm>>
    %dma_start3A_202 = tpu.memref_slice %arg18[%dma_start3A_191] : memref<4x!tpu.dma_semaphore, #tpu.memory_space<semaphore_mem>> -> memref<1x!tpu.dma_semaphore, #tpu.memory_space<semaphore_mem>>
    %dma_start3A_203 = tpu.memref_squeeze %dma_start3A_202 : memref<1x!tpu.dma_semaphore, #tpu.memory_space<semaphore_mem>> -> memref<!tpu.dma_semaphore, #tpu.memory_space<semaphore_mem>>
    tpu.enqueue_indirect_dma source(%dma_start3A_201 : memref<2000000x16xf32, #tpu.memory_space<hbm>>) target(%dma_start3A_195 : memref<128x16xf32, #tpu.memory_space<vmem>>) offsets(%dma_start3A_198 : memref<128xi32, #tpu.memory_space<vmem>>) semaphore(%dma_start3A_203 : memref<!tpu.dma_semaphore, #tpu.memory_space<semaphore_mem>>)
    %dma_start3A_204 = arith.constant 1 : i32
    %dma_start3A_205 = arith.constant 4 : i32
    %dma_start3A_206 = arith.constant 1 : i32
    %dma_start3A_207 = arith.constant 1 : i32
    %dma_start3A_208 = arith.constant 512 : i32
    %dma_start3A_209 = arith.constant 0 : i32
    %dma_start3A_210 = tpu.memref_slice %arg10[%dma_start3A_206, %dma_start3A_208, %dma_start3A_209] : memref<4x1024x16xf32, #tpu.memory_space<vmem>> -> memref<1x128x16xf32, #tpu.memory_space<vmem>>
    %dma_start3A_211 = tpu.memref_squeeze %dma_start3A_210 : memref<1x128x16xf32, #tpu.memory_space<vmem>> -> memref<128x16xf32, #tpu.memory_space<vmem>>
    %dma_start3A_212 = arith.constant 0 : i32
    %dma_start3A_213 = tpu.memref_slice %arg9[%dma_start3A_204, %dma_start3A_205, %dma_start3A_212] : memref<4x8x128xi32, #tpu.memory_space<vmem>> -> memref<1x1x128xi32, #tpu.memory_space<vmem>>
    %dma_start3A_214 = tpu.memref_squeeze %dma_start3A_213 : memref<1x1x128xi32, #tpu.memory_space<vmem>> -> memref<128xi32, #tpu.memory_space<vmem>>
    %dma_start3A_215 = arith.constant 0 : i32
    %dma_start3A_216 = arith.constant 0 : i32
    %dma_start3A_217 = tpu.memref_slice %arg6[%dma_start3A_215, %dma_start3A_216] : memref<2000000x16xf32, #tpu.memory_space<hbm>> -> memref<2000000x16xf32, #tpu.memory_space<hbm>>
    %dma_start3A_218 = tpu.memref_slice %arg18[%dma_start3A_207] : memref<4x!tpu.dma_semaphore, #tpu.memory_space<semaphore_mem>> -> memref<1x!tpu.dma_semaphore, #tpu.memory_space<semaphore_mem>>
    %dma_start3A_219 = tpu.memref_squeeze %dma_start3A_218 : memref<1x!tpu.dma_semaphore, #tpu.memory_space<semaphore_mem>> -> memref<!tpu.dma_semaphore, #tpu.memory_space<semaphore_mem>>
    tpu.enqueue_indirect_dma source(%dma_start3A_217 : memref<2000000x16xf32, #tpu.memory_space<hbm>>) target(%dma_start3A_211 : memref<128x16xf32, #tpu.memory_space<vmem>>) offsets(%dma_start3A_214 : memref<128xi32, #tpu.memory_space<vmem>>) semaphore(%dma_start3A_219 : memref<!tpu.dma_semaphore, #tpu.memory_space<semaphore_mem>>)
    %dma_start3A_220 = arith.constant 1 : i32
    %dma_start3A_221 = arith.constant 5 : i32
    %dma_start3A_222 = arith.constant 1 : i32
    %dma_start3A_223 = arith.constant 1 : i32
    %dma_start3A_224 = arith.constant 640 : i32
    %dma_start3A_225 = arith.constant 0 : i32
    %dma_start3A_226 = tpu.memref_slice %arg10[%dma_start3A_222, %dma_start3A_224, %dma_start3A_225] : memref<4x1024x16xf32, #tpu.memory_space<vmem>> -> memref<1x128x16xf32, #tpu.memory_space<vmem>>
    %dma_start3A_227 = tpu.memref_squeeze %dma_start3A_226 : memref<1x128x16xf32, #tpu.memory_space<vmem>> -> memref<128x16xf32, #tpu.memory_space<vmem>>
    %dma_start3A_228 = arith.constant 0 : i32
    %dma_start3A_229 = tpu.memref_slice %arg9[%dma_start3A_220, %dma_start3A_221, %dma_start3A_228] : memref<4x8x128xi32, #tpu.memory_space<vmem>> -> memref<1x1x128xi32, #tpu.memory_space<vmem>>
    %dma_start3A_230 = tpu.memref_squeeze %dma_start3A_229 : memref<1x1x128xi32, #tpu.memory_space<vmem>> -> memref<128xi32, #tpu.memory_space<vmem>>
    %dma_start3A_231 = arith.constant 0 : i32
    %dma_start3A_232 = arith.constant 0 : i32
    %dma_start3A_233 = tpu.memref_slice %arg6[%dma_start3A_231, %dma_start3A_232] : memref<2000000x16xf32, #tpu.memory_space<hbm>> -> memref<2000000x16xf32, #tpu.memory_space<hbm>>
    %dma_start3A_234 = tpu.memref_slice %arg18[%dma_start3A_223] : memref<4x!tpu.dma_semaphore, #tpu.memory_space<semaphore_mem>> -> memref<1x!tpu.dma_semaphore, #tpu.memory_space<semaphore_mem>>
    %dma_start3A_235 = tpu.memref_squeeze %dma_start3A_234 : memref<1x!tpu.dma_semaphore, #tpu.memory_space<semaphore_mem>> -> memref<!tpu.dma_semaphore, #tpu.memory_space<semaphore_mem>>
    tpu.enqueue_indirect_dma source(%dma_start3A_233 : memref<2000000x16xf32, #tpu.memory_space<hbm>>) target(%dma_start3A_227 : memref<128x16xf32, #tpu.memory_space<vmem>>) offsets(%dma_start3A_230 : memref<128xi32, #tpu.memory_space<vmem>>) semaphore(%dma_start3A_235 : memref<!tpu.dma_semaphore, #tpu.memory_space<semaphore_mem>>)
    %dma_start3A_236 = arith.constant 1 : i32
    %dma_start3A_237 = arith.constant 6 : i32
    %dma_start3A_238 = arith.constant 1 : i32
    %dma_start3A_239 = arith.constant 1 : i32
    %dma_start3A_240 = arith.constant 768 : i32
    %dma_start3A_241 = arith.constant 0 : i32
    %dma_start3A_242 = tpu.memref_slice %arg10[%dma_start3A_238, %dma_start3A_240, %dma_start3A_241] : memref<4x1024x16xf32, #tpu.memory_space<vmem>> -> memref<1x128x16xf32, #tpu.memory_space<vmem>>
    %dma_start3A_243 = tpu.memref_squeeze %dma_start3A_242 : memref<1x128x16xf32, #tpu.memory_space<vmem>> -> memref<128x16xf32, #tpu.memory_space<vmem>>
    %dma_start3A_244 = arith.constant 0 : i32
    %dma_start3A_245 = tpu.memref_slice %arg9[%dma_start3A_236, %dma_start3A_237, %dma_start3A_244] : memref<4x8x128xi32, #tpu.memory_space<vmem>> -> memref<1x1x128xi32, #tpu.memory_space<vmem>>
    %dma_start3A_246 = tpu.memref_squeeze %dma_start3A_245 : memref<1x1x128xi32, #tpu.memory_space<vmem>> -> memref<128xi32, #tpu.memory_space<vmem>>
    %dma_start3A_247 = arith.constant 0 : i32
    %dma_start3A_248 = arith.constant 0 : i32
    %dma_start3A_249 = tpu.memref_slice %arg6[%dma_start3A_247, %dma_start3A_248] : memref<2000000x16xf32, #tpu.memory_space<hbm>> -> memref<2000000x16xf32, #tpu.memory_space<hbm>>
    %dma_start3A_250 = tpu.memref_slice %arg18[%dma_start3A_239] : memref<4x!tpu.dma_semaphore, #tpu.memory_space<semaphore_mem>> -> memref<1x!tpu.dma_semaphore, #tpu.memory_space<semaphore_mem>>
    %dma_start3A_251 = tpu.memref_squeeze %dma_start3A_250 : memref<1x!tpu.dma_semaphore, #tpu.memory_space<semaphore_mem>> -> memref<!tpu.dma_semaphore, #tpu.memory_space<semaphore_mem>>
    tpu.enqueue_indirect_dma source(%dma_start3A_249 : memref<2000000x16xf32, #tpu.memory_space<hbm>>) target(%dma_start3A_243 : memref<128x16xf32, #tpu.memory_space<vmem>>) offsets(%dma_start3A_246 : memref<128xi32, #tpu.memory_space<vmem>>) semaphore(%dma_start3A_251 : memref<!tpu.dma_semaphore, #tpu.memory_space<semaphore_mem>>)
    %dma_start3A_252 = arith.constant 1 : i32
    %dma_start3A_253 = arith.constant 7 : i32
    %dma_start3A_254 = arith.constant 1 : i32
    %dma_start3A_255 = arith.constant 1 : i32
    %dma_start3A_256 = arith.constant 896 : i32
    %dma_start3A_257 = arith.constant 0 : i32
    %dma_start3A_258 = tpu.memref_slice %arg10[%dma_start3A_254, %dma_start3A_256, %dma_start3A_257] : memref<4x1024x16xf32, #tpu.memory_space<vmem>> -> memref<1x128x16xf32, #tpu.memory_space<vmem>>
    %dma_start3A_259 = tpu.memref_squeeze %dma_start3A_258 : memref<1x128x16xf32, #tpu.memory_space<vmem>> -> memref<128x16xf32, #tpu.memory_space<vmem>>
    %dma_start3A_260 = arith.constant 0 : i32
    %dma_start3A_261 = tpu.memref_slice %arg9[%dma_start3A_252, %dma_start3A_253, %dma_start3A_260] : memref<4x8x128xi32, #tpu.memory_space<vmem>> -> memref<1x1x128xi32, #tpu.memory_space<vmem>>
    %dma_start3A_262 = tpu.memref_squeeze %dma_start3A_261 : memref<1x1x128xi32, #tpu.memory_space<vmem>> -> memref<128xi32, #tpu.memory_space<vmem>>
    %dma_start3A_263 = arith.constant 0 : i32
    %dma_start3A_264 = arith.constant 0 : i32
    %dma_start3A_265 = tpu.memref_slice %arg6[%dma_start3A_263, %dma_start3A_264] : memref<2000000x16xf32, #tpu.memory_space<hbm>> -> memref<2000000x16xf32, #tpu.memory_space<hbm>>
    %dma_start3A_266 = tpu.memref_slice %arg18[%dma_start3A_255] : memref<4x!tpu.dma_semaphore, #tpu.memory_space<semaphore_mem>> -> memref<1x!tpu.dma_semaphore, #tpu.memory_space<semaphore_mem>>
    %dma_start3A_267 = tpu.memref_squeeze %dma_start3A_266 : memref<1x!tpu.dma_semaphore, #tpu.memory_space<semaphore_mem>> -> memref<!tpu.dma_semaphore, #tpu.memory_space<semaphore_mem>>
    tpu.enqueue_indirect_dma source(%dma_start3A_265 : memref<2000000x16xf32, #tpu.memory_space<hbm>>) target(%dma_start3A_259 : memref<128x16xf32, #tpu.memory_space<vmem>>) offsets(%dma_start3A_262 : memref<128xi32, #tpu.memory_space<vmem>>) semaphore(%dma_start3A_267 : memref<!tpu.dma_semaphore, #tpu.memory_space<semaphore_mem>>)
    %add3A_268 = arith.constant 2 : i32
    %add3A_269 = arith.addi %mul3A_2, %add3A_268 : i32
    %run_scoped3A_270 = arith.constant 2 : i32
    "tpu.region"() ({
      %run_scoped3A_449 = tpu.sem_alloc : memref<!tpu.dma_semaphore, #tpu.memory_space<semaphore_mem>>
      %dma_start3A_450 = arith.constant 0 : i32
      %dma_start3A_451 = arith.constant 0 : i32
      %dma_start3A_452 = tpu.memref_slice %arg9[%run_scoped3A_270, %dma_start3A_450, %dma_start3A_451] : memref<4x8x128xi32, #tpu.memory_space<vmem>> -> memref<1x8x128xi32, #tpu.memory_space<vmem>>
      %dma_start3A_453 = tpu.memref_squeeze %dma_start3A_452 : memref<1x8x128xi32, #tpu.memory_space<vmem>> -> memref<8x128xi32, #tpu.memory_space<vmem>>
      %dma_start3A_454 = arith.constant 0 : i32
      %dma_start3A_455 = arith.constant 0 : i32
      %dma_start3A_456 = tpu.memref_slice %arg5[%add3A_269, %dma_start3A_454, %dma_start3A_455] : memref<2048x8x128xi32, #tpu.memory_space<hbm>> -> memref<1x8x128xi32, #tpu.memory_space<hbm>>
      %dma_start3A_457 = tpu.memref_squeeze %dma_start3A_456 : memref<1x8x128xi32, #tpu.memory_space<hbm>> -> memref<8x128xi32, #tpu.memory_space<hbm>>
      %dma_start3A_458 = arith.constant 0 : i32
      %dma_start3A_459 = arith.constant 0 : i32
      %dma_start3A_460 = tpu.memref_slice %arg9[%run_scoped3A_270, %dma_start3A_458, %dma_start3A_459] : memref<4x8x128xi32, #tpu.memory_space<vmem>> -> memref<1x8x128xi32, #tpu.memory_space<vmem>>
      %dma_start3A_461 = tpu.memref_squeeze %dma_start3A_460 : memref<1x8x128xi32, #tpu.memory_space<vmem>> -> memref<8x128xi32, #tpu.memory_space<vmem>>
      %dma_start3A_462 = arith.constant 0 : i32
      %dma_start3A_463 = arith.constant 0 : i32
      %dma_start3A_464 = tpu.memref_slice %arg5[%add3A_269, %dma_start3A_462, %dma_start3A_463] : memref<2048x8x128xi32, #tpu.memory_space<hbm>> -> memref<1x8x128xi32, #tpu.memory_space<hbm>>
      %dma_start3A_465 = tpu.memref_squeeze %dma_start3A_464 : memref<1x8x128xi32, #tpu.memory_space<hbm>> -> memref<8x128xi32, #tpu.memory_space<hbm>>
      tpu.enqueue_dma source(%dma_start3A_465 : memref<8x128xi32, #tpu.memory_space<hbm>>) target(%dma_start3A_461 : memref<8x128xi32, #tpu.memory_space<vmem>>) target_semaphore(%run_scoped3A_449 : memref<!tpu.dma_semaphore, #tpu.memory_space<semaphore_mem>>)
      %dma_wait3A_466 = arith.constant 0 : i32
      %dma_wait3A_467 = arith.constant 0 : i32
      %dma_wait3A_468 = tpu.memref_slice %arg9[%run_scoped3A_270, %dma_wait3A_466, %dma_wait3A_467] : memref<4x8x128xi32, #tpu.memory_space<vmem>> -> memref<1x8x128xi32, #tpu.memory_space<vmem>>
      %dma_wait3A_469 = tpu.memref_squeeze %dma_wait3A_468 : memref<1x8x128xi32, #tpu.memory_space<vmem>> -> memref<8x128xi32, #tpu.memory_space<vmem>>
      %dma_wait3A_470 = arith.constant 0 : i32
      %dma_wait3A_471 = arith.constant 0 : i32
      %dma_wait3A_472 = tpu.memref_slice %arg5[%add3A_269, %dma_wait3A_470, %dma_wait3A_471] : memref<2048x8x128xi32, #tpu.memory_space<hbm>> -> memref<1x8x128xi32, #tpu.memory_space<hbm>>
      %dma_wait3A_473 = tpu.memref_squeeze %dma_wait3A_472 : memref<1x8x128xi32, #tpu.memory_space<hbm>> -> memref<8x128xi32, #tpu.memory_space<hbm>>
      %dma_wait3A_474 = arith.constant 0 : i32
      %dma_wait3A_475 = arith.constant 0 : i32
      %dma_wait3A_476 = tpu.memref_slice %arg9[%run_scoped3A_270, %dma_wait3A_474, %dma_wait3A_475] : memref<4x8x128xi32, #tpu.memory_space<vmem>> -> memref<1x8x128xi32, #tpu.memory_space<vmem>>
      %dma_wait3A_477 = tpu.memref_squeeze %dma_wait3A_476 : memref<1x8x128xi32, #tpu.memory_space<vmem>> -> memref<8x128xi32, #tpu.memory_space<vmem>>
      %dma_wait3A_478 = arith.constant 0 : i32
      %dma_wait3A_479 = arith.constant 0 : i32
      %dma_wait3A_480 = tpu.memref_slice %arg5[%add3A_269, %dma_wait3A_478, %dma_wait3A_479] : memref<2048x8x128xi32, #tpu.memory_space<hbm>> -> memref<1x8x128xi32, #tpu.memory_space<hbm>>
      %dma_wait3A_481 = tpu.memref_squeeze %dma_wait3A_480 : memref<1x8x128xi32, #tpu.memory_space<hbm>> -> memref<8x128xi32, #tpu.memory_space<hbm>>
      tpu.wait_dma2 semaphore(%run_scoped3A_449 : memref<!tpu.dma_semaphore, #tpu.memory_space<semaphore_mem>>) src(%dma_wait3A_481 : memref<8x128xi32, #tpu.memory_space<hbm>>) dst(%dma_wait3A_477 : memref<8x128xi32, #tpu.memory_space<vmem>>)
      tpu.yield
    }) : () -> ()
    %dma_start3A_271 = arith.constant 2 : i32
    %dma_start3A_272 = arith.constant 0 : i32
    %dma_start3A_273 = arith.constant 2 : i32
    %dma_start3A_274 = arith.constant 2 : i32
    %dma_start3A_275 = arith.constant 0 : i32
    %dma_start3A_276 = arith.constant 0 : i32
    %dma_start3A_277 = tpu.memref_slice %arg10[%dma_start3A_273, %dma_start3A_275, %dma_start3A_276] : memref<4x1024x16xf32, #tpu.memory_space<vmem>> -> memref<1x128x16xf32, #tpu.memory_space<vmem>>
    %dma_start3A_278 = tpu.memref_squeeze %dma_start3A_277 : memref<1x128x16xf32, #tpu.memory_space<vmem>> -> memref<128x16xf32, #tpu.memory_space<vmem>>
    %dma_start3A_279 = arith.constant 0 : i32
    %dma_start3A_280 = tpu.memref_slice %arg9[%dma_start3A_271, %dma_start3A_272, %dma_start3A_279] : memref<4x8x128xi32, #tpu.memory_space<vmem>> -> memref<1x1x128xi32, #tpu.memory_space<vmem>>
    %dma_start3A_281 = tpu.memref_squeeze %dma_start3A_280 : memref<1x1x128xi32, #tpu.memory_space<vmem>> -> memref<128xi32, #tpu.memory_space<vmem>>
    %dma_start3A_282 = arith.constant 0 : i32
    %dma_start3A_283 = arith.constant 0 : i32
    %dma_start3A_284 = tpu.memref_slice %arg6[%dma_start3A_282, %dma_start3A_283] : memref<2000000x16xf32, #tpu.memory_space<hbm>> -> memref<2000000x16xf32, #tpu.memory_space<hbm>>
    %dma_start3A_285 = tpu.memref_slice %arg18[%dma_start3A_274] : memref<4x!tpu.dma_semaphore, #tpu.memory_space<semaphore_mem>> -> memref<1x!tpu.dma_semaphore, #tpu.memory_space<semaphore_mem>>
    %dma_start3A_286 = tpu.memref_squeeze %dma_start3A_285 : memref<1x!tpu.dma_semaphore, #tpu.memory_space<semaphore_mem>> -> memref<!tpu.dma_semaphore, #tpu.memory_space<semaphore_mem>>
    tpu.enqueue_indirect_dma source(%dma_start3A_284 : memref<2000000x16xf32, #tpu.memory_space<hbm>>) target(%dma_start3A_278 : memref<128x16xf32, #tpu.memory_space<vmem>>) offsets(%dma_start3A_281 : memref<128xi32, #tpu.memory_space<vmem>>) semaphore(%dma_start3A_286 : memref<!tpu.dma_semaphore, #tpu.memory_space<semaphore_mem>>)
    %dma_start3A_287 = arith.constant 2 : i32
    %dma_start3A_288 = arith.constant 1 : i32
    %dma_start3A_289 = arith.constant 2 : i32
    %dma_start3A_290 = arith.constant 2 : i32
    %dma_start3A_291 = arith.constant 128 : i32
    %dma_start3A_292 = arith.constant 0 : i32
    %dma_start3A_293 = tpu.memref_slice %arg10[%dma_start3A_289, %dma_start3A_291, %dma_start3A_292] : memref<4x1024x16xf32, #tpu.memory_space<vmem>> -> memref<1x128x16xf32, #tpu.memory_space<vmem>>
    %dma_start3A_294 = tpu.memref_squeeze %dma_start3A_293 : memref<1x128x16xf32, #tpu.memory_space<vmem>> -> memref<128x16xf32, #tpu.memory_space<vmem>>
    %dma_start3A_295 = arith.constant 0 : i32
    %dma_start3A_296 = tpu.memref_slice %arg9[%dma_start3A_287, %dma_start3A_288, %dma_start3A_295] : memref<4x8x128xi32, #tpu.memory_space<vmem>> -> memref<1x1x128xi32, #tpu.memory_space<vmem>>
    %dma_start3A_297 = tpu.memref_squeeze %dma_start3A_296 : memref<1x1x128xi32, #tpu.memory_space<vmem>> -> memref<128xi32, #tpu.memory_space<vmem>>
    %dma_start3A_298 = arith.constant 0 : i32
    %dma_start3A_299 = arith.constant 0 : i32
    %dma_start3A_300 = tpu.memref_slice %arg6[%dma_start3A_298, %dma_start3A_299] : memref<2000000x16xf32, #tpu.memory_space<hbm>> -> memref<2000000x16xf32, #tpu.memory_space<hbm>>
    %dma_start3A_301 = tpu.memref_slice %arg18[%dma_start3A_290] : memref<4x!tpu.dma_semaphore, #tpu.memory_space<semaphore_mem>> -> memref<1x!tpu.dma_semaphore, #tpu.memory_space<semaphore_mem>>
    %dma_start3A_302 = tpu.memref_squeeze %dma_start3A_301 : memref<1x!tpu.dma_semaphore, #tpu.memory_space<semaphore_mem>> -> memref<!tpu.dma_semaphore, #tpu.memory_space<semaphore_mem>>
    tpu.enqueue_indirect_dma source(%dma_start3A_300 : memref<2000000x16xf32, #tpu.memory_space<hbm>>) target(%dma_start3A_294 : memref<128x16xf32, #tpu.memory_space<vmem>>) offsets(%dma_start3A_297 : memref<128xi32, #tpu.memory_space<vmem>>) semaphore(%dma_start3A_302 : memref<!tpu.dma_semaphore, #tpu.memory_space<semaphore_mem>>)
    %dma_start3A_303 = arith.constant 2 : i32
    %dma_start3A_304 = arith.constant 2 : i32
    %dma_start3A_305 = arith.constant 2 : i32
    %dma_start3A_306 = arith.constant 2 : i32
    %dma_start3A_307 = arith.constant 256 : i32
    %dma_start3A_308 = arith.constant 0 : i32
    %dma_start3A_309 = tpu.memref_slice %arg10[%dma_start3A_305, %dma_start3A_307, %dma_start3A_308] : memref<4x1024x16xf32, #tpu.memory_space<vmem>> -> memref<1x128x16xf32, #tpu.memory_space<vmem>>
    %dma_start3A_310 = tpu.memref_squeeze %dma_start3A_309 : memref<1x128x16xf32, #tpu.memory_space<vmem>> -> memref<128x16xf32, #tpu.memory_space<vmem>>
    %dma_start3A_311 = arith.constant 0 : i32
    %dma_start3A_312 = tpu.memref_slice %arg9[%dma_start3A_303, %dma_start3A_304, %dma_start3A_311] : memref<4x8x128xi32, #tpu.memory_space<vmem>> -> memref<1x1x128xi32, #tpu.memory_space<vmem>>
    %dma_start3A_313 = tpu.memref_squeeze %dma_start3A_312 : memref<1x1x128xi32, #tpu.memory_space<vmem>> -> memref<128xi32, #tpu.memory_space<vmem>>
    %dma_start3A_314 = arith.constant 0 : i32
    %dma_start3A_315 = arith.constant 0 : i32
    %dma_start3A_316 = tpu.memref_slice %arg6[%dma_start3A_314, %dma_start3A_315] : memref<2000000x16xf32, #tpu.memory_space<hbm>> -> memref<2000000x16xf32, #tpu.memory_space<hbm>>
    %dma_start3A_317 = tpu.memref_slice %arg18[%dma_start3A_306] : memref<4x!tpu.dma_semaphore, #tpu.memory_space<semaphore_mem>> -> memref<1x!tpu.dma_semaphore, #tpu.memory_space<semaphore_mem>>
    %dma_start3A_318 = tpu.memref_squeeze %dma_start3A_317 : memref<1x!tpu.dma_semaphore, #tpu.memory_space<semaphore_mem>> -> memref<!tpu.dma_semaphore, #tpu.memory_space<semaphore_mem>>
    tpu.enqueue_indirect_dma source(%dma_start3A_316 : memref<2000000x16xf32, #tpu.memory_space<hbm>>) target(%dma_start3A_310 : memref<128x16xf32, #tpu.memory_space<vmem>>) offsets(%dma_start3A_313 : memref<128xi32, #tpu.memory_space<vmem>>) semaphore(%dma_start3A_318 : memref<!tpu.dma_semaphore, #tpu.memory_space<semaphore_mem>>)
    %dma_start3A_319 = arith.constant 2 : i32
    %dma_start3A_320 = arith.constant 3 : i32
    %dma_start3A_321 = arith.constant 2 : i32
    %dma_start3A_322 = arith.constant 2 : i32
    %dma_start3A_323 = arith.constant 384 : i32
    %dma_start3A_324 = arith.constant 0 : i32
    %dma_start3A_325 = tpu.memref_slice %arg10[%dma_start3A_321, %dma_start3A_323, %dma_start3A_324] : memref<4x1024x16xf32, #tpu.memory_space<vmem>> -> memref<1x128x16xf32, #tpu.memory_space<vmem>>
    %dma_start3A_326 = tpu.memref_squeeze %dma_start3A_325 : memref<1x128x16xf32, #tpu.memory_space<vmem>> -> memref<128x16xf32, #tpu.memory_space<vmem>>
    %dma_start3A_327 = arith.constant 0 : i32
    %dma_start3A_328 = tpu.memref_slice %arg9[%dma_start3A_319, %dma_start3A_320, %dma_start3A_327] : memref<4x8x128xi32, #tpu.memory_space<vmem>> -> memref<1x1x128xi32, #tpu.memory_space<vmem>>
    %dma_start3A_329 = tpu.memref_squeeze %dma_start3A_328 : memref<1x1x128xi32, #tpu.memory_space<vmem>> -> memref<128xi32, #tpu.memory_space<vmem>>
    %dma_start3A_330 = arith.constant 0 : i32
    %dma_start3A_331 = arith.constant 0 : i32
    %dma_start3A_332 = tpu.memref_slice %arg6[%dma_start3A_330, %dma_start3A_331] : memref<2000000x16xf32, #tpu.memory_space<hbm>> -> memref<2000000x16xf32, #tpu.memory_space<hbm>>
    %dma_start3A_333 = tpu.memref_slice %arg18[%dma_start3A_322] : memref<4x!tpu.dma_semaphore, #tpu.memory_space<semaphore_mem>> -> memref<1x!tpu.dma_semaphore, #tpu.memory_space<semaphore_mem>>
    %dma_start3A_334 = tpu.memref_squeeze %dma_start3A_333 : memref<1x!tpu.dma_semaphore, #tpu.memory_space<semaphore_mem>> -> memref<!tpu.dma_semaphore, #tpu.memory_space<semaphore_mem>>
    tpu.enqueue_indirect_dma source(%dma_start3A_332 : memref<2000000x16xf32, #tpu.memory_space<hbm>>) target(%dma_start3A_326 : memref<128x16xf32, #tpu.memory_space<vmem>>) offsets(%dma_start3A_329 : memref<128xi32, #tpu.memory_space<vmem>>) semaphore(%dma_start3A_334 : memref<!tpu.dma_semaphore, #tpu.memory_space<semaphore_mem>>)
    %dma_start3A_335 = arith.constant 2 : i32
    %dma_start3A_336 = arith.constant 4 : i32
    %dma_start3A_337 = arith.constant 2 : i32
    %dma_start3A_338 = arith.constant 2 : i32
    %dma_start3A_339 = arith.constant 512 : i32
    %dma_start3A_340 = arith.constant 0 : i32
    %dma_start3A_341 = tpu.memref_slice %arg10[%dma_start3A_337, %dma_start3A_339, %dma_start3A_340] : memref<4x1024x16xf32, #tpu.memory_space<vmem>> -> memref<1x128x16xf32, #tpu.memory_space<vmem>>
    %dma_start3A_342 = tpu.memref_squeeze %dma_start3A_341 : memref<1x128x16xf32, #tpu.memory_space<vmem>> -> memref<128x16xf32, #tpu.memory_space<vmem>>
    %dma_start3A_343 = arith.constant 0 : i32
    %dma_start3A_344 = tpu.memref_slice %arg9[%dma_start3A_335, %dma_start3A_336, %dma_start3A_343] : memref<4x8x128xi32, #tpu.memory_space<vmem>> -> memref<1x1x128xi32, #tpu.memory_space<vmem>>
    %dma_start3A_345 = tpu.memref_squeeze %dma_start3A_344 : memref<1x1x128xi32, #tpu.memory_space<vmem>> -> memref<128xi32, #tpu.memory_space<vmem>>
    %dma_start3A_346 = arith.constant 0 : i32
    %dma_start3A_347 = arith.constant 0 : i32
    %dma_start3A_348 = tpu.memref_slice %arg6[%dma_start3A_346, %dma_start3A_347] : memref<2000000x16xf32, #tpu.memory_space<hbm>> -> memref<2000000x16xf32, #tpu.memory_space<hbm>>
    %dma_start3A_349 = tpu.memref_slice %arg18[%dma_start3A_338] : memref<4x!tpu.dma_semaphore, #tpu.memory_space<semaphore_mem>> -> memref<1x!tpu.dma_semaphore, #tpu.memory_space<semaphore_mem>>
    %dma_start3A_350 = tpu.memref_squeeze %dma_start3A_349 : memref<1x!tpu.dma_semaphore, #tpu.memory_space<semaphore_mem>> -> memref<!tpu.dma_semaphore, #tpu.memory_space<semaphore_mem>>
    tpu.enqueue_indirect_dma source(%dma_start3A_348 : memref<2000000x16xf32, #tpu.memory_space<hbm>>) target(%dma_start3A_342 : memref<128x16xf32, #tpu.memory_space<vmem>>) offsets(%dma_start3A_345 : memref<128xi32, #tpu.memory_space<vmem>>) semaphore(%dma_start3A_350 : memref<!tpu.dma_semaphore, #tpu.memory_space<semaphore_mem>>)
    %dma_start3A_351 = arith.constant 2 : i32
    %dma_start3A_352 = arith.constant 5 : i32
    %dma_start3A_353 = arith.constant 2 : i32
    %dma_start3A_354 = arith.constant 2 : i32
    %dma_start3A_355 = arith.constant 640 : i32
    %dma_start3A_356 = arith.constant 0 : i32
    %dma_start3A_357 = tpu.memref_slice %arg10[%dma_start3A_353, %dma_start3A_355, %dma_start3A_356] : memref<4x1024x16xf32, #tpu.memory_space<vmem>> -> memref<1x128x16xf32, #tpu.memory_space<vmem>>
    %dma_start3A_358 = tpu.memref_squeeze %dma_start3A_357 : memref<1x128x16xf32, #tpu.memory_space<vmem>> -> memref<128x16xf32, #tpu.memory_space<vmem>>
    %dma_start3A_359 = arith.constant 0 : i32
    %dma_start3A_360 = tpu.memref_slice %arg9[%dma_start3A_351, %dma_start3A_352, %dma_start3A_359] : memref<4x8x128xi32, #tpu.memory_space<vmem>> -> memref<1x1x128xi32, #tpu.memory_space<vmem>>
    %dma_start3A_361 = tpu.memref_squeeze %dma_start3A_360 : memref<1x1x128xi32, #tpu.memory_space<vmem>> -> memref<128xi32, #tpu.memory_space<vmem>>
    %dma_start3A_362 = arith.constant 0 : i32
    %dma_start3A_363 = arith.constant 0 : i32
    %dma_start3A_364 = tpu.memref_slice %arg6[%dma_start3A_362, %dma_start3A_363] : memref<2000000x16xf32, #tpu.memory_space<hbm>> -> memref<2000000x16xf32, #tpu.memory_space<hbm>>
    %dma_start3A_365 = tpu.memref_slice %arg18[%dma_start3A_354] : memref<4x!tpu.dma_semaphore, #tpu.memory_space<semaphore_mem>> -> memref<1x!tpu.dma_semaphore, #tpu.memory_space<semaphore_mem>>
    %dma_start3A_366 = tpu.memref_squeeze %dma_start3A_365 : memref<1x!tpu.dma_semaphore, #tpu.memory_space<semaphore_mem>> -> memref<!tpu.dma_semaphore, #tpu.memory_space<semaphore_mem>>
    tpu.enqueue_indirect_dma source(%dma_start3A_364 : memref<2000000x16xf32, #tpu.memory_space<hbm>>) target(%dma_start3A_358 : memref<128x16xf32, #tpu.memory_space<vmem>>) offsets(%dma_start3A_361 : memref<128xi32, #tpu.memory_space<vmem>>) semaphore(%dma_start3A_366 : memref<!tpu.dma_semaphore, #tpu.memory_space<semaphore_mem>>)
    %dma_start3A_367 = arith.constant 2 : i32
    %dma_start3A_368 = arith.constant 6 : i32
    %dma_start3A_369 = arith.constant 2 : i32
    %dma_start3A_370 = arith.constant 2 : i32
    %dma_start3A_371 = arith.constant 768 : i32
    %dma_start3A_372 = arith.constant 0 : i32
    %dma_start3A_373 = tpu.memref_slice %arg10[%dma_start3A_369, %dma_start3A_371, %dma_start3A_372] : memref<4x1024x16xf32, #tpu.memory_space<vmem>> -> memref<1x128x16xf32, #tpu.memory_space<vmem>>
    %dma_start3A_374 = tpu.memref_squeeze %dma_start3A_373 : memref<1x128x16xf32, #tpu.memory_space<vmem>> -> memref<128x16xf32, #tpu.memory_space<vmem>>
    %dma_start3A_375 = arith.constant 0 : i32
    %dma_start3A_376 = tpu.memref_slice %arg9[%dma_start3A_367, %dma_start3A_368, %dma_start3A_375] : memref<4x8x128xi32, #tpu.memory_space<vmem>> -> memref<1x1x128xi32, #tpu.memory_space<vmem>>
    %dma_start3A_377 = tpu.memref_squeeze %dma_start3A_376 : memref<1x1x128xi32, #tpu.memory_space<vmem>> -> memref<128xi32, #tpu.memory_space<vmem>>
    %dma_start3A_378 = arith.constant 0 : i32
    %dma_start3A_379 = arith.constant 0 : i32
    %dma_start3A_380 = tpu.memref_slice %arg6[%dma_start3A_378, %dma_start3A_379] : memref<2000000x16xf32, #tpu.memory_space<hbm>> -> memref<2000000x16xf32, #tpu.memory_space<hbm>>
    %dma_start3A_381 = tpu.memref_slice %arg18[%dma_start3A_370] : memref<4x!tpu.dma_semaphore, #tpu.memory_space<semaphore_mem>> -> memref<1x!tpu.dma_semaphore, #tpu.memory_space<semaphore_mem>>
    %dma_start3A_382 = tpu.memref_squeeze %dma_start3A_381 : memref<1x!tpu.dma_semaphore, #tpu.memory_space<semaphore_mem>> -> memref<!tpu.dma_semaphore, #tpu.memory_space<semaphore_mem>>
    tpu.enqueue_indirect_dma source(%dma_start3A_380 : memref<2000000x16xf32, #tpu.memory_space<hbm>>) target(%dma_start3A_374 : memref<128x16xf32, #tpu.memory_space<vmem>>) offsets(%dma_start3A_377 : memref<128xi32, #tpu.memory_space<vmem>>) semaphore(%dma_start3A_382 : memref<!tpu.dma_semaphore, #tpu.memory_space<semaphore_mem>>)
    %dma_start3A_383 = arith.constant 2 : i32
    %dma_start3A_384 = arith.constant 7 : i32
    %dma_start3A_385 = arith.constant 2 : i32
    %dma_start3A_386 = arith.constant 2 : i32
    %dma_start3A_387 = arith.constant 896 : i32
    %dma_start3A_388 = arith.constant 0 : i32
    %dma_start3A_389 = tpu.memref_slice %arg10[%dma_start3A_385, %dma_start3A_387, %dma_start3A_388] : memref<4x1024x16xf32, #tpu.memory_space<vmem>> -> memref<1x128x16xf32, #tpu.memory_space<vmem>>
    %dma_start3A_390 = tpu.memref_squeeze %dma_start3A_389 : memref<1x128x16xf32, #tpu.memory_space<vmem>> -> memref<128x16xf32, #tpu.memory_space<vmem>>
    %dma_start3A_391 = arith.constant 0 : i32
    %dma_start3A_392 = tpu.memref_slice %arg9[%dma_start3A_383, %dma_start3A_384, %dma_start3A_391] : memref<4x8x128xi32, #tpu.memory_space<vmem>> -> memref<1x1x128xi32, #tpu.memory_space<vmem>>
    %dma_start3A_393 = tpu.memref_squeeze %dma_start3A_392 : memref<1x1x128xi32, #tpu.memory_space<vmem>> -> memref<128xi32, #tpu.memory_space<vmem>>
    %dma_start3A_394 = arith.constant 0 : i32
    %dma_start3A_395 = arith.constant 0 : i32
    %dma_start3A_396 = tpu.memref_slice %arg6[%dma_start3A_394, %dma_start3A_395] : memref<2000000x16xf32, #tpu.memory_space<hbm>> -> memref<2000000x16xf32, #tpu.memory_space<hbm>>
    %dma_start3A_397 = tpu.memref_slice %arg18[%dma_start3A_386] : memref<4x!tpu.dma_semaphore, #tpu.memory_space<semaphore_mem>> -> memref<1x!tpu.dma_semaphore, #tpu.memory_space<semaphore_mem>>
    %dma_start3A_398 = tpu.memref_squeeze %dma_start3A_397 : memref<1x!tpu.dma_semaphore, #tpu.memory_space<semaphore_mem>> -> memref<!tpu.dma_semaphore, #tpu.memory_space<semaphore_mem>>
    tpu.enqueue_indirect_dma source(%dma_start3A_396 : memref<2000000x16xf32, #tpu.memory_space<hbm>>) target(%dma_start3A_390 : memref<128x16xf32, #tpu.memory_space<vmem>>) offsets(%dma_start3A_393 : memref<128xi32, #tpu.memory_space<vmem>>) semaphore(%dma_start3A_398 : memref<!tpu.dma_semaphore, #tpu.memory_space<semaphore_mem>>)
    %scan3A = arith.constant 0 : i32
    %scan3A_399 = arith.constant 0 : i32
    %scan3A_400 = arith.constant 64 : i32
    %scan3A_401 = arith.addi %scan3A_399, %scan3A_400 : i32
    %scan3A_402 = arith.constant 1 : i32
    scf.for %scan3A_449 = %scan3A_399 to %scan3A_401 step %scan3A_402  : i32 {
      %and3A = arith.constant 3 : i32
      %and3A_450 = arith.andi %scan3A_449, %and3A : i32
      %lt3A = arith.constant 61 : i32
      %lt3A_451 = arith.cmpi slt, %scan3A_449, %lt3A : i32
      %convert_element_type3A = arith.extui %lt3A_451 : i1 to i32
      %cond3A = arith.constant 0 : i32
      %cond3A_452 = arith.cmpi ne, %convert_element_type3A, %cond3A : i32
      scf.if %cond3A_452 {
        %add3A_524 = arith.addi %mul3A_2, %scan3A_449 : i32
        %add3A_525 = arith.constant 3 : i32
        %add3A_526 = arith.addi %add3A_524, %add3A_525 : i32
        %add3A_527 = arith.constant 3 : i32
        %add3A_528 = arith.addi %scan3A_449, %add3A_527 : i32
        %and3A_529 = arith.constant 3 : i32
        %and3A_530 = arith.andi %add3A_528, %and3A_529 : i32
        "tpu.region"() ({
          %run_scoped3A_635 = tpu.sem_alloc : memref<!tpu.dma_semaphore, #tpu.memory_space<semaphore_mem>>
          %dma_start3A_636 = arith.constant 0 : i32
          %dma_start3A_637 = arith.constant 0 : i32
          %dma_start3A_638 = tpu.memref_slice %arg9[%and3A_530, %dma_start3A_636, %dma_start3A_637] : memref<4x8x128xi32, #tpu.memory_space<vmem>> -> memref<1x8x128xi32, #tpu.memory_space<vmem>>
          %dma_start3A_639 = tpu.memref_squeeze %dma_start3A_638 : memref<1x8x128xi32, #tpu.memory_space<vmem>> -> memref<8x128xi32, #tpu.memory_space<vmem>>
          %dma_start3A_640 = arith.constant 0 : i32
          %dma_start3A_641 = arith.constant 0 : i32
          %dma_start3A_642 = tpu.memref_slice %arg5[%add3A_526, %dma_start3A_640, %dma_start3A_641] : memref<2048x8x128xi32, #tpu.memory_space<hbm>> -> memref<1x8x128xi32, #tpu.memory_space<hbm>>
          %dma_start3A_643 = tpu.memref_squeeze %dma_start3A_642 : memref<1x8x128xi32, #tpu.memory_space<hbm>> -> memref<8x128xi32, #tpu.memory_space<hbm>>
          %dma_start3A_644 = arith.constant 0 : i32
          %dma_start3A_645 = arith.constant 0 : i32
          %dma_start3A_646 = tpu.memref_slice %arg9[%and3A_530, %dma_start3A_644, %dma_start3A_645] : memref<4x8x128xi32, #tpu.memory_space<vmem>> -> memref<1x8x128xi32, #tpu.memory_space<vmem>>
          %dma_start3A_647 = tpu.memref_squeeze %dma_start3A_646 : memref<1x8x128xi32, #tpu.memory_space<vmem>> -> memref<8x128xi32, #tpu.memory_space<vmem>>
          %dma_start3A_648 = arith.constant 0 : i32
          %dma_start3A_649 = arith.constant 0 : i32
          %dma_start3A_650 = tpu.memref_slice %arg5[%add3A_526, %dma_start3A_648, %dma_start3A_649] : memref<2048x8x128xi32, #tpu.memory_space<hbm>> -> memref<1x8x128xi32, #tpu.memory_space<hbm>>
          %dma_start3A_651 = tpu.memref_squeeze %dma_start3A_650 : memref<1x8x128xi32, #tpu.memory_space<hbm>> -> memref<8x128xi32, #tpu.memory_space<hbm>>
          tpu.enqueue_dma source(%dma_start3A_651 : memref<8x128xi32, #tpu.memory_space<hbm>>) target(%dma_start3A_647 : memref<8x128xi32, #tpu.memory_space<vmem>>) target_semaphore(%run_scoped3A_635 : memref<!tpu.dma_semaphore, #tpu.memory_space<semaphore_mem>>)
          %dma_wait3A_652 = arith.constant 0 : i32
          %dma_wait3A_653 = arith.constant 0 : i32
          %dma_wait3A_654 = tpu.memref_slice %arg9[%and3A_530, %dma_wait3A_652, %dma_wait3A_653] : memref<4x8x128xi32, #tpu.memory_space<vmem>> -> memref<1x8x128xi32, #tpu.memory_space<vmem>>
          %dma_wait3A_655 = tpu.memref_squeeze %dma_wait3A_654 : memref<1x8x128xi32, #tpu.memory_space<vmem>> -> memref<8x128xi32, #tpu.memory_space<vmem>>
          %dma_wait3A_656 = arith.constant 0 : i32
          %dma_wait3A_657 = arith.constant 0 : i32
          %dma_wait3A_658 = tpu.memref_slice %arg5[%add3A_526, %dma_wait3A_656, %dma_wait3A_657] : memref<2048x8x128xi32, #tpu.memory_space<hbm>> -> memref<1x8x128xi32, #tpu.memory_space<hbm>>
          %dma_wait3A_659 = tpu.memref_squeeze %dma_wait3A_658 : memref<1x8x128xi32, #tpu.memory_space<hbm>> -> memref<8x128xi32, #tpu.memory_space<hbm>>
          %dma_wait3A_660 = arith.constant 0 : i32
          %dma_wait3A_661 = arith.constant 0 : i32
          %dma_wait3A_662 = tpu.memref_slice %arg9[%and3A_530, %dma_wait3A_660, %dma_wait3A_661] : memref<4x8x128xi32, #tpu.memory_space<vmem>> -> memref<1x8x128xi32, #tpu.memory_space<vmem>>
          %dma_wait3A_663 = tpu.memref_squeeze %dma_wait3A_662 : memref<1x8x128xi32, #tpu.memory_space<vmem>> -> memref<8x128xi32, #tpu.memory_space<vmem>>
          %dma_wait3A_664 = arith.constant 0 : i32
          %dma_wait3A_665 = arith.constant 0 : i32
          %dma_wait3A_666 = tpu.memref_slice %arg5[%add3A_526, %dma_wait3A_664, %dma_wait3A_665] : memref<2048x8x128xi32, #tpu.memory_space<hbm>> -> memref<1x8x128xi32, #tpu.memory_space<hbm>>
          %dma_wait3A_667 = tpu.memref_squeeze %dma_wait3A_666 : memref<1x8x128xi32, #tpu.memory_space<hbm>> -> memref<8x128xi32, #tpu.memory_space<hbm>>
          tpu.wait_dma2 semaphore(%run_scoped3A_635 : memref<!tpu.dma_semaphore, #tpu.memory_space<semaphore_mem>>) src(%dma_wait3A_667 : memref<8x128xi32, #tpu.memory_space<hbm>>) dst(%dma_wait3A_663 : memref<8x128xi32, #tpu.memory_space<vmem>>)
          tpu.yield
        }) : () -> ()
        %dma_start3A_531 = arith.constant 0 : i32
        %dma_start3A_532 = arith.constant 0 : i32
        %dma_start3A_533 = arith.constant 0 : i32
        %dma_start3A_534 = tpu.memref_slice %arg10[%and3A_530, %dma_start3A_532, %dma_start3A_533] : memref<4x1024x16xf32, #tpu.memory_space<vmem>> -> memref<1x128x16xf32, #tpu.memory_space<vmem>>
        %dma_start3A_535 = tpu.memref_squeeze %dma_start3A_534 : memref<1x128x16xf32, #tpu.memory_space<vmem>> -> memref<128x16xf32, #tpu.memory_space<vmem>>
        %dma_start3A_536 = arith.constant 0 : i32
        %dma_start3A_537 = tpu.memref_slice %arg9[%and3A_530, %dma_start3A_531, %dma_start3A_536] : memref<4x8x128xi32, #tpu.memory_space<vmem>> -> memref<1x1x128xi32, #tpu.memory_space<vmem>>
        %dma_start3A_538 = tpu.memref_squeeze %dma_start3A_537 : memref<1x1x128xi32, #tpu.memory_space<vmem>> -> memref<128xi32, #tpu.memory_space<vmem>>
        %dma_start3A_539 = arith.constant 0 : i32
        %dma_start3A_540 = arith.constant 0 : i32
        %dma_start3A_541 = tpu.memref_slice %arg6[%dma_start3A_539, %dma_start3A_540] : memref<2000000x16xf32, #tpu.memory_space<hbm>> -> memref<2000000x16xf32, #tpu.memory_space<hbm>>
        %dma_start3A_542 = tpu.memref_slice %arg18[%and3A_530] : memref<4x!tpu.dma_semaphore, #tpu.memory_space<semaphore_mem>> -> memref<1x!tpu.dma_semaphore, #tpu.memory_space<semaphore_mem>>
        %dma_start3A_543 = tpu.memref_squeeze %dma_start3A_542 : memref<1x!tpu.dma_semaphore, #tpu.memory_space<semaphore_mem>> -> memref<!tpu.dma_semaphore, #tpu.memory_space<semaphore_mem>>
        tpu.enqueue_indirect_dma source(%dma_start3A_541 : memref<2000000x16xf32, #tpu.memory_space<hbm>>) target(%dma_start3A_535 : memref<128x16xf32, #tpu.memory_space<vmem>>) offsets(%dma_start3A_538 : memref<128xi32, #tpu.memory_space<vmem>>) semaphore(%dma_start3A_543 : memref<!tpu.dma_semaphore, #tpu.memory_space<semaphore_mem>>)
        %dma_start3A_544 = arith.constant 1 : i32
        %dma_start3A_545 = arith.constant 128 : i32
        %dma_start3A_546 = arith.constant 0 : i32
        %dma_start3A_547 = tpu.memref_slice %arg10[%and3A_530, %dma_start3A_545, %dma_start3A_546] : memref<4x1024x16xf32, #tpu.memory_space<vmem>> -> memref<1x128x16xf32, #tpu.memory_space<vmem>>
        %dma_start3A_548 = tpu.memref_squeeze %dma_start3A_547 : memref<1x128x16xf32, #tpu.memory_space<vmem>> -> memref<128x16xf32, #tpu.memory_space<vmem>>
        %dma_start3A_549 = arith.constant 0 : i32
        %dma_start3A_550 = tpu.memref_slice %arg9[%and3A_530, %dma_start3A_544, %dma_start3A_549] : memref<4x8x128xi32, #tpu.memory_space<vmem>> -> memref<1x1x128xi32, #tpu.memory_space<vmem>>
        %dma_start3A_551 = tpu.memref_squeeze %dma_start3A_550 : memref<1x1x128xi32, #tpu.memory_space<vmem>> -> memref<128xi32, #tpu.memory_space<vmem>>
        %dma_start3A_552 = arith.constant 0 : i32
        %dma_start3A_553 = arith.constant 0 : i32
        %dma_start3A_554 = tpu.memref_slice %arg6[%dma_start3A_552, %dma_start3A_553] : memref<2000000x16xf32, #tpu.memory_space<hbm>> -> memref<2000000x16xf32, #tpu.memory_space<hbm>>
        %dma_start3A_555 = tpu.memref_slice %arg18[%and3A_530] : memref<4x!tpu.dma_semaphore, #tpu.memory_space<semaphore_mem>> -> memref<1x!tpu.dma_semaphore, #tpu.memory_space<semaphore_mem>>
        %dma_start3A_556 = tpu.memref_squeeze %dma_start3A_555 : memref<1x!tpu.dma_semaphore, #tpu.memory_space<semaphore_mem>> -> memref<!tpu.dma_semaphore, #tpu.memory_space<semaphore_mem>>
        tpu.enqueue_indirect_dma source(%dma_start3A_554 : memref<2000000x16xf32, #tpu.memory_space<hbm>>) target(%dma_start3A_548 : memref<128x16xf32, #tpu.memory_space<vmem>>) offsets(%dma_start3A_551 : memref<128xi32, #tpu.memory_space<vmem>>) semaphore(%dma_start3A_556 : memref<!tpu.dma_semaphore, #tpu.memory_space<semaphore_mem>>)
        %dma_start3A_557 = arith.constant 2 : i32
        %dma_start3A_558 = arith.constant 256 : i32
        %dma_start3A_559 = arith.constant 0 : i32
        %dma_start3A_560 = tpu.memref_slice %arg10[%and3A_530, %dma_start3A_558, %dma_start3A_559] : memref<4x1024x16xf32, #tpu.memory_space<vmem>> -> memref<1x128x16xf32, #tpu.memory_space<vmem>>
        %dma_start3A_561 = tpu.memref_squeeze %dma_start3A_560 : memref<1x128x16xf32, #tpu.memory_space<vmem>> -> memref<128x16xf32, #tpu.memory_space<vmem>>
        %dma_start3A_562 = arith.constant 0 : i32
        %dma_start3A_563 = tpu.memref_slice %arg9[%and3A_530, %dma_start3A_557, %dma_start3A_562] : memref<4x8x128xi32, #tpu.memory_space<vmem>> -> memref<1x1x128xi32, #tpu.memory_space<vmem>>
        %dma_start3A_564 = tpu.memref_squeeze %dma_start3A_563 : memref<1x1x128xi32, #tpu.memory_space<vmem>> -> memref<128xi32, #tpu.memory_space<vmem>>
        %dma_start3A_565 = arith.constant 0 : i32
        %dma_start3A_566 = arith.constant 0 : i32
        %dma_start3A_567 = tpu.memref_slice %arg6[%dma_start3A_565, %dma_start3A_566] : memref<2000000x16xf32, #tpu.memory_space<hbm>> -> memref<2000000x16xf32, #tpu.memory_space<hbm>>
        %dma_start3A_568 = tpu.memref_slice %arg18[%and3A_530] : memref<4x!tpu.dma_semaphore, #tpu.memory_space<semaphore_mem>> -> memref<1x!tpu.dma_semaphore, #tpu.memory_space<semaphore_mem>>
        %dma_start3A_569 = tpu.memref_squeeze %dma_start3A_568 : memref<1x!tpu.dma_semaphore, #tpu.memory_space<semaphore_mem>> -> memref<!tpu.dma_semaphore, #tpu.memory_space<semaphore_mem>>
        tpu.enqueue_indirect_dma source(%dma_start3A_567 : memref<2000000x16xf32, #tpu.memory_space<hbm>>) target(%dma_start3A_561 : memref<128x16xf32, #tpu.memory_space<vmem>>) offsets(%dma_start3A_564 : memref<128xi32, #tpu.memory_space<vmem>>) semaphore(%dma_start3A_569 : memref<!tpu.dma_semaphore, #tpu.memory_space<semaphore_mem>>)
        %dma_start3A_570 = arith.constant 3 : i32
        %dma_start3A_571 = arith.constant 384 : i32
        %dma_start3A_572 = arith.constant 0 : i32
        %dma_start3A_573 = tpu.memref_slice %arg10[%and3A_530, %dma_start3A_571, %dma_start3A_572] : memref<4x1024x16xf32, #tpu.memory_space<vmem>> -> memref<1x128x16xf32, #tpu.memory_space<vmem>>
        %dma_start3A_574 = tpu.memref_squeeze %dma_start3A_573 : memref<1x128x16xf32, #tpu.memory_space<vmem>> -> memref<128x16xf32, #tpu.memory_space<vmem>>
        %dma_start3A_575 = arith.constant 0 : i32
        %dma_start3A_576 = tpu.memref_slice %arg9[%and3A_530, %dma_start3A_570, %dma_start3A_575] : memref<4x8x128xi32, #tpu.memory_space<vmem>> -> memref<1x1x128xi32, #tpu.memory_space<vmem>>
        %dma_start3A_577 = tpu.memref_squeeze %dma_start3A_576 : memref<1x1x128xi32, #tpu.memory_space<vmem>> -> memref<128xi32, #tpu.memory_space<vmem>>
        %dma_start3A_578 = arith.constant 0 : i32
        %dma_start3A_579 = arith.constant 0 : i32
        %dma_start3A_580 = tpu.memref_slice %arg6[%dma_start3A_578, %dma_start3A_579] : memref<2000000x16xf32, #tpu.memory_space<hbm>> -> memref<2000000x16xf32, #tpu.memory_space<hbm>>
        %dma_start3A_581 = tpu.memref_slice %arg18[%and3A_530] : memref<4x!tpu.dma_semaphore, #tpu.memory_space<semaphore_mem>> -> memref<1x!tpu.dma_semaphore, #tpu.memory_space<semaphore_mem>>
        %dma_start3A_582 = tpu.memref_squeeze %dma_start3A_581 : memref<1x!tpu.dma_semaphore, #tpu.memory_space<semaphore_mem>> -> memref<!tpu.dma_semaphore, #tpu.memory_space<semaphore_mem>>
        tpu.enqueue_indirect_dma source(%dma_start3A_580 : memref<2000000x16xf32, #tpu.memory_space<hbm>>) target(%dma_start3A_574 : memref<128x16xf32, #tpu.memory_space<vmem>>) offsets(%dma_start3A_577 : memref<128xi32, #tpu.memory_space<vmem>>) semaphore(%dma_start3A_582 : memref<!tpu.dma_semaphore, #tpu.memory_space<semaphore_mem>>)
        %dma_start3A_583 = arith.constant 4 : i32
        %dma_start3A_584 = arith.constant 512 : i32
        %dma_start3A_585 = arith.constant 0 : i32
        %dma_start3A_586 = tpu.memref_slice %arg10[%and3A_530, %dma_start3A_584, %dma_start3A_585] : memref<4x1024x16xf32, #tpu.memory_space<vmem>> -> memref<1x128x16xf32, #tpu.memory_space<vmem>>
        %dma_start3A_587 = tpu.memref_squeeze %dma_start3A_586 : memref<1x128x16xf32, #tpu.memory_space<vmem>> -> memref<128x16xf32, #tpu.memory_space<vmem>>
        %dma_start3A_588 = arith.constant 0 : i32
        %dma_start3A_589 = tpu.memref_slice %arg9[%and3A_530, %dma_start3A_583, %dma_start3A_588] : memref<4x8x128xi32, #tpu.memory_space<vmem>> -> memref<1x1x128xi32, #tpu.memory_space<vmem>>
        %dma_start3A_590 = tpu.memref_squeeze %dma_start3A_589 : memref<1x1x128xi32, #tpu.memory_space<vmem>> -> memref<128xi32, #tpu.memory_space<vmem>>
        %dma_start3A_591 = arith.constant 0 : i32
        %dma_start3A_592 = arith.constant 0 : i32
        %dma_start3A_593 = tpu.memref_slice %arg6[%dma_start3A_591, %dma_start3A_592] : memref<2000000x16xf32, #tpu.memory_space<hbm>> -> memref<2000000x16xf32, #tpu.memory_space<hbm>>
        %dma_start3A_594 = tpu.memref_slice %arg18[%and3A_530] : memref<4x!tpu.dma_semaphore, #tpu.memory_space<semaphore_mem>> -> memref<1x!tpu.dma_semaphore, #tpu.memory_space<semaphore_mem>>
        %dma_start3A_595 = tpu.memref_squeeze %dma_start3A_594 : memref<1x!tpu.dma_semaphore, #tpu.memory_space<semaphore_mem>> -> memref<!tpu.dma_semaphore, #tpu.memory_space<semaphore_mem>>
        tpu.enqueue_indirect_dma source(%dma_start3A_593 : memref<2000000x16xf32, #tpu.memory_space<hbm>>) target(%dma_start3A_587 : memref<128x16xf32, #tpu.memory_space<vmem>>) offsets(%dma_start3A_590 : memref<128xi32, #tpu.memory_space<vmem>>) semaphore(%dma_start3A_595 : memref<!tpu.dma_semaphore, #tpu.memory_space<semaphore_mem>>)
        %dma_start3A_596 = arith.constant 5 : i32
        %dma_start3A_597 = arith.constant 640 : i32
        %dma_start3A_598 = arith.constant 0 : i32
        %dma_start3A_599 = tpu.memref_slice %arg10[%and3A_530, %dma_start3A_597, %dma_start3A_598] : memref<4x1024x16xf32, #tpu.memory_space<vmem>> -> memref<1x128x16xf32, #tpu.memory_space<vmem>>
        %dma_start3A_600 = tpu.memref_squeeze %dma_start3A_599 : memref<1x128x16xf32, #tpu.memory_space<vmem>> -> memref<128x16xf32, #tpu.memory_space<vmem>>
        %dma_start3A_601 = arith.constant 0 : i32
        %dma_start3A_602 = tpu.memref_slice %arg9[%and3A_530, %dma_start3A_596, %dma_start3A_601] : memref<4x8x128xi32, #tpu.memory_space<vmem>> -> memref<1x1x128xi32, #tpu.memory_space<vmem>>
        %dma_start3A_603 = tpu.memref_squeeze %dma_start3A_602 : memref<1x1x128xi32, #tpu.memory_space<vmem>> -> memref<128xi32, #tpu.memory_space<vmem>>
        %dma_start3A_604 = arith.constant 0 : i32
        %dma_start3A_605 = arith.constant 0 : i32
        %dma_start3A_606 = tpu.memref_slice %arg6[%dma_start3A_604, %dma_start3A_605] : memref<2000000x16xf32, #tpu.memory_space<hbm>> -> memref<2000000x16xf32, #tpu.memory_space<hbm>>
        %dma_start3A_607 = tpu.memref_slice %arg18[%and3A_530] : memref<4x!tpu.dma_semaphore, #tpu.memory_space<semaphore_mem>> -> memref<1x!tpu.dma_semaphore, #tpu.memory_space<semaphore_mem>>
        %dma_start3A_608 = tpu.memref_squeeze %dma_start3A_607 : memref<1x!tpu.dma_semaphore, #tpu.memory_space<semaphore_mem>> -> memref<!tpu.dma_semaphore, #tpu.memory_space<semaphore_mem>>
        tpu.enqueue_indirect_dma source(%dma_start3A_606 : memref<2000000x16xf32, #tpu.memory_space<hbm>>) target(%dma_start3A_600 : memref<128x16xf32, #tpu.memory_space<vmem>>) offsets(%dma_start3A_603 : memref<128xi32, #tpu.memory_space<vmem>>) semaphore(%dma_start3A_608 : memref<!tpu.dma_semaphore, #tpu.memory_space<semaphore_mem>>)
        %dma_start3A_609 = arith.constant 6 : i32
        %dma_start3A_610 = arith.constant 768 : i32
        %dma_start3A_611 = arith.constant 0 : i32
        %dma_start3A_612 = tpu.memref_slice %arg10[%and3A_530, %dma_start3A_610, %dma_start3A_611] : memref<4x1024x16xf32, #tpu.memory_space<vmem>> -> memref<1x128x16xf32, #tpu.memory_space<vmem>>
        %dma_start3A_613 = tpu.memref_squeeze %dma_start3A_612 : memref<1x128x16xf32, #tpu.memory_space<vmem>> -> memref<128x16xf32, #tpu.memory_space<vmem>>
        %dma_start3A_614 = arith.constant 0 : i32
        %dma_start3A_615 = tpu.memref_slice %arg9[%and3A_530, %dma_start3A_609, %dma_start3A_614] : memref<4x8x128xi32, #tpu.memory_space<vmem>> -> memref<1x1x128xi32, #tpu.memory_space<vmem>>
        %dma_start3A_616 = tpu.memref_squeeze %dma_start3A_615 : memref<1x1x128xi32, #tpu.memory_space<vmem>> -> memref<128xi32, #tpu.memory_space<vmem>>
        %dma_start3A_617 = arith.constant 0 : i32
        %dma_start3A_618 = arith.constant 0 : i32
        %dma_start3A_619 = tpu.memref_slice %arg6[%dma_start3A_617, %dma_start3A_618] : memref<2000000x16xf32, #tpu.memory_space<hbm>> -> memref<2000000x16xf32, #tpu.memory_space<hbm>>
        %dma_start3A_620 = tpu.memref_slice %arg18[%and3A_530] : memref<4x!tpu.dma_semaphore, #tpu.memory_space<semaphore_mem>> -> memref<1x!tpu.dma_semaphore, #tpu.memory_space<semaphore_mem>>
        %dma_start3A_621 = tpu.memref_squeeze %dma_start3A_620 : memref<1x!tpu.dma_semaphore, #tpu.memory_space<semaphore_mem>> -> memref<!tpu.dma_semaphore, #tpu.memory_space<semaphore_mem>>
        tpu.enqueue_indirect_dma source(%dma_start3A_619 : memref<2000000x16xf32, #tpu.memory_space<hbm>>) target(%dma_start3A_613 : memref<128x16xf32, #tpu.memory_space<vmem>>) offsets(%dma_start3A_616 : memref<128xi32, #tpu.memory_space<vmem>>) semaphore(%dma_start3A_621 : memref<!tpu.dma_semaphore, #tpu.memory_space<semaphore_mem>>)
        %dma_start3A_622 = arith.constant 7 : i32
        %dma_start3A_623 = arith.constant 896 : i32
        %dma_start3A_624 = arith.constant 0 : i32
        %dma_start3A_625 = tpu.memref_slice %arg10[%and3A_530, %dma_start3A_623, %dma_start3A_624] : memref<4x1024x16xf32, #tpu.memory_space<vmem>> -> memref<1x128x16xf32, #tpu.memory_space<vmem>>
        %dma_start3A_626 = tpu.memref_squeeze %dma_start3A_625 : memref<1x128x16xf32, #tpu.memory_space<vmem>> -> memref<128x16xf32, #tpu.memory_space<vmem>>
        %dma_start3A_627 = arith.constant 0 : i32
        %dma_start3A_628 = tpu.memref_slice %arg9[%and3A_530, %dma_start3A_622, %dma_start3A_627] : memref<4x8x128xi32, #tpu.memory_space<vmem>> -> memref<1x1x128xi32, #tpu.memory_space<vmem>>
        %dma_start3A_629 = tpu.memref_squeeze %dma_start3A_628 : memref<1x1x128xi32, #tpu.memory_space<vmem>> -> memref<128xi32, #tpu.memory_space<vmem>>
        %dma_start3A_630 = arith.constant 0 : i32
        %dma_start3A_631 = arith.constant 0 : i32
        %dma_start3A_632 = tpu.memref_slice %arg6[%dma_start3A_630, %dma_start3A_631] : memref<2000000x16xf32, #tpu.memory_space<hbm>> -> memref<2000000x16xf32, #tpu.memory_space<hbm>>
        %dma_start3A_633 = tpu.memref_slice %arg18[%and3A_530] : memref<4x!tpu.dma_semaphore, #tpu.memory_space<semaphore_mem>> -> memref<1x!tpu.dma_semaphore, #tpu.memory_space<semaphore_mem>>
        %dma_start3A_634 = tpu.memref_squeeze %dma_start3A_633 : memref<1x!tpu.dma_semaphore, #tpu.memory_space<semaphore_mem>> -> memref<!tpu.dma_semaphore, #tpu.memory_space<semaphore_mem>>
        tpu.enqueue_indirect_dma source(%dma_start3A_632 : memref<2000000x16xf32, #tpu.memory_space<hbm>>) target(%dma_start3A_626 : memref<128x16xf32, #tpu.memory_space<vmem>>) offsets(%dma_start3A_629 : memref<128xi32, #tpu.memory_space<vmem>>) semaphore(%dma_start3A_634 : memref<!tpu.dma_semaphore, #tpu.memory_space<semaphore_mem>>)
      } else {
      }
      %dma_wait3A_453 = arith.constant 0 : i32
      %dma_wait3A_454 = arith.constant 0 : i32
      %dma_wait3A_455 = tpu.memref_slice %arg10[%and3A_450, %dma_wait3A_453, %dma_wait3A_454] : memref<4x1024x16xf32, #tpu.memory_space<vmem>> -> memref<1x1024x16xf32, #tpu.memory_space<vmem>>
      %dma_wait3A_456 = tpu.memref_squeeze %dma_wait3A_455 : memref<1x1024x16xf32, #tpu.memory_space<vmem>> -> memref<1024x16xf32, #tpu.memory_space<vmem>>
      %dma_wait3A_457 = arith.constant 0 : i32
      %dma_wait3A_458 = arith.constant 0 : i32
      %dma_wait3A_459 = tpu.memref_slice %arg6[%dma_wait3A_457, %dma_wait3A_458] : memref<2000000x16xf32, #tpu.memory_space<hbm>> -> memref<1024x16xf32, #tpu.memory_space<hbm>>
      %dma_wait3A_460 = tpu.memref_slice %arg18[%and3A_450] : memref<4x!tpu.dma_semaphore, #tpu.memory_space<semaphore_mem>> -> memref<1x!tpu.dma_semaphore, #tpu.memory_space<semaphore_mem>>
      %dma_wait3A_461 = tpu.memref_squeeze %dma_wait3A_460 : memref<1x!tpu.dma_semaphore, #tpu.memory_space<semaphore_mem>> -> memref<!tpu.dma_semaphore, #tpu.memory_space<semaphore_mem>>
      %dma_wait3A_462 = arith.constant 0 : i32
      %dma_wait3A_463 = arith.constant 0 : i32
      %dma_wait3A_464 = tpu.memref_slice %arg10[%and3A_450, %dma_wait3A_462, %dma_wait3A_463] : memref<4x1024x16xf32, #tpu.memory_space<vmem>> -> memref<1x1024x16xf32, #tpu.memory_space<vmem>>
      %dma_wait3A_465 = tpu.memref_squeeze %dma_wait3A_464 : memref<1x1024x16xf32, #tpu.memory_space<vmem>> -> memref<1024x16xf32, #tpu.memory_space<vmem>>
      %dma_wait3A_466 = arith.constant 0 : i32
      %dma_wait3A_467 = arith.constant 0 : i32
      %dma_wait3A_468 = tpu.memref_slice %arg6[%dma_wait3A_466, %dma_wait3A_467] : memref<2000000x16xf32, #tpu.memory_space<hbm>> -> memref<1024x16xf32, #tpu.memory_space<hbm>>
      tpu.wait_dma2 semaphore(%dma_wait3A_461 : memref<!tpu.dma_semaphore, #tpu.memory_space<semaphore_mem>>) src(%dma_wait3A_468 : memref<1024x16xf32, #tpu.memory_space<hbm>>) dst(%dma_wait3A_465 : memref<1024x16xf32, #tpu.memory_space<vmem>>)
      %mul3A_469 = arith.constant 128 : i32
      %mul3A_470 = arith.muli %scan3A_449, %mul3A_469 : i32
      %parallel_loop3A = arith.constant 0 : i32
      %parallel_loop3A_471 = arith.constant 8 : i32
      %parallel_loop3A_472 = arith.constant 1 : i32
      scf.for %parallel_loop3A_524 = %parallel_loop3A to %parallel_loop3A_471 step %parallel_loop3A_472  : i32 {
        %parallel_loop3A_525 = arith.constant 16 : i32
        %parallel_loop3A_526 = arith.muli %parallel_loop3A_524, %parallel_loop3A_525 : i32
        %parallel_loop3A_527 = arith.addi %mul3A_470, %parallel_loop3A_526 : i32
        %parallel_loop3A_528 = arith.index_cast %parallel_loop3A_527 : i32 to index
        %parallel_loop3A_529 = tpu.vector_load %arg11[%parallel_loop3A_528] {strides = array<i32>} : memref<8192xf32, #tpu.memory_space<vmem>>, vector<16xf32>,
        %parallel_loop3A_530 = arith.mulf %parallel_loop3A_529, %get3A_7 : vector<16xf32>
        %parallel_loop3A_531 = arith.addi %mul3A_470, %parallel_loop3A_526 : i32
        %parallel_loop3A_532 = arith.index_cast %parallel_loop3A_531 : i32 to index
        %parallel_loop3A_533 = tpu.vector_load %arg12[%parallel_loop3A_532] {strides = array<i32>} : memref<8192xf32, #tpu.memory_space<vmem>>, vector<16xf32>,
        %parallel_loop3A_534 = arith.mulf %parallel_loop3A_533, %get3A_7 : vector<16xf32>
        %parallel_loop3A_535 = arith.addi %mul3A_470, %parallel_loop3A_526 : i32
        %parallel_loop3A_536 = arith.index_cast %parallel_loop3A_535 : i32 to index
        %parallel_loop3A_537 = tpu.vector_load %arg13[%parallel_loop3A_536] {strides = array<i32>} : memref<8192xf32, #tpu.memory_space<vmem>>, vector<16xf32>,
        %parallel_loop3A_538 = arith.mulf %parallel_loop3A_537, %get3A_7 : vector<16xf32>
        %parallel_loop3A_539 = arith.fptosi %parallel_loop3A_530 : vector<16xf32> to vector<16xi32>
        %parallel_loop3A_540 = arith.sitofp %parallel_loop3A_539 : vector<16xi32> to vector<16xf32>
        %parallel_loop3A_541 = arith.subf %parallel_loop3A_530, %parallel_loop3A_540 : vector<16xf32>
        %parallel_loop3A_542 = arith.fptosi %parallel_loop3A_534 : vector<16xf32> to vector<16xi32>
        %parallel_loop3A_543 = arith.sitofp %parallel_loop3A_542 : vector<16xi32> to vector<16xf32>
        %parallel_loop3A_544 = arith.subf %parallel_loop3A_534, %parallel_loop3A_543 : vector<16xf32>
        %parallel_loop3A_545 = arith.fptosi %parallel_loop3A_538 : vector<16xf32> to vector<16xi32>
        %parallel_loop3A_546 = arith.sitofp %parallel_loop3A_545 : vector<16xi32> to vector<16xf32>
        %parallel_loop3A_547 = arith.subf %parallel_loop3A_538, %parallel_loop3A_546 : vector<16xf32>
        %parallel_loop3A_548 = arith.constant 1.000000e+00 : f32
        %parallel_loop3A_549 = vector.broadcast %parallel_loop3A_548 : f32 to vector<16xf32>
        %parallel_loop3A_550 = arith.subf %parallel_loop3A_549, %parallel_loop3A_541 : vector<16xf32>
        %parallel_loop3A_551 = arith.constant 1.000000e+00 : f32
        %parallel_loop3A_552 = vector.broadcast %parallel_loop3A_551 : f32 to vector<16xf32>
        %parallel_loop3A_553 = arith.subf %parallel_loop3A_552, %parallel_loop3A_544 : vector<16xf32>
        %parallel_loop3A_554 = arith.constant 1.000000e+00 : f32
        %parallel_loop3A_555 = vector.broadcast %parallel_loop3A_554 : f32 to vector<16xf32>
        %parallel_loop3A_556 = arith.subf %parallel_loop3A_555, %parallel_loop3A_547 : vector<16xf32>
        %parallel_loop3A_557 = arith.mulf %parallel_loop3A_550, %parallel_loop3A_553 : vector<16xf32>
        %parallel_loop3A_558 = arith.mulf %parallel_loop3A_550, %parallel_loop3A_544 : vector<16xf32>
        %parallel_loop3A_559 = arith.mulf %parallel_loop3A_541, %parallel_loop3A_553 : vector<16xf32>
        %parallel_loop3A_560 = arith.mulf %parallel_loop3A_541, %parallel_loop3A_544 : vector<16xf32>
        %parallel_loop3A_561 = arith.mulf %parallel_loop3A_557, %parallel_loop3A_556 : vector<16xf32>
        %parallel_loop3A_562 = arith.mulf %parallel_loop3A_557, %parallel_loop3A_547 : vector<16xf32>
        %parallel_loop3A_563 = arith.mulf %parallel_loop3A_558, %parallel_loop3A_556 : vector<16xf32>
        %parallel_loop3A_564 = arith.mulf %parallel_loop3A_558, %parallel_loop3A_547 : vector<16xf32>
        %parallel_loop3A_565 = arith.mulf %parallel_loop3A_559, %parallel_loop3A_556 : vector<16xf32>
        %parallel_loop3A_566 = arith.mulf %parallel_loop3A_559, %parallel_loop3A_547 : vector<16xf32>
        %parallel_loop3A_567 = arith.mulf %parallel_loop3A_560, %parallel_loop3A_556 : vector<16xf32>
        %parallel_loop3A_568 = arith.mulf %parallel_loop3A_560, %parallel_loop3A_547 : vector<16xf32>
        %parallel_loop3A_569 = arith.constant 8 : i32
        %parallel_loop3A_570 = vector.broadcast %parallel_loop3A_569 : i32 to vector<16xi32>
        %parallel_loop3A_571 = arith.muli %iota3A, %parallel_loop3A_570 : vector<16xi32>
        %parallel_loop3A_572 = arith.constant 8 : i32
        %parallel_loop3A_573 = arith.muli %parallel_loop3A_526, %parallel_loop3A_572 : i32
        %parallel_loop3A_574 = vector.broadcast %parallel_loop3A_573 : i32 to vector<16xi32>
        %parallel_loop3A_575 = arith.addi %parallel_loop3A_571, %parallel_loop3A_574 : vector<16xi32>
        %parallel_loop3A_576 = arith.constant 0 : i32
        %parallel_loop3A_577 = vector.broadcast %parallel_loop3A_576 : i32 to vector<16xi32>
        %parallel_loop3A_578 = arith.addi %parallel_loop3A_575, %parallel_loop3A_577 : vector<16xi32>
        tpu.vector_store_idx %arg14[%parallel_loop3A_578], %parallel_loop3A_561 : memref<1024xf32, #tpu.memory_space<vmem>>[vector<16xi32>], vector<16xf32>,
        %parallel_loop3A_579 = arith.constant 1 : i32
        %parallel_loop3A_580 = vector.broadcast %parallel_loop3A_579 : i32 to vector<16xi32>
        %parallel_loop3A_581 = arith.addi %parallel_loop3A_575, %parallel_loop3A_580 : vector<16xi32>
        tpu.vector_store_idx %arg14[%parallel_loop3A_581], %parallel_loop3A_562 : memref<1024xf32, #tpu.memory_space<vmem>>[vector<16xi32>], vector<16xf32>,
        %parallel_loop3A_582 = arith.constant 2 : i32
        %parallel_loop3A_583 = vector.broadcast %parallel_loop3A_582 : i32 to vector<16xi32>
        %parallel_loop3A_584 = arith.addi %parallel_loop3A_575, %parallel_loop3A_583 : vector<16xi32>
        tpu.vector_store_idx %arg14[%parallel_loop3A_584], %parallel_loop3A_563 : memref<1024xf32, #tpu.memory_space<vmem>>[vector<16xi32>], vector<16xf32>,
        %parallel_loop3A_585 = arith.constant 3 : i32
        %parallel_loop3A_586 = vector.broadcast %parallel_loop3A_585 : i32 to vector<16xi32>
        %parallel_loop3A_587 = arith.addi %parallel_loop3A_575, %parallel_loop3A_586 : vector<16xi32>
        tpu.vector_store_idx %arg14[%parallel_loop3A_587], %parallel_loop3A_564 : memref<1024xf32, #tpu.memory_space<vmem>>[vector<16xi32>], vector<16xf32>,
        %parallel_loop3A_588 = arith.constant 4 : i32
        %parallel_loop3A_589 = vector.broadcast %parallel_loop3A_588 : i32 to vector<16xi32>
        %parallel_loop3A_590 = arith.addi %parallel_loop3A_575, %parallel_loop3A_589 : vector<16xi32>
        tpu.vector_store_idx %arg14[%parallel_loop3A_590], %parallel_loop3A_565 : memref<1024xf32, #tpu.memory_space<vmem>>[vector<16xi32>], vector<16xf32>,
        %parallel_loop3A_591 = arith.constant 5 : i32
        %parallel_loop3A_592 = vector.broadcast %parallel_loop3A_591 : i32 to vector<16xi32>
        %parallel_loop3A_593 = arith.addi %parallel_loop3A_575, %parallel_loop3A_592 : vector<16xi32>
        tpu.vector_store_idx %arg14[%parallel_loop3A_593], %parallel_loop3A_566 : memref<1024xf32, #tpu.memory_space<vmem>>[vector<16xi32>], vector<16xf32>,
        %parallel_loop3A_594 = arith.constant 6 : i32
        %parallel_loop3A_595 = vector.broadcast %parallel_loop3A_594 : i32 to vector<16xi32>
        %parallel_loop3A_596 = arith.addi %parallel_loop3A_575, %parallel_loop3A_595 : vector<16xi32>
        tpu.vector_store_idx %arg14[%parallel_loop3A_596], %parallel_loop3A_567 : memref<1024xf32, #tpu.memory_space<vmem>>[vector<16xi32>], vector<16xf32>,
        %parallel_loop3A_597 = arith.constant 7 : i32
        %parallel_loop3A_598 = vector.broadcast %parallel_loop3A_597 : i32 to vector<16xi32>
        %parallel_loop3A_599 = arith.addi %parallel_loop3A_575, %parallel_loop3A_598 : vector<16xi32>
        tpu.vector_store_idx %arg14[%parallel_loop3A_599], %parallel_loop3A_568 : memref<1024xf32, #tpu.memory_space<vmem>>[vector<16xi32>], vector<16xf32>,
      } {sc.loop_unroll_factor = 4 : i64, sc.parallel_access}
      %parallel_loop3A_473 = arith.constant 0 : i32
      %parallel_loop3A_474 = arith.constant 64 : i32
      %parallel_loop3A_475 = arith.constant 1 : i32
      scf.for %parallel_loop3A_524 = %parallel_loop3A_473 to %parallel_loop3A_474 step %parallel_loop3A_475  : i32 {
        %parallel_loop3A_525 = arith.constant 2 : i32
        %parallel_loop3A_526 = arith.muli %parallel_loop3A_524, %parallel_loop3A_525 : i32
        %parallel_loop3A_527 = arith.constant 16 : i32
        %parallel_loop3A_528 = arith.muli %parallel_loop3A_524, %parallel_loop3A_527 : i32
        %parallel_loop3A_529 = arith.index_cast %parallel_loop3A_528 : i32 to index
        %parallel_loop3A_530 = tpu.vector_load %arg14[%parallel_loop3A_529] {strides = array<i32>} : memref<1024xf32, #tpu.memory_space<vmem>>, vector<16xf32>,
        %parallel_loop3A_531 = vector.extract_strided_slice %parallel_loop3A_530 {offsets = [0], sizes = [1], strides = [1]} : vector<16xf32> to vector<1xf32>
        %parallel_loop3A_532 = vector.extract %parallel_loop3A_531[0] : f32 from vector<1xf32>
        %parallel_loop3A_533 = arith.index_cast %and3A_450 : i32 to index
        %parallel_loop3A_534 = arith.index_cast %parallel_loop3A_526 : i32 to index
        %parallel_loop3A_535 = arith.constant 0 : index
        %parallel_loop3A_536 = tpu.vector_load %arg10[%parallel_loop3A_533, %parallel_loop3A_534, %parallel_loop3A_535] {strides = array<i32>} : memref<4x1024x16xf32, #tpu.memory_space<vmem>>, vector<16xf32>,
        %parallel_loop3A_537 = vector.broadcast %parallel_loop3A_532 : f32 to vector<16xf32>
        %parallel_loop3A_538 = arith.mulf %parallel_loop3A_537, %parallel_loop3A_536 : vector<16xf32>
        %parallel_loop3A_539 = vector.extract_strided_slice %parallel_loop3A_530 {offsets = [8], sizes = [1], strides = [1]} : vector<16xf32> to vector<1xf32>
        %parallel_loop3A_540 = vector.extract %parallel_loop3A_539[0] : f32 from vector<1xf32>
        %parallel_loop3A_541 = arith.constant 1 : i32
        %parallel_loop3A_542 = arith.addi %parallel_loop3A_526, %parallel_loop3A_541 : i32
        %parallel_loop3A_543 = arith.index_cast %and3A_450 : i32 to index
        %parallel_loop3A_544 = arith.index_cast %parallel_loop3A_542 : i32 to index
        %parallel_loop3A_545 = arith.constant 0 : index
        %parallel_loop3A_546 = tpu.vector_load %arg10[%parallel_loop3A_543, %parallel_loop3A_544, %parallel_loop3A_545] {strides = array<i32>} : memref<4x1024x16xf32, #tpu.memory_space<vmem>>, vector<16xf32>,
        %parallel_loop3A_547 = vector.broadcast %parallel_loop3A_540 : f32 to vector<16xf32>
        %parallel_loop3A_548 = arith.mulf %parallel_loop3A_547, %parallel_loop3A_546 : vector<16xf32>
        %parallel_loop3A_549 = vector.extract_strided_slice %parallel_loop3A_530 {offsets = [1], sizes = [1], strides = [1]} : vector<16xf32> to vector<1xf32>
        %parallel_loop3A_550 = vector.extract %parallel_loop3A_549[0] : f32 from vector<1xf32>
        %parallel_loop3A_551 = arith.constant 128 : i32
        %parallel_loop3A_552 = arith.addi %parallel_loop3A_551, %parallel_loop3A_526 : i32
        %parallel_loop3A_553 = arith.index_cast %and3A_450 : i32 to index
        %parallel_loop3A_554 = arith.index_cast %parallel_loop3A_552 : i32 to index
        %parallel_loop3A_555 = arith.constant 0 : index
        %parallel_loop3A_556 = tpu.vector_load %arg10[%parallel_loop3A_553, %parallel_loop3A_554, %parallel_loop3A_555] {strides = array<i32>} : memref<4x1024x16xf32, #tpu.memory_space<vmem>>, vector<16xf32>,
        %parallel_loop3A_557 = vector.broadcast %parallel_loop3A_550 : f32 to vector<16xf32>
        %parallel_loop3A_558 = arith.mulf %parallel_loop3A_557, %parallel_loop3A_556 : vector<16xf32>
        %parallel_loop3A_559 = arith.addf %parallel_loop3A_538, %parallel_loop3A_558 : vector<16xf32>
        %parallel_loop3A_560 = vector.extract_strided_slice %parallel_loop3A_530 {offsets = [9], sizes = [1], strides = [1]} : vector<16xf32> to vector<1xf32>
        %parallel_loop3A_561 = vector.extract %parallel_loop3A_560[0] : f32 from vector<1xf32>
        %parallel_loop3A_562 = arith.constant 128 : i32
        %parallel_loop3A_563 = arith.addi %parallel_loop3A_562, %parallel_loop3A_526 : i32
        %parallel_loop3A_564 = arith.constant 1 : i32
        %parallel_loop3A_565 = arith.addi %parallel_loop3A_563, %parallel_loop3A_564 : i32
        %parallel_loop3A_566 = arith.index_cast %and3A_450 : i32 to index
        %parallel_loop3A_567 = arith.index_cast %parallel_loop3A_565 : i32 to index
        %parallel_loop3A_568 = arith.constant 0 : index
        %parallel_loop3A_569 = tpu.vector_load %arg10[%parallel_loop3A_566, %parallel_loop3A_567, %parallel_loop3A_568] {strides = array<i32>} : memref<4x1024x16xf32, #tpu.memory_space<vmem>>, vector<16xf32>,
        %parallel_loop3A_570 = vector.broadcast %parallel_loop3A_561 : f32 to vector<16xf32>
        %parallel_loop3A_571 = arith.mulf %parallel_loop3A_570, %parallel_loop3A_569 : vector<16xf32>
        %parallel_loop3A_572 = arith.addf %parallel_loop3A_548, %parallel_loop3A_571 : vector<16xf32>
        %parallel_loop3A_573 = vector.extract_strided_slice %parallel_loop3A_530 {offsets = [2], sizes = [1], strides = [1]} : vector<16xf32> to vector<1xf32>
        %parallel_loop3A_574 = vector.extract %parallel_loop3A_573[0] : f32 from vector<1xf32>
        %parallel_loop3A_575 = arith.constant 256 : i32
        %parallel_loop3A_576 = arith.addi %parallel_loop3A_575, %parallel_loop3A_526 : i32
        %parallel_loop3A_577 = arith.index_cast %and3A_450 : i32 to index
        %parallel_loop3A_578 = arith.index_cast %parallel_loop3A_576 : i32 to index
        %parallel_loop3A_579 = arith.constant 0 : index
        %parallel_loop3A_580 = tpu.vector_load %arg10[%parallel_loop3A_577, %parallel_loop3A_578, %parallel_loop3A_579] {strides = array<i32>} : memref<4x1024x16xf32, #tpu.memory_space<vmem>>, vector<16xf32>,
        %parallel_loop3A_581 = vector.broadcast %parallel_loop3A_574 : f32 to vector<16xf32>
        %parallel_loop3A_582 = arith.mulf %parallel_loop3A_581, %parallel_loop3A_580 : vector<16xf32>
        %parallel_loop3A_583 = arith.addf %parallel_loop3A_559, %parallel_loop3A_582 : vector<16xf32>
        %parallel_loop3A_584 = vector.extract_strided_slice %parallel_loop3A_530 {offsets = [10], sizes = [1], strides = [1]} : vector<16xf32> to vector<1xf32>
        %parallel_loop3A_585 = vector.extract %parallel_loop3A_584[0] : f32 from vector<1xf32>
        %parallel_loop3A_586 = arith.constant 256 : i32
        %parallel_loop3A_587 = arith.addi %parallel_loop3A_586, %parallel_loop3A_526 : i32
        %parallel_loop3A_588 = arith.constant 1 : i32
        %parallel_loop3A_589 = arith.addi %parallel_loop3A_587, %parallel_loop3A_588 : i32
        %parallel_loop3A_590 = arith.index_cast %and3A_450 : i32 to index
        %parallel_loop3A_591 = arith.index_cast %parallel_loop3A_589 : i32 to index
        %parallel_loop3A_592 = arith.constant 0 : index
        %parallel_loop3A_593 = tpu.vector_load %arg10[%parallel_loop3A_590, %parallel_loop3A_591, %parallel_loop3A_592] {strides = array<i32>} : memref<4x1024x16xf32, #tpu.memory_space<vmem>>, vector<16xf32>,
        %parallel_loop3A_594 = vector.broadcast %parallel_loop3A_585 : f32 to vector<16xf32>
        %parallel_loop3A_595 = arith.mulf %parallel_loop3A_594, %parallel_loop3A_593 : vector<16xf32>
        %parallel_loop3A_596 = arith.addf %parallel_loop3A_572, %parallel_loop3A_595 : vector<16xf32>
        %parallel_loop3A_597 = vector.extract_strided_slice %parallel_loop3A_530 {offsets = [3], sizes = [1], strides = [1]} : vector<16xf32> to vector<1xf32>
        %parallel_loop3A_598 = vector.extract %parallel_loop3A_597[0] : f32 from vector<1xf32>
        %parallel_loop3A_599 = arith.constant 384 : i32
        %parallel_loop3A_600 = arith.addi %parallel_loop3A_599, %parallel_loop3A_526 : i32
        %parallel_loop3A_601 = arith.index_cast %and3A_450 : i32 to index
        %parallel_loop3A_602 = arith.index_cast %parallel_loop3A_600 : i32 to index
        %parallel_loop3A_603 = arith.constant 0 : index
        %parallel_loop3A_604 = tpu.vector_load %arg10[%parallel_loop3A_601, %parallel_loop3A_602, %parallel_loop3A_603] {strides = array<i32>} : memref<4x1024x16xf32, #tpu.memory_space<vmem>>, vector<16xf32>,
        %parallel_loop3A_605 = vector.broadcast %parallel_loop3A_598 : f32 to vector<16xf32>
        %parallel_loop3A_606 = arith.mulf %parallel_loop3A_605, %parallel_loop3A_604 : vector<16xf32>
        %parallel_loop3A_607 = arith.addf %parallel_loop3A_583, %parallel_loop3A_606 : vector<16xf32>
        %parallel_loop3A_608 = vector.extract_strided_slice %parallel_loop3A_530 {offsets = [11], sizes = [1], strides = [1]} : vector<16xf32> to vector<1xf32>
        %parallel_loop3A_609 = vector.extract %parallel_loop3A_608[0] : f32 from vector<1xf32>
        %parallel_loop3A_610 = arith.constant 384 : i32
        %parallel_loop3A_611 = arith.addi %parallel_loop3A_610, %parallel_loop3A_526 : i32
        %parallel_loop3A_612 = arith.constant 1 : i32
        %parallel_loop3A_613 = arith.addi %parallel_loop3A_611, %parallel_loop3A_612 : i32
        %parallel_loop3A_614 = arith.index_cast %and3A_450 : i32 to index
        %parallel_loop3A_615 = arith.index_cast %parallel_loop3A_613 : i32 to index
        %parallel_loop3A_616 = arith.constant 0 : index
        %parallel_loop3A_617 = tpu.vector_load %arg10[%parallel_loop3A_614, %parallel_loop3A_615, %parallel_loop3A_616] {strides = array<i32>} : memref<4x1024x16xf32, #tpu.memory_space<vmem>>, vector<16xf32>,
        %parallel_loop3A_618 = vector.broadcast %parallel_loop3A_609 : f32 to vector<16xf32>
        %parallel_loop3A_619 = arith.mulf %parallel_loop3A_618, %parallel_loop3A_617 : vector<16xf32>
        %parallel_loop3A_620 = arith.addf %parallel_loop3A_596, %parallel_loop3A_619 : vector<16xf32>
        %parallel_loop3A_621 = vector.extract_strided_slice %parallel_loop3A_530 {offsets = [4], sizes = [1], strides = [1]} : vector<16xf32> to vector<1xf32>
        %parallel_loop3A_622 = vector.extract %parallel_loop3A_621[0] : f32 from vector<1xf32>
        %parallel_loop3A_623 = arith.constant 512 : i32
        %parallel_loop3A_624 = arith.addi %parallel_loop3A_623, %parallel_loop3A_526 : i32
        %parallel_loop3A_625 = arith.index_cast %and3A_450 : i32 to index
        %parallel_loop3A_626 = arith.index_cast %parallel_loop3A_624 : i32 to index
        %parallel_loop3A_627 = arith.constant 0 : index
        %parallel_loop3A_628 = tpu.vector_load %arg10[%parallel_loop3A_625, %parallel_loop3A_626, %parallel_loop3A_627] {strides = array<i32>} : memref<4x1024x16xf32, #tpu.memory_space<vmem>>, vector<16xf32>,
        %parallel_loop3A_629 = vector.broadcast %parallel_loop3A_622 : f32 to vector<16xf32>
        %parallel_loop3A_630 = arith.mulf %parallel_loop3A_629, %parallel_loop3A_628 : vector<16xf32>
        %parallel_loop3A_631 = arith.addf %parallel_loop3A_607, %parallel_loop3A_630 : vector<16xf32>
        %parallel_loop3A_632 = vector.extract_strided_slice %parallel_loop3A_530 {offsets = [12], sizes = [1], strides = [1]} : vector<16xf32> to vector<1xf32>
        %parallel_loop3A_633 = vector.extract %parallel_loop3A_632[0] : f32 from vector<1xf32>
        %parallel_loop3A_634 = arith.constant 512 : i32
        %parallel_loop3A_635 = arith.addi %parallel_loop3A_634, %parallel_loop3A_526 : i32
        %parallel_loop3A_636 = arith.constant 1 : i32
        %parallel_loop3A_637 = arith.addi %parallel_loop3A_635, %parallel_loop3A_636 : i32
        %parallel_loop3A_638 = arith.index_cast %and3A_450 : i32 to index
        %parallel_loop3A_639 = arith.index_cast %parallel_loop3A_637 : i32 to index
        %parallel_loop3A_640 = arith.constant 0 : index
        %parallel_loop3A_641 = tpu.vector_load %arg10[%parallel_loop3A_638, %parallel_loop3A_639, %parallel_loop3A_640] {strides = array<i32>} : memref<4x1024x16xf32, #tpu.memory_space<vmem>>, vector<16xf32>,
        %parallel_loop3A_642 = vector.broadcast %parallel_loop3A_633 : f32 to vector<16xf32>
        %parallel_loop3A_643 = arith.mulf %parallel_loop3A_642, %parallel_loop3A_641 : vector<16xf32>
        %parallel_loop3A_644 = arith.addf %parallel_loop3A_620, %parallel_loop3A_643 : vector<16xf32>
        %parallel_loop3A_645 = vector.extract_strided_slice %parallel_loop3A_530 {offsets = [5], sizes = [1], strides = [1]} : vector<16xf32> to vector<1xf32>
        %parallel_loop3A_646 = vector.extract %parallel_loop3A_645[0] : f32 from vector<1xf32>
        %parallel_loop3A_647 = arith.constant 640 : i32
        %parallel_loop3A_648 = arith.addi %parallel_loop3A_647, %parallel_loop3A_526 : i32
        %parallel_loop3A_649 = arith.index_cast %and3A_450 : i32 to index
        %parallel_loop3A_650 = arith.index_cast %parallel_loop3A_648 : i32 to index
        %parallel_loop3A_651 = arith.constant 0 : index
        %parallel_loop3A_652 = tpu.vector_load %arg10[%parallel_loop3A_649, %parallel_loop3A_650, %parallel_loop3A_651] {strides = array<i32>} : memref<4x1024x16xf32, #tpu.memory_space<vmem>>, vector<16xf32>,
        %parallel_loop3A_653 = vector.broadcast %parallel_loop3A_646 : f32 to vector<16xf32>
        %parallel_loop3A_654 = arith.mulf %parallel_loop3A_653, %parallel_loop3A_652 : vector<16xf32>
        %parallel_loop3A_655 = arith.addf %parallel_loop3A_631, %parallel_loop3A_654 : vector<16xf32>
        %parallel_loop3A_656 = vector.extract_strided_slice %parallel_loop3A_530 {offsets = [13], sizes = [1], strides = [1]} : vector<16xf32> to vector<1xf32>
        %parallel_loop3A_657 = vector.extract %parallel_loop3A_656[0] : f32 from vector<1xf32>
        %parallel_loop3A_658 = arith.constant 640 : i32
        %parallel_loop3A_659 = arith.addi %parallel_loop3A_658, %parallel_loop3A_526 : i32
        %parallel_loop3A_660 = arith.constant 1 : i32
        %parallel_loop3A_661 = arith.addi %parallel_loop3A_659, %parallel_loop3A_660 : i32
        %parallel_loop3A_662 = arith.index_cast %and3A_450 : i32 to index
        %parallel_loop3A_663 = arith.index_cast %parallel_loop3A_661 : i32 to index
        %parallel_loop3A_664 = arith.constant 0 : index
        %parallel_loop3A_665 = tpu.vector_load %arg10[%parallel_loop3A_662, %parallel_loop3A_663, %parallel_loop3A_664] {strides = array<i32>} : memref<4x1024x16xf32, #tpu.memory_space<vmem>>, vector<16xf32>,
        %parallel_loop3A_666 = vector.broadcast %parallel_loop3A_657 : f32 to vector<16xf32>
        %parallel_loop3A_667 = arith.mulf %parallel_loop3A_666, %parallel_loop3A_665 : vector<16xf32>
        %parallel_loop3A_668 = arith.addf %parallel_loop3A_644, %parallel_loop3A_667 : vector<16xf32>
        %parallel_loop3A_669 = vector.extract_strided_slice %parallel_loop3A_530 {offsets = [6], sizes = [1], strides = [1]} : vector<16xf32> to vector<1xf32>
        %parallel_loop3A_670 = vector.extract %parallel_loop3A_669[0] : f32 from vector<1xf32>
        %parallel_loop3A_671 = arith.constant 768 : i32
        %parallel_loop3A_672 = arith.addi %parallel_loop3A_671, %parallel_loop3A_526 : i32
        %parallel_loop3A_673 = arith.index_cast %and3A_450 : i32 to index
        %parallel_loop3A_674 = arith.index_cast %parallel_loop3A_672 : i32 to index
        %parallel_loop3A_675 = arith.constant 0 : index
        %parallel_loop3A_676 = tpu.vector_load %arg10[%parallel_loop3A_673, %parallel_loop3A_674, %parallel_loop3A_675] {strides = array<i32>} : memref<4x1024x16xf32, #tpu.memory_space<vmem>>, vector<16xf32>,
        %parallel_loop3A_677 = vector.broadcast %parallel_loop3A_670 : f32 to vector<16xf32>
        %parallel_loop3A_678 = arith.mulf %parallel_loop3A_677, %parallel_loop3A_676 : vector<16xf32>
        %parallel_loop3A_679 = arith.addf %parallel_loop3A_655, %parallel_loop3A_678 : vector<16xf32>
        %parallel_loop3A_680 = vector.extract_strided_slice %parallel_loop3A_530 {offsets = [14], sizes = [1], strides = [1]} : vector<16xf32> to vector<1xf32>
        %parallel_loop3A_681 = vector.extract %parallel_loop3A_680[0] : f32 from vector<1xf32>
        %parallel_loop3A_682 = arith.constant 768 : i32
        %parallel_loop3A_683 = arith.addi %parallel_loop3A_682, %parallel_loop3A_526 : i32
        %parallel_loop3A_684 = arith.constant 1 : i32
        %parallel_loop3A_685 = arith.addi %parallel_loop3A_683, %parallel_loop3A_684 : i32
        %parallel_loop3A_686 = arith.index_cast %and3A_450 : i32 to index
        %parallel_loop3A_687 = arith.index_cast %parallel_loop3A_685 : i32 to index
        %parallel_loop3A_688 = arith.constant 0 : index
        %parallel_loop3A_689 = tpu.vector_load %arg10[%parallel_loop3A_686, %parallel_loop3A_687, %parallel_loop3A_688] {strides = array<i32>} : memref<4x1024x16xf32, #tpu.memory_space<vmem>>, vector<16xf32>,
        %parallel_loop3A_690 = vector.broadcast %parallel_loop3A_681 : f32 to vector<16xf32>
        %parallel_loop3A_691 = arith.mulf %parallel_loop3A_690, %parallel_loop3A_689 : vector<16xf32>
        %parallel_loop3A_692 = arith.addf %parallel_loop3A_668, %parallel_loop3A_691 : vector<16xf32>
        %parallel_loop3A_693 = vector.extract_strided_slice %parallel_loop3A_530 {offsets = [7], sizes = [1], strides = [1]} : vector<16xf32> to vector<1xf32>
        %parallel_loop3A_694 = vector.extract %parallel_loop3A_693[0] : f32 from vector<1xf32>
        %parallel_loop3A_695 = arith.constant 896 : i32
        %parallel_loop3A_696 = arith.addi %parallel_loop3A_695, %parallel_loop3A_526 : i32
        %parallel_loop3A_697 = arith.index_cast %and3A_450 : i32 to index
        %parallel_loop3A_698 = arith.index_cast %parallel_loop3A_696 : i32 to index
        %parallel_loop3A_699 = arith.constant 0 : index
        %parallel_loop3A_700 = tpu.vector_load %arg10[%parallel_loop3A_697, %parallel_loop3A_698, %parallel_loop3A_699] {strides = array<i32>} : memref<4x1024x16xf32, #tpu.memory_space<vmem>>, vector<16xf32>,
        %parallel_loop3A_701 = vector.broadcast %parallel_loop3A_694 : f32 to vector<16xf32>
        %parallel_loop3A_702 = arith.mulf %parallel_loop3A_701, %parallel_loop3A_700 : vector<16xf32>
        %parallel_loop3A_703 = arith.addf %parallel_loop3A_679, %parallel_loop3A_702 : vector<16xf32>
        %parallel_loop3A_704 = vector.extract_strided_slice %parallel_loop3A_530 {offsets = [15], sizes = [1], strides = [1]} : vector<16xf32> to vector<1xf32>
        %parallel_loop3A_705 = vector.extract %parallel_loop3A_704[0] : f32 from vector<1xf32>
        %parallel_loop3A_706 = arith.constant 896 : i32
        %parallel_loop3A_707 = arith.addi %parallel_loop3A_706, %parallel_loop3A_526 : i32
        %parallel_loop3A_708 = arith.constant 1 : i32
        %parallel_loop3A_709 = arith.addi %parallel_loop3A_707, %parallel_loop3A_708 : i32
        %parallel_loop3A_710 = arith.index_cast %and3A_450 : i32 to index
        %parallel_loop3A_711 = arith.index_cast %parallel_loop3A_709 : i32 to index
        %parallel_loop3A_712 = arith.constant 0 : index
        %parallel_loop3A_713 = tpu.vector_load %arg10[%parallel_loop3A_710, %parallel_loop3A_711, %parallel_loop3A_712] {strides = array<i32>} : memref<4x1024x16xf32, #tpu.memory_space<vmem>>, vector<16xf32>,
        %parallel_loop3A_714 = vector.broadcast %parallel_loop3A_705 : f32 to vector<16xf32>
        %parallel_loop3A_715 = arith.mulf %parallel_loop3A_714, %parallel_loop3A_713 : vector<16xf32>
        %parallel_loop3A_716 = arith.addf %parallel_loop3A_692, %parallel_loop3A_715 : vector<16xf32>
        %parallel_loop3A_717 = arith.index_cast %parallel_loop3A_526 : i32 to index
        %parallel_loop3A_718 = arith.constant 0 : index
        %parallel_loop3A_719 = tpu.vector_load %arg15[%parallel_loop3A_717, %parallel_loop3A_718] {strides = array<i32>} : memref<128x17xf32, #tpu.memory_space<vmem>>, vector<16xf32>,
        tpu.vector_store %arg15[%parallel_loop3A_717, %parallel_loop3A_718], %parallel_loop3A_703 {strides = array<i32>} : memref<128x17xf32, #tpu.memory_space<vmem>>, vector<16xf32>,
        %parallel_loop3A_720 = arith.constant 1 : i32
        %parallel_loop3A_721 = arith.addi %parallel_loop3A_526, %parallel_loop3A_720 : i32
        %parallel_loop3A_722 = arith.index_cast %parallel_loop3A_721 : i32 to index
        %parallel_loop3A_723 = arith.constant 0 : index
        %parallel_loop3A_724 = tpu.vector_load %arg15[%parallel_loop3A_722, %parallel_loop3A_723] {strides = array<i32>} : memref<128x17xf32, #tpu.memory_space<vmem>>, vector<16xf32>,
        tpu.vector_store %arg15[%parallel_loop3A_722, %parallel_loop3A_723], %parallel_loop3A_716 {strides = array<i32>} : memref<128x17xf32, #tpu.memory_space<vmem>>, vector<16xf32>,
      } {sc.loop_unroll_factor = 8 : i64, sc.parallel_access}
      %and3A_476 = arith.constant 1 : i32
      %and3A_477 = arith.andi %scan3A_449, %and3A_476 : i32
      %ge3A = arith.constant 2 : i32
      %ge3A_478 = arith.cmpi sge, %scan3A_449, %ge3A : i32
      %convert_element_type3A_479 = arith.extui %ge3A_478 : i1 to i32
      %cond3A_480 = arith.constant 0 : i32
      %cond3A_481 = arith.cmpi ne, %convert_element_type3A_479, %cond3A_480 : i32
      scf.if %cond3A_481 {
        %dma_wait3A_524 = arith.constant 0 : i32
        %dma_wait3A_525 = arith.constant 0 : i32
        %dma_wait3A_526 = arith.constant 0 : i32
        %dma_wait3A_527 = tpu.memref_slice %arg16[%and3A_477, %dma_wait3A_525, %dma_wait3A_526] : memref<2x16x128xf32, #tpu.memory_space<vmem>> -> memref<1x16x128xf32, #tpu.memory_space<vmem>>
        %dma_wait3A_528 = tpu.memref_squeeze %dma_wait3A_527 : memref<1x16x128xf32, #tpu.memory_space<vmem>> -> memref<16x128xf32, #tpu.memory_space<vmem>>
        %dma_wait3A_529 = arith.constant 0 : i32
        %dma_wait3A_530 = arith.constant 0 : i32
        %dma_wait3A_531 = arith.constant 0 : i32
        %dma_wait3A_532 = tpu.memref_slice %arg8[%dma_wait3A_524, %dma_wait3A_529, %dma_wait3A_530, %dma_wait3A_531] : memref<2x2048x8x128xf32, #tpu.memory_space<hbm>> -> memref<1x2x8x128xf32, #tpu.memory_space<hbm>>
        %dma_wait3A_533 = tpu.memref_squeeze %dma_wait3A_532 : memref<1x2x8x128xf32, #tpu.memory_space<hbm>> -> memref<2x8x128xf32, #tpu.memory_space<hbm>>
        %dma_wait3A_534 = tpu.memref_slice %arg19[%and3A_477] : memref<2x!tpu.dma_semaphore, #tpu.memory_space<semaphore_mem>> -> memref<1x!tpu.dma_semaphore, #tpu.memory_space<semaphore_mem>>
        %dma_wait3A_535 = tpu.memref_squeeze %dma_wait3A_534 : memref<1x!tpu.dma_semaphore, #tpu.memory_space<semaphore_mem>> -> memref<!tpu.dma_semaphore, #tpu.memory_space<semaphore_mem>>
        %dma_wait3A_536 = arith.constant 0 : i32
        %dma_wait3A_537 = arith.constant 0 : i32
        %dma_wait3A_538 = arith.constant 0 : i32
        %dma_wait3A_539 = tpu.memref_slice %arg8[%dma_wait3A_524, %dma_wait3A_536, %dma_wait3A_537, %dma_wait3A_538] : memref<2x2048x8x128xf32, #tpu.memory_space<hbm>> -> memref<1x2x8x128xf32, #tpu.memory_space<hbm>>
        %dma_wait3A_540 = tpu.memref_squeeze %dma_wait3A_539 : memref<1x2x8x128xf32, #tpu.memory_space<hbm>> -> memref<2x8x128xf32, #tpu.memory_space<hbm>>
        %dma_wait3A_541 = arith.constant 0 : i32
        %dma_wait3A_542 = arith.constant 0 : i32
        %dma_wait3A_543 = tpu.memref_slice %arg16[%and3A_477, %dma_wait3A_541, %dma_wait3A_542] : memref<2x16x128xf32, #tpu.memory_space<vmem>> -> memref<1x16x128xf32, #tpu.memory_space<vmem>>
        %dma_wait3A_544 = tpu.memref_squeeze %dma_wait3A_543 : memref<1x16x128xf32, #tpu.memory_space<vmem>> -> memref<16x128xf32, #tpu.memory_space<vmem>>
        tpu.wait_dma2 semaphore(%dma_wait3A_535 : memref<!tpu.dma_semaphore, #tpu.memory_space<semaphore_mem>>) src(%dma_wait3A_544 : memref<16x128xf32, #tpu.memory_space<vmem>>) dst(%dma_wait3A_540 : memref<2x8x128xf32, #tpu.memory_space<hbm>>)
      } else {
      }
      %parallel_loop3A_482 = arith.constant 0 : i32
      %parallel_loop3A_483 = arith.constant 128 : i32
      %parallel_loop3A_484 = arith.constant 1 : i32
      scf.for %parallel_loop3A_524 = %parallel_loop3A_482 to %parallel_loop3A_483 step %parallel_loop3A_484  : i32 {
        %parallel_loop3A_525 = arith.constant 8 : i32
        %parallel_loop3A_526 = arith.divsi %parallel_loop3A_524, %parallel_loop3A_525 : i32
        %parallel_loop3A_527 = arith.constant 8 : i32
        %parallel_loop3A_528 = arith.remsi %parallel_loop3A_524, %parallel_loop3A_527 : i32
        %parallel_loop3A_529 = arith.constant 16 : i32
        %parallel_loop3A_530 = arith.muli %parallel_loop3A_528, %parallel_loop3A_529 : i32
        %parallel_loop3A_531 = vector.broadcast %parallel_loop3A_530 : i32 to vector<16xi32>
        %parallel_loop3A_532 = arith.addi %parallel_loop3A_531, %iota3A : vector<16xi32>
        %parallel_loop3A_533 = arith.constant 0 : i32
        %parallel_loop3A_534 = vector.broadcast %parallel_loop3A_533 : i32 to vector<16xi32>
        %parallel_loop3A_535 = arith.muli %iota3A, %parallel_loop3A_534 : vector<16xi32>
        %parallel_loop3A_536 = vector.broadcast %parallel_loop3A_526 : i32 to vector<16xi32>
        %parallel_loop3A_537 = arith.addi %parallel_loop3A_535, %parallel_loop3A_536 : vector<16xi32>
        %parallel_loop3A_538 = tpu.vector_load_idx %arg15[%parallel_loop3A_532, %parallel_loop3A_537] : memref<128x17xf32, #tpu.memory_space<vmem>>[vector<16xi32>, vector<16xi32>], vector<16xf32>,
        %parallel_loop3A_539 = arith.constant 16 : i32
        %parallel_loop3A_540 = arith.muli %parallel_loop3A_528, %parallel_loop3A_539 : i32
        %parallel_loop3A_541 = arith.index_cast %and3A_477 : i32 to index
        %parallel_loop3A_542 = arith.index_cast %parallel_loop3A_526 : i32 to index
        %parallel_loop3A_543 = arith.index_cast %parallel_loop3A_540 : i32 to index
        %parallel_loop3A_544 = tpu.vector_load %arg16[%parallel_loop3A_541, %parallel_loop3A_542, %parallel_loop3A_543] {strides = array<i32>} : memref<2x16x128xf32, #tpu.memory_space<vmem>>, vector<16xf32>,
        tpu.vector_store %arg16[%parallel_loop3A_541, %parallel_loop3A_542, %parallel_loop3A_543], %parallel_loop3A_538 {strides = array<i32>} : memref<2x16x128xf32, #tpu.memory_space<vmem>>, vector<16xf32>,
      } {sc.loop_unroll_factor = 8 : i64, sc.parallel_access}
      %add3A_485 = arith.addi %mul3A_2, %scan3A_449 : i32
      %dma_start3A_486 = arith.constant 0 : i32
      %dma_start3A_487 = arith.constant 0 : i32
      %dma_start3A_488 = arith.constant 0 : i32
      %dma_start3A_489 = tpu.memref_slice %arg16[%and3A_477, %dma_start3A_487, %dma_start3A_488] : memref<2x16x128xf32, #tpu.memory_space<vmem>> -> memref<1x8x128xf32, #tpu.memory_space<vmem>>
      %dma_start3A_490 = tpu.memref_squeeze %dma_start3A_489 : memref<1x8x128xf32, #tpu.memory_space<vmem>> -> memref<8x128xf32, #tpu.memory_space<vmem>>
      %dma_start3A_491 = arith.constant 0 : i32
      %dma_start3A_492 = arith.constant 0 : i32
      %dma_start3A_493 = tpu.memref_slice %arg8[%dma_start3A_486, %add3A_485, %dma_start3A_491, %dma_start3A_492] : memref<2x2048x8x128xf32, #tpu.memory_space<hbm>> -> memref<1x1x8x128xf32, #tpu.memory_space<hbm>>
      %dma_start3A_494 = tpu.memref_squeeze %dma_start3A_493 : memref<1x1x8x128xf32, #tpu.memory_space<hbm>> -> memref<8x128xf32, #tpu.memory_space<hbm>>
      %dma_start3A_495 = tpu.memref_slice %arg19[%and3A_477] : memref<2x!tpu.dma_semaphore, #tpu.memory_space<semaphore_mem>> -> memref<1x!tpu.dma_semaphore, #tpu.memory_space<semaphore_mem>>
      %dma_start3A_496 = tpu.memref_squeeze %dma_start3A_495 : memref<1x!tpu.dma_semaphore, #tpu.memory_space<semaphore_mem>> -> memref<!tpu.dma_semaphore, #tpu.memory_space<semaphore_mem>>
      %dma_start3A_497 = arith.constant 0 : i32
      %dma_start3A_498 = arith.constant 0 : i32
      %dma_start3A_499 = tpu.memref_slice %arg8[%dma_start3A_486, %add3A_485, %dma_start3A_497, %dma_start3A_498] : memref<2x2048x8x128xf32, #tpu.memory_space<hbm>> -> memref<1x1x8x128xf32, #tpu.memory_space<hbm>>
      %dma_start3A_500 = tpu.memref_squeeze %dma_start3A_499 : memref<1x1x8x128xf32, #tpu.memory_space<hbm>> -> memref<8x128xf32, #tpu.memory_space<hbm>>
      %dma_start3A_501 = arith.constant 0 : i32
      %dma_start3A_502 = arith.constant 0 : i32
      %dma_start3A_503 = tpu.memref_slice %arg16[%and3A_477, %dma_start3A_501, %dma_start3A_502] : memref<2x16x128xf32, #tpu.memory_space<vmem>> -> memref<1x8x128xf32, #tpu.memory_space<vmem>>
      %dma_start3A_504 = tpu.memref_squeeze %dma_start3A_503 : memref<1x8x128xf32, #tpu.memory_space<vmem>> -> memref<8x128xf32, #tpu.memory_space<vmem>>
      tpu.enqueue_dma source(%dma_start3A_504 : memref<8x128xf32, #tpu.memory_space<vmem>>) target(%dma_start3A_500 : memref<8x128xf32, #tpu.memory_space<hbm>>) target_semaphore(%dma_start3A_496 : memref<!tpu.dma_semaphore, #tpu.memory_space<semaphore_mem>>)
      %dma_start3A_505 = arith.constant 1 : i32
      %dma_start3A_506 = arith.constant 8 : i32
      %dma_start3A_507 = arith.constant 0 : i32
      %dma_start3A_508 = tpu.memref_slice %arg16[%and3A_477, %dma_start3A_506, %dma_start3A_507] : memref<2x16x128xf32, #tpu.memory_space<vmem>> -> memref<1x8x128xf32, #tpu.memory_space<vmem>>
      %dma_start3A_509 = tpu.memref_squeeze %dma_start3A_508 : memref<1x8x128xf32, #tpu.memory_space<vmem>> -> memref<8x128xf32, #tpu.memory_space<vmem>>
      %dma_start3A_510 = arith.constant 0 : i32
      %dma_start3A_511 = arith.constant 0 : i32
      %dma_start3A_512 = tpu.memref_slice %arg8[%dma_start3A_505, %add3A_485, %dma_start3A_510, %dma_start3A_511] : memref<2x2048x8x128xf32, #tpu.memory_space<hbm>> -> memref<1x1x8x128xf32, #tpu.memory_space<hbm>>
      %dma_start3A_513 = tpu.memref_squeeze %dma_start3A_512 : memref<1x1x8x128xf32, #tpu.memory_space<hbm>> -> memref<8x128xf32, #tpu.memory_space<hbm>>
      %dma_start3A_514 = tpu.memref_slice %arg19[%and3A_477] : memref<2x!tpu.dma_semaphore, #tpu.memory_space<semaphore_mem>> -> memref<1x!tpu.dma_semaphore, #tpu.memory_space<semaphore_mem>>
      %dma_start3A_515 = tpu.memref_squeeze %dma_start3A_514 : memref<1x!tpu.dma_semaphore, #tpu.memory_space<semaphore_mem>> -> memref<!tpu.dma_semaphore, #tpu.memory_space<semaphore_mem>>
      %dma_start3A_516 = arith.constant 0 : i32
      %dma_start3A_517 = arith.constant 0 : i32
      %dma_start3A_518 = tpu.memref_slice %arg8[%dma_start3A_505, %add3A_485, %dma_start3A_516, %dma_start3A_517] : memref<2x2048x8x128xf32, #tpu.memory_space<hbm>> -> memref<1x1x8x128xf32, #tpu.memory_space<hbm>>
      %dma_start3A_519 = tpu.memref_squeeze %dma_start3A_518 : memref<1x1x8x128xf32, #tpu.memory_space<hbm>> -> memref<8x128xf32, #tpu.memory_space<hbm>>
      %dma_start3A_520 = arith.constant 8 : i32
      %dma_start3A_521 = arith.constant 0 : i32
      %dma_start3A_522 = tpu.memref_slice %arg16[%and3A_477, %dma_start3A_520, %dma_start3A_521] : memref<2x16x128xf32, #tpu.memory_space<vmem>> -> memref<1x8x128xf32, #tpu.memory_space<vmem>>
      %dma_start3A_523 = tpu.memref_squeeze %dma_start3A_522 : memref<1x8x128xf32, #tpu.memory_space<vmem>> -> memref<8x128xf32, #tpu.memory_space<vmem>>
      tpu.enqueue_dma source(%dma_start3A_523 : memref<8x128xf32, #tpu.memory_space<vmem>>) target(%dma_start3A_519 : memref<8x128xf32, #tpu.memory_space<hbm>>) target_semaphore(%dma_start3A_515 : memref<!tpu.dma_semaphore, #tpu.memory_space<semaphore_mem>>)
    }
    %scan3A_403 = arith.constant 64 : i32
    %dma_wait3A = arith.constant 0 : i32
    %dma_wait3A_404 = arith.constant 0 : i32
    %dma_wait3A_405 = arith.constant 0 : i32
    %dma_wait3A_406 = arith.constant 0 : i32
    %dma_wait3A_407 = arith.constant 0 : i32
    %dma_wait3A_408 = tpu.memref_slice %arg16[%dma_wait3A, %dma_wait3A_406, %dma_wait3A_407] : memref<2x16x128xf32, #tpu.memory_space<vmem>> -> memref<1x16x128xf32, #tpu.memory_space<vmem>>
    %dma_wait3A_409 = tpu.memref_squeeze %dma_wait3A_408 : memref<1x16x128xf32, #tpu.memory_space<vmem>> -> memref<16x128xf32, #tpu.memory_space<vmem>>
    %dma_wait3A_410 = arith.constant 0 : i32
    %dma_wait3A_411 = arith.constant 0 : i32
    %dma_wait3A_412 = arith.constant 0 : i32
    %dma_wait3A_413 = tpu.memref_slice %arg8[%dma_wait3A_404, %dma_wait3A_410, %dma_wait3A_411, %dma_wait3A_412] : memref<2x2048x8x128xf32, #tpu.memory_space<hbm>> -> memref<1x2x8x128xf32, #tpu.memory_space<hbm>>
    %dma_wait3A_414 = tpu.memref_squeeze %dma_wait3A_413 : memref<1x2x8x128xf32, #tpu.memory_space<hbm>> -> memref<2x8x128xf32, #tpu.memory_space<hbm>>
    %dma_wait3A_415 = tpu.memref_slice %arg19[%dma_wait3A_405] : memref<2x!tpu.dma_semaphore, #tpu.memory_space<semaphore_mem>> -> memref<1x!tpu.dma_semaphore, #tpu.memory_space<semaphore_mem>>
    %dma_wait3A_416 = tpu.memref_squeeze %dma_wait3A_415 : memref<1x!tpu.dma_semaphore, #tpu.memory_space<semaphore_mem>> -> memref<!tpu.dma_semaphore, #tpu.memory_space<semaphore_mem>>
    %dma_wait3A_417 = arith.constant 0 : i32
    %dma_wait3A_418 = arith.constant 0 : i32
    %dma_wait3A_419 = arith.constant 0 : i32
    %dma_wait3A_420 = tpu.memref_slice %arg8[%dma_wait3A_404, %dma_wait3A_417, %dma_wait3A_418, %dma_wait3A_419] : memref<2x2048x8x128xf32, #tpu.memory_space<hbm>> -> memref<1x2x8x128xf32, #tpu.memory_space<hbm>>
    %dma_wait3A_421 = tpu.memref_squeeze %dma_wait3A_420 : memref<1x2x8x128xf32, #tpu.memory_space<hbm>> -> memref<2x8x128xf32, #tpu.memory_space<hbm>>
    %dma_wait3A_422 = arith.constant 0 : i32
    %dma_wait3A_423 = arith.constant 0 : i32
    %dma_wait3A_424 = tpu.memref_slice %arg16[%dma_wait3A, %dma_wait3A_422, %dma_wait3A_423] : memref<2x16x128xf32, #tpu.memory_space<vmem>> -> memref<1x16x128xf32, #tpu.memory_space<vmem>>
    %dma_wait3A_425 = tpu.memref_squeeze %dma_wait3A_424 : memref<1x16x128xf32, #tpu.memory_space<vmem>> -> memref<16x128xf32, #tpu.memory_space<vmem>>
    tpu.wait_dma2 semaphore(%dma_wait3A_416 : memref<!tpu.dma_semaphore, #tpu.memory_space<semaphore_mem>>) src(%dma_wait3A_425 : memref<16x128xf32, #tpu.memory_space<vmem>>) dst(%dma_wait3A_421 : memref<2x8x128xf32, #tpu.memory_space<hbm>>)
    %dma_wait3A_426 = arith.constant 1 : i32
    %dma_wait3A_427 = arith.constant 0 : i32
    %dma_wait3A_428 = arith.constant 1 : i32
    %dma_wait3A_429 = arith.constant 0 : i32
    %dma_wait3A_430 = arith.constant 0 : i32
    %dma_wait3A_431 = tpu.memref_slice %arg16[%dma_wait3A_426, %dma_wait3A_429, %dma_wait3A_430] : memref<2x16x128xf32, #tpu.memory_space<vmem>> -> memref<1x16x128xf32, #tpu.memory_space<vmem>>
    %dma_wait3A_432 = tpu.memref_squeeze %dma_wait3A_431 : memref<1x16x128xf32, #tpu.memory_space<vmem>> -> memref<16x128xf32, #tpu.memory_space<vmem>>
    %dma_wait3A_433 = arith.constant 0 : i32
    %dma_wait3A_434 = arith.constant 0 : i32
    %dma_wait3A_435 = arith.constant 0 : i32
    %dma_wait3A_436 = tpu.memref_slice %arg8[%dma_wait3A_427, %dma_wait3A_433, %dma_wait3A_434, %dma_wait3A_435] : memref<2x2048x8x128xf32, #tpu.memory_space<hbm>> -> memref<1x2x8x128xf32, #tpu.memory_space<hbm>>
    %dma_wait3A_437 = tpu.memref_squeeze %dma_wait3A_436 : memref<1x2x8x128xf32, #tpu.memory_space<hbm>> -> memref<2x8x128xf32, #tpu.memory_space<hbm>>
    %dma_wait3A_438 = tpu.memref_slice %arg19[%dma_wait3A_428] : memref<2x!tpu.dma_semaphore, #tpu.memory_space<semaphore_mem>> -> memref<1x!tpu.dma_semaphore, #tpu.memory_space<semaphore_mem>>
    %dma_wait3A_439 = tpu.memref_squeeze %dma_wait3A_438 : memref<1x!tpu.dma_semaphore, #tpu.memory_space<semaphore_mem>> -> memref<!tpu.dma_semaphore, #tpu.memory_space<semaphore_mem>>
    %dma_wait3A_440 = arith.constant 0 : i32
    %dma_wait3A_441 = arith.constant 0 : i32
    %dma_wait3A_442 = arith.constant 0 : i32
    %dma_wait3A_443 = tpu.memref_slice %arg8[%dma_wait3A_427, %dma_wait3A_440, %dma_wait3A_441, %dma_wait3A_442] : memref<2x2048x8x128xf32, #tpu.memory_space<hbm>> -> memref<1x2x8x128xf32, #tpu.memory_space<hbm>>
    %dma_wait3A_444 = tpu.memref_squeeze %dma_wait3A_443 : memref<1x2x8x128xf32, #tpu.memory_space<hbm>> -> memref<2x8x128xf32, #tpu.memory_space<hbm>>
    %dma_wait3A_445 = arith.constant 0 : i32
    %dma_wait3A_446 = arith.constant 0 : i32
    %dma_wait3A_447 = tpu.memref_slice %arg16[%dma_wait3A_426, %dma_wait3A_445, %dma_wait3A_446] : memref<2x16x128xf32, #tpu.memory_space<vmem>> -> memref<1x16x128xf32, #tpu.memory_space<vmem>>
    %dma_wait3A_448 = tpu.memref_squeeze %dma_wait3A_447 : memref<1x16x128xf32, #tpu.memory_space<vmem>> -> memref<16x128xf32, #tpu.memory_space<vmem>>
    tpu.wait_dma2 semaphore(%dma_wait3A_439 : memref<!tpu.dma_semaphore, #tpu.memory_space<semaphore_mem>>) src(%dma_wait3A_448 : memref<16x128xf32, #tpu.memory_space<vmem>>) dst(%dma_wait3A_444 : memref<2x8x128xf32, #tpu.memory_space<hbm>>)
    return
  }
}

</mosaic_0001>

<sc_bundles>
// kernel: kernel.4.cloned.1.call-start
scs
__scs_entry_jumppad:
0x0: {  	(pc) =	sbr.rel $0x88, $3  }
0x1: {  	(tag) =	ssettag $0x0;
	lr =	simm.s32 $0x1  }
0x2: {  	[smem:$0x3F9D] =	sst lr;
	_ =	strace $0xD0000000  }
0x3: {  	_ = 	snop  }
0x4: {  	_ = 	snop  }
0x5: {  	_ = 	snop  }
0x6: {  	_ = 	snop  }
0x7: {  	_ = 	snop  }
__scs_overlays_trampoline_lowered:
0x8: {  	[smem:$0x3FAC] =	sst s0  }
0x9: {  	[smem:$0x3FAD] =	sst s1  }
0xa: {  	[smem:$0x3FAE] =	sst s2  }
0xb: {  	[smem:$0x3FAF] =	sst s3  }
0xc: {  	[smem:$0x3FB0] =	sst s4  }
0xd: {  	[smem:$0x3FB1] =	sst s5  }
0xe: {  	[smem:$0x3FB2] =	sst s6  }
0xf: {  	[smem:$0x3FB3] =	sst s7  }
0x10: {  	[smem:$0x3FB4] =	sst s8  }
0x11: {  	[smem:$0x3FB5] =	sst s9;
	s0 =	simm.s32 @!p0 $0x0  }
0x12: {  	s1 =	sld [smem:$0x3F9B];
	s0 =	simm.s32 @p0 $0x1  }
0x13: {  	[smem:$0x3FB6] =	sst s0;
	s0 =	simm.s32 @!p1 $0x0  }
0x14: {  	s2 =	sld [smem:$0x3F9A];
	s0 =	simm.s32 @p1 $0x1  }
0x15: {  	[smem:$0x3FB7] =	sst s0;
	s0 =	simm.s32 @!p2 $0x0  }
0x16: {  	s3 =	sld [smem:$0x3FDB];
	s0 =	simm.s32 @p2 $0x1  }
0x17: {  	s4 =	simm.s32 $0x1BF5;
	[smem:$0x3FB9] =	sst s0  }
0x18: {  	s0 =	sld [smem:$0x3F9C];
	_ =	swait.ge [sflag:s4], $0x0  }
0x19: {  	s7 =	sld [smem:$0x3F9D]  }
0x1a: {  	s8 =	sadd.s32 $0xFFFFE003, lr  }
0x1b: {  	s9 =	sadd.s32 $0xFFFFFEF7, lr;
	s5 =	simm.s32 $0xFFFFFFFF;
	p2 =	slt.u32 s8, $0xFFFFF086  }
0x1c: {  	p1 =	slt.u32 s9, $0xF7A;
	s5 =	simm.s32 @!p2 $0x0  }
0x1d: {  	s5 =	simm.s32 @p1 $0x1;
	p0 =	seq.s32 s7, s2  }
0x1e: {  	s7 =	smul.u32 @!p0 $0xF7A, s2;
	p2 =	seq.s32 @!p0 s5, $0x0  }
0x1f: {  	s9 =	smul.u32 $0xF7A, s1;
	s8 =	simm.s32 @!p0 $0x1BF5;
	p2 =	por !p2, p0  }
0x20: {  	[sflag:s8] =	ssyncset.s32 @!p0 $0xFFFFF086;
	s6 =	sadd.s32 @!p0 s3, s7;
	s7 =	simm.s32 @!p0 $0x108  }
0x21: {  	s3 =	sadd.s32 s3, s9;
	s6 =	sadd.s32 @!p0 $0x88, s6;
	s7 =	simm.s32 @p2 $0x1082  }
0x22: {  	[simem:s7], [sflag:s8] =	dma.local @!p0 [hbm:s6], $0xF7A  }
0x23: {  	s9 =	sor.u32 $0xD0000000, s2;
	s6 =	simm.s32 $0x108;
	_ =	swait.ge @!p0 [sflag:s8], $0x0  }
0x24: {  	s3 =	sadd.s32 $0x88, s3;
	s6 =	simm.s32 @!p1 $0x1082;
	[sflag:s4] =	ssyncset.s32 $0xFFFFF086  }
0x25: {  	[simem:s6], [sflag:s4] =	dma.local [hbm:s3], $0xF7A  }
0x26: {  	[smem:$0x3F9D] =	sst s1;
	(tag) =	ssettag s2;
	_ =	strace s9  }
0x27: {  	s1 =	sld [smem:$0x3FAD]  }
0x28: {  	s2 =	sld [smem:$0x3FAE]  }
0x29: {  	s4 =	sld [smem:$0x3FB0]  }
0x2a: {  	p0 =	seq.s32 s5, $0x0;
	s5 =	sld [smem:$0x3FB1]  }
0x2b: {  	s6 =	sld [smem:$0x3FB2]  }
0x2c: {  	s7 =	sld [smem:$0x3FB3]  }
0x2d: {  	s3 =	simm.s32 $0x108;
	s8 =	sld [smem:$0x3FB4]  }
0x2e: {  	s3 =	simm.s32 @!p0 $0x1082;
	s9 =	sld [smem:$0x3FB5]  }
0x2f: {  	lr =	sadd.s32 s0, s3;
	s0 =	sld [smem:$0x3FAC]  }
0x30: {  	s3 =	sld [smem:$0x3FAF]  }
0x31: {  	[smem:$0x3FB8] =	sst s10  }
0x32: {  	s10 =	sld [smem:$0x3FB6];
	_ =	sdelay $0x3  }
0x33: {  	p0 =	seq.s32 s10, $0x1;
	s10 =	sld [smem:$0x3FB8];
	_ =	sdelay $0x3  }
0x34: {  	[smem:$0x3FB8] =	sst s10  }
0x35: {  	s10 =	sld [smem:$0x3FB7];
	_ =	sdelay $0x3  }
0x36: {  	p1 =	seq.s32 s10, $0x1;
	s10 =	sld [smem:$0x3FB8];
	_ =	sdelay $0x3  }
0x37: {  	[smem:$0x3FB8] =	sst s10  }
0x38: {  	s10 =	sld [smem:$0x3FB9]  }
0x39: {  	_ = 	snop;
	(pc) =	sbr.ind lr, $3  }
0x3a: {  	_ = 	snop  }
0x3b: {  	_ = 	snop  }
0x3c: {  	p2 =	seq.s32 s10, $0x1;
	s10 =	sld [smem:$0x3FB8]  }
0x3d: {  	_ =	shalt  }
0x3e: {  	_ =	shalt  }
0x3f: {  	_ =	shalt  }
0x40: {  	_ =	shalt  }
0x41: {  	_ =	shalt  }
0x42: {  	_ =	shalt  }
0x43: {  	_ =	shalt  }
0x44: {  	_ =	shalt  }
0x45: {  	_ =	shalt  }
0x46: {  	_ =	shalt  }
0x47: {  	_ =	shalt  }
0x48: {  	_ =	shalt  }
0x49: {  	_ =	shalt  }
0x4a: {  	_ =	shalt  }
0x4b: {  	_ =	shalt  }
0x4c: {  	_ =	shalt  }
0x4d: {  	_ =	shalt  }
0x4e: {  	_ =	shalt  }
0x4f: {  	_ =	shalt  }
0x50: {  	_ =	shalt  }
0x51: {  	_ =	shalt  }
0x52: {  	_ =	shalt  }
0x53: {  	_ =	shalt  }
0x54: {  	_ =	shalt  }
0x55: {  	_ =	shalt  }
0x56: {  	_ =	shalt  }
0x57: {  	_ =	shalt  }
0x58: {  	_ =	shalt  }
0x59: {  	_ =	shalt  }
0x5a: {  	_ =	shalt  }
0x5b: {  	_ =	shalt  }
0x5c: {  	_ =	shalt  }
0x5d: {  	_ =	shalt  }
0x5e: {  	_ =	shalt  }
0x5f: {  	_ =	shalt  }
0x60: {  	_ =	shalt  }
0x61: {  	_ =	shalt  }
0x62: {  	_ =	shalt  }
0x63: {  	_ =	shalt  }
0x64: {  	_ =	shalt  }
0x65: {  	_ =	shalt  }
0x66: {  	_ =	shalt  }
0x67: {  	_ =	shalt  }
0x68: {  	_ =	shalt  }
0x69: {  	_ =	shalt  }
0x6a: {  	_ =	shalt  }
0x6b: {  	_ =	shalt  }
0x6c: {  	_ =	shalt  }
0x6d: {  	_ =	shalt  }
0x6e: {  	_ =	shalt  }
0x6f: {  	_ =	shalt  }
0x70: {  	_ =	shalt  }
0x71: {  	_ =	shalt  }
0x72: {  	_ =	shalt  }
0x73: {  	_ =	shalt  }
0x74: {  	_ =	shalt  }
0x75: {  	_ =	shalt  }
0x76: {  	_ =	shalt  }
0x77: {  	_ =	shalt  }
0x78: {  	_ =	shalt  }
0x79: {  	_ =	shalt  }
0x7a: {  	_ =	shalt  }
0x7b: {  	_ =	shalt  }
0x7c: {  	_ =	shalt  }
0x7d: {  	_ =	shalt  }
0x7e: {  	_ =	shalt  }
0x7f: {  	_ =	shalt  }
0x80: {  	_ =	shalt  }
0x81: {  	_ =	shalt  }
0x82: {  	_ =	shalt  }
0x83: {  	_ =	shalt  }
0x84: {  	_ =	shalt  }
0x85: {  	_ =	shalt  }
0x86: {  	_ =	shalt  }
0x87: {  	_ =	shalt  }
.Lfunc_end0:
.L_simem_size_0:
called_computation_lowered:
.L_overlay_start_0:
0x88: {  	s2 =	sld [smem:$0x3FD9]  }
0x89: {  	s3 =	sld [smem:$0x3FFE];
	_ =	sdelay $0x1  }
0x8a: {  	s1 =	srdreg.scid  }
0x8b: {  	s0 =	sand.u32 $0x1, s1  }
0x8c: {  	s17 =	sshll.u32 s0, $0xA;
	s2 =	sadd.s32 s3, s2  }
0x8d: {  	s2 =	sadd.s32 s2, s17  }
0x8e: {  	[smem:$0x3FC4] =	sst s2  }
0x8f: {  	_ = 	snop  }
0x90: {  	s2 =	sld [smem:$0x3FC7];
	(tm) =	ssettm $0x1  }
0x91: {  	s18 =	sld [smem:$0x3FFB];
	_ =	sdelay $0x3  }
0x92: {  	_ =	strace s18  }
0x93: {  	s3 =	sld [smem:$0x3FFC];
	_ =	sdelay $0x3  }
0x94: {  	_ =	strace s3  }
0x95: {  	s3 =	sld [smem:$0x3FFD];
	_ =	sdelay $0x3  }
0x96: {  	_ =	strace s3  }
0x97: {  	_ =	strace $0x8FFFFFFF  }
0x98: {  	s19 =	sld [smem:$0x3FDB];
	_ =	sdelay $0x1  }
0x99: {  	s4 =	simm.s32 $_scs_section_size  }
0x9a: {  	s5 =	simm.s32 $_size__tile_overlayer_lowered;
	s6 =	simm.s32 $_tile_overlayer_lowered  }
0x9b: {  	s22 =	simm.s32 $0x1BFF;
	s21 =	sshll.u32 s6, $0x1;
	s3 =	sadd.s32 s4, s19  }
0x9c: {  	s7 =	simm.s32 $0x0;
	s20 =	sshll.u32 s5, $0x1;
	s5 =	sadd.s32 s21, s3  }
0x9d: {  	[timem:s7], [sflag:s22] =	dma.local [hbm:s5], s20  }
0x9e: {  	_ =	swait.ge [sflag:s22], s20  }
0x9f: {  	s4 =	ssub.s32 $0x0, s20;
	[sflag:s22] =	ssyncset.done $0x0  }
0xa0: {  	[sflag:s22] =	ssyncadd.s32 s4;
	_ =	sdelay $0x1  }
0xa1: {  	s23 =	simm.s32 $0x1B8B  }
0xa2: {  	_ =	swait.ge [sflag:s23], $0x1  }
0xa3: {  	[sflag:s23] =	ssyncset.done $0x0  }
0xa4: {  	s25 =	simm.s32 $0x1B8E;
	s24 =	sld [smem:$0x3FFE];
	[sflag:s23] =	ssyncadd.s32 $0xFFFFFFFF  }
0xa5: {  	s26 =	simm.s32 $execute0_lowered;
	[smem:$0x3FD2] =	sst s25  }
0xa6: {  	s5 =	sshll.u32 s26, $0x1;
	_ =	strace $0x80000046;
	[dreg:$0x1] =	wrdreg $0xFFFFFFFF  }
0xa7: {  	s28 =	simm.s32 $_size_execute0_lowered;
	s3 =	sadd.s32 s3, s5;
	[dreg:$0x0] =	wrdreg $0x0  }
0xa8: {  	s5 =	sshll.u32 s28, $0x1;
	[dreg:$0x2] =	wrdreg s3  }
0xa9: {  	[dreg:$0x3] =	wrdreg s5  }
0xaa: {  	[dreg:$0x4] =	wrdreg $0xC0  }
0xab: {  	_ =	task [dreg:s7], $0x5FFFF  }
0xac: {  	[dreg:$0x1] =	wrdreg $0xFFFFFFFF  }
0xad: {  	[dreg:$0x0] =	wrdreg $0x60  }
0xae: {  	[dreg:$0x2] =	wrdreg s2  }
0xaf: {  	[dreg:$0x3] =	wrdreg s24  }
0xb0: {  	[dreg:$0x4] =	wrdreg $0x9  }
0xb1: {  	_ =	task.clear_ibuf [dreg:s7], $0x5FFFF;
	_ =	strace $0x90000046  }
0xb2: {  	s29 =	simm.s32 $0x9;
	_ =	strace $0x80000048  }
0xb3: {  	_ =	swait.ge [sflag:s29], $0x1  }
0xb4: {  	[sflag:s29] =	ssyncadd.s32 $0xFFFFFFFF  }
0xb5: {  	_ =	strace $0x90000048  }
0xb6: {  	_ =	sfence  }
0xb7: {  	s30 =	sld [smem:$0x0];
	_ =	sdelay $0x2  }
0xb8: {  	s31 =	sshll.u32 s1, $0xD;
	s1 =	sshrl.u32 s1, $0x2  }
0xb9: {  	s3 =	sand.u32 $0x4000, s31;
	s1 =	sadd.s32 s1, s30  }
0xba: {  	s0 =	sor.u32 s3, s0;
	s1 =	sshll.u32 s1, $0x11  }
0xbb: {  	s0 =	sor.u32 s1, s0  }
0xbc: {  	s0 =	sadd.s32 $0x8F2B, s0  }
0xbd: {  	[sflag:s0] =	ssyncadd.remote.s32 $0x1  }
0xbe: {  	_ =	sfence.sel $0xFFFF  }
0xbf: {  	[dreg:$0x0] =	wrdreg $0xFFFFFFFF;
	(pc) =	sbr.abs _section_cstart, $3  }
0xc0: {  	[dreg:$0x1] =	wrdreg $0xFFFFFFFF  }
0xc1: {  	_ =	task.clear_ibuf [dreg:s7], $0x2FFFF;
	_ =	strace $0x9FFFFFFF  }
0xc2: {  	(tm) =	ssettm $0x7FFFFFFF  }
0xc3: {  	_ =	shalt  }
tec
execute0_lowered:
.L_overlay_start_1:
0x0: {  	(tag) =	ssettag $0x1  }
0x1: {  	s0 =	srdreg.scid;
	s9 =	stileid.u32  }
0x2: {  	s0 =	sand.u32 $0x1, s0;
	s4 =	sshll.u32 s9, $0x1  }
0x3: {  	s4 =	sor.u32 s0, s4  }
0x4: {  	s2 =	rddreg [dreg:$0x0];
	s5 =	smul.u32 $0x7A400, s4  }
0x5: {  	s1 =	rddreg [dreg:$0x1];
	s3 =	simm.s32 $0x0  }
0x6: {  	s28 =	simm.s32 $0x9;
	s29 =	simm.s32 $0xA;
	s6 =	sshrl.u32 s5, $0x3  }
0x7: {  	s30 =	simm.s32 $0xB;
	s31 =	simm.s32 $0xC;
	s6 =	sadd.s32 s2, s6  }
0x8: {  	[smem:$0x7FF] =	sst s3;
	s19 =	smul.u32 $0xFFFFFC2E, s9;
	s8 =	sadd.s32 $0x1E8480, s6  }
0x9: {  	_ =	strace $0x80000047;
	s16 =	sadd.s32 $0x1E8500, s6;
	[dreg:$0x3] =	wrdreg s8  }
0xa: {  	s7 =	ssub.s32 $0x2, s0;
	s17 =	sadd.s32 $0x80, s6;
	[dreg:$0x4] =	wrdreg s16  }
0xb: {  	s0 =	smul.u32 $0xFFFFFE17, s0;
	s18 =	sadd.s32 $0x1E8580, s6;
	[dreg:$0x5] =	wrdreg s17  }
0xc: {  	s4 =	smul.u32 $0x1E9, s4;
	s20 =	sadd.s32 $0x100, s6;
	[dreg:$0x6] =	wrdreg s18  }
0xd: {  	s14 =	sshrl.u32 s7, $0x1;
	s21 =	sadd.s32 $0x180, s6;
	[dreg:$0x7] =	wrdreg s20  }
0xe: {  	s0 =	sadd.s32 s19, s0;
	s22 =	sadd.s32 $0x1E8600, s6;
	[dreg:$0x8] =	wrdreg s21  }
0xf: {  	s5 =	sadd.s32 $0xC00, s1;
	s23 =	sadd.s32 $0x200, s6;
	[dreg:$0x9] =	wrdreg s22  }
0x10: {  	s1 =	ssub.s32 s7, s14;
	s24 =	sadd.s32 $0x1E8680, s6;
	[dreg:$0xa] =	wrdreg s23  }
0x11: {  	v0 =	vlaneseq.u32;
	s15 =	ssub.s32 $0x3D09, s4;
	s25 =	sadd.s32 $0x280, s6;
	[dreg:$0xb] =	wrdreg s24  }
0x12: {  	v0 =	vmul.u32 $0x88, v0;
	s0 =	sadd.s32 $0x3D09, s0;
	s26 =	sadd.s32 $0x1E8700, s6;
	[dreg:$0xc] =	wrdreg s25  }
0x13: {  	v1 =	vimm.s32 $0x0;
	vm0 =	vcmask $0x300;
	s19 =	sadd.s32 $0x300, s6;
	s8 =	smin.u32 s15, $0x1E9;
	[dreg:$0xd] =	wrdreg s26  }
0x14: {  	v1 =	vsel vm0, $0x3, v1;
	v2 =	vor.u32 $0x1, v0;
	s20 =	sadd.s32 $0x1E8780, s6;
	s21 =	smin.u32 s0, $0x1E9;
	s22 =	smax.u32 s1, $0x1  }
0x15: {  	v3 =	vor.u32 $0x2, v0;
	v4 =	vor.u32 $0x3, v0;
	v5 =	vor.u32 $0x4, v0;
	s26 =	simm.s32 $0x4000;
	s1 =	simm.s32 $0xD;
	s0 =	simm.s32 $0xE  }
0x16: {  	v6 =	vor.u32 $0x5, v0;
	v7 =	vor.u32 $0x6, v0;
	v8 =	vor.u32 $0x7, v0;
	s23 =	simm.s32 $0xF;
	s24 =	simm.s32 $0x10;
	s25 =	simm.s32 $0x0  }
.LBB2_1:
0x17: {  	[tilespmem:s3], [sflag:$0x1] =	stream.linear.gather [hbm4b:s6+s3], $0x400, $0x38;
	[tilespmem:$0x8880] =	vst v63  }
0x18: {  	s7 =	rddreg [dreg:$0x3];
	s9 =	simm.s32 $0x400  }
0x19: {  	[tilespmem:s9], [sflag:$0x1] =	stream.linear.gather [hbm4b:s7+s3], $0x400, $0x38;
	[tilespmem:$0x8880] =	vst v63  }
0x1a: {  	s17 =	rddreg [dreg:$0x5];
	s18 =	simm.s32 $0x800  }
0x1b: {  	[tilespmem:s18], [sflag:$0x2] =	stream.linear.gather [hbm4b:s17+s3], $0x400, $0x38;
	[tilespmem:$0x8880] =	vst v63  }
0x1c: {  	s10 =	simm.s32 $0xC00;
	s9 =	rddreg [dreg:$0x4]  }
0x1d: {  	[tilespmem:s10], [sflag:$0x2] =	stream.linear.gather [hbm4b:s9+s3], $0x400, $0x38;
	[tilespmem:$0x8880] =	vst v63  }
0x1e: {  	s11 =	rddreg [dreg:$0x7];
	s12 =	simm.s32 $0x1000  }
0x1f: {  	[tilespmem:s12], [sflag:$0x3] =	stream.linear.gather [hbm4b:s11+s3], $0x400, $0x38;
	[tilespmem:$0x8880] =	vst v63  }
0x20: {  	s13 =	rddreg [dreg:$0x6];
	s14 =	simm.s32 $0x1400  }
0x21: {  	[tilespmem:s14], [sflag:$0x3] =	stream.linear.gather [hbm4b:s13+s3], $0x400, $0x38;
	[tilespmem:$0x8880] =	vst v63  }
0x22: {  	s15 =	rddreg [dreg:$0x8];
	s16 =	simm.s32 $0x1800  }
0x23: {  	[tilespmem:s16], [sflag:$0x4] =	stream.linear.gather [hbm4b:s15+s3], $0x400, $0x38;
	[tilespmem:$0x8880] =	vst v63  }
0x24: {  	s17 =	rddreg [dreg:$0x9];
	s18 =	simm.s32 $0x1C00  }
0x25: {  	[tilespmem:s18], [sflag:$0x4] =	stream.linear.gather [hbm4b:s17+s3], $0x400, $0x38;
	[tilespmem:$0x8880] =	vst v63  }
0x26: {  	s9 =	rddreg [dreg:$0xa];
	s10 =	simm.s32 $0x2000  }
0x27: {  	[tilespmem:s10], [sflag:$0x5] =	stream.linear.gather [hbm4b:s9+s3], $0x400, $0x38;
	[tilespmem:$0x8880] =	vst v63  }
0x28: {  	s11 =	rddreg [dreg:$0xb];
	s12 =	simm.s32 $0x2400  }
0x29: {  	[tilespmem:s12], [sflag:$0x5] =	stream.linear.gather [hbm4b:s11+s3], $0x400, $0x38;
	[tilespmem:$0x8880] =	vst v63  }
0x2a: {  	s13 =	rddreg [dreg:$0xc];
	s14 =	simm.s32 $0x2800  }
0x2b: {  	[tilespmem:s14], [sflag:$0x6] =	stream.linear.gather [hbm4b:s13+s3], $0x400, $0x38;
	[tilespmem:$0x8880] =	vst v63  }
0x2c: {  	s15 =	rddreg [dreg:$0xd];
	s16 =	simm.s32 $0x2C00  }
0x2d: {  	[tilespmem:s16], [sflag:$0x6] =	stream.linear.gather [hbm4b:s15+s3], $0x400, $0x38;
	[tilespmem:$0x8880] =	vst v63  }
0x2e: {  	s17 =	simm.s32 $0x3000  }
0x2f: {  	[tilespmem:s17], [sflag:$0x7] =	stream.linear.gather [hbm4b:s19+s3], $0x400, $0x38;
	[tilespmem:$0x8880] =	vst v63  }
0x30: {  	s7 =	simm.s32 $0x0;
	s18 =	simm.s32 $0x3400;
	s9 =	simm.s32 $0x0  }
0x31: {  	[tilespmem:s18], [sflag:$0x7] =	stream.linear.gather [hbm4b:s20+s3], $0x400, $0x38;
	[tilespmem:$0x8880] =	vst v63  }
.LBB2_2:
0x32: {  	s11 =	sadd.s32 $0x7, s9  }
0x33: {  	s10 =	sadd.s32 s4, s9;
	p0 =	sge.u32 s11, s8  }
0x34: {  	s12 =	sshll.u32 @!p0 s10, $0x7  }
0x35: {  	s12 =	sand.u32 @!p0 $0x1FFFFF80, s12  }
0x36: {  	s11 =	sand.u32 @!p0 $0x7, s11;
	s15 =	simm.s32 @!p0 $0x0;
	s12 =	sadd.s32 @!p0 s2, s12  }
0x37: {  	s13 =	sadd.s32 @!p0 $0x1, s11;
	s14 =	sshll.u32 @!p0 s11, $0xB;
	s11 =	sadd.s32 @!p0 $0x380, s12  }
0x38: {  	[tilespmem:s14], [sflag:s13] =	stream.linear.gather @!p0 [hbm4b:s11+s15], $0x400, $0x38;
	[tilespmem:$0x8880] =	vst v63  }
0x39: {  	s11 =	sand.u32 $0x7, s9  }
0x3a: {  	s12 =	sadd.s32 @!p0 $0x1E8800, s12;
	s14 =	sor.u32 @!p0 $0x400, s14;
	s17 =	sadd.s32 $0x1, s11  }
0x3b: {  	[tilespmem:s14], [sflag:s13] =	stream.linear.gather @!p0 [hbm4b:s12+s15], $0x400, $0x38;
	[tilespmem:$0x8880] =	vst v63  }
0x3c: {  	_ =	swait.ge [sflag:s17], $0x800  }
0x3d: {  	p0 =	slt.u32 s9, $0x8;
	[sflag:s17] =	ssyncset.done $0x0  }
0x3e: {  	s14 =	sadd.s32 @!p0 $0x9, s11;
	[sflag:s17] =	ssyncadd.s32 $0xFFFFF800  }
0x3f: {  	s18 =	sshll.u32 s7, $0xB;
	_ =	swait.ge @!p0 [sflag:s14], $0x800  }
0x40: {  	s13 =	sand.u32 $0x3800, s18;
	[sflag:s14] =	ssyncset.done @!p0 $0x0  }
0x41: {  	s17 =	sor.u32 $0x100, s13;
	[sflag:s14] =	ssyncadd.s32 @!p0 $0xFFFFF800  }
0x42: {  	v9 =	vld [tilespmem:s17+$0x80]  }
0x43: {  	v11 =	vld [tilespmem:s17+$0x0]  }
0x44: {  	v10 =	vld [tilespmem:s17+$0xFFFFFF80]  }
0x45: {  	v12 =	vld [tilespmem:s17+$0xFFFFFF00]  }
0x46: {  	s14 =	simm.s32 $0x4110  }
0x47: {  	[tilespmem:s14+$0x88] =	vst v9  }
0x48: {  	[tilespmem:s14+$0x0] =	vst v11;
	v9 =	vld [tilespmem:s17+$0x90]  }
0x49: {  	[tilespmem:s14+$0xFFFFFF78] =	vst v10;
	v11 =	vld [tilespmem:s17+$0x10]  }
0x4a: {  	[tilespmem:s14+$0xFFFFFEF0] =	vst v12;
	v10 =	vld [tilespmem:s17+$0xFFFFFF90]  }
0x4b: {  	v12 =	vld [tilespmem:s17+$0xFFFFFF10];
	_ =	sdelay $0x1  }
0x4c: {  	[tilespmem:s14+$0x98] =	vst v9  }
0x4d: {  	[tilespmem:s14+$0x10] =	vst v11;
	v9 =	vld [tilespmem:s17+$0xA0]  }
0x4e: {  	[tilespmem:s14+$0xFFFFFF88] =	vst v10;
	v11 =	vld [tilespmem:s17+$0x20]  }
0x4f: {  	[tilespmem:s14+$0xFFFFFF00] =	vst v12;
	v10 =	vld [tilespmem:s17+$0xFFFFFFA0]  }
0x50: {  	v12 =	vld [tilespmem:s17+$0xFFFFFF20];
	_ =	sdelay $0x1  }
0x51: {  	[tilespmem:s14+$0xA8] =	vst v9  }
0x52: {  	[tilespmem:s14+$0x20] =	vst v11;
	v9 =	vld [tilespmem:s17+$0xB0]  }
0x53: {  	[tilespmem:s14+$0xFFFFFF98] =	vst v10;
	v11 =	vld [tilespmem:s17+$0x30]  }
0x54: {  	[tilespmem:s14+$0xFFFFFF10] =	vst v12;
	v10 =	vld [tilespmem:s17+$0xFFFFFFB0]  }
0x55: {  	v12 =	vld [tilespmem:s17+$0xFFFFFF30];
	_ =	sdelay $0x1  }
0x56: {  	[tilespmem:s14+$0xB8] =	vst v9  }
0x57: {  	[tilespmem:s14+$0x30] =	vst v11;
	v9 =	vld [tilespmem:s17+$0xC0]  }
0x58: {  	[tilespmem:s14+$0xFFFFFFA8] =	vst v10;
	v11 =	vld [tilespmem:s17+$0x40]  }
0x59: {  	[tilespmem:s14+$0xFFFFFF20] =	vst v12;
	v10 =	vld [tilespmem:s17+$0xFFFFFFC0]  }
0x5a: {  	v12 =	vld [tilespmem:s17+$0xFFFFFF40]  }
0x5b: {  	s15 =	sadd.s32 $0x200, s17  }
0x5c: {  	v13 =	vld [tilespmem:s15+$0x80];
	[tilespmem:s14+$0xC8] =	vst v9  }
0x5d: {  	[tilespmem:s14+$0x40] =	vst v11;
	v11 =	vld [tilespmem:s15+$0xFFFFFF80]  }
0x5e: {  	[tilespmem:s14+$0xFFFFFFB8] =	vst v10;
	v9 =	vld [tilespmem:s17+$0xD0]  }
0x5f: {  	[tilespmem:s14+$0xFFFFFF30] =	vst v12;
	v12 =	vld [tilespmem:s15+$0x0]  }
0x60: {  	s16 =	simm.s32 $0x4330;
	v10 =	vld [tilespmem:s17+$0xFFFFFFD0]  }
0x61: {  	v14 =	vld [tilespmem:s15+$0xFFFFFF00];
	[tilespmem:s16+$0x88] =	vst v13  }
0x62: {  	[tilespmem:s16+$0xFFFFFF78] =	vst v11;
	v11 =	vld [tilespmem:s15+$0x90]  }
0x63: {  	[tilespmem:s14+$0xD8] =	vst v9;
	v13 =	vld [tilespmem:s15+$0xFFFFFF90]  }
0x64: {  	[tilespmem:s16+$0x0] =	vst v12;
	v9 =	vld [tilespmem:s17+$0xE0]  }
0x65: {  	[tilespmem:s14+$0xFFFFFFC8] =	vst v10;
	v10 =	vld [tilespmem:s17+$0xFFFFFF50]  }
0x66: {  	[tilespmem:s16+$0xFFFFFEF0] =	vst v14;
	v12 =	vld [tilespmem:s15+$0x10]  }
0x67: {  	v14 =	vld [tilespmem:s15+$0xFFFFFF10];
	[tilespmem:s16+$0x98] =	vst v11  }
0x68: {  	[tilespmem:s16+$0xFFFFFF88] =	vst v13;
	v11 =	vld [tilespmem:s15+$0xA0]  }
0x69: {  	[tilespmem:s14+$0xE8] =	vst v9;
	v13 =	vld [tilespmem:s15+$0xFFFFFFA0]  }
0x6a: {  	[tilespmem:s14+$0xFFFFFF40] =	vst v10;
	v9 =	vld [tilespmem:s17+$0xF0]  }
0x6b: {  	v10 =	vld [tilespmem:s17+$0x50];
	[tilespmem:s16+$0x10] =	vst v12  }
0x6c: {  	[tilespmem:s16+$0xFFFFFF00] =	vst v14;
	v12 =	vld [tilespmem:s15+$0x20]  }
0x6d: {  	v14 =	vld [tilespmem:s15+$0xFFFFFF20];
	[tilespmem:s16+$0xA8] =	vst v11  }
0x6e: {  	[tilespmem:s16+$0xFFFFFF98] =	vst v13;
	v11 =	vld [tilespmem:s15+$0xB0]  }
0x6f: {  	[tilespmem:s14+$0xF8] =	vst v9;
	v9 =	vld [tilespmem:s17+$0xFFFFFF60]  }
0x70: {  	[tilespmem:s14+$0x50] =	vst v10;
	v13 =	vld [tilespmem:s15+$0xFFFFFFB0]  }
0x71: {  	v10 =	vld [tilespmem:s17+$0xFFFFFFE0];
	[tilespmem:s16+$0x20] =	vst v12  }
0x72: {  	[tilespmem:s16+$0xFFFFFF10] =	vst v14;
	v12 =	vld [tilespmem:s15+$0x30]  }
0x73: {  	v14 =	vld [tilespmem:s15+$0xFFFFFF30];
	[tilespmem:s16+$0xB8] =	vst v11  }
0x74: {  	[tilespmem:s14+$0xFFFFFF50] =	vst v9;
	v9 =	vld [tilespmem:s17+$0x60]  }
0x75: {  	[tilespmem:s16+$0xFFFFFFA8] =	vst v13;
	v13 =	vld [tilespmem:s15+$0xC0]  }
0x76: {  	[tilespmem:s14+$0xFFFFFFD8] =	vst v10;
	v10 =	vld [tilespmem:s17+$0xFFFFFF70]  }
0x77: {  	[tilespmem:s16+$0x30] =	vst v12;
	v15 =	vld [tilespmem:s15+$0xFFFFFFC0]  }
0x78: {  	[tilespmem:s16+$0xFFFFFF20] =	vst v14;
	v14 =	vld [tilespmem:s15+$0x40]  }
0x79: {  	v11 =	vld [tilespmem:s15+$0xFFFFFF40];
	[tilespmem:s14+$0x60] =	vst v9  }
0x7a: {  	v9 =	vld [tilespmem:s17+$0xFFFFFFF0];
	[tilespmem:s16+$0xC8] =	vst v13  }
0x7b: {  	[tilespmem:s14+$0xFFFFFF60] =	vst v10;
	v10 =	vld [tilespmem:s17+$0x70]  }
0x7c: {  	s12 =	sadd.s32 $0x48C0, s13;
	[tilespmem:s16+$0xFFFFFFB8] =	vst v15;
	v13 =	vld [tilespmem:s15+$0xD0]  }
0x7d: {  	s13 =	sshll.u32 s11, $0xD;
	s18 =	sadd.s32 $0x200, s15;
	s17 =	simm.s32 $0x4;
	[tilespmem:s16+$0x40] =	vst v14;
	v12 =	vld [tilespmem:s15+$0xFFFFFFD0]  }
.LBB2_3:
0x7e: {  	v14 =	vld [tilespmem:s18+$0x80];
	s17 =	sadd.s32 $0x4, s17;
	[tilespmem:s16+$0xFFFFFF30] =	vst v11  }
0x7f: {  	v11 =	vld [tilespmem:s18+$0xFFFFFF80];
	p0 =	slt.u32 s17, $0xC;
	[tilespmem:s14+$0xFFFFFFE8] =	vst v9  }
0x80: {  	v9 =	vld [tilespmem:s18+$0x0];
	[tilespmem:s14+$0x70] =	vst v10;
	s14 =	smov.u32 s16  }
0x81: {  	v10 =	vld [tilespmem:s18+$0xFFFFFF00];
	[tilespmem:s16+$0xD8] =	vst v13  }
0x82: {  	s16 =	sadd.s32 $0x220, s16;
	[tilespmem:s14+$0xFFFFFFC8] =	vst v12;
	v12 =	vld [tilespmem:s15+$0xE0]  }
0x83: {  	[tilespmem:s16+$0x88] =	vst v14;
	v13 =	vld [tilespmem:s15+$0xFFFFFF50]  }
0x84: {  	[tilespmem:s16+$0xFFFFFF78] =	vst v11;
	v11 =	vld [tilespmem:s18+$0x90]  }
0x85: {  	v14 =	vld [tilespmem:s18+$0xFFFFFF90];
	[tilespmem:s16+$0x0] =	vst v9  }
0x86: {  	[tilespmem:s16+$0xFFFFFEF0] =	vst v10;
	v9 =	vld [tilespmem:s18+$0x10]  }
0x87: {  	v10 =	vld [tilespmem:s18+$0xFFFFFF10];
	[tilespmem:s14+$0xE8] =	vst v12  }
0x88: {  	[tilespmem:s14+$0xFFFFFF40] =	vst v13;
	v12 =	vld [tilespmem:s15+$0xF0]  }
0x89: {  	[tilespmem:s16+$0x98] =	vst v11;
	v11 =	vld [tilespmem:s15+$0x50]  }
0x8a: {  	[tilespmem:s16+$0xFFFFFF88] =	vst v14;
	v13 =	vld [tilespmem:s18+$0xA0]  }
0x8b: {  	v14 =	vld [tilespmem:s18+$0xFFFFFFA0];
	[tilespmem:s16+$0x10] =	vst v9  }
0x8c: {  	[tilespmem:s16+$0xFFFFFF00] =	vst v10;
	v9 =	vld [tilespmem:s18+$0x20]  }
0x8d: {  	v10 =	vld [tilespmem:s18+$0xFFFFFF20];
	[tilespmem:s14+$0xF8] =	vst v12  }
0x8e: {  	v12 =	vld [tilespmem:s15+$0xFFFFFF60];
	[tilespmem:s14+$0x50] =	vst v11  }
0x8f: {  	[tilespmem:s16+$0xA8] =	vst v13;
	v11 =	vld [tilespmem:s15+$0xFFFFFFE0]  }
0x90: {  	[tilespmem:s16+$0xFFFFFF98] =	vst v14;
	v13 =	vld [tilespmem:s18+$0xB0]  }
0x91: {  	v14 =	vld [tilespmem:s18+$0xFFFFFFB0];
	[tilespmem:s16+$0x20] =	vst v9  }
0x92: {  	[tilespmem:s16+$0xFFFFFF10] =	vst v10;
	v9 =	vld [tilespmem:s18+$0x30]  }
0x93: {  	v10 =	vld [tilespmem:s18+$0xFFFFFF30];
	[tilespmem:s14+$0xFFFFFF50] =	vst v12  }
0x94: {  	[tilespmem:s14+$0xFFFFFFD8] =	vst v11;
	v12 =	vld [tilespmem:s15+$0x60]  }
0x95: {  	[tilespmem:s16+$0xB8] =	vst v13;
	v13 =	vld [tilespmem:s15+$0xFFFFFF70]  }
0x96: {  	[tilespmem:s16+$0xFFFFFFA8] =	vst v14;
	v14 =	vld [tilespmem:s18+$0xC0]  }
0x97: {  	v15 =	vld [tilespmem:s18+$0xFFFFFFC0];
	[tilespmem:s16+$0x30] =	vst v9  }
0x98: {  	[tilespmem:s16+$0xFFFFFF20] =	vst v10;
	v16 =	vld [tilespmem:s18+$0x40]  }
.Ltmp0:
0x99: {  	v11 =	vld [tilespmem:s18+$0xFFFFFF40];
	[tilespmem:s14+$0x60] =	vst v12;
	(pc) =	sbr.rel @p0 .LBB2_3-.Ltmp0, $4  }
0x9a: {  	[tilespmem:s14+$0xFFFFFF60] =	vst v13;
	v9 =	vld [tilespmem:s15+$0xFFFFFFF0]  }
0x9b: {  	[tilespmem:s16+$0xC8] =	vst v14;
	v10 =	vld [tilespmem:s15+$0x70];
	s15 =	smov.u32 s18  }
0x9c: {  	[tilespmem:s16+$0xFFFFFFB8] =	vst v15;
	v13 =	vld [tilespmem:s18+$0xD0]  }
0x9d: {  	s18 =	sadd.s32 $0x200, s18;
	v12 =	vld [tilespmem:s15+$0xFFFFFFD0];
	[tilespmem:s16+$0x40] =	vst v16  }
0x9e: {  	v14 =	vld [tilespmem:s15+$0x50]  }
0x9f: {  	[tilespmem:s16+$0xFFFFFF30] =	vst v11  }
0xa0: {  	v11 =	vld [tilespmem:s15+$0xFFFFFF50]  }
0xa1: {  	[tilespmem:s16+$0xD8] =	vst v13  }
0xa2: {  	v13 =	vld [tilespmem:s15+$0xE0];
	[tilespmem:s16+$0xFFFFFFC8] =	vst v12  }
0xa3: {  	[tilespmem:s16+$0x50] =	vst v14;
	v12 =	vld [tilespmem:s15+$0xFFFFFFE0]  }
0xa4: {  	v14 =	vld [tilespmem:s15+$0x60]  }
0xa5: {  	[tilespmem:s16+$0xFFFFFF40] =	vst v11  }
0xa6: {  	[tilespmem:s14+$0xFFFFFFE8] =	vst v9;
	v11 =	vld [tilespmem:s15+$0xFFFFFF60]  }
0xa7: {  	[tilespmem:s16+$0xE8] =	vst v13  }
0xa8: {  	[tilespmem:s16+$0xFFFFFFD8] =	vst v12  }
0xa9: {  	s18 =	simm.s32 $0x1;
	[tilespmem:s16+$0x60] =	vst v14;
	v13 =	vld [tilespmem:s15+$0xFFFFFFF0]  }
0xaa: {  	[tilespmem:s14+$0x70] =	vst v10;
	v10 =	vmov s18;
	v9 =	vld [tilespmem:s15+$0x70]  }
0xab: {  	v10 =	vshrl.u32 v10, $0x3;
	[tilespmem:s16+$0xFFFFFF50] =	vst v11;
	v11 =	vld [tilespmem:s15+$0xF0]  }
0xac: {  	v10 =	vshll.u32 v10, v1;
	v12 =	vld [tilespmem:s15+$0xFFFFFF70]  }
0xad: {  	v10 =	vbroadcast v10, $0x0  }
0xae: {  	s17 =	simm.s32 $0x0;
	s18 =	simm.s32 $0x4;
	[tilespmem:s16+$0xFFFFFFE8] =	vst v13  }
0xaf: {  	v10 =	vadd.s32 v2, v10;
	s15 =	simm.s32 $0x2;
	v13 =	vmov s18;
	s18 =	simm.s32 $0x9;
	[tilespmem:s16+$0x70] =	vst v9;
	v9 =	vmov s17  }
0xb0: {  	[tilespmem:s16+$0xF8] =	vst v11;
	s17 =	simm.s32 $0x5;
	v11 =	vmov s15;
	s15 =	simm.s32 $0x6;
	v13 =	vshrl.u32 v13, $0x3;
	v18 =	vmov s18  }
0xb1: {  	[tilespmem:s16+$0xFFFFFF60] =	vst v12;
	v9 =	vshrl.u32 v9, $0x3;
	s16 =	simm.s32 $0x3;
	v14 =	vmov s17;
	v15 =	vmov s15  }
0xb2: {  	s18 =	simm.s32 $0xD;
	v11 =	vshrl.u32 v11, $0x3;
	v13 =	vshll.u32 v13, v1;
	v12 =	vmov s16;
	s16 =	simm.s32 $0x7  }
0xb3: {  	v22 =	vmov s18;
	v16 =	vmov s16;
	v12 =	vshrl.u32 v12, $0x3  }
0xb4: {  	v18 =	vshrl.u32 v18, $0x3;
	v16 =	vshrl.u32 v16, $0x3;
	v12 =	vshll.u32 v12, v1  }
0xb5: {  	v14 =	vshrl.u32 v14, $0x3;
	v16 =	vshll.u32 v16, v1;
	v12 =	vbroadcast v12, $0x0  }
0xb6: {  	v11 =	vshll.u32 v11, v1;
	v15 =	vshrl.u32 v15, $0x3;
	v16 =	vbroadcast v16, $0x0  }
0xb7: {  	s17 =	simm.s32 $0x8;
	v13 =	vbroadcast v13, $0x0;
	v9 =	vshll.u32 v9, v1;
	v12 =	vadd.s32 v4, v12  }
0xb8: {  	s15 =	simm.s32 $0xA;
	v17 =	vmov s17;
	v11 =	vbroadcast v11, $0x0;
	v16 =	vadd.s32 v8, v16  }
0xb9: {  	v19 =	vmov s15;
	v18 =	vshll.u32 v18, v1;
	v14 =	vshll.u32 v14, v1  }
0xba: {  	v22 =	vshrl.u32 v22, $0x3;
	v14 =	vbroadcast v14, $0x0;
	v11 =	vadd.s32 v3, v11  }
0xbb: {  	v15 =	vshll.u32 v15, v1;
	v9 =	vbroadcast v9, $0x0;
	v13 =	vadd.s32 v5, v13  }
0xbc: {  	s17 =	simm.s32 $0xC;
	s15 =	simm.s32 $0xF;
	v17 =	vshrl.u32 v17, $0x3;
	v15 =	vbroadcast v15, $0x0;
	v14 =	vadd.s32 v6, v14;
	v12 =	vld.idx.msk [tilespmem:v12+s26+$0x0], $0xffff  }
0xbd: {  	s16 =	simm.s32 $0xB;
	v21 =	vmov s17;
	v23 =	vmov s15;
	v19 =	vshrl.u32 v19, $0x3;
	v16 =	vld.idx.msk [tilespmem:v16+s26+$0x0], $0xffff  }
0xbe: {  	v10 =	vld.idx.msk [tilespmem:v10+s26+$0x0], $0xffff;
	v18 =	vbroadcast v18, $0x0;
	v20 =	vmov s16;
	v15 =	vadd.s32 v7, v15  }
0xbf: {  	s16 =	simm.s32 $0xE;
	v23 =	vshrl.u32 v23, $0x3;
	v21 =	vshrl.u32 v21, $0x3;
	v9 =	vadd.s32 v0, v9;
	v11 =	vld.idx.msk [tilespmem:v11+s26+$0x0], $0xffff  }
0xc0: {  	v19 =	vshll.u32 v19, v1;
	v24 =	vmov s16;
	v23 =	vshll.u32 v23, v1;
	v13 =	vld.idx.msk [tilespmem:v13+s26+$0x0], $0xffff  }
0xc1: {  	v20 =	vshrl.u32 v20, $0x3;
	v18 =	vadd.s32 v2, v18;
	v23 =	vbroadcast v23, $0x0;
	v14 =	vld.idx.msk [tilespmem:v14+s26+$0x0], $0xffff;
	[tilespmem:s12+$0xFFFFFFF0] =	vst v12  }
0xc2: {  	v12 =	vshll.u32 v22, v1;
	[tilespmem:s12+$0x30] =	vst v16;
	v16 =	vbroadcast v19, $0x0;
	v19 =	vshll.u32 v20, v1  }
0xc3: {  	[tilespmem:s12+$0xFFFFFFD0] =	vst v10;
	v15 =	vld.idx.msk [tilespmem:v15+s26+$0x0], $0xffff;
	v20 =	vadd.s32 v8, v23;
	v10 =	vbroadcast v19, $0x0;
	v19 =	vshll.u32 v21, v1  }
0xc4: {  	v9 =	vld.idx.msk [tilespmem:v9+s26+$0x0], $0xffff;
	[tilespmem:s12+$0xFFFFFFE0] =	vst v11;
	v21 =	vshrl.u32 v24, $0x3;
	v23 =	vadd.s32 v3, v16;
	v11 =	vbroadcast v19, $0x0  }
0xc5: {  	[tilespmem:s12+$0x0] =	vst v13;
	v12 =	vbroadcast v12, $0x0;
	v22 =	vadd.s32 v4, v10;
	v10 =	vshll.u32 v21, v1  }
0xc6: {  	v13 =	vshll.u32 v17, v1;
	[tilespmem:s12+$0x10] =	vst v14;
	v16 =	vbroadcast v10, $0x0;
	v14 =	vadd.s32 v5, v11  }
0xc7: {  	s13 =	sshrl.u32 s13, $0x2;
	s18 =	simm.s32 $0x10;
	v17 =	vbroadcast v13, $0x0;
	v13 =	vadd.s32 v6, v12;
	v11 =	vld.idx.msk [tilespmem:v18+s26+$0x0], $0xffff  }
0xc8: {  	s13 =	sadd.s32 $0x4880, s13;
	s14 =	simm.s32 $0x18;
	s17 =	simm.s32 $0x13;
	[tilespmem:s12+$0x20] =	vst v15;
	v12 =	vmov s18;
	v10 =	vld.idx.msk [tilespmem:v20+s26+$0x0], $0xffff;
	v15 =	vadd.s32 v7, v16  }
0xc9: {  	s15 =	simm.s32 $0x11;
	s16 =	simm.s32 $0x12;
	[tilespmem:s12+$0xFFFFFFC0] =	vst v9;
	s18 =	simm.s32 $0x14;
	v19 =	vmov s17;
	v9 =	vshrl.u32 v12, $0x3;
	v16 =	vadd.s32 v0, v17;
	v12 =	vld.idx.msk [tilespmem:v23+s26+$0x0], $0xffff  }
0xca: {  	s17 =	simm.s32 $0x17;
	v21 =	vmov s16;
	s16 =	simm.s32 $0x16;
	v18 =	vmov s15;
	s15 =	simm.s32 $0x15;
	v20 =	vmov s18;
	v17 =	vld.idx.msk [tilespmem:v22+s26+$0x0], $0xffff  }
.LBB2_5:
0xcb: {  	p0 =	slt.u32 s14, $0x78;
	v22 =	vmov s15;
	v23 =	vmov s16;
	v24 =	vmov s17;
	v14 =	vld.idx.msk [tilespmem:v14+s26+$0x0], $0xffff  }
0xcc: {  	v18 =	vshrl.u32 v18, $0x3;
	v21 =	vshrl.u32 v21, $0x3;
	s12 =	sadd.s32 $0x80, s12;
	v24 =	vshrl.u32 v24, $0x3;
	v13 =	vld.idx.msk [tilespmem:v13+s26+$0x0], $0xffff  }
0xcd: {  	v19 =	vshrl.u32 v19, $0x3;
	v20 =	vshrl.u32 v20, $0x3;
	v24 =	vshll.u32 v24, v1;
	v15 =	vld.idx.msk [tilespmem:v15+s26+$0x0], $0xffff;
	[tilespmem:s12+$0x30] =	vst v10  }
0xce: {  	v10 =	vshll.u32 v18, v1;
	v18 =	vshrl.u32 v22, $0x3;
	v22 =	vbroadcast v24, $0x0;
	v16 =	vld.idx.msk [tilespmem:v16+s26+$0x0], $0xffff;
	[tilespmem:s12+$0xFFFFFFD0] =	vst v11  }
0xcf: {  	v10 =	vbroadcast v10, $0x0;
	v11 =	vshll.u32 v21, v1;
	v21 =	vshrl.u32 v23, $0x3;
	[tilespmem:s12+$0xFFFFFFE0] =	vst v12  }
0xd0: {  	v11 =	vbroadcast v11, $0x0;
	v12 =	vshll.u32 v19, v1;
	v19 =	vadd.s32 v8, v22;
	[tilespmem:s12+$0xFFFFFFF0] =	vst v17  }
0xd1: {  	v17 =	vadd.s32 v2, v10;
	v10 =	vbroadcast v12, $0x0;
	v12 =	vshll.u32 v20, v1;
	[tilespmem:s12+$0x0] =	vst v14  }
0xd2: {  	v20 =	vadd.s32 v3, v11;
	v11 =	vbroadcast v12, $0x0;
	v12 =	vshll.u32 v18, v1;
	[tilespmem:s12+$0x10] =	vst v13  }
0xd3: {  	v22 =	vadd.s32 v4, v10;
	v10 =	vbroadcast v12, $0x0;
	v12 =	vshll.u32 v21, v1;
	[tilespmem:s12+$0x20] =	vst v15  }
.Ltmp1:
0xd4: {  	v9 =	vshll.u32 v9, v1;
	v14 =	vadd.s32 v5, v11;
	v12 =	vbroadcast v12, $0x0;
	[tilespmem:s12+$0xFFFFFFC0] =	vst v16;
	(pc) =	sbr.rel @p0 .LBB2_5-.Ltmp1, $4  }
0xd5: {  	v16 =	vbroadcast v9, $0x0;
	v13 =	vadd.s32 v6, v10;
	v10 =	vld.idx.msk [tilespmem:v19+s26+$0x0], $0xffff  }
0xd6: {  	s15 =	sadd.s32 $0x1, s14;
	s16 =	sadd.s32 $0x2, s14;
	v9 =	vmov s14;
	v15 =	vadd.s32 v7, v12;
	v11 =	vld.idx.msk [tilespmem:v17+s26+$0x0], $0xffff  }
0xd7: {  	s17 =	sadd.s32 $0x3, s14;
	s18 =	sadd.s32 $0x4, s14;
	v18 =	vmov s15;
	s15 =	sadd.s32 $0x5, s14;
	v9 =	vshrl.u32 v9, $0x3;
	v16 =	vadd.s32 v0, v16;
	v12 =	vld.idx.msk [tilespmem:v20+s26+$0x0], $0xffff  }
0xd8: {  	v21 =	vmov s16;
	s16 =	sadd.s32 $0x6, s14;
	v19 =	vmov s17;
	s17 =	sadd.s32 $0x7, s14;
	s14 =	sadd.s32 $0x8, s14;
	v20 =	vmov s18;
	v17 =	vld.idx.msk [tilespmem:v22+s26+$0x0], $0xffff  }
0xd9: {  	v22 =	vmov s15;
	v23 =	vmov s16;
	v24 =	vmov s17  }
0xda: {  	v18 =	vshrl.u32 v18, $0x3;
	v21 =	vshrl.u32 v21, $0x3;
	v19 =	vshrl.u32 v19, $0x3  }
0xdb: {  	v20 =	vshrl.u32 v20, $0x3;
	v9 =	vshll.u32 v9, v1;
	v24 =	vshrl.u32 v24, $0x3  }
0xdc: {  	v18 =	vshll.u32 v18, v1;
	v22 =	vshrl.u32 v22, $0x3;
	v9 =	vbroadcast v9, $0x0  }
0xdd: {  	v21 =	vshll.u32 v21, v1;
	v23 =	vshrl.u32 v23, $0x3;
	v18 =	vbroadcast v18, $0x0  }
0xde: {  	v19 =	vshll.u32 v19, v1;
	v21 =	vbroadcast v21, $0x0;
	v9 =	vadd.s32 v0, v9  }
0xdf: {  	v14 =	vld.idx.msk [tilespmem:v14+s26+$0x0], $0xffff;
	s12 =	sadd.s32 $0x80, s12;
	v20 =	vshll.u32 v20, v1;
	v19 =	vbroadcast v19, $0x0;
	v18 =	vadd.s32 v2, v18  }
0xe0: {  	v13 =	vld.idx.msk [tilespmem:v13+s26+$0x0], $0xffff;
	[tilespmem:s12+$0x30] =	vst v10;
	v24 =	vshll.u32 v24, v1;
	v20 =	vbroadcast v20, $0x0;
	v10 =	vadd.s32 v3, v21  }
0xe1: {  	v15 =	vld.idx.msk [tilespmem:v15+s26+$0x0], $0xffff;
	v53 =	vshll.u32 v22, v1;
	[tilespmem:s12+$0xFFFFFFD0] =	vst v11;
	v24 =	vbroadcast v24, $0x0;
	v11 =	vadd.s32 v4, v19  }
0xe2: {  	v16 =	vld.idx.msk [tilespmem:v16+s26+$0x0], $0xffff;
	v55 =	vshll.u32 v23, v1;
	v54 =	vbroadcast v53, $0x0;
	[tilespmem:s12+$0xFFFFFFE0] =	vst v12;
	v56 =	vadd.s32 v5, v20  }
0xe3: {  	v57 =	vbroadcast v55, $0x0;
	[tilespmem:s12+$0xFFFFFFF0] =	vst v17;
	v24 =	vadd.s32 v8, v24;
	v9 =	vld.idx.msk [tilespmem:v9+s26+$0x0], $0xffff  }
0xe4: {  	v58 =	vadd.s32 v6, v54;
	[tilespmem:s12+$0x0] =	vst v14;
	v60 =	vld.idx.msk [tilespmem:v18+s26+$0x0], $0xffff  }
0xe5: {  	v61 =	vadd.s32 v7, v57;
	[tilespmem:s12+$0x10] =	vst v13;
	v10 =	vld.idx.msk [tilespmem:v10+s26+$0x0], $0xffff  }
0xe6: {  	[tilespmem:s12+$0x20] =	vst v15;
	v11 =	vld.idx.msk [tilespmem:v11+s26+$0x0], $0xffff  }
0xe7: {  	[tilespmem:s12+$0xFFFFFFC0] =	vst v16;
	s12 =	sadd.s32 $0x80, s12;
	v12 =	vld.idx.msk [tilespmem:v56+s26+$0x0], $0xffff  }
0xe8: {  	v59 =	vld.idx.msk [tilespmem:v24+s26+$0x0], $0xffff;
	[tilespmem:s12+$0xFFFFFFC0] =	vst v9  }
0xe9: {  	v62 =	vld.idx.msk [tilespmem:v58+s26+$0x0], $0xffff;
	[tilespmem:s12+$0xFFFFFFD0] =	vst v60  }
0xea: {  	s9 =	sadd.s32 $0x1, s9;
	v63 =	vld.idx.msk [tilespmem:v61+s26+$0x0], $0xffff;
	[tilespmem:s12+$0xFFFFFFE0] =	vst v10  }
0xeb: {  	p0 =	sne.s32 s9, s21;
	[tilespmem:s12+$0xFFFFFFF0] =	vst v11  }
.Ltmp2:
0xec: {  	[tilespmem:s12+$0x0] =	vst v12;
	(pc) =	sbr.rel @p0 .LBB2_2-.Ltmp2, $4  }
0xed: {  	[tilespmem:s12+$0x30] =	vst v59  }
0xee: {  	s10 =	sshll.u32 s10, $0x8;
	[tilespmem:s12+$0x10] =	vst v62  }
0xef: {  	s11 =	sadd.s32 $0x9, s11;
	s7 =	sadd.s32 $0x1, s7;
	s10 =	sadd.s32 s5, s10;
	[tilespmem:s12+$0x20] =	vst v63  }
0xf0: {  	[hbm4b:s10+s3] =	stream.linear.scatter [tilespmem:s13], [sflag:s11], $0x800, $0x38;
	[tilespmem:$0x8880] =	vst v63  }
0xf1: {  	_ =	swait.ge [sflag:s28], $0x800  }
0xf2: {  	[sflag:s28] =	ssyncset.done $0x0  }
0xf3: {  	[sflag:s28] =	ssyncadd.s32 $0xFFFFF800  }
0xf4: {  	_ =	swait.ge [sflag:s29], $0x800  }
0xf5: {  	[sflag:s29] =	ssyncset.done $0x0  }
0xf6: {  	[sflag:s29] =	ssyncadd.s32 $0xFFFFF800  }
0xf7: {  	_ =	swait.ge [sflag:s30], $0x800  }
0xf8: {  	[sflag:s30] =	ssyncset.done $0x0  }
0xf9: {  	[sflag:s30] =	ssyncadd.s32 $0xFFFFF800  }
0xfa: {  	_ =	swait.ge [sflag:s31], $0x800  }
0xfb: {  	[sflag:s31] =	ssyncset.done $0x0  }
0xfc: {  	[sflag:s31] =	ssyncadd.s32 $0xFFFFF800  }
0xfd: {  	_ =	swait.ge [sflag:s1], $0x800  }
0xfe: {  	[sflag:s1] =	ssyncset.done $0x0  }
0xff: {  	[sflag:s1] =	ssyncadd.s32 $0xFFFFF800  }
0x100: {  	_ =	swait.ge [sflag:s0], $0x800  }
0x101: {  	[sflag:s0] =	ssyncset.done $0x0  }
0x102: {  	s25 =	sadd.s32 $0x1, s25;
	[sflag:s0] =	ssyncadd.s32 $0xFFFFF800  }
0x103: {  	p0 =	sne.s32 s25, s22;
	_ =	swait.ge [sflag:s23], $0x800  }
.Ltmp3:
0x104: {  	[sflag:s23] =	ssyncset.done $0x0;
	(pc) =	sbr.rel @p0 .LBB2_1-.Ltmp3, $4  }
0x105: {  	[sflag:s23] =	ssyncadd.s32 $0xFFFFF800  }
0x106: {  	_ =	swait.ge [sflag:s24], $0x800  }
0x107: {  	[sflag:s24] =	ssyncset.done $0x0  }
0x108: {  	[sflag:s24] =	ssyncadd.s32 $0xFFFFF800  }
0x109: {  	_ =	sfence.sel $0x180000  }
0x10a: {  	[bflag:$0x0] =	sbarrier.arrive $0xFFFF  }
0x10b: {  	_ =	strace $0x90000047  }
0x10c: {  	s0 =	stileid.u32;
	[bflag:$0x2] =	sbarrier.arrive $0xFFFF  }
0x10d: {  	p0 =	sne.s32 s0, $0x0;
	s0 =	rddreg [dreg:$0x2]  }
0x10e: {  	s0 =	sadd.s32 @!p0 $0x100000, s0  }
0x10f: {  	[sflag:s0] =	ssyncadd.tile.s32 @!p0 $0x1;
	_ =	shalt  }
.Lfunc_end2:
_tile_overlayer_lowered:
.L_overlay_start_2:
0x110: {  	(tag) =	ssettag $0x2  }
0x111: {  	s0 =	rddreg [dreg:$0x0];
	s2 =	stileid.u32  }
0x112: {  	s1 =	rddreg [dreg:$0x1];
	p0 =	sne.s32 s2, $0x0  }
0x113: {  	s3 =	rddreg [dreg:$0x2];
	[bflag:$0x3] =	sbarrier.arrive $0xFFFF;
	s2 =	simm.s32 @!p0 $0x1C11  }
0x114: {  	[timem:s3], [sflag:s2] =	dma.local @!p0 [hbm:s0], s1  }
0x115: {  	s0 =	simm.s32 @!p0 $0x11  }
0x116: {  	_ =	swait.ge @!p0 [sflag:s0], s1  }
0x117: {  	s1 =	ssub.s32 @!p0 $0x0, s1;
	[sflag:s0] =	ssyncset.done @!p0 $0x0  }
0x118: {  	[sflag:s0] =	ssyncadd.s32 @!p0 s1  }
0x119: {  	[bflag:$0x3] =	sbarrier.arrive $0xFFFF  }
0x11a: {  	_ =	shalt  }

// kernel: kernel.7.cloned.1.call-start
scs
__scs_entry_jumppad:
0x0: {  	(pc) =	sbr.rel $0x88, $3  }
0x1: {  	(tag) =	ssettag $0x0;
	lr =	simm.s32 $0x1  }
0x2: {  	[smem:$0x3F9D] =	sst lr;
	_ =	strace $0xD0000000  }
0x3: {  	_ = 	snop  }
0x4: {  	_ = 	snop  }
0x5: {  	_ = 	snop  }
0x6: {  	_ = 	snop  }
0x7: {  	_ = 	snop  }
__scs_overlays_trampoline_lowered:
0x8: {  	[smem:$0x3FAC] =	sst s0  }
0x9: {  	[smem:$0x3FAD] =	sst s1  }
0xa: {  	[smem:$0x3FAE] =	sst s2  }
0xb: {  	[smem:$0x3FAF] =	sst s3  }
0xc: {  	[smem:$0x3FB0] =	sst s4  }
0xd: {  	[smem:$0x3FB1] =	sst s5  }
0xe: {  	[smem:$0x3FB2] =	sst s6  }
0xf: {  	[smem:$0x3FB3] =	sst s7  }
0x10: {  	[smem:$0x3FB4] =	sst s8  }
0x11: {  	[smem:$0x3FB5] =	sst s9;
	s0 =	simm.s32 @!p0 $0x0  }
0x12: {  	s1 =	sld [smem:$0x3F9B];
	s0 =	simm.s32 @p0 $0x1  }
0x13: {  	[smem:$0x3FB6] =	sst s0;
	s0 =	simm.s32 @!p1 $0x0  }
0x14: {  	s2 =	sld [smem:$0x3F9A];
	s0 =	simm.s32 @p1 $0x1  }
0x15: {  	[smem:$0x3FB7] =	sst s0;
	s0 =	simm.s32 @!p2 $0x0  }
0x16: {  	s3 =	sld [smem:$0x3FDB];
	s0 =	simm.s32 @p2 $0x1  }
0x17: {  	s4 =	simm.s32 $0x1BF5;
	[smem:$0x3FB9] =	sst s0  }
0x18: {  	s0 =	sld [smem:$0x3F9C];
	_ =	swait.ge [sflag:s4], $0x0  }
0x19: {  	s7 =	sld [smem:$0x3F9D]  }
0x1a: {  	s8 =	sadd.s32 $0xFFFFE003, lr  }
0x1b: {  	s9 =	sadd.s32 $0xFFFFFEF7, lr;
	s5 =	simm.s32 $0xFFFFFFFF;
	p2 =	slt.u32 s8, $0xFFFFF086  }
0x1c: {  	p1 =	slt.u32 s9, $0xF7A;
	s5 =	simm.s32 @!p2 $0x0  }
0x1d: {  	s5 =	simm.s32 @p1 $0x1;
	p0 =	seq.s32 s7, s2  }
0x1e: {  	s7 =	smul.u32 @!p0 $0xF7A, s2;
	p2 =	seq.s32 @!p0 s5, $0x0  }
0x1f: {  	s9 =	smul.u32 $0xF7A, s1;
	s8 =	simm.s32 @!p0 $0x1BF5;
	p2 =	por !p2, p0  }
0x20: {  	[sflag:s8] =	ssyncset.s32 @!p0 $0xFFFFF086;
	s6 =	sadd.s32 @!p0 s3, s7;
	s7 =	simm.s32 @!p0 $0x108  }
0x21: {  	s3 =	sadd.s32 s3, s9;
	s6 =	sadd.s32 @!p0 $0x88, s6;
	s7 =	simm.s32 @p2 $0x1082  }
0x22: {  	[simem:s7], [sflag:s8] =	dma.local @!p0 [hbm:s6], $0xF7A  }
0x23: {  	s9 =	sor.u32 $0xD0000000, s2;
	s6 =	simm.s32 $0x108;
	_ =	swait.ge @!p0 [sflag:s8], $0x0  }
0x24: {  	s3 =	sadd.s32 $0x88, s3;
	s6 =	simm.s32 @!p1 $0x1082;
	[sflag:s4] =	ssyncset.s32 $0xFFFFF086  }
0x25: {  	[simem:s6], [sflag:s4] =	dma.local [hbm:s3], $0xF7A  }
0x26: {  	[smem:$0x3F9D] =	sst s1;
	(tag) =	ssettag s2;
	_ =	strace s9  }
0x27: {  	s1 =	sld [smem:$0x3FAD]  }
0x28: {  	s2 =	sld [smem:$0x3FAE]  }
0x29: {  	s4 =	sld [smem:$0x3FB0]  }
0x2a: {  	p0 =	seq.s32 s5, $0x0;
	s5 =	sld [smem:$0x3FB1]  }
0x2b: {  	s6 =	sld [smem:$0x3FB2]  }
0x2c: {  	s7 =	sld [smem:$0x3FB3]  }
0x2d: {  	s3 =	simm.s32 $0x108;
	s8 =	sld [smem:$0x3FB4]  }
0x2e: {  	s3 =	simm.s32 @!p0 $0x1082;
	s9 =	sld [smem:$0x3FB5]  }
0x2f: {  	lr =	sadd.s32 s0, s3;
	s0 =	sld [smem:$0x3FAC]  }
0x30: {  	s3 =	sld [smem:$0x3FAF]  }
0x31: {  	[smem:$0x3FB8] =	sst s10  }
0x32: {  	s10 =	sld [smem:$0x3FB6];
	_ =	sdelay $0x3  }
0x33: {  	p0 =	seq.s32 s10, $0x1;
	s10 =	sld [smem:$0x3FB8];
	_ =	sdelay $0x3  }
0x34: {  	[smem:$0x3FB8] =	sst s10  }
0x35: {  	s10 =	sld [smem:$0x3FB7];
	_ =	sdelay $0x3  }
0x36: {  	p1 =	seq.s32 s10, $0x1;
	s10 =	sld [smem:$0x3FB8];
	_ =	sdelay $0x3  }
0x37: {  	[smem:$0x3FB8] =	sst s10  }
0x38: {  	s10 =	sld [smem:$0x3FB9]  }
0x39: {  	_ = 	snop;
	(pc) =	sbr.ind lr, $3  }
0x3a: {  	_ = 	snop  }
0x3b: {  	_ = 	snop  }
0x3c: {  	p2 =	seq.s32 s10, $0x1;
	s10 =	sld [smem:$0x3FB8]  }
0x3d: {  	_ =	shalt  }
0x3e: {  	_ =	shalt  }
0x3f: {  	_ =	shalt  }
0x40: {  	_ =	shalt  }
0x41: {  	_ =	shalt  }
0x42: {  	_ =	shalt  }
0x43: {  	_ =	shalt  }
0x44: {  	_ =	shalt  }
0x45: {  	_ =	shalt  }
0x46: {  	_ =	shalt  }
0x47: {  	_ =	shalt  }
0x48: {  	_ =	shalt  }
0x49: {  	_ =	shalt  }
0x4a: {  	_ =	shalt  }
0x4b: {  	_ =	shalt  }
0x4c: {  	_ =	shalt  }
0x4d: {  	_ =	shalt  }
0x4e: {  	_ =	shalt  }
0x4f: {  	_ =	shalt  }
0x50: {  	_ =	shalt  }
0x51: {  	_ =	shalt  }
0x52: {  	_ =	shalt  }
0x53: {  	_ =	shalt  }
0x54: {  	_ =	shalt  }
0x55: {  	_ =	shalt  }
0x56: {  	_ =	shalt  }
0x57: {  	_ =	shalt  }
0x58: {  	_ =	shalt  }
0x59: {  	_ =	shalt  }
0x5a: {  	_ =	shalt  }
0x5b: {  	_ =	shalt  }
0x5c: {  	_ =	shalt  }
0x5d: {  	_ =	shalt  }
0x5e: {  	_ =	shalt  }
0x5f: {  	_ =	shalt  }
0x60: {  	_ =	shalt  }
0x61: {  	_ =	shalt  }
0x62: {  	_ =	shalt  }
0x63: {  	_ =	shalt  }
0x64: {  	_ =	shalt  }
0x65: {  	_ =	shalt  }
0x66: {  	_ =	shalt  }
0x67: {  	_ =	shalt  }
0x68: {  	_ =	shalt  }
0x69: {  	_ =	shalt  }
0x6a: {  	_ =	shalt  }
0x6b: {  	_ =	shalt  }
0x6c: {  	_ =	shalt  }
0x6d: {  	_ =	shalt  }
0x6e: {  	_ =	shalt  }
0x6f: {  	_ =	shalt  }
0x70: {  	_ =	shalt  }
0x71: {  	_ =	shalt  }
0x72: {  	_ =	shalt  }
0x73: {  	_ =	shalt  }
0x74: {  	_ =	shalt  }
0x75: {  	_ =	shalt  }
0x76: {  	_ =	shalt  }
0x77: {  	_ =	shalt  }
0x78: {  	_ =	shalt  }
0x79: {  	_ =	shalt  }
0x7a: {  	_ =	shalt  }
0x7b: {  	_ =	shalt  }
0x7c: {  	_ =	shalt  }
0x7d: {  	_ =	shalt  }
0x7e: {  	_ =	shalt  }
0x7f: {  	_ =	shalt  }
0x80: {  	_ =	shalt  }
0x81: {  	_ =	shalt  }
0x82: {  	_ =	shalt  }
0x83: {  	_ =	shalt  }
0x84: {  	_ =	shalt  }
0x85: {  	_ =	shalt  }
0x86: {  	_ =	shalt  }
0x87: {  	_ =	shalt  }
.Lfunc_end0:
.L_simem_size_0:
called_computation.1_lowered:
.L_overlay_start_0:
0x88: {  	s2 =	sld [smem:$0x3FD9]  }
0x89: {  	s3 =	sld [smem:$0x3FFE];
	_ =	sdelay $0x1  }
0x8a: {  	s1 =	srdreg.scid  }
0x8b: {  	s0 =	sand.u32 $0x1, s1  }
0x8c: {  	s17 =	sshll.u32 s0, $0xA;
	s2 =	sadd.s32 s3, s2  }
0x8d: {  	s2 =	sadd.s32 s2, s17  }
0x8e: {  	[smem:$0x3FC4] =	sst s2  }
0x8f: {  	_ = 	snop  }
0x90: {  	s2 =	sld [smem:$0x3FC8]  }
0x91: {  	s18 =	sld [smem:$0x3FD0];
	(tm) =	ssettm $0x1  }
0x92: {  	s4 =	sld [smem:$0x3FFB];
	_ =	sdelay $0x3  }
0x93: {  	_ =	strace s4  }
0x94: {  	s4 =	sld [smem:$0x3FFC];
	_ =	sdelay $0x3  }
0x95: {  	_ =	strace s4  }
0x96: {  	s4 =	sld [smem:$0x3FFD];
	_ =	sdelay $0x3  }
0x97: {  	_ =	strace s4  }
0x98: {  	_ =	strace $0x8FFFFFFF  }
0x99: {  	s19 =	sld [smem:$0x3FDB];
	_ =	sdelay $0x1  }
0x9a: {  	s5 =	simm.s32 $_scs_section_size  }
0x9b: {  	s6 =	simm.s32 $_size__tile_overlayer_lowered;
	s7 =	simm.s32 $_tile_overlayer_lowered  }
0x9c: {  	s22 =	simm.s32 $0x1BFF;
	s21 =	sshll.u32 s7, $0x1;
	s4 =	sadd.s32 s5, s19  }
0x9d: {  	s8 =	simm.s32 $0x0;
	s20 =	sshll.u32 s6, $0x1;
	s6 =	sadd.s32 s21, s4  }
0x9e: {  	[timem:s8], [sflag:s22] =	dma.local [hbm:s6], s20  }
0x9f: {  	_ =	swait.ge [sflag:s22], s20  }
0xa0: {  	s5 =	ssub.s32 $0x0, s20;
	[sflag:s22] =	ssyncset.done $0x0  }
0xa1: {  	[sflag:s22] =	ssyncadd.s32 s5;
	_ =	sdelay $0x1  }
0xa2: {  	s23 =	simm.s32 $0x1B8B  }
0xa3: {  	_ =	swait.ge [sflag:s23], $0x1  }
0xa4: {  	[sflag:s23] =	ssyncset.done $0x0  }
0xa5: {  	s25 =	simm.s32 $0x1B8E;
	s24 =	sld [smem:$0x3FFE];
	[sflag:s23] =	ssyncadd.s32 $0xFFFFFFFF  }
0xa6: {  	s26 =	simm.s32 $execute0_lowered;
	[smem:$0x3FD2] =	sst s25  }
0xa7: {  	s6 =	sshll.u32 s26, $0x1;
	_ =	strace $0x80000049;
	[dreg:$0x1] =	wrdreg $0xFFFFFFFF  }
0xa8: {  	s28 =	simm.s32 $_size_execute0_lowered;
	s4 =	sadd.s32 s4, s6;
	[dreg:$0x0] =	wrdreg $0x0  }
0xa9: {  	s6 =	sshll.u32 s28, $0x1;
	[dreg:$0x2] =	wrdreg s4  }
0xaa: {  	[dreg:$0x3] =	wrdreg s6  }
0xab: {  	[dreg:$0x4] =	wrdreg $0xC0  }
0xac: {  	_ =	task [dreg:s8], $0x5FFFF  }
0xad: {  	[dreg:$0x1] =	wrdreg $0xFFFFFFFF  }
0xae: {  	[dreg:$0x0] =	wrdreg $0x60  }
0xaf: {  	[dreg:$0x2] =	wrdreg s24  }
0xb0: {  	[dreg:$0x3] =	wrdreg s2  }
0xb1: {  	[dreg:$0x4] =	wrdreg s18  }
0xb2: {  	[dreg:$0x5] =	wrdreg $0x9  }
0xb3: {  	_ =	task.clear_ibuf [dreg:s8], $0x6FFFF;
	_ =	strace $0x90000049  }
0xb4: {  	s29 =	simm.s32 $0x9;
	_ =	strace $0x8000004B  }
0xb5: {  	_ =	swait.ge [sflag:s29], $0x1  }
0xb6: {  	[sflag:s29] =	ssyncadd.s32 $0xFFFFFFFF  }
0xb7: {  	_ =	strace $0x9000004B  }
0xb8: {  	_ =	sfence  }
0xb9: {  	s30 =	sld [smem:$0x0];
	_ =	sdelay $0x2  }
0xba: {  	s31 =	sshll.u32 s1, $0xD;
	s1 =	sshrl.u32 s1, $0x2  }
0xbb: {  	s3 =	sand.u32 $0x4000, s31;
	s1 =	sadd.s32 s1, s30  }
0xbc: {  	s0 =	sor.u32 s3, s0;
	s1 =	sshll.u32 s1, $0x11  }
0xbd: {  	s0 =	sor.u32 s1, s0  }
0xbe: {  	s0 =	sadd.s32 $0x8F2B, s0  }
0xbf: {  	[sflag:s0] =	ssyncadd.remote.s32 $0x1  }
0xc0: {  	_ =	sfence.sel $0xFFFF  }
0xc1: {  	[dreg:$0x0] =	wrdreg $0xFFFFFFFF;
	(pc) =	sbr.abs _section_cstart, $3  }
0xc2: {  	[dreg:$0x1] =	wrdreg $0xFFFFFFFF  }
0xc3: {  	_ =	task.clear_ibuf [dreg:s8], $0x2FFFF;
	_ =	strace $0x9FFFFFFF  }
0xc4: {  	(tm) =	ssettm $0x7FFFFFFF  }
0xc5: {  	_ =	shalt  }
tec
execute0_lowered:
.L_overlay_start_1:
0x0: {  	(tag) =	ssettag $0x1  }
0x1: {  	s0 =	rddreg [dreg:$0x0]  }
0x2: {  	s1 =	rddreg [dreg:$0x1];
	s3 =	srdreg.scid  }
0x3: {  	s5 =	stileid.u32;
	s2 =	rddreg [dreg:$0x2];
	s17 =	simm.s32 $0x7  }
0x4: {  	s21 =	simm.s32 $0x80;
	s20 =	simm.s32 $0x400;
	s23 =	simm.s32 $0x800;
	v0 =	vlaneseq.u32  }
0x5: {  	s28 =	simm.s32 $0x17400;
	s4 =	sand.u32 $0x1, s3;
	s3 =	simm.s32 $0x0;
	v0 =	vmul.u32 $0x8, v0  }
0x6: {  	s29 =	simm.s32 $0x5;
	s30 =	simm.s32 $0x6;
	[smem:$0x7FF] =	sst s3  }
0x7: {  	s31 =	simm.s32 $0x0;
	s5 =	sshll.u32 s5, $0x1;
	_ =	strace $0x8000004A;
	v1 =	vor.u32 $0x1, v0;
	[tilespmem:$0x1FF80] =	vst v0  }
0x8: {  	s13 =	sadd.s32 $0x180, s1;
	s14 =	sadd.s32 $0x40000, s2;
	s5 =	sor.u32 s4, s5;
	v2 =	vor.u32 $0x2, v0;
	[tilespmem:$0x1FF90] =	vst v1  }
0x9: {  	s25 =	ssub.s32 $0x2, s4;
	s4 =	sadd.s32 $0xC00, s0;
	s6 =	sshll.u32 s5, $0xA;
	v3 =	vor.u32 $0x3, v0;
	[tilespmem:$0x1FFA0] =	vst v2  }
0xa: {  	s26 =	sshrl.u32 s25, $0x1;
	v4 =	vor.u32 $0x4, v0;
	s10 =	sadd.s32 s6, s0;
	s0 =	sadd.s32 $0x3E9600, s0;
	[tilespmem:$0x1FFB0] =	vst v3  }
0xb: {  	v5 =	vor.u32 $0x5, v0;
	s6 =	sshll.u32 s5, $0x6;
	s5 =	sshll.u32 s5, $0xD;
	[tilespmem:$0x1FFC0] =	vst v4;
	[dreg:$0x4] =	wrdreg s0  }
0xc: {  	v6 =	vor.u32 $0x6, v0;
	[tilespmem:$0x1FFD0] =	vst v5;
	s0 =	ssub.s32 s25, s26;
	s7 =	sadd.s32 $0x3E1600, s10;
	s8 =	sadd.s32 $0x3D9600, s10  }
0xd: {  	v7 =	vor.u32 $0x7, v0;
	[tilespmem:$0x1FFE0] =	vst v6;
	s9 =	sadd.s32 s1, s5;
	s10 =	sadd.s32 $0x3D1600, s10;
	s26 =	simm.s32 $0x17000  }
0xe: {  	[tilespmem:$0x1FFF0] =	vst v7;
	s11 =	sadd.s32 $0x80, s9;
	s12 =	sadd.s32 $0x100, s9;
	s15 =	smax.u32 s0, $0x1  }
.LBB2_1:
0xf: {  	s0 =	rddreg [dreg:$0x4];
	s1 =	simm.s32 $0x19000  }
0x10: {  	[tilespmem:s1], [sflag:$0x7] =	stream.linear.gather [hbm4b:s0+s3], $0x10, $0x38;
	[tilespmem:$0x19010] =	vst v63  }
0x11: {  	_ =	swait.ge [sflag:s17], $0x10  }
0x12: {  	[sflag:s17] =	ssyncset.done $0x0  }
0x13: {  	s25 =	simm.s32 $0x11000;
	[sflag:s17] =	ssyncadd.s32 $0xFFFFFFF0  }
0x14: {  	[tilespmem:s25], [sflag:$0x7] =	stream.linear.gather [hbm4b:s7+s3], $0x2000, $0x38;
	[tilespmem:$0x19010] =	vst v63  }
0x15: {  	_ =	swait.ge [sflag:s17], $0x2000  }
0x16: {  	[sflag:s17] =	ssyncset.done $0x0  }
0x17: {  	s1 =	simm.s32 $0x13000;
	[sflag:s17] =	ssyncadd.s32 $0xFFFFE000  }
0x18: {  	[tilespmem:s1], [sflag:$0x7] =	stream.linear.gather [hbm4b:s8+s3], $0x2000, $0x38;
	[tilespmem:$0x19010] =	vst v63  }
0x19: {  	_ =	swait.ge [sflag:s17], $0x2000  }
0x1a: {  	[sflag:s17] =	ssyncset.done $0x0  }
0x1b: {  	s5 =	simm.s32 $0x15000;
	[sflag:s17] =	ssyncadd.s32 $0xFFFFE000  }
0x1c: {  	[tilespmem:s5], [sflag:$0x7] =	stream.linear.gather [hbm4b:s10+s3], $0x2000, $0x38;
	[tilespmem:$0x19010] =	vst v63  }
0x1d: {  	_ =	swait.ge [sflag:s17], $0x2000  }
0x1e: {  	[sflag:s17] =	ssyncset.done $0x0  }
0x1f: {  	[sflag:s17] =	ssyncadd.s32 $0xFFFFE000  }
0x20: {  	v9 =	vld [tilespmem:$0x19000];
	[tilespmem:s3], [sflag:$0x7] =	stream.linear.gather [hbm4b:s9+s3], $0x400, $0x38  }
0x21: {  	_ =	swait.ge [sflag:s17], $0x400  }
0x22: {  	[sflag:s17] =	ssyncset.done $0x0  }
0x23: {  	s16 =	simm.s32 $0x1000;
	[sflag:s17] =	ssyncadd.s32 $0xFFFFFC00  }
0x24: {  	[tilespmem:s16], [sflag:$0x1] =	stream.indirect.gather [hbm4b:s4+s21], $0x10, s3, s21, $0xb8;
	[tilespmem:$0x19010] =	vst v63  }
0x25: {  	s18 =	simm.s32 $0x1800  }
0x26: {  	[tilespmem:s18], [sflag:$0x1] =	stream.indirect.gather [hbm4b:s4+s21], $0x10, s21, s21, $0xb8;
	[tilespmem:$0x19010] =	vst v63  }
0x27: {  	s19 =	simm.s32 $0x100;
	s22 =	simm.s32 $0x2000  }
0x28: {  	[tilespmem:s22], [sflag:$0x1] =	stream.indirect.gather [hbm4b:s4+s21], $0x10, s19, s21, $0xb8;
	[tilespmem:$0x19010] =	vst v63  }
0x29: {  	s24 =	simm.s32 $0x180;
	s25 =	simm.s32 $0x2800  }
0x2a: {  	[tilespmem:s25], [sflag:$0x1] =	stream.indirect.gather [hbm4b:s4+s21], $0x10, s24, s21, $0xb8;
	[tilespmem:$0x19010] =	vst v63  }
0x2b: {  	s1 =	simm.s32 $0x200;
	s5 =	simm.s32 $0x3000  }
0x2c: {  	[tilespmem:s5], [sflag:$0x1] =	stream.indirect.gather [hbm4b:s4+s21], $0x10, s1, s21, $0xb8;
	[tilespmem:$0x19010] =	vst v63  }
0x2d: {  	s16 =	simm.s32 $0x280;
	s18 =	simm.s32 $0x3800  }
0x2e: {  	[tilespmem:s18], [sflag:$0x1] =	stream.indirect.gather [hbm4b:s4+s21], $0x10, s16, s21, $0xb8;
	[tilespmem:$0x19010] =	vst v63  }
0x2f: {  	s19 =	simm.s32 $0x300;
	s22 =	simm.s32 $0x4000  }
0x30: {  	[tilespmem:s22], [sflag:$0x1] =	stream.indirect.gather [hbm4b:s4+s21], $0x10, s19, s21, $0xb8;
	[tilespmem:$0x19010] =	vst v63  }
0x31: {  	s24 =	simm.s32 $0x380;
	s25 =	simm.s32 $0x4800  }
0x32: {  	[tilespmem:s25], [sflag:$0x1] =	stream.indirect.gather [hbm4b:s4+s21], $0x10, s24, s21, $0xb8;
	[tilespmem:$0x19010] =	vst v63  }
0x33: {  	_ = 	snop  }
0x34: {  	[tilespmem:s20], [sflag:$0x7] =	stream.linear.gather [hbm4b:s11+s3], $0x400, $0x38;
	[tilespmem:$0x19010] =	vst v63  }
0x35: {  	_ =	swait.ge [sflag:s17], $0x400  }
0x36: {  	[sflag:s17] =	ssyncset.done $0x0  }
0x37: {  	s5 =	simm.s32 $0x5000;
	[sflag:s17] =	ssyncadd.s32 $0xFFFFFC00  }
0x38: {  	[tilespmem:s5], [sflag:$0x2] =	stream.indirect.gather [hbm4b:s4+s21], $0x10, s20, s21, $0xb8;
	[tilespmem:$0x19010] =	vst v63  }
0x39: {  	s16 =	simm.s32 $0x480;
	s18 =	simm.s32 $0x5800  }
0x3a: {  	[tilespmem:s18], [sflag:$0x2] =	stream.indirect.gather [hbm4b:s4+s21], $0x10, s16, s21, $0xb8;
	[tilespmem:$0x19010] =	vst v63  }
0x3b: {  	s19 =	simm.s32 $0x500;
	s22 =	simm.s32 $0x6000  }
0x3c: {  	[tilespmem:s22], [sflag:$0x2] =	stream.indirect.gather [hbm4b:s4+s21], $0x10, s19, s21, $0xb8;
	[tilespmem:$0x19010] =	vst v63  }
0x3d: {  	s24 =	simm.s32 $0x580;
	s25 =	simm.s32 $0x6800  }
0x3e: {  	[tilespmem:s25], [sflag:$0x2] =	stream.indirect.gather [hbm4b:s4+s21], $0x10, s24, s21, $0xb8;
	[tilespmem:$0x19010] =	vst v63  }
0x3f: {  	s1 =	simm.s32 $0x600;
	s5 =	simm.s32 $0x7000  }
0x40: {  	[tilespmem:s5], [sflag:$0x2] =	stream.indirect.gather [hbm4b:s4+s21], $0x10, s1, s21, $0xb8;
	[tilespmem:$0x19010] =	vst v63  }
0x41: {  	s16 =	simm.s32 $0x680;
	s18 =	simm.s32 $0x7800  }
0x42: {  	[tilespmem:s18], [sflag:$0x2] =	stream.indirect.gather [hbm4b:s4+s21], $0x10, s16, s21, $0xb8;
	[tilespmem:$0x19010] =	vst v63  }
0x43: {  	s19 =	simm.s32 $0x700;
	s22 =	simm.s32 $0x8000  }
0x44: {  	[tilespmem:s22], [sflag:$0x2] =	stream.indirect.gather [hbm4b:s4+s21], $0x10, s19, s21, $0xb8;
	[tilespmem:$0x19010] =	vst v63  }
0x45: {  	s24 =	simm.s32 $0x780;
	s25 =	simm.s32 $0x8800  }
0x46: {  	[tilespmem:s25], [sflag:$0x2] =	stream.indirect.gather [hbm4b:s4+s21], $0x10, s24, s21, $0xb8;
	[tilespmem:$0x19010] =	vst v63  }
0x47: {  	_ = 	snop  }
0x48: {  	[tilespmem:s23], [sflag:$0x7] =	stream.linear.gather [hbm4b:s12+s3], $0x400, $0x38;
	[tilespmem:$0x19010] =	vst v63  }
0x49: {  	_ =	swait.ge [sflag:s17], $0x400  }
0x4a: {  	[sflag:s17] =	ssyncset.done $0x0  }
0x4b: {  	s5 =	simm.s32 $0x9000;
	[sflag:s17] =	ssyncadd.s32 $0xFFFFFC00  }
0x4c: {  	[tilespmem:s5], [sflag:$0x3] =	stream.indirect.gather [hbm4b:s4+s21], $0x10, s23, s21, $0xb8;
	[tilespmem:$0x19010] =	vst v63  }
0x4d: {  	s16 =	simm.s32 $0x880;
	s18 =	simm.s32 $0x9800  }
0x4e: {  	[tilespmem:s18], [sflag:$0x3] =	stream.indirect.gather [hbm4b:s4+s21], $0x10, s16, s21, $0xb8;
	[tilespmem:$0x19010] =	vst v63  }
0x4f: {  	s19 =	simm.s32 $0x900;
	s22 =	simm.s32 $0xA000  }
0x50: {  	[tilespmem:s22], [sflag:$0x3] =	stream.indirect.gather [hbm4b:s4+s21], $0x10, s19, s21, $0xb8;
	[tilespmem:$0x19010] =	vst v63  }
0x51: {  	s24 =	simm.s32 $0x980;
	s25 =	simm.s32 $0xA800  }
0x52: {  	[tilespmem:s25], [sflag:$0x3] =	stream.indirect.gather [hbm4b:s4+s21], $0x10, s24, s21, $0xb8;
	[tilespmem:$0x19010] =	vst v63  }
0x53: {  	s1 =	simm.s32 $0xA00;
	s5 =	simm.s32 $0xB000  }
0x54: {  	[tilespmem:s5], [sflag:$0x3] =	stream.indirect.gather [hbm4b:s4+s21], $0x10, s1, s21, $0xb8;
	[tilespmem:$0x19010] =	vst v63  }
0x55: {  	p0 =	por $0x0, $0x0;
	s16 =	simm.s32 $0xA80;
	s18 =	simm.s32 $0xB800  }
0x56: {  	[tilespmem:s18], [sflag:$0x3] =	stream.indirect.gather [hbm4b:s4+s21], $0x10, s16, s21, $0xb8;
	[tilespmem:$0x19010] =	vst v63  }
0x57: {  	s0 =	simm.s32 $0x0;
	s19 =	simm.s32 $0xB00;
	s22 =	simm.s32 $0xC000  }
0x58: {  	[tilespmem:s22], [sflag:$0x3] =	stream.indirect.gather [hbm4b:s4+s21], $0x10, s19, s21, $0xb8;
	[tilespmem:$0x19010] =	vst v63  }
0x59: {  	s24 =	simm.s32 $0xB80;
	s25 =	simm.s32 $0xC800;
	s1 =	simm.s32 $0x0  }
0x5a: {  	[tilespmem:s25], [sflag:$0x3] =	stream.indirect.gather [hbm4b:s4+s21], $0x10, s24, s21, $0xb8;
	[tilespmem:$0x19010] =	vst v63  }
.LBB2_2:
0x5b: {  	p1 =	sgt.u32 s0, $0x3C  }
0x5c: {  	s5 =	sor.u32 @!p1 s6, s0;
	s16 =	sadd.s32 @!p1 $0xFFFFFFFF, s0  }
0x5d: {  	s5 =	sshll.u32 @!p1 s5, $0x7;
	s16 =	sand.u32 @!p1 $0x3, s16  }
0x5e: {  	s19 =	simm.s32 @!p1 $0x0;
	s18 =	sshll.u32 @!p1 s16, $0xA;
	s5 =	sadd.s32 @!p1 s5, s13  }
0x5f: {  	[tilespmem:s18], [sflag:$0x7] =	stream.linear.gather @!p1 [hbm4b:s5+s19], $0x400, $0x38;
	[tilespmem:$0x19010] =	vst v63  }
0x60: {  	s5 =	simm.s32 @!p1 $0x7  }
0x61: {  	_ =	swait.ge @!p1 [sflag:s5], $0x400  }
0x62: {  	[sflag:s5] =	ssyncset.done @!p1 $0x0  }
0x63: {  	[sflag:s5] =	ssyncadd.s32 @!p1 $0xFFFFFC00;
	s5 =	sshll.u32 @!p1 s16, $0xE  }
0x64: {  	s22 =	simm.s32 @!p1 $0x80;
	s16 =	sadd.s32 @!p1 $0x1, s16;
	s19 =	sor.u32 @!p1 $0x1000, s5  }
0x65: {  	[tilespmem:s19], [sflag:s16] =	stream.indirect.gather @!p1 [hbm4b:s4+s22], $0x10, s18, s22, $0xb8;
	[tilespmem:$0x19010] =	vst v63  }
0x66: {  	s24 =	sor.u32 @!p1 $0x80, s18;
	s19 =	sor.u32 @!p1 $0x1800, s5  }
0x67: {  	[tilespmem:s19], [sflag:s16] =	stream.indirect.gather @!p1 [hbm4b:s4+s22], $0x10, s24, s22, $0xb8;
	[tilespmem:$0x19010] =	vst v63  }
0x68: {  	s19 =	sor.u32 @!p1 $0x2000, s5;
	s24 =	sor.u32 @!p1 $0x100, s18  }
0x69: {  	[tilespmem:s19], [sflag:s16] =	stream.indirect.gather @!p1 [hbm4b:s4+s22], $0x10, s24, s22, $0xb8;
	[tilespmem:$0x19010] =	vst v63  }
0x6a: {  	s19 =	sor.u32 @!p1 $0x2800, s5;
	s24 =	sor.u32 @!p1 $0x180, s18  }
0x6b: {  	[tilespmem:s19], [sflag:s16] =	stream.indirect.gather @!p1 [hbm4b:s4+s22], $0x10, s24, s22, $0xb8;
	[tilespmem:$0x19010] =	vst v63  }
0x6c: {  	s19 =	sor.u32 @!p1 $0x3000, s5;
	s24 =	sor.u32 @!p1 $0x200, s18  }
0x6d: {  	[tilespmem:s19], [sflag:s16] =	stream.indirect.gather @!p1 [hbm4b:s4+s22], $0x10, s24, s22, $0xb8;
	[tilespmem:$0x19010] =	vst v63  }
0x6e: {  	s19 =	sor.u32 @!p1 $0x3800, s5;
	s24 =	sor.u32 @!p1 $0x280, s18  }
0x6f: {  	[tilespmem:s19], [sflag:s16] =	stream.indirect.gather @!p1 [hbm4b:s4+s22], $0x10, s24, s22, $0xb8;
	[tilespmem:$0x19010] =	vst v63  }
0x70: {  	s19 =	sadd.s32 @!p1 $0x4000, s5;
	s24 =	sor.u32 @!p1 $0x300, s18  }
0x71: {  	[tilespmem:s19], [sflag:s16] =	stream.indirect.gather @!p1 [hbm4b:s4+s22], $0x10, s24, s22, $0xb8;
	[tilespmem:$0x19010] =	vst v63  }
0x72: {  	s25 =	sand.u32 $0x3, s0;
	s5 =	sadd.s32 @!p1 $0x4800, s5;
	s24 =	sand.u32 $0x3, s1  }
0x73: {  	s18 =	sor.u32 @!p1 $0x380, s18;
	s19 =	sadd.s32 $0x1, s25;
	s25 =	sshll.u32 s24, $0xE  }
0x74: {  	[tilespmem:s5], [sflag:s16] =	stream.indirect.gather @!p1 [hbm4b:s4+s22], $0x10, s18, s22, $0xb8;
	[tilespmem:$0x19010] =	vst v63  }
0x75: {  	s5 =	simm.s32 $0x1;
	s18 =	sor.u32 $0x3000, s25  }
0x76: {  	s25 =	sshll.u32 s0, $0x7;
	s5 =	simm.s32 @!p0 $0x0;
	_ =	swait.ge [sflag:s19], $0x4000  }
0x77: {  	p1 =	por $0x1, $0x1;
	s5 =	sshll.u32 s5, $0xB;
	[sflag:s19] =	ssyncset.done $0x0  }
0x78: {  	s16 =	sor.u32 $0x18040, s5;
	[sflag:s19] =	ssyncadd.s32 $0xFFFFC000;
	s5 =	simm.s32 $0x0  }
.LBB2_3:
0x79: {  	s19 =	sshll.u32 s5, $0x4  }
0x7a: {  	s19 =	sor.u32 s25, s19  }
0x7b: {  	s22 =	sor.u32 $0x1, s5;
	v10 =	vld [tilespmem:s19+$0x11000]  }
0x7c: {  	s24 =	sshll.u32 s22, $0x4;
	v11 =	vld [tilespmem:s19+$0x13000]  }
0x7d: {  	v12 =	vld [tilespmem:s19+$0x15000];
	s19 =	sor.u32 s25, s24  }
0x7e: {  	v52 =	vld [tilespmem:s19+$0x11000]  }
0x7f: {  	v15 =	vld [tilespmem:s19+$0x13000]  }
0x80: {  	v18 =	vld [tilespmem:s19+$0x15000];
	s19 =	sor.u32 $0x2, s5  }
0x81: {  	s24 =	sshll.u32 s19, $0x4  }
0x82: {  	s24 =	sor.u32 s25, s24  }
0x83: {  	v25 =	vld [tilespmem:s24+$0x13000]  }
0x84: {  	v10 =	vmul.f32 v10, v9;
	v11 =	vmul.f32 v11, v9  }
0x85: {  	v12 =	vmul.f32 v12, v9;
	v53 =	vmul.f32 v18, v9  }
0x86: {  	v13 =	vtrunc.f32 v10;
	v14 =	vtrunc.f32 v11  }
0x87: {  	s22 =	sshll.u32 s22, $0x7;
	v58 =	vld [tilespmem:s24+$0x11000];
	v13 =	vcvt.f32.s32 v13;
	v14 =	vcvt.f32.s32 v14  }
0x88: {  	v42 =	vor.u32 s22, v0;
	v60 =	vld [tilespmem:s24+$0x15000];
	s24 =	sshll.u32 s5, $0x7;
	v21 =	vtrunc.f32 v53;
	v25 =	vmul.f32 v25, v9  }
0x89: {  	v28 =	vor.u32 s24, v0;
	v13 =	vcvt.s32.f32 v13;
	v14 =	vcvt.s32.f32 v14  }
0x8a: {  	v61 =	vor.u32 s24, v1;
	v51 =	vtrunc.f32 v12;
	v21 =	vcvt.f32.s32 v21  }
0x8b: {  	v34 =	vtrunc.f32 v25;
	v10 =	vsub.f32 v10, v13;
	v11 =	vsub.f32 v11, v14  }
0x8c: {  	v30 =	vor.u32 s24, v2;
	v13 =	vcvt.f32.s32 v51;
	v14 =	vmul.f32 v52, v9  }
0x8d: {  	v34 =	vcvt.f32.s32 v34;
	v16 =	vsub.f32 $1.000000000e+00, v10;
	v17 =	vsub.f32 $1.000000000e+00, v11  }
0x8e: {  	v31 =	vor.u32 s24, v3;
	v13 =	vcvt.s32.f32 v13;
	v54 =	vtrunc.f32 v14  }
0x8f: {  	v33 =	vor.u32 s24, v4;
	v19 =	vmul.f32 v17, v16;
	v16 =	vmul.f32 v11, v16  }
0x90: {  	v35 =	vor.u32 s24, v5;
	v17 =	vmul.f32 v17, v10;
	v10 =	vmul.f32 v11, v10  }
0x91: {  	v12 =	vsub.f32 v12, v13;
	v11 =	vmul.f32 v15, v9;
	v15 =	vcvt.f32.s32 v54  }
0x92: {  	v62 =	vor.u32 s24, v6;
	v21 =	vcvt.s32.f32 v21;
	v34 =	vcvt.s32.f32 v34  }
0x93: {  	s5 =	sor.u32 $0x3, s5;
	v55 =	vsub.f32 $1.000000000e+00, v12;
	v20 =	vtrunc.f32 v11;
	v15 =	vcvt.s32.f32 v15  }
0x94: {  	v37 =	vor.u32 s24, v7;
	s24 =	sshll.u32 s5, $0x4;
	v56 =	vmul.f32 v12, v16;
	v20 =	vcvt.f32.s32 v20  }
0x95: {  	v44 =	vor.u32 s22, v1;
	s24 =	sor.u32 s25, s24;
	v22 =	vmul.f32 v55, v19;
	v19 =	vmul.f32 v19, v12  }
0x96: {  	v48 =	vor.u32 s22, v2;
	v43 =	vld [tilespmem:s24+$0x11000];
	v57 =	vmul.f32 v55, v17;
	v17 =	vmul.f32 v17, v12  }
0x97: {  	v14 =	vsub.f32 v14, v15;
	v18 =	vmul.f32 v55, v10;
	v10 =	vmul.f32 v12, v10  }
0x98: {  	v49 =	vor.u32 s22, v3;
	v12 =	vmul.f32 v60, v9;
	v20 =	vcvt.s32.f32 v20  }
0x99: {  	v47 =	vld [tilespmem:s24+$0x13000];
	v13 =	vsub.f32 v53, v21;
	v23 =	vmul.f32 v55, v16;
	v59 =	vsub.f32 $1.000000000e+00, v14;
	[tilespmem:v28+s26+$0x0] =	vst.idx.msk $0xffff, v22  }
0x9a: {  	v36 =	vtrunc.f32 v12;
	v11 =	vsub.f32 v11, v20;
	v20 =	vmul.f32 v58, v9;
	[tilespmem:v61+s26+$0x0] =	vst.idx.msk $0xffff, v19  }
0x9b: {  	v25 =	vsub.f32 v25, v34;
	v36 =	vcvt.f32.s32 v36;
	[tilespmem:v30+s26+$0x0] =	vst.idx.msk $0xffff, v23;
	v23 =	vmul.f32 v43, v9  }
0x9c: {  	v24 =	vsub.f32 $1.000000000e+00, v11;
	v21 =	vmul.f32 v11, v59;
	v11 =	vmul.f32 v11, v14  }
0x9d: {  	v50 =	vld [tilespmem:s24+$0x15000];
	v53 =	vor.u32 s22, v4;
	v32 =	vtrunc.f32 v20;
	v39 =	vcvt.s32.f32 v36;
	[tilespmem:v31+s26+$0x0] =	vst.idx.msk $0xffff, v56  }
0x9e: {  	v26 =	vsub.f32 $1.000000000e+00, v13;
	v32 =	vcvt.f32.s32 v32;
	[tilespmem:v33+s26+$0x0] =	vst.idx.msk $0xffff, v57;
	v57 =	vmul.f32 v47, v9  }
0x9f: {  	v54 =	vor.u32 s22, v5;
	v60 =	vtrunc.f32 v23;
	v27 =	vmul.f32 v24, v59  }
0xa0: {  	v46 =	vsub.f32 $1.000000000e+00, v25;
	v24 =	vmul.f32 v24, v14;
	v38 =	vmul.f32 v26, v21  }
0xa1: {  	s19 =	sshll.u32 s19, $0x7;
	v58 =	vor.u32 s22, v7;
	v21 =	vmul.f32 v13, v21;
	v41 =	vmul.f32 v26, v11  }
0xa2: {  	v61 =	vor.u32 s19, v0;
	[tilespmem:v35+s26+$0x0] =	vst.idx.msk $0xffff, v17;
	v11 =	vmul.f32 v13, v11;
	v59 =	vmul.f32 v50, v9  }
0xa3: {  	v12 =	vsub.f32 v12, v39;
	v63 =	vcvt.s32.f32 v32;
	[tilespmem:v62+s26+$0x0] =	vst.idx.msk $0xffff, v18;
	v29 =	vmul.f32 v26, v27  }
0xa4: {  	v56 =	vor.u32 s22, v6;
	v27 =	vmul.f32 v27, v13;
	v40 =	vmul.f32 v26, v24;
	[tilespmem:v37+s26+$0x0] =	vst.idx.msk $0xffff, v10  }
0xa5: {  	v62 =	vcvt.f32.s32 v60;
	v24 =	vmul.f32 v24, v13;
	v20 =	vsub.f32 v20, v63;
	[tilespmem:v42+s26+$0x0] =	vst.idx.msk $0xffff, v29  }
0xa6: {  	v35 =	vor.u32 s19, v2;
	v34 =	vtrunc.f32 v59;
	v63 =	vtrunc.f32 v57;
	[tilespmem:v44+s26+$0x0] =	vst.idx.msk $0xffff, v27  }
0xa7: {  	v36 =	vcvt.f32.s32 v34;
	v33 =	vcvt.f32.s32 v63;
	v45 =	vsub.f32 $1.000000000e+00, v20;
	[tilespmem:v48+s26+$0x0] =	vst.idx.msk $0xffff, v38  }
0xa8: {  	v32 =	vor.u32 s19, v1;
	v10 =	vmul.f32 v46, v20;
	v14 =	vmul.f32 v25, v20;
	[tilespmem:v49+s26+$0x0] =	vst.idx.msk $0xffff, v21  }
0xa9: {  	v51 =	vsub.f32 $1.000000000e+00, v12;
	v28 =	vcvt.s32.f32 v33;
	v52 =	vmul.f32 v46, v45;
	[tilespmem:v53+s26+$0x0] =	vst.idx.msk $0xffff, v40  }
0xaa: {  	v39 =	vor.u32 s19, v4;
	v30 =	vmul.f32 v25, v45;
	v21 =	vcvt.s32.f32 v62;
	[tilespmem:v54+s26+$0x0] =	vst.idx.msk $0xffff, v24  }
0xab: {  	v38 =	vor.u32 s19, v3;
	v44 =	vmul.f32 v51, v10;
	v55 =	vmul.f32 v51, v52;
	[tilespmem:v56+s26+$0x0] =	vst.idx.msk $0xffff, v41  }
0xac: {  	v40 =	vcvt.s32.f32 v36;
	v42 =	vsub.f32 v57, v28;
	v22 =	vmul.f32 v52, v12;
	[tilespmem:v58+s26+$0x0] =	vst.idx.msk $0xffff, v11  }
0xad: {  	v43 =	vor.u32 s19, v5;
	v37 =	vmul.f32 v51, v30;
	v11 =	vsub.f32 v23, v21;
	[tilespmem:v61+s26+$0x0] =	vst.idx.msk $0xffff, v55  }
0xae: {  	v45 =	vor.u32 s19, v6;
	v41 =	vmul.f32 v12, v30;
	v19 =	vsub.f32 v59, v40;
	[tilespmem:v32+s26+$0x0] =	vst.idx.msk $0xffff, v22  }
0xaf: {  	s5 =	sshll.u32 s5, $0x7;
	v46 =	vor.u32 s19, v7;
	v48 =	vsub.f32 $1.000000000e+00, v42;
	[tilespmem:v35+s26+$0x0] =	vst.idx.msk $0xffff, v37;
	v47 =	vsub.f32 $1.000000000e+00, v11  }
0xb0: {  	v10 =	vmul.f32 v10, v12;
	v18 =	vmul.f32 v51, v14;
	v49 =	vor.u32 s5, v0;
	[tilespmem:v38+s26+$0x0] =	vst.idx.msk $0xffff, v41  }
0xb1: {  	v52 =	vor.u32 s5, v1;
	v50 =	vsub.f32 $1.000000000e+00, v19;
	[tilespmem:v39+s26+$0x0] =	vst.idx.msk $0xffff, v44;
	v51 =	vmul.f32 v48, v47  }
0xb2: {  	v53 =	vor.u32 s5, v2;
	[tilespmem:v43+s26+$0x0] =	vst.idx.msk $0xffff, v10;
	v10 =	vmul.f32 v12, v14  }
0xb3: {  	v56 =	vor.u32 s5, v3;
	v54 =	vmul.f32 v42, v47;
	[tilespmem:v45+s26+$0x0] =	vst.idx.msk $0xffff, v18;
	v55 =	vmul.f32 v50, v51  }
0xb4: {  	v57 =	vor.u32 s5, v4;
	[tilespmem:v46+s26+$0x0] =	vst.idx.msk $0xffff, v10;
	v10 =	vmul.f32 v51, v19  }
0xb5: {  	v60 =	vor.u32 s5, v5;
	v58 =	vmul.f32 v48, v11;
	v59 =	vmul.f32 v50, v54;
	[tilespmem:v49+s26+$0x0] =	vst.idx.msk $0xffff, v55  }
0xb6: {  	v61 =	vor.u32 s5, v6;
	[tilespmem:v52+s26+$0x0] =	vst.idx.msk $0xffff, v10;
	v10 =	vmul.f32 v19, v54  }
0xb7: {  	p2 =	por p1, p1;
	v63 =	vor.u32 s5, v7;
	v11 =	vmul.f32 v42, v11;
	v62 =	vmul.f32 v50, v58;
	[tilespmem:v53+s26+$0x0] =	vst.idx.msk $0xffff, v59  }
.Ltmp0:
0xb8: {  	[tilespmem:v56+s26+$0x0] =	vst.idx.msk $0xffff, v10;
	v10 =	vmul.f32 v58, v19;
	(pc) =	sbr.rel @p2 .LBB2_3-.Ltmp0, $4  }
0xb9: {  	v13 =	vmul.f32 v50, v11;
	[tilespmem:v57+s26+$0x0] =	vst.idx.msk $0xffff, v62  }
0xba: {  	v11 =	vmul.f32 v19, v11;
	[tilespmem:v60+s26+$0x0] =	vst.idx.msk $0xffff, v10  }
0xbb: {  	p1 =	por $0x0, $0x0;
	s24 =	simm.s32 $0x17040;
	[tilespmem:v61+s26+$0x0] =	vst.idx.msk $0xffff, v13  }
0xbc: {  	s22 =	simm.s32 $0xFFFFFFF8;
	s19 =	simm.s32 $0x174C0;
	s5 =	simm.s32 $0x4;
	[tilespmem:v63+s26+$0x0] =	vst.idx.msk $0xffff, v11  }
0xbd: {  	v30 =	vld [tilespmem:s24+$0x30]  }
0xbe: {  	v11 =	vld [tilespmem:s18+$0xFFFFE0F0]  }
0xbf: {  	v12 =	vld [tilespmem:s18+$0xFFFFE8F0]  }
0xc0: {  	v17 =	vld [tilespmem:s24+$0xFFFFFFD0]  }
0xc1: {  	v13 =	vld [tilespmem:s18+$0xFFFFF0F0]  }
0xc2: {  	v20 =	vld [tilespmem:s24+$0xFFFFFFE0]  }
0xc3: {  	v18 =	vld [tilespmem:s18+$0xFFFFF8F0]  }
0xc4: {  	v24 =	vld [tilespmem:s24+$0xFFFFFFF0]  }
0xc5: {  	v22 =	vld [tilespmem:s18+$0xF0]  }
0xc6: {  	v26 =	vld [tilespmem:s24+$0x0]  }
0xc7: {  	v27 =	vld [tilespmem:s24+$0x10]  }
0xc8: {  	v23 =	vld [tilespmem:s18+$0x10F0]  }
0xc9: {  	v28 =	vld [tilespmem:s24+$0x20]  }
0xca: {  	v34 =	vld [tilespmem:s18+$0x18F0]  }
0xcb: {  	v1 =	vld [tilespmem:s18+$0x18E0]  }
0xcc: {  	v2 =	vld [tilespmem:s18+$0x10E0]  }
0xcd: {  	v0 =	vld [tilespmem:s18+$0xFFFFF0E0]  }
0xce: {  	v4 =	vld [tilespmem:s18+$0x8E0];
	v14 =	vbroadcast v30, $0x8  }
0xcf: {  	v5 =	vld [tilespmem:s18+$0xE0];
	v19 =	vbroadcast v30, $0x9  }
0xd0: {  	v6 =	vld [tilespmem:s18+$0xFFFFF8E0];
	v15 =	vmul.f32 v11, v14;
	v11 =	vbroadcast v30, $0xB  }
0xd1: {  	v25 =	vbroadcast v30, $0x0;
	v14 =	vmul.f32 v12, v19;
	v19 =	vld [tilespmem:s18+$0x8F0]  }
0xd2: {  	v21 =	vbroadcast v30, $0xA;
	v33 =	vmul.f32 v18, v11;
	v18 =	vld [tilespmem:s24+$0xFFFFFFC0];
	[tilespmem:$0x1FEA0] =	vst v0  }
0xd3: {  	v16 =	vbroadcast v17, $0x0;
	v53 =	vbroadcast v17, $0x8;
	v48 =	vld [tilespmem:s18+$0xFFFFE0E0]  }
0xd4: {  	v32 =	vbroadcast v17, $0x1;
	v55 =	vbroadcast v17, $0x9;
	v51 =	vld [tilespmem:s18+$0xFFFFE8E0]  }
0xd5: {  	v42 =	vbroadcast v30, $0xF;
	v63 =	vbroadcast v28, $0x0;
	v54 =	vld [tilespmem:s18+$0xFFFFE000]  }
0xd6: {  	v37 =	vbroadcast v20, $0x0;
	v7 =	vbroadcast v28, $0x8;
	v57 =	vld [tilespmem:s18+$0xFFFFE010]  }
0xd7: {  	v36 =	vmul.f32 v34, v42;
	v34 =	vbroadcast v28, $0x1;
	v60 =	vld [tilespmem:s18+$0xFFFFE800];
	[tilespmem:$0x1FEB0] =	vst v63  }
0xd8: {  	v56 =	vbroadcast v20, $0x8;
	v63 =	vld [tilespmem:s18+$0xFFFFE810];
	[tilespmem:$0x1FEC0] =	vst v7;
	v7 =	vbroadcast v28, $0x9  }
0xd9: {  	v12 =	vbroadcast v30, $0xC;
	[tilespmem:$0x1FED0] =	vst v34;
	v3 =	vbroadcast v18, $0x2  }
0xda: {  	v44 =	vbroadcast v20, $0x1;
	v29 =	vmul.f32 v13, v21;
	v10 =	vld [tilespmem:s18+$0xFFFFE020];
	[tilespmem:$0x1FEE0] =	vst v7  }
0xdb: {  	v35 =	vmul.f32 v22, v12;
	v12 =	vld [tilespmem:s18+$0xFFFFE030];
	v31 =	vmul.f32 v48, v25;
	v25 =	vadd.f32 v14, v15;
	[tilespmem:$0x1FEF0] =	vst v3  }
0xdc: {  	v45 =	vbroadcast v20, $0x9;
	v46 =	vbroadcast v18, $0x0;
	v7 =	vld [tilespmem:s18+$0xFFFFE820]  }
0xdd: {  	v39 =	vbroadcast v24, $0x0;
	v49 =	vbroadcast v18, $0x1;
	v13 =	vld [tilespmem:s18+$0xFFFFE830];
	v25 =	vadd.f32 v29, v25  }
0xde: {  	v50 =	vbroadcast v18, $0x9;
	v46 =	vmul.f32 v54, v46;
	v54 =	vld [tilespmem:s18+$0xFFFFE040]  }
0xdf: {  	v49 =	vmul.f32 v60, v49;
	v60 =	vld [tilespmem:s18+$0xFFFFE050];
	v25 =	vadd.f32 v33, v25;
	v33 =	vbroadcast v20, $0xA  }
0xe0: {  	v21 =	vbroadcast v30, $0xD;
	v15 =	vmul.f32 v63, v50;
	v63 =	vld [tilespmem:s18+$0xFFFFE840]  }
0xe1: {  	v40 =	vbroadcast v24, $0x8;
	v22 =	vbroadcast v30, $0xE;
	v11 =	vld [tilespmem:s18+$0xFFFFE850];
	[tilespmem:$0x1FF00] =	vst v33  }
0xe2: {  	v38 =	vmul.f32 v19, v21;
	v25 =	vadd.f32 v35, v25;
	v35 =	vbroadcast v24, $0xA;
	v33 =	vld [tilespmem:s18+$0xFFFFE060]  }
0xe3: {  	v19 =	vmul.f32 v10, v16;
	v14 =	vmul.f32 v12, v53;
	v0 =	vld [tilespmem:s18+$0xFFFFE070]  }
0xe4: {  	v16 =	vmul.f32 v7, v32;
	v12 =	vmul.f32 v13, v55;
	v55 =	vld [tilespmem:$0x1FEA0];
	[tilespmem:$0x1FF10] =	vst v35  }
0xe5: {  	v32 =	vmul.f32 v54, v37;
	v37 =	vmul.f32 v63, v44;
	v48 =	vld [tilespmem:s18+$0xFFFFE860]  }
0xe6: {  	v13 =	vadd.f32 v38, v25;
	v25 =	vmul.f32 v60, v56;
	v56 =	vbroadcast v26, $0xA;
	v10 =	vld [tilespmem:s18+$0xFFFFE870]  }
0xe7: {  	v43 =	vbroadcast v24, $0x1;
	v52 =	vbroadcast v24, $0x9;
	v38 =	vld [tilespmem:s18+$0xFFFFE080]  }
0xe8: {  	v41 =	vmul.f32 v23, v22;
	v63 =	vbroadcast v27, $0x2;
	v32 =	vadd.f32 v37, v32;
	v37 =	vld [tilespmem:$0x1FEF0];
	[tilespmem:$0x1FF20] =	vst v56  }
0xe9: {  	v58 =	vbroadcast v27, $0x0;
	v59 =	vbroadcast v27, $0x8;
	v60 =	vld [tilespmem:s18+$0xFFFFE090]  }
0xea: {  	v13 =	vadd.f32 v41, v13;
	v33 =	vmul.f32 v33, v39;
	v39 =	vmul.f32 v0, v40;
	v40 =	vld [tilespmem:s18+$0xFFFFE880];
	[tilespmem:$0x1FF30] =	vst v63  }
0xeb: {  	v21 =	vbroadcast v26, $0x0;
	v54 =	vbroadcast v28, $0x2;
	v35 =	vld [tilespmem:s18+$0xFFFFE890]  }
0xec: {  	v61 =	vbroadcast v27, $0x1;
	v56 =	vbroadcast v28, $0xA;
	v3 =	vadd.f32 v36, v13;
	v36 =	vld [tilespmem:s18+$0xFFFFE0A0]  }
0xed: {  	v42 =	vbroadcast v26, $0x8;
	v21 =	vmul.f32 v38, v21;
	v38 =	vld [tilespmem:s18+$0xFFFFE0B0];
	[tilespmem:$0x1FF40] =	vst v54  }
0xee: {  	v62 =	vbroadcast v27, $0x9;
	v10 =	vmul.f32 v10, v52;
	v52 =	vld [tilespmem:s18+$0xFFFFE8A0];
	[tilespmem:$0x1FF50] =	vst v56  }
0xef: {  	v8 =	vbroadcast v24, $0x2;
	v42 =	vmul.f32 v60, v42;
	v60 =	vld [tilespmem:s18+$0xFFFFE8B0]  }
0xf0: {  	v22 =	vbroadcast v26, $0x1;
	v23 =	vbroadcast v26, $0x9;
	v63 =	vld [tilespmem:s18+$0xFFFFE0C0]  }
0xf1: {  	v34 =	vbroadcast v30, $0x1;
	v47 =	vbroadcast v18, $0x8;
	v56 =	vld [tilespmem:s18+$0xFFFFE8D0]  }
0xf2: {  	v13 =	vbroadcast v30, $0x2;
	v23 =	vmul.f32 v35, v23;
	v35 =	vld [tilespmem:$0x1FEE0]  }
0xf3: {  	v51 =	vmul.f32 v51, v34;
	v36 =	vmul.f32 v36, v58;
	v58 =	vld [tilespmem:s18+$0xFFFFF000]  }
0xf4: {  	v34 =	vmul.f32 v57, v47;
	v13 =	vmul.f32 v55, v13;
	v53 =	vld [tilespmem:s18+$0xFFFFE0D0]  }
0xf5: {  	v55 =	vld [tilespmem:s18+$0xFFFFE8C0];
	v38 =	vmul.f32 v38, v59;
	v59 =	vbroadcast v20, $0xB  }
0xf6: {  	v11 =	vmul.f32 v11, v45;
	v45 =	vmul.f32 v60, v62;
	v60 =	vld [tilespmem:$0x1FEB0]  }
0xf7: {  	v47 =	vbroadcast v18, $0xA;
	[tilespmem:$0x1FF60] =	vst v59;
	v62 =	vld [tilespmem:$0x1FEC0];
	v56 =	vmul.f32 v56, v35  }
0xf8: {  	v46 =	vadd.f32 v49, v46;
	v59 =	vld [tilespmem:s18+$0xFFFFF010];
	v58 =	vmul.f32 v58, v37;
	v35 =	vbroadcast v30, $0x3  }
0xf9: {  	v57 =	vbroadcast v17, $0x2;
	v52 =	vmul.f32 v52, v61;
	v37 =	vld [tilespmem:$0x1FF00]  }
0xfa: {  	v61 =	vbroadcast v24, $0xB;
	v46 =	vadd.f32 v58, v46;
	v58 =	vmul.f32 v6, v35;
	v6 =	vld [tilespmem:$0x1FF50]  }
0xfb: {  	v22 =	vmul.f32 v40, v22;
	v40 =	vmul.f32 v63, v60;
	v60 =	vld [tilespmem:s18+$0xFFFFF020]  }
0xfc: {  	v50 =	vbroadcast v17, $0xA;
	v29 =	vbroadcast v20, $0x2;
	[tilespmem:$0x1FF70] =	vst v61;
	v63 =	vld [tilespmem:$0x1FED0]  }
0xfd: {  	v31 =	vadd.f32 v51, v31;
	v51 =	vbroadcast v27, $0xA;
	v49 =	vbroadcast v24, $0x3;
	v61 =	vld [tilespmem:s18+$0xFFFFF030]  }
0xfe: {  	v15 =	vadd.f32 v15, v34;
	v7 =	vbroadcast v26, $0x2;
	v53 =	vmul.f32 v53, v62;
	v62 =	vld [tilespmem:s18+$0xFFFFF040]  }
0xff: {  	v44 =	vbroadcast v18, $0x3;
	v19 =	vadd.f32 v16, v19;
	v12 =	vadd.f32 v12, v14;
	v0 =	vld [tilespmem:s18+$0xFFFFF060]  }
0x100: {  	v11 =	vadd.f32 v11, v25;
	v43 =	vmul.f32 v48, v43;
	v47 =	vmul.f32 v59, v47;
	v59 =	vld [tilespmem:s18+$0xFFFFF070]  }
0x101: {  	v41 =	vbroadcast v18, $0xB;
	v34 =	vadd.f32 v10, v39;
	v39 =	vadd.f32 v13, v31;
	v13 =	vld [tilespmem:s18+$0xFFFFF0B0]  }
0x102: {  	v54 =	vbroadcast v17, $0x3;
	v48 =	vbroadcast v17, $0xB;
	v33 =	vadd.f32 v43, v33;
	v14 =	vld [tilespmem:s18+$0xFFFFF0C0]  }
0x103: {  	v43 =	vbroadcast v20, $0x3;
	v23 =	vadd.f32 v23, v42;
	v42 =	vbroadcast v26, $0x3;
	v16 =	vld [tilespmem:s18+$0xFFFFF0D0]  }
0x104: {  	v36 =	vadd.f32 v52, v36;
	v52 =	vbroadcast v26, $0xB;
	v38 =	vadd.f32 v45, v38;
	v10 =	vld [tilespmem:s18+$0xFFFFF800]  }
0x105: {  	v45 =	vbroadcast v27, $0x3;
	v35 =	vbroadcast v17, $0x4;
	v25 =	vadd.f32 v47, v15;
	v15 =	vld [tilespmem:s18+$0xFFFFF850]  }
0x106: {  	v53 =	vadd.f32 v56, v53;
	v56 =	vbroadcast v28, $0x3;
	v55 =	vmul.f32 v55, v63;
	v63 =	vld [tilespmem:s18+$0xFFFFF050]  }
0x107: {  	v47 =	vbroadcast v28, $0xB;
	v57 =	vmul.f32 v60, v57;
	v60 =	vld [tilespmem:s18+$0xFFFFF080]  }
0x108: {  	v50 =	vmul.f32 v61, v50;
	v61 =	vld [tilespmem:s18+$0xFFFFF090];
	v29 =	vmul.f32 v62, v29  }
0x109: {  	v21 =	vadd.f32 v22, v21;
	v62 =	vld [tilespmem:s18+$0xFFFFF0A0];
	v0 =	vmul.f32 v0, v8;
	v13 =	vmul.f32 v13, v51  }
0x10a: {  	v16 =	vmul.f32 v16, v6;
	v10 =	vmul.f32 v10, v44;
	v29 =	vadd.f32 v29, v32;
	v32 =	vld [tilespmem:$0x1FF10]  }
0x10b: {  	v44 =	vbroadcast v27, $0x4;
	v6 =	vld [tilespmem:$0x1FF60];
	v40 =	vadd.f32 v55, v40;
	v55 =	vbroadcast v27, $0xB  }
0x10c: {  	v19 =	vadd.f32 v57, v19;
	v16 =	vadd.f32 v16, v53;
	v53 =	vld [tilespmem:s18+$0xFFFFF880];
	v63 =	vmul.f32 v63, v37  }
0x10d: {  	v57 =	vbroadcast v18, $0x4;
	v22 =	vadd.f32 v50, v12;
	v50 =	vbroadcast v18, $0xC;
	v12 =	vld [tilespmem:s18+$0xFFFFF830]  }
0x10e: {  	v10 =	vadd.f32 v10, v46;
	v46 =	vbroadcast v28, $0x4;
	v31 =	vadd.f32 v63, v11;
	v11 =	vld [tilespmem:s18+$0xFFFFF820]  }
0x10f: {  	v37 =	vbroadcast v20, $0x4;
	v59 =	vmul.f32 v59, v32;
	v32 =	vadd.f32 v0, v33;
	v33 =	vld [tilespmem:$0x1FF20]  }
0x110: {  	v60 =	vmul.f32 v60, v7;
	v15 =	vmul.f32 v15, v6;
	v0 =	vld [tilespmem:s18+$0xFFFFF810]  }
0x111: {  	v63 =	vbroadcast v17, $0xC;
	v6 =	vmul.f32 v53, v42;
	v42 =	vld [tilespmem:s18+$0x10]  }
0x112: {  	v51 =	vld [tilespmem:s18+$0xFFFFF840];
	v21 =	vadd.f32 v60, v21;
	v60 =	vbroadcast v24, $0x4;
	v12 =	vmul.f32 v12, v48  }
0x113: {  	v53 =	vbroadcast v17, $0x5;
	v34 =	vadd.f32 v59, v34;
	v11 =	vmul.f32 v11, v54;
	v54 =	vld [tilespmem:s18+$0xFFFFF890]  }
0x114: {  	v59 =	vbroadcast v20, $0xC;
	v12 =	vadd.f32 v12, v22;
	v61 =	vmul.f32 v61, v33;
	v33 =	vld [tilespmem:$0x1FF30]  }
0x115: {  	v22 =	vadd.f32 v58, v39;
	v39 =	vld [tilespmem:s18+$0xFFFFF8C0];
	v0 =	vmul.f32 v0, v41;
	v41 =	vbroadcast v27, $0xC  }
0x116: {  	v48 =	vld [tilespmem:s18+$0xFFFFF8A0];
	v42 =	vmul.f32 v42, v50;
	v50 =	vbroadcast v26, $0x5;
	v11 =	vadd.f32 v11, v19  }
0x117: {  	v58 =	vld [tilespmem:$0x1FF70];
	v19 =	vmul.f32 v51, v43;
	v43 =	vbroadcast v30, $0x4;
	v23 =	vadd.f32 v61, v23  }
0x118: {  	v51 =	vld [tilespmem:s18+$0xFFFFF8B0];
	v61 =	vbroadcast v24, $0xC;
	v0 =	vadd.f32 v0, v25;
	v7 =	vmul.f32 v54, v52  }
0x119: {  	v25 =	vbroadcast v28, $0xC;
	v19 =	vadd.f32 v19, v29;
	v62 =	vmul.f32 v62, v33;
	v33 =	vld [tilespmem:$0x1FF40]  }
0x11a: {  	v29 =	vmul.f32 v5, v43;
	v23 =	vadd.f32 v7, v23;
	v7 =	vmul.f32 v39, v56;
	v39 =	vld [tilespmem:s18+$0x50]  }
0x11b: {  	v15 =	vadd.f32 v15, v31;
	v5 =	vmul.f32 v48, v45;
	v48 =	vbroadcast v20, $0x5;
	v52 =	vld [tilespmem:s18+$0x20]  }
0x11c: {  	v43 =	vld [tilespmem:s18+$0xFFFFF8D0];
	v54 =	vbroadcast v17, $0xD;
	v0 =	vadd.f32 v42, v0;
	v42 =	vbroadcast v28, $0x5  }
0x11d: {  	v21 =	vadd.f32 v6, v21;
	v45 =	vld [tilespmem:s18+$0x30];
	v6 =	vmul.f32 v51, v55;
	v55 =	vbroadcast v20, $0xD  }
0x11e: {  	v22 =	vadd.f32 v29, v22;
	v51 =	vld [tilespmem:s18+$0x40];
	v56 =	vbroadcast v24, $0x5;
	v14 =	vmul.f32 v14, v33  }
0x11f: {  	v36 =	vadd.f32 v62, v36;
	v33 =	vadd.f32 v13, v38;
	v13 =	vld [tilespmem:s18+$0xFFFFF860];
	v39 =	vmul.f32 v39, v59  }
0x120: {  	v62 =	vbroadcast v26, $0x4;
	v35 =	vmul.f32 v52, v35;
	v52 =	vld [tilespmem:s18+$0x90];
	v14 =	vadd.f32 v14, v40  }
0x121: {  	v38 =	vbroadcast v26, $0xC;
	v40 =	vld [tilespmem:s18+$0xFFFFF870];
	v15 =	vadd.f32 v39, v15;
	v39 =	vbroadcast v18, $0x6  }
0x122: {  	v29 =	vld [tilespmem:s18+$0x810];
	v14 =	vadd.f32 v7, v14;
	v7 =	vmul.f32 v45, v63;
	v45 =	vbroadcast v27, $0x5  }
0x123: {  	v33 =	vadd.f32 v6, v33;
	v6 =	vld [tilespmem:s18+$0x60];
	v63 =	vmul.f32 v51, v37;
	v37 =	vbroadcast v27, $0xD  }
0x124: {  	v59 =	vld [tilespmem:s18+$0xC0];
	v51 =	vbroadcast v17, $0x6;
	v13 =	vmul.f32 v13, v49  }
0x125: {  	v49 =	vbroadcast v18, $0x5;
	v19 =	vadd.f32 v63, v19;
	v63 =	vmul.f32 v52, v38;
	v38 =	vld [tilespmem:s18+$0x820]  }
0x126: {  	v12 =	vadd.f32 v7, v12;
	v7 =	vbroadcast v30, $0x5;
	v31 =	vmul.f32 v40, v58;
	v40 =	vld [tilespmem:s18+$0x0]  }
0x127: {  	v52 =	vbroadcast v18, $0xE;
	v13 =	vadd.f32 v13, v32;
	v32 =	vadd.f32 v5, v36;
	v36 =	vld [tilespmem:s18+$0x70]  }
0x128: {  	v11 =	vadd.f32 v35, v11;
	v58 =	vbroadcast v18, $0xD;
	v6 =	vmul.f32 v6, v60;
	v60 =	vld [tilespmem:s18+$0xD0]  }
0x129: {  	v5 =	vmul.f32 v43, v47;
	v47 =	vbroadcast v24, $0xD;
	v23 =	vadd.f32 v63, v23;
	v63 =	vld [tilespmem:s18+$0x870]  }
0x12a: {  	v43 =	vbroadcast v28, $0xD;
	v31 =	vadd.f32 v31, v34;
	v34 =	vld [tilespmem:s18+$0x80];
	v29 =	vmul.f32 v29, v58  }
0x12b: {  	v16 =	vadd.f32 v5, v16;
	v5 =	vld [tilespmem:s18+$0xB0];
	v58 =	vbroadcast v20, $0xE;
	v38 =	vmul.f32 v38, v53  }
0x12c: {  	v13 =	vadd.f32 v6, v13;
	v53 =	vbroadcast v20, $0xF;
	v40 =	vmul.f32 v40, v57;
	v57 =	vld [tilespmem:s18+$0xA0]  }
0x12d: {  	v6 =	vld [tilespmem:s18+$0x840];
	v36 =	vmul.f32 v36, v61;
	v25 =	vmul.f32 v60, v25;
	v11 =	vadd.f32 v38, v11  }
0x12e: {  	v61 =	vld [tilespmem:s18+$0x800];
	v38 =	vbroadcast v27, $0x6;
	v10 =	vadd.f32 v40, v10;
	v40 =	vbroadcast v26, $0xD  }
0x12f: {  	v34 =	vmul.f32 v34, v62;
	v31 =	vadd.f32 v36, v31;
	v36 =	vmul.f32 v4, v7;
	v62 =	vld [tilespmem:s18+$0x860]  }
0x130: {  	v5 =	vmul.f32 v5, v41;
	v7 =	vmul.f32 v59, v46;
	v16 =	vadd.f32 v25, v16;
	v25 =	vld [tilespmem:s18+$0x880]  }
0x131: {  	v0 =	vadd.f32 v29, v0;
	v59 =	vbroadcast v20, $0x6;
	v4 =	vmul.f32 v57, v44;
	v44 =	vld [tilespmem:s18+$0x830]  }
0x132: {  	v46 =	vld [tilespmem:s18+$0x850];
	v6 =	vmul.f32 v6, v48;
	v41 =	vbroadcast v26, $0x6;
	v21 =	vadd.f32 v34, v21  }
0x133: {  	v33 =	vadd.f32 v5, v33;
	v14 =	vadd.f32 v7, v14;
	v5 =	vld [tilespmem:s18+$0x8A0];
	v34 =	vbroadcast v27, $0xE  }
0x134: {  	v60 =	vld [tilespmem:s18+$0x8C0];
	v19 =	vadd.f32 v6, v19;
	v57 =	vbroadcast v17, $0xE;
	v49 =	vmul.f32 v61, v49  }
0x135: {  	v7 =	vld [tilespmem:s18+$0x8B0];
	v32 =	vadd.f32 v4, v32;
	v35 =	vmul.f32 v62, v56;
	v25 =	vmul.f32 v25, v50  }
0x136: {  	v61 =	vld [tilespmem:s18+$0x8D0];
	v10 =	vadd.f32 v49, v10;
	v49 =	vbroadcast v24, $0x6;
	v29 =	vmul.f32 v44, v54  }
0x137: {  	v4 =	vld [tilespmem:s18+$0x890];
	v13 =	vadd.f32 v35, v13;
	v35 =	vbroadcast v28, $0x6;
	v25 =	vadd.f32 v25, v21  }
0x138: {  	v6 =	vld [tilespmem:s18+$0x1030];
	v21 =	vmul.f32 v5, v45;
	v12 =	vadd.f32 v29, v12;
	v29 =	vmul.f32 v46, v55  }
0x139: {  	v36 =	vadd.f32 v36, v22;
	v62 =	vld [tilespmem:s18+$0x1000];
	v5 =	vbroadcast v30, $0x6;
	v45 =	vbroadcast v18, $0x7  }
0x13a: {  	v22 =	vld [tilespmem:s18+$0x1040];
	v30 =	vbroadcast v30, $0x7;
	v15 =	vadd.f32 v29, v15;
	v29 =	vmul.f32 v63, v47  }
0x13b: {  	v44 =	vbroadcast v24, $0xE;
	v56 =	vmul.f32 v61, v43;
	v63 =	vld [tilespmem:s18+$0x1010]  }
0x13c: {  	v61 =	vbroadcast v17, $0x7;
	v29 =	vadd.f32 v29, v31;
	v31 =	vmul.f32 v4, v40;
	v4 =	vld [tilespmem:s18+$0x1020]  }
0x13d: {  	v32 =	vadd.f32 v21, v32;
	v21 =	vmul.f32 v60, v42;
	v60 =	vld [tilespmem:s18+$0x1060];
	v42 =	vbroadcast v24, $0x7  }
0x13e: {  	v39 =	vmul.f32 v62, v39;
	v62 =	vbroadcast v17, $0xF;
	v17 =	vld [tilespmem:s18+$0x1090]  }
0x13f: {  	v46 =	vbroadcast v26, $0xE;
	v23 =	vadd.f32 v31, v23;
	v31 =	vmul.f32 v7, v37;
	v7 =	vld [tilespmem:s18+$0x1050]  }
0x140: {  	v48 =	vadd.f32 v21, v14;
	v14 =	vld [tilespmem:s18+$0x1070];
	v47 =	vbroadcast v18, $0xF;
	v18 =	vmul.f32 v63, v52  }
0x141: {  	v37 =	vmul.f32 v2, v5;
	v2 =	vld [tilespmem:s18+$0x10C0];
	v31 =	vadd.f32 v31, v33;
	v21 =	vmul.f32 v4, v51  }
0x142: {  	v33 =	vadd.f32 v56, v16;
	v16 =	vld [tilespmem:s18+$0x1080];
	v0 =	vadd.f32 v18, v0;
	v18 =	vmul.f32 v6, v57  }
0x143: {  	v40 =	vbroadcast v28, $0xE;
	v63 =	vld [tilespmem:s18+$0x10A0];
	v11 =	vadd.f32 v21, v11;
	v21 =	vmul.f32 v22, v59  }
0x144: {  	v51 =	vbroadcast v20, $0x7;
	v20 =	vld [tilespmem:s18+$0x10B0];
	v12 =	vadd.f32 v18, v12;
	v18 =	vmul.f32 v7, v58  }
0x145: {  	v4 =	vbroadcast v24, $0xF;
	v24 =	vld [tilespmem:s18+$0x10D0];
	v55 =	vadd.f32 v21, v19;
	v19 =	vmul.f32 v60, v49  }
0x146: {  	v14 =	vmul.f32 v14, v44;
	v6 =	vbroadcast v26, $0x7;
	v5 =	vadd.f32 v18, v15;
	v15 =	vld [tilespmem:s18+$0x1800]  }
0x147: {  	v7 =	vadd.f32 v19, v13;
	v13 =	vmul.f32 v16, v41;
	v16 =	vbroadcast v26, $0xF;
	v26 =	vld [tilespmem:s18+$0x1810]  }
0x148: {  	v59 =	vmul.f32 v2, v35;
	v21 =	vadd.f32 v14, v29;
	v18 =	vmul.f32 v17, v46;
	v29 =	vld [tilespmem:s18+$0x1820]  }
0x149: {  	v17 =	vbroadcast v27, $0x7;
	v14 =	vbroadcast v27, $0xF;
	v19 =	vadd.f32 v13, v25;
	v25 =	vld [tilespmem:s18+$0x1830]  }
0x14a: {  	v10 =	vadd.f32 v39, v10;
	v27 =	vld [tilespmem:s18+$0x1840];
	v20 =	vmul.f32 v20, v34;
	v13 =	vmul.f32 v63, v38  }
0x14b: {  	v60 =	vld [tilespmem:s18+$0x1850];
	v24 =	vmul.f32 v24, v40;
	v22 =	vadd.f32 v18, v23;
	v15 =	vmul.f32 v15, v45  }
0x14c: {  	v23 =	vadd.f32 v13, v32;
	v13 =	vadd.f32 v20, v31;
	v31 =	vld [tilespmem:s18+$0x1860];
	v26 =	vmul.f32 v26, v47  }
0x14d: {  	v18 =	vbroadcast v28, $0x7;
	v10 =	vadd.f32 v15, v10;
	v15 =	vmul.f32 v29, v61;
	v29 =	vld [tilespmem:s18+$0x1870]  }
0x14e: {  	[tilespmem:s19+$0xA8] =	vst v3;
	v24 =	vadd.f32 v24, v33;
	v61 =	vld [tilespmem:s18+$0x1880];
	v0 =	vadd.f32 v26, v0;
	v26 =	vmul.f32 v25, v62  }
0x14f: {  	v20 =	vadd.f32 v59, v48;
	[tilespmem:s19+$0xFFFFFF40] =	vst v10;
	v10 =	vadd.f32 v15, v11;
	v11 =	vmul.f32 v27, v51;
	v25 =	vld [tilespmem:s18+$0x1890]  }
0x150: {  	v15 =	vmul.f32 v1, v30;
	v30 =	vmul.f32 v60, v53;
	[tilespmem:s19+$0xFFFFFF58] =	vst v0;
	v63 =	vadd.f32 v26, v12;
	v26 =	vld [tilespmem:s18+$0x18A0]  }
0x151: {  	v62 =	vadd.f32 v37, v36;
	v27 =	vld [tilespmem:s18+$0x18B0];
	[tilespmem:s19+$0xFFFFFF70] =	vst v10;
	v10 =	vadd.f32 v11, v55;
	v31 =	vmul.f32 v31, v42  }
0x152: {  	v12 =	vbroadcast v28, $0xF;
	v11 =	vadd.f32 v30, v5;
	v28 =	vld [tilespmem:s18+$0x18C0];
	v32 =	vmul.f32 v29, v4;
	[tilespmem:s19+$0xFFFFFF88] =	vst v63  }
0x153: {  	s22 =	sadd.s32 $0x8, s22;
	s24 =	sadd.s32 $0x80, s24;
	v15 =	vadd.f32 v15, v62;
	v29 =	vld [tilespmem:s18+$0x18D0];
	[tilespmem:s19+$0xFFFFFFA0] =	vst v10;
	v30 =	vadd.f32 v31, v7;
	v31 =	vmul.f32 v61, v6  }
.LBB2_5:
0x154: {  	v10 =	vld [tilespmem:s24+$0x30];
	s22 =	sadd.s32 $0x8, s22;
	[tilespmem:s19+$0xFFFFFFB8] =	vst v11;
	v0 =	vadd.f32 v32, v21;
	v11 =	vmul.f32 v25, v16;
	s18 =	sadd.s32 $0x100, s18  }
0x155: {  	v21 =	vld [tilespmem:s18+$0xFFFFE0F0];
	p1 =	slt.u32 s22, $0x38;
	[tilespmem:s19+$0xFFFFFFD0] =	vst v30;
	v16 =	vadd.f32 v31, v19;
	v17 =	vmul.f32 v26, v17  }
0x156: {  	v19 =	vld [tilespmem:s18+$0xFFFFE8F0];
	[tilespmem:s19+$0xFFFFFFE8] =	vst v0;
	v0 =	vadd.f32 v11, v22;
	v14 =	vmul.f32 v27, v14  }
0x157: {  	v11 =	vld [tilespmem:s24+$0xFFFFFFD0];
	[tilespmem:s19+$0x0] =	vst v16;
	v16 =	vadd.f32 v17, v23;
	v17 =	vmul.f32 v28, v18  }
0x158: {  	v18 =	vld [tilespmem:s18+$0xFFFFF0F0];
	[tilespmem:s19+$0x18] =	vst v0;
	v0 =	vadd.f32 v14, v13;
	v13 =	vmul.f32 v29, v12  }
0x159: {  	v12 =	vld [tilespmem:s24+$0xFFFFFFE0];
	v14 =	vbroadcast v10, $0x8;
	v22 =	vbroadcast v10, $0x9;
	[tilespmem:s19+$0x30] =	vst v16;
	v17 =	vadd.f32 v17, v20  }
0x15a: {  	v23 =	vbroadcast v10, $0x0;
	v20 =	vbroadcast v10, $0xA;
	v25 =	vld [tilespmem:s18+$0xFFFFF8F0];
	[tilespmem:s19+$0x48] =	vst v0;
	v0 =	vadd.f32 v13, v24  }
0x15b: {  	v16 =	vld [tilespmem:s24+$0xFFFFFFF0];
	v13 =	vmul.f32 v21, v14;
	v14 =	vmul.f32 v19, v22;
	[tilespmem:s19+$0x60] =	vst v17  }
0x15c: {  	v24 =	vbroadcast v11, $0x0;
	v26 =	vbroadcast v11, $0x8;
	v19 =	vld [tilespmem:s18+$0xF0];
	[tilespmem:s19+$0x78] =	vst v0  }
0x15d: {  	v17 =	vld [tilespmem:s24+$0x0];
	v0 =	vadd.f32 v14, v13;
	v13 =	vmul.f32 v18, v20;
	v18 =	vbroadcast v10, $0xB;
	[tilespmem:s19+$0x90] =	vst v15  }
0x15e: {  	v27 =	vbroadcast v11, $0x1;
	v28 =	vbroadcast v11, $0x9;
	v15 =	vld [tilespmem:s18+$0x8F0]  }
0x15f: {  	v20 =	vbroadcast v10, $0xC;
	v14 =	vld [tilespmem:s24+$0x10];
	v0 =	vadd.f32 v13, v0;
	v18 =	vmul.f32 v25, v18  }
0x160: {  	v34 =	vbroadcast v12, $0x8;
	v25 =	vbroadcast v12, $0x0;
	v21 =	vld [tilespmem:s18+$0x10F0]  }
0x161: {  	v13 =	vld [tilespmem:s24+$0x20];
	v0 =	vadd.f32 v18, v0;
	v19 =	vmul.f32 v19, v20;
	v20 =	vbroadcast v10, $0xD  }
0x162: {  	v35 =	vbroadcast v12, $0x1;
	v36 =	vbroadcast v12, $0x9;
	v22 =	vld [tilespmem:s18+$0x18F0]  }
0x163: {  	v18 =	vld [tilespmem:s24+$0xFFFFFFC0];
	v0 =	vadd.f32 v19, v0;
	v19 =	vmul.f32 v15, v20;
	v20 =	vbroadcast v10, $0xE  }
0x164: {  	v39 =	vbroadcast v16, $0x0;
	v40 =	vbroadcast v16, $0x8;
	v15 =	vld [tilespmem:s18+$0x18E0]  }
0x165: {  	v30 =	vbroadcast v10, $0xF;
	v0 =	vadd.f32 v19, v0;
	v19 =	vld [tilespmem:s18+$0x10E0];
	v29 =	vmul.f32 v21, v20  }
0x166: {  	v41 =	vbroadcast v16, $0x1;
	v42 =	vbroadcast v16, $0x9;
	v20 =	vld [tilespmem:s18+$0x8E0]  }
0x167: {  	v43 =	vbroadcast v17, $0x0;
	v21 =	vld [tilespmem:s18+$0xE0];
	v0 =	vadd.f32 v29, v0;
	v29 =	vmul.f32 v22, v30  }
0x168: {  	v32 =	vbroadcast v18, $0x0;
	v33 =	vbroadcast v18, $0x8;
	v22 =	vld [tilespmem:s18+$0xFFFFF8E0]  }
0x169: {  	v37 =	vbroadcast v18, $0x1;
	v38 =	vbroadcast v18, $0x9;
	v44 =	vld [tilespmem:s18+$0xFFFFF0E0];
	v0 =	vadd.f32 v29, v0  }
0x16a: {  	s19 =	sadd.s32 $0x180, s19;
	v45 =	vbroadcast v17, $0x8;
	v46 =	vbroadcast v17, $0x1;
	v47 =	vld [tilespmem:s18+$0xFFFFE0E0]  }
0x16b: {  	v48 =	vbroadcast v17, $0x9;
	v49 =	vbroadcast v14, $0x0;
	v50 =	vld [tilespmem:s18+$0xFFFFE8E0];
	[tilespmem:s19+$0xA8] =	vst v0  }
0x16c: {  	v51 =	vbroadcast v14, $0x8;
	v52 =	vbroadcast v14, $0x1;
	v0 =	vld [tilespmem:s18+$0xFFFFE000]  }
0x16d: {  	v54 =	vbroadcast v14, $0x9;
	v55 =	vbroadcast v13, $0x0;
	v53 =	vld [tilespmem:s18+$0xFFFFE010]  }
0x16e: {  	v57 =	vbroadcast v13, $0x8;
	v29 =	vbroadcast v13, $0x1;
	v56 =	vld [tilespmem:s18+$0xFFFFE800]  }
0x16f: {  	v59 =	vbroadcast v10, $0x1;
	v30 =	vbroadcast v13, $0x9;
	v58 =	vld [tilespmem:s18+$0xFFFFE810]  }
0x170: {  	v31 =	vbroadcast v18, $0x2;
	v23 =	vmul.f32 v47, v23;
	v60 =	vld [tilespmem:s18+$0xFFFFE020]  }
0x171: {  	v47 =	vmul.f32 v50, v59;
	v0 =	vmul.f32 v0, v32;
	v32 =	vld [tilespmem:s18+$0xFFFFE030]  }
0x172: {  	v50 =	vbroadcast v18, $0xA;
	v33 =	vmul.f32 v53, v33;
	v53 =	vld [tilespmem:s18+$0xFFFFE820]  }
0x173: {  	v61 =	vbroadcast v11, $0x2;
	v23 =	vadd.f32 v47, v23;
	v56 =	vmul.f32 v56, v37;
	v59 =	vld [tilespmem:s18+$0xFFFFE830]  }
0x174: {  	v37 =	vbroadcast v11, $0xA;
	v38 =	vmul.f32 v58, v38;
	v47 =	vld [tilespmem:s18+$0xFFFFE040]  }
0x175: {  	v58 =	vbroadcast v12, $0x2;
	v0 =	vadd.f32 v56, v0;
	v24 =	vmul.f32 v60, v24;
	v56 =	vld [tilespmem:s18+$0xFFFFE050]  }
0x176: {  	v63 =	vbroadcast v12, $0xA;
	v60 =	vadd.f32 v38, v33;
	v26 =	vmul.f32 v32, v26;
	v62 =	vld [tilespmem:s18+$0xFFFFE840]  }
0x177: {  	v38 =	vbroadcast v16, $0x2;
	v27 =	vmul.f32 v53, v27;
	v53 =	vld [tilespmem:s18+$0xFFFFE850]  }
0x178: {  	v32 =	vbroadcast v16, $0xA;
	v28 =	vmul.f32 v59, v28;
	v59 =	vld [tilespmem:s18+$0xFFFFE060]  }
0x179: {  	v33 =	vbroadcast v17, $0x2;
	v1 =	vadd.f32 v27, v24;
	v25 =	vmul.f32 v47, v25;
	v47 =	vld [tilespmem:s18+$0xFFFFE070]  }
0x17a: {  	v2 =	vadd.f32 v28, v26;
	v26 =	vmul.f32 v56, v34;
	v34 =	vld [tilespmem:s18+$0xFFFFE860];
	v28 =	vbroadcast v17, $0xA  }
0x17b: {  	v27 =	vbroadcast v14, $0x2;
	v35 =	vmul.f32 v62, v35;
	v56 =	vld [tilespmem:s18+$0xFFFFE870]  }
0x17c: {  	v24 =	vbroadcast v14, $0xA;
	v36 =	vmul.f32 v53, v36;
	v53 =	vld [tilespmem:s18+$0xFFFFE080]  }
0x17d: {  	v62 =	vadd.f32 v35, v25;
	v35 =	vmul.f32 v59, v39;
	v39 =	vld [tilespmem:s18+$0xFFFFE090];
	v25 =	vbroadcast v13, $0x2  }
0x17e: {  	v59 =	vadd.f32 v36, v26;
	v40 =	vmul.f32 v47, v40;
	v47 =	vld [tilespmem:s18+$0xFFFFE880];
	v26 =	vbroadcast v13, $0xA  }
0x17f: {  	v3 =	vbroadcast v10, $0x2;
	v34 =	vmul.f32 v34, v41;
	v41 =	vld [tilespmem:s18+$0xFFFFE890]  }
0x180: {  	v36 =	vbroadcast v18, $0x3;
	v42 =	vmul.f32 v56, v42;
	v56 =	vld [tilespmem:s18+$0xFFFFE0A0]  }
0x181: {  	v3 =	vmul.f32 v44, v3;
	v4 =	vadd.f32 v34, v35;
	v34 =	vmul.f32 v53, v43;
	v35 =	vld [tilespmem:s18+$0xFFFFE0B0]  }
0x182: {  	v43 =	vbroadcast v18, $0xB;
	v40 =	vadd.f32 v42, v40;
	v39 =	vmul.f32 v39, v45;
	v42 =	vld [tilespmem:s18+$0xFFFFE8A0]  }
0x183: {  	v44 =	vbroadcast v11, $0x3;
	v23 =	vadd.f32 v3, v23;
	v45 =	vmul.f32 v47, v46;
	v46 =	vld [tilespmem:s18+$0xFFFFE8B0]  }
0x184: {  	v3 =	vbroadcast v11, $0xB;
	v41 =	vmul.f32 v41, v48;
	v47 =	vld [tilespmem:s18+$0xFFFFE0C0]  }
0x185: {  	v48 =	vbroadcast v12, $0x3;
	v45 =	vadd.f32 v45, v34;
	v34 =	vmul.f32 v56, v49;
	v49 =	vld [tilespmem:s18+$0xFFFFE0D0]  }
0x186: {  	v53 =	vbroadcast v12, $0xB;
	v41 =	vadd.f32 v41, v39;
	v35 =	vmul.f32 v35, v51;
	v51 =	vld [tilespmem:s18+$0xFFFFE8C0]  }
0x187: {  	v56 =	vbroadcast v16, $0x3;
	v42 =	vmul.f32 v42, v52;
	v52 =	vld [tilespmem:s18+$0xFFFFE8D0]  }
0x188: {  	v6 =	vbroadcast v16, $0xB;
	v5 =	vld [tilespmem:s18+$0xFFFFF000];
	v46 =	vmul.f32 v46, v54  }
0x189: {  	v39 =	vbroadcast v17, $0x3;
	v54 =	vld [tilespmem:s18+$0xFFFFF010];
	v42 =	vadd.f32 v42, v34;
	v47 =	vmul.f32 v47, v55  }
0x18a: {  	v34 =	vbroadcast v17, $0xB;
	v55 =	vld [tilespmem:s18+$0xFFFFF020];
	v46 =	vadd.f32 v46, v35;
	v49 =	vmul.f32 v49, v57  }
0x18b: {  	v35 =	vbroadcast v14, $0x3;
	v57 =	vld [tilespmem:s18+$0xFFFFF030];
	v51 =	vmul.f32 v51, v29  }
0x18c: {  	v29 =	vbroadcast v14, $0xB;
	v7 =	vld [tilespmem:s18+$0xFFFFF040];
	v52 =	vmul.f32 v52, v30  }
0x18d: {  	v30 =	vbroadcast v13, $0x3;
	v5 =	vmul.f32 v5, v31;
	v8 =	vld [tilespmem:s18+$0xFFFFF050];
	v47 =	vadd.f32 v51, v47  }
0x18e: {  	v31 =	vbroadcast v13, $0xB;
	v50 =	vmul.f32 v54, v50;
	v51 =	vld [tilespmem:s18+$0xFFFFF060];
	v49 =	vadd.f32 v52, v49  }
0x18f: {  	v54 =	vbroadcast v10, $0x3;
	v0 =	vadd.f32 v5, v0;
	v5 =	vmul.f32 v55, v61;
	v52 =	vld [tilespmem:s18+$0xFFFFF070]  }
0x190: {  	v55 =	vbroadcast v18, $0x4;
	v50 =	vadd.f32 v50, v60;
	v37 =	vmul.f32 v57, v37;
	v57 =	vld [tilespmem:s18+$0xFFFFF080]  }
0x191: {  	v22 =	vmul.f32 v22, v54;
	v1 =	vadd.f32 v5, v1;
	v5 =	vmul.f32 v7, v58;
	v7 =	vld [tilespmem:s18+$0xFFFFF090]  }
0x192: {  	v54 =	vbroadcast v18, $0xC;
	v2 =	vadd.f32 v37, v2;
	v8 =	vmul.f32 v8, v63;
	v37 =	vld [tilespmem:s18+$0xFFFFF0A0]  }
0x193: {  	v58 =	vbroadcast v11, $0x4;
	v5 =	vadd.f32 v5, v62;
	v38 =	vmul.f32 v51, v38;
	v51 =	vld [tilespmem:s18+$0xFFFFF0B0]  }
0x194: {  	v60 =	vbroadcast v11, $0xC;
	v8 =	vadd.f32 v8, v59;
	v32 =	vmul.f32 v52, v32;
	v52 =	vld [tilespmem:s18+$0xFFFFF0C0]  }
0x195: {  	v59 =	vbroadcast v12, $0x4;
	v4 =	vadd.f32 v38, v4;
	v33 =	vmul.f32 v57, v33;
	v38 =	vld [tilespmem:s18+$0xFFFFF0D0]  }
0x196: {  	v61 =	vbroadcast v12, $0xC;
	v57 =	vld [tilespmem:s18+$0xFFFFF800];
	v32 =	vadd.f32 v32, v40;
	v7 =	vmul.f32 v7, v28  }
0x197: {  	v40 =	vbroadcast v16, $0x4;
	v28 =	vld [tilespmem:s18+$0xFFFFF810];
	v33 =	vadd.f32 v33, v45;
	v27 =	vmul.f32 v37, v27  }
0x198: {  	v45 =	vbroadcast v16, $0xC;
	v37 =	vld [tilespmem:s18+$0xFFFFF820];
	v7 =	vadd.f32 v7, v41;
	v24 =	vmul.f32 v51, v24  }
0x199: {  	v51 =	vbroadcast v17, $0x4;
	v41 =	vld [tilespmem:s18+$0xFFFFF830];
	v27 =	vadd.f32 v27, v42;
	v25 =	vmul.f32 v52, v25  }
0x19a: {  	v52 =	vbroadcast v17, $0xC;
	v42 =	vld [tilespmem:s18+$0xFFFFF840];
	v24 =	vadd.f32 v24, v46;
	v26 =	vmul.f32 v38, v26  }
0x19b: {  	v46 =	vbroadcast v14, $0x4;
	v36 =	vmul.f32 v57, v36;
	v38 =	vld [tilespmem:s18+$0xFFFFF850];
	v25 =	vadd.f32 v25, v47  }
0x19c: {  	v47 =	vbroadcast v14, $0xC;
	v28 =	vmul.f32 v28, v43;
	v43 =	vld [tilespmem:s18+$0xFFFFF860];
	v26 =	vadd.f32 v26, v49  }
0x19d: {  	v0 =	vadd.f32 v36, v0;
	v36 =	vmul.f32 v37, v44;
	v37 =	vld [tilespmem:s18+$0xFFFFF870];
	v44 =	vbroadcast v13, $0x4  }
0x19e: {  	v49 =	vbroadcast v13, $0xC;
	v28 =	vadd.f32 v28, v50;
	v3 =	vmul.f32 v41, v3;
	v41 =	vld [tilespmem:s18+$0xFFFFF880]  }
0x19f: {  	v1 =	vadd.f32 v36, v1;
	v36 =	vmul.f32 v42, v48;
	v42 =	vld [tilespmem:s18+$0xFFFFF890];
	v48 =	vbroadcast v10, $0x4  }
0x1a0: {  	v22 =	vadd.f32 v22, v23;
	v2 =	vadd.f32 v3, v2;
	v3 =	vmul.f32 v38, v53;
	v38 =	vld [tilespmem:s18+$0xFFFFF8A0]  }
0x1a1: {  	v5 =	vadd.f32 v36, v5;
	v23 =	vmul.f32 v43, v56;
	v36 =	vld [tilespmem:s18+$0xFFFFF8B0];
	v21 =	vmul.f32 v21, v48  }
0x1a2: {  	v43 =	vbroadcast v18, $0x5;
	v3 =	vadd.f32 v3, v8;
	v6 =	vmul.f32 v37, v6;
	v8 =	vld [tilespmem:s18+$0xFFFFF8C0]  }
0x1a3: {  	v37 =	vbroadcast v18, $0xD;
	v4 =	vadd.f32 v23, v4;
	v23 =	vmul.f32 v41, v39;
	v39 =	vld [tilespmem:s18+$0xFFFFF8D0]  }
0x1a4: {  	v48 =	vbroadcast v11, $0x5;
	v41 =	vld [tilespmem:s18+$0x0];
	v6 =	vadd.f32 v6, v32;
	v32 =	vmul.f32 v42, v34  }
0x1a5: {  	v42 =	vbroadcast v11, $0xD;
	v34 =	vld [tilespmem:s18+$0x10];
	v23 =	vadd.f32 v23, v33;
	v33 =	vmul.f32 v38, v35  }
0x1a6: {  	v38 =	vbroadcast v12, $0x5;
	v35 =	vld [tilespmem:s18+$0x20];
	v7 =	vadd.f32 v32, v7;
	v29 =	vmul.f32 v36, v29  }
0x1a7: {  	v36 =	vbroadcast v12, $0xD;
	v32 =	vld [tilespmem:s18+$0x30];
	v27 =	vadd.f32 v33, v27;
	v8 =	vmul.f32 v8, v30  }
0x1a8: {  	v33 =	vbroadcast v16, $0x5;
	v30 =	vld [tilespmem:s18+$0x40];
	v24 =	vadd.f32 v29, v24;
	v29 =	vmul.f32 v39, v31  }
0x1a9: {  	v31 =	vmul.f32 v41, v55;
	v39 =	vld [tilespmem:s18+$0x50];
	v41 =	vbroadcast v16, $0xD;
	v8 =	vadd.f32 v8, v25  }
0x1aa: {  	v50 =	vbroadcast v17, $0x5;
	v25 =	vmul.f32 v34, v54;
	v34 =	vld [tilespmem:s18+$0x60];
	v26 =	vadd.f32 v29, v26  }
0x1ab: {  	v0 =	vadd.f32 v31, v0;
	v29 =	vmul.f32 v35, v58;
	v31 =	vld [tilespmem:s18+$0x70];
	v35 =	vbroadcast v17, $0xD  }
0x1ac: {  	v53 =	vbroadcast v14, $0x5;
	v25 =	vadd.f32 v25, v28;
	v28 =	vmul.f32 v32, v60;
	v32 =	vld [tilespmem:s18+$0x80]  }
0x1ad: {  	v54 =	vbroadcast v14, $0xD;
	v1 =	vadd.f32 v29, v1;
	v29 =	vmul.f32 v30, v59;
	v30 =	vld [tilespmem:s18+$0x90]  }
0x1ae: {  	v55 =	vbroadcast v13, $0x5;
	v2 =	vadd.f32 v28, v2;
	v28 =	vmul.f32 v39, v61;
	v39 =	vld [tilespmem:s18+$0xA0]  }
0x1af: {  	v5 =	vadd.f32 v29, v5;
	v29 =	vmul.f32 v34, v40;
	v34 =	vld [tilespmem:s18+$0xB0];
	v40 =	vbroadcast v13, $0xD  }
0x1b0: {  	v3 =	vadd.f32 v28, v3;
	v28 =	vmul.f32 v31, v45;
	v31 =	vld [tilespmem:s18+$0xC0];
	v45 =	vbroadcast v10, $0x5  }
0x1b1: {  	v21 =	vadd.f32 v21, v22;
	v4 =	vadd.f32 v29, v4;
	v29 =	vmul.f32 v32, v51;
	v32 =	vld [tilespmem:s18+$0xD0]  }
0x1b2: {  	v22 =	vld [tilespmem:s18+$0x800];
	v6 =	vadd.f32 v28, v6;
	v28 =	vmul.f32 v30, v52;
	v20 =	vmul.f32 v20, v45  }
0x1b3: {  	v45 =	vbroadcast v18, $0x6;
	v30 =	vld [tilespmem:s18+$0x810];
	v23 =	vadd.f32 v29, v23;
	v29 =	vmul.f32 v39, v46  }
0x1b4: {  	v39 =	vbroadcast v18, $0xE;
	v46 =	vld [tilespmem:s18+$0x820];
	v7 =	vadd.f32 v28, v7;
	v28 =	vmul.f32 v34, v47  }
0x1b5: {  	v47 =	vbroadcast v11, $0x6;
	v34 =	vld [tilespmem:s18+$0x830];
	v27 =	vadd.f32 v29, v27;
	v29 =	vmul.f32 v31, v44  }
0x1b6: {  	v31 =	vbroadcast v11, $0xE;
	v44 =	vld [tilespmem:s18+$0x840];
	v24 =	vadd.f32 v28, v24;
	v28 =	vmul.f32 v32, v49  }
0x1b7: {  	v22 =	vmul.f32 v22, v43;
	v32 =	vld [tilespmem:s18+$0x850];
	v43 =	vbroadcast v12, $0x6;
	v8 =	vadd.f32 v29, v8  }
0x1b8: {  	v29 =	vmul.f32 v30, v37;
	v30 =	vbroadcast v12, $0xE;
	v37 =	vld [tilespmem:s18+$0x860];
	v26 =	vadd.f32 v28, v26  }
0x1b9: {  	v0 =	vadd.f32 v22, v0;
	v22 =	vmul.f32 v46, v48;
	v28 =	vld [tilespmem:s18+$0x870];
	v46 =	vbroadcast v16, $0x6  }
0x1ba: {  	v25 =	vadd.f32 v29, v25;
	v29 =	vmul.f32 v34, v42;
	v34 =	vbroadcast v16, $0xE;
	v42 =	vld [tilespmem:s18+$0x880]  }
0x1bb: {  	v1 =	vadd.f32 v22, v1;
	v22 =	vmul.f32 v44, v38;
	v38 =	vld [tilespmem:s18+$0x890];
	v44 =	vbroadcast v17, $0x6  }
0x1bc: {  	v2 =	vadd.f32 v29, v2;
	v29 =	vmul.f32 v32, v36;
	v32 =	vbroadcast v17, $0xE;
	v36 =	vld [tilespmem:s18+$0x8A0]  }
0x1bd: {  	v5 =	vadd.f32 v22, v5;
	v22 =	vmul.f32 v37, v33;
	v33 =	vld [tilespmem:s18+$0x8B0];
	v37 =	vbroadcast v14, $0x6  }
0x1be: {  	v3 =	vadd.f32 v29, v3;
	v28 =	vmul.f32 v28, v41;
	v29 =	vbroadcast v14, $0xE;
	v41 =	vld [tilespmem:s18+$0x8C0]  }
0x1bf: {  	v48 =	vbroadcast v13, $0x6;
	v4 =	vadd.f32 v22, v4;
	v22 =	vmul.f32 v42, v50;
	v42 =	vld [tilespmem:s18+$0x8D0]  }
0x1c0: {  	v49 =	vld [tilespmem:s18+$0x1000];
	v6 =	vadd.f32 v28, v6;
	v28 =	vmul.f32 v38, v35;
	v35 =	vbroadcast v13, $0xE  }
0x1c1: {  	v38 =	vld [tilespmem:s18+$0x1010];
	v22 =	vadd.f32 v22, v23;
	v23 =	vmul.f32 v36, v53;
	v36 =	vbroadcast v10, $0x6  }
0x1c2: {  	v50 =	vld [tilespmem:s18+$0x1020];
	v7 =	vadd.f32 v28, v7;
	v28 =	vmul.f32 v33, v54;
	v33 =	vadd.f32 v20, v21  }
0x1c3: {  	v20 =	vld [tilespmem:s18+$0x1030];
	v23 =	vadd.f32 v23, v27;
	v21 =	vmul.f32 v41, v55;
	v27 =	vmul.f32 v19, v36  }
0x1c4: {  	v36 =	vbroadcast v18, $0x7;
	v19 =	vld [tilespmem:s18+$0x1040];
	v24 =	vadd.f32 v28, v24;
	v28 =	vmul.f32 v42, v40  }
0x1c5: {  	v41 =	vbroadcast v18, $0xF;
	v40 =	vmul.f32 v49, v45;
	v18 =	vld [tilespmem:s18+$0x1050];
	v8 =	vadd.f32 v21, v8  }
0x1c6: {  	v21 =	vmul.f32 v38, v39;
	v38 =	vbroadcast v11, $0x7;
	v39 =	vld [tilespmem:s18+$0x1060];
	v26 =	vadd.f32 v28, v26  }
0x1c7: {  	v11 =	vbroadcast v11, $0xF;
	v0 =	vadd.f32 v40, v0;
	v28 =	vmul.f32 v50, v47;
	v40 =	vld [tilespmem:s18+$0x1070]  }
0x1c8: {  	v25 =	vadd.f32 v21, v25;
	v20 =	vmul.f32 v20, v31;
	v31 =	vbroadcast v12, $0x7;
	v21 =	vld [tilespmem:s18+$0x1080]  }
0x1c9: {  	v1 =	vadd.f32 v28, v1;
	v19 =	vmul.f32 v19, v43;
	v28 =	vbroadcast v12, $0xF;
	v12 =	vld [tilespmem:s18+$0x1090]  }
0x1ca: {  	v2 =	vadd.f32 v20, v2;
	v18 =	vmul.f32 v18, v30;
	v30 =	vbroadcast v16, $0x7;
	v20 =	vld [tilespmem:s18+$0x10A0]  }
0x1cb: {  	v5 =	vadd.f32 v19, v5;
	v19 =	vmul.f32 v39, v46;
	v39 =	vbroadcast v16, $0xF;
	v42 =	vld [tilespmem:s18+$0x10B0]  }
0x1cc: {  	v3 =	vadd.f32 v18, v3;
	v18 =	vmul.f32 v40, v34;
	v34 =	vbroadcast v17, $0x7;
	v40 =	vld [tilespmem:s18+$0x10C0]  }
0x1cd: {  	v16 =	vbroadcast v17, $0xF;
	v4 =	vadd.f32 v19, v4;
	v19 =	vmul.f32 v21, v44;
	v43 =	vld [tilespmem:s18+$0x10D0]  }
0x1ce: {  	v17 =	vbroadcast v14, $0x7;
	v44 =	vld [tilespmem:s18+$0x1800];
	v21 =	vadd.f32 v18, v6;
	v6 =	vmul.f32 v12, v32  }
0x1cf: {  	v14 =	vbroadcast v14, $0xF;
	v32 =	vld [tilespmem:s18+$0x1810];
	v19 =	vadd.f32 v19, v22;
	v12 =	vmul.f32 v20, v37  }
0x1d0: {  	v18 =	vbroadcast v13, $0x7;
	v37 =	vld [tilespmem:s18+$0x1820];
	v22 =	vadd.f32 v6, v7;
	v6 =	vmul.f32 v42, v29  }
0x1d1: {  	v7 =	vld [tilespmem:s18+$0x1830];
	v23 =	vadd.f32 v12, v23;
	v20 =	vmul.f32 v40, v48;
	v12 =	vbroadcast v13, $0xF  }
0x1d2: {  	v10 =	vbroadcast v10, $0x7;
	v29 =	vld [tilespmem:s18+$0x1840];
	v13 =	vadd.f32 v6, v24;
	v6 =	vmul.f32 v43, v35  }
0x1d3: {  	v35 =	vmul.f32 v44, v36;
	v36 =	vld [tilespmem:s18+$0x1850];
	v20 =	vadd.f32 v20, v8;
	v8 =	vadd.f32 v27, v33  }
0x1d4: {  	v27 =	vmul.f32 v32, v41;
	v32 =	vld [tilespmem:s18+$0x1860];
	v24 =	vadd.f32 v6, v26;
	v6 =	vmul.f32 v15, v10  }
0x1d5: {  	v0 =	vadd.f32 v35, v0;
	v10 =	vmul.f32 v37, v38;
	v33 =	vld [tilespmem:s18+$0x1870]  }
0x1d6: {  	v26 =	vadd.f32 v27, v25;
	v7 =	vmul.f32 v7, v11;
	v35 =	vld [tilespmem:s18+$0x1880];
	v15 =	vadd.f32 v6, v8  }
.Ltmp1:
0x1d7: {  	[tilespmem:s19+$0xFFFFFF40] =	vst v0;
	v0 =	vadd.f32 v10, v1;
	v1 =	vmul.f32 v29, v31;
	v25 =	vld [tilespmem:s18+$0x1890];
	(pc) =	sbr.rel @p1 .LBB2_5-.Ltmp1, $4  }
0x1d8: {  	[tilespmem:s19+$0xFFFFFF58] =	vst v26;
	v2 =	vadd.f32 v7, v2;
	v6 =	vmul.f32 v36, v28;
	v26 =	vld [tilespmem:s18+$0x18A0]  }
0x1d9: {  	[tilespmem:s19+$0xFFFFFF70] =	vst v0;
	v0 =	vadd.f32 v1, v5;
	v1 =	vmul.f32 v32, v30;
	v27 =	vld [tilespmem:s18+$0x18B0]  }
0x1da: {  	[tilespmem:s19+$0xFFFFFF88] =	vst v2;
	v11 =	vadd.f32 v6, v3;
	v32 =	vmul.f32 v33, v39;
	v28 =	vld [tilespmem:s18+$0x18C0]  }
0x1db: {  	s24 =	sadd.s32 $0x80, s24;
	[tilespmem:s19+$0xFFFFFFA0] =	vst v0;
	v30 =	vadd.f32 v1, v4;
	v31 =	vmul.f32 v35, v34;
	v29 =	vld [tilespmem:s18+$0x18D0]  }
0x1dc: {  	[tilespmem:s19+$0xFFFFFFB8] =	vst v11  }
0x1dd: {  	v0 =	vadd.f32 v32, v21;
	v1 =	vmul.f32 v25, v16;
	[tilespmem:s19+$0x90] =	vst v15  }
0x1de: {  	[tilespmem:s19+$0xFFFFFFD0] =	vst v30;
	v2 =	vadd.f32 v31, v19;
	v3 =	vmul.f32 v26, v17  }
0x1df: {  	[tilespmem:s19+$0xFFFFFFE8] =	vst v0;
	v45 =	vadd.f32 v1, v22;
	v46 =	vmul.f32 v27, v14  }
0x1e0: {  	v52 =	vlaneseq.u32;
	[tilespmem:s19+$0x0] =	vst v2;
	v47 =	vadd.f32 v3, v23;
	v48 =	vmul.f32 v28, v18  }
0x1e1: {  	s5 =	simm.s32 $0x0;
	v10 =	vmul.u32 $0x18, v52;
	[tilespmem:s19+$0x18] =	vst v45;
	v49 =	vadd.f32 v46, v13;
	v50 =	vmul.f32 v29, v12  }
0x1e2: {  	v54 =	vmov s5;
	[tilespmem:s19+$0x30] =	vst v47;
	v51 =	vadd.f32 v48, v20  }
0x1e3: {  	v1 =	vand.u32 $0xF, v54;
	v11 =	vadd.s32 $0xA80, v10;
	[tilespmem:s19+$0x48] =	vst v49;
	v53 =	vadd.f32 v50, v24  }
0x1e4: {  	s18 =	sand.u32 $0x1, s0;
	p1 =	slt.u32 s0, $0x2;
	v12 =	vadd.s32 $0x180, v10;
	v55 =	vadd.s32 v11, v1;
	[tilespmem:s19+$0x60] =	vst v51  }
0x1e5: {  	s5 =	sadd.s32 @!p1 $0x5, s18;
	v13 =	vadd.s32 $0x300, v10;
	v56 =	vadd.s32 v12, v1;
	[tilespmem:s19+$0x78] =	vst v53  }
0x1e6: {  	v14 =	vadd.s32 $0x480, v10;
	v57 =	vadd.s32 v13, v1;
	_ =	swait.ge @!p1 [sflag:s5], $0x800  }
0x1e7: {  	v15 =	vor.u32 $0x600, v10;
	v4 =	vadd.s32 v14, v1;
	[sflag:s5] =	ssyncset.done @!p1 $0x0  }
0x1e8: {  	s25 =	simm.s32 $0x1;
	v16 =	vadd.s32 $0x780, v10;
	v5 =	vadd.s32 v15, v1;
	[sflag:s5] =	ssyncadd.s32 @!p1 $0xFFFFF800  }
0x1e9: {  	v7 =	vmov s25;
	v17 =	vadd.s32 $0x900, v10;
	v6 =	vadd.s32 v16, v1;
	v0 =	vld.idx.msk [tilespmem:v55+s28+$0x0], $0xffff  }
0x1ea: {  	v7 =	vand.u32 $0xF, v7;
	v8 =	vadd.s32 v17, v1;
	v2 =	vld.idx.msk [tilespmem:v56+s28+$0x0], $0xffff  }
0x1eb: {  	v18 =	vadd.s32 v11, v7;
	v3 =	vld.idx.msk [tilespmem:v57+s28+$0x0], $0xffff  }
0x1ec: {  	v1 =	vadd.s32 v10, v1;
	v4 =	vld.idx.msk [tilespmem:v4+s28+$0x0], $0xffff  }
0x1ed: {  	v19 =	vadd.s32 v12, v7;
	v5 =	vld.idx.msk [tilespmem:v5+s28+$0x0], $0xffff  }
0x1ee: {  	v20 =	vadd.s32 v13, v7;
	v6 =	vld.idx.msk [tilespmem:v6+s28+$0x0], $0xffff  }
0x1ef: {  	v22 =	vadd.s32 v14, v7;
	v58 =	vld.idx.msk [tilespmem:v8+s28+$0x0], $0xffff  }
0x1f0: {  	v25 =	vadd.s32 v16, v7;
	v59 =	vld.idx.msk [tilespmem:v18+s28+$0x0], $0xffff;
	[tilespmem:s16+$0x30] =	vst v0  }
0x1f1: {  	s24 =	simm.s32 $0x2;
	v8 =	vadd.s32 v15, v7;
	v21 =	vld.idx.msk [tilespmem:v1+s28+$0x0], $0xffff;
	[tilespmem:s16+$0xFFFFFFD0] =	vst v2  }
0x1f2: {  	v60 =	vmov s24;
	v61 =	vadd.s32 v17, v7;
	v62 =	vld.idx.msk [tilespmem:v19+s28+$0x0], $0xffff;
	[tilespmem:s16+$0xFFFFFFE0] =	vst v3  }
0x1f3: {  	v1 =	vand.u32 $0xF, v60;
	v63 =	vld.idx.msk [tilespmem:v20+s28+$0x0], $0xffff;
	[tilespmem:s16+$0xFFFFFFF0] =	vst v4  }
0x1f4: {  	v24 =	vld.idx.msk [tilespmem:v22+s28+$0x0], $0xffff;
	v30 =	vadd.s32 v11, v1;
	[tilespmem:s16+$0x0] =	vst v5  }
0x1f5: {  	v18 =	vadd.s32 v10, v7;
	v27 =	vld.idx.msk [tilespmem:v25+s28+$0x0], $0xffff;
	[tilespmem:s16+$0x10] =	vst v6  }
0x1f6: {  	s19 =	sadd.s32 $0x80, s16;
	v28 =	vadd.s32 v12, v1;
	v22 =	vld.idx.msk [tilespmem:v8+s28+$0x0], $0xffff;
	[tilespmem:s16+$0x20] =	vst v58  }
0x1f7: {  	v29 =	vld.idx.msk [tilespmem:v61+s28+$0x0], $0xffff;
	v26 =	vadd.s32 v13, v1;
	[tilespmem:s19+$0x30] =	vst v59  }
0x1f8: {  	s5 =	sshll.u32 s18, $0xB;
	v23 =	vadd.s32 v14, v1;
	v25 =	vadd.s32 v15, v1;
	v19 =	vadd.s32 v16, v1;
	[tilespmem:s19+$0xFFFFFFD0] =	vst v62  }
0x1f9: {  	s25 =	simm.s32 $0x10;
	s22 =	sor.u32 $0x18000, s5;
	v20 =	vadd.s32 v17, v1;
	v31 =	vadd.s32 v10, v1;
	[tilespmem:s19+$0xFFFFFFE0] =	vst v63;
	v30 =	vld.idx.msk [tilespmem:v30+s28+$0x0], $0xffff  }
.LBB2_7:
0x1fa: {  	s25 =	sadd.s32 $0x8, s25;
	s24 =	sadd.s32 $0x1, s24;
	v0 =	vld.idx.msk [tilespmem:v18+s28+$0x0], $0xffff;
	[tilespmem:s19+$0xFFFFFFF0] =	vst v24;
	v18 =	vmov v31  }
0x1fb: {  	v1 =	vmov s24;
	p1 =	slt.u32 s25, $0x78;
	v2 =	vld.idx.msk [tilespmem:v28+s28+$0x0], $0xffff;
	[tilespmem:s19+$0x0] =	vst v22  }
0x1fc: {  	v1 =	vand.u32 $0xF, v1;
	v3 =	vld.idx.msk [tilespmem:v26+s28+$0x0], $0xffff;
	[tilespmem:s16+$0xFFFFFFC0] =	vst v21;
	s16 =	smov.u32 s19  }
0x1fd: {  	v4 =	vadd.s32 v11, v1;
	v24 =	vld.idx.msk [tilespmem:v23+s28+$0x0], $0xffff;
	[tilespmem:s19+$0x10] =	vst v27  }
.Ltmp2:
0x1fe: {  	s19 =	sadd.s32 $0x80, s19;
	v22 =	vld.idx.msk [tilespmem:v25+s28+$0x0], $0xffff;
	[tilespmem:s16+$0x20] =	vst v29;
	(pc) =	sbr.rel @p1 .LBB2_7-.Ltmp2, $4  }
0x1ff: {  	v28 =	vadd.s32 v12, v1;
	v26 =	vadd.s32 v13, v1;
	v23 =	vadd.s32 v14, v1;
	[tilespmem:s19+$0x30] =	vst v30  }
0x200: {  	v5 =	vadd.s32 v17, v1;
	v25 =	vadd.s32 v15, v1;
	v27 =	vld.idx.msk [tilespmem:v19+s28+$0x0], $0xffff;
	v19 =	vadd.s32 v16, v1  }
0x201: {  	v31 =	vadd.s32 v10, v1;
	v21 =	vmov v0;
	[tilespmem:s19+$0xFFFFFFD0] =	vst v2;
	v29 =	vld.idx.msk [tilespmem:v20+s28+$0x0], $0xffff;
	v20 =	vmov v5  }
0x202: {  	v30 =	vld.idx.msk [tilespmem:v4+s28+$0x0], $0xffff;
	[tilespmem:s19+$0xFFFFFFE0] =	vst v3  }
0x203: {  	_ =	sdelay $0x2  }
0x204: {  	[tilespmem:s19+$0xFFFFFFF0] =	vst v24  }
0x205: {  	v0 =	vld.idx.msk [tilespmem:v28+s28+$0x0], $0xffff;
	[tilespmem:s19+$0x0] =	vst v22  }
0x206: {  	v1 =	vld.idx.msk [tilespmem:v26+s28+$0x0], $0xffff;
	[tilespmem:s16+$0xFFFFFFC0] =	vst v21  }
0x207: {  	v2 =	vld.idx.msk [tilespmem:v23+s28+$0x0], $0xffff;
	[tilespmem:s19+$0x10] =	vst v27  }
0x208: {  	v3 =	vld.idx.msk [tilespmem:v25+s28+$0x0], $0xffff;
	s24 =	sadd.s32 $0x80, s19;
	[tilespmem:s19+$0x20] =	vst v29  }
0x209: {  	v4 =	vld.idx.msk [tilespmem:v18+s28+$0x0], $0xffff;
	[tilespmem:s24+$0x30] =	vst v30  }
0x20a: {  	v5 =	vld.idx.msk [tilespmem:v19+s28+$0x0], $0xffff;
	[tilespmem:s24+$0xFFFFFFD0] =	vst v0  }
0x20b: {  	v0 =	vld.idx.msk [tilespmem:v20+s28+$0x0], $0xffff;
	[tilespmem:s24+$0xFFFFFFE0] =	vst v1  }
0x20c: {  	v1 =	vld.idx.msk [tilespmem:v31+s28+$0x0], $0xffff;
	[tilespmem:s24+$0xFFFFFFF0] =	vst v2  }
0x20d: {  	[tilespmem:s24+$0x0] =	vst v3  }
0x20e: {  	[tilespmem:s19+$0xFFFFFFC0] =	vst v4  }
0x20f: {  	[tilespmem:s24+$0x10] =	vst v5  }
0x210: {  	[tilespmem:s24+$0x20] =	vst v0  }
0x211: {  	[tilespmem:s24+$0xFFFFFFC0] =	vst v1  }
0x212: {  	v0 =	vld [tilespmem:$0x1FF80]  }
0x213: {  	s25 =	sor.u32 s6, s0;
	s0 =	sadd.s32 $0x1, s0;
	v1 =	vld [tilespmem:$0x1FF90]  }
0x214: {  	p1 =	sne.s32 s0, $0x40;
	v2 =	vld [tilespmem:$0x1FFA0]  }
.Ltmp3:
0x215: {  	s19 =	sshll.u32 s25, $0x7;
	v3 =	vld [tilespmem:$0x1FFB0];
	(pc) =	sbr.rel @p1 .LBB2_2-.Ltmp3, $4  }
0x216: {  	s16 =	sadd.s32 $0x5, s18;
	s5 =	sadd.s32 $0x18400, s5;
	s24 =	sadd.s32 s2, s19;
	v4 =	vld [tilespmem:$0x1FFC0]  }
0x217: {  	[hbm4b:s24+s3] =	stream.linear.scatter [tilespmem:s22], [sflag:s16], $0x400, $0x38;
	v5 =	vld [tilespmem:$0x1FFD0]  }
0x218: {  	s1 =	sadd.s32 $0x1, s1;
	p0 =	por !p0, !p0;
	s25 =	sadd.s32 s19, s14;
	v6 =	vld [tilespmem:$0x1FFE0]  }
0x219: {  	v7 =	vld [tilespmem:$0x1FFF0];
	[hbm4b:s25+s3] =	stream.linear.scatter [tilespmem:s5], [sflag:s16], $0x400, $0x38  }
0x21a: {  	s31 =	sadd.s32 $0x1, s31  }
0x21b: {  	_ =	swait.ge [sflag:s29], $0x800;
	p0 =	sne.s32 s31, s15  }
.Ltmp4:
0x21c: {  	[sflag:s29] =	ssyncset.done $0x0;
	(pc) =	sbr.rel @p0 .LBB2_1-.Ltmp4, $4  }
0x21d: {  	[sflag:s29] =	ssyncadd.s32 $0xFFFFF800  }
0x21e: {  	_ =	swait.ge [sflag:s30], $0x800  }
0x21f: {  	[sflag:s30] =	ssyncset.done $0x0  }
0x220: {  	[sflag:s30] =	ssyncadd.s32 $0xFFFFF800  }
0x221: {  	_ =	sfence.sel $0x180000  }
0x222: {  	[bflag:$0x0] =	sbarrier.arrive $0xFFFF  }
0x223: {  	_ =	strace $0x9000004A  }
0x224: {  	s0 =	stileid.u32;
	[bflag:$0x2] =	sbarrier.arrive $0xFFFF  }
0x225: {  	p0 =	sne.s32 s0, $0x0;
	s0 =	rddreg [dreg:$0x3]  }
0x226: {  	s0 =	sadd.s32 @!p0 $0x100000, s0  }
0x227: {  	[sflag:s0] =	ssyncadd.tile.s32 @!p0 $0x1;
	_ =	shalt  }
.Lfunc_end2:
_tile_overlayer_lowered:
.L_overlay_start_2:
0x228: {  	(tag) =	ssettag $0x2  }
0x229: {  	s0 =	rddreg [dreg:$0x0];
	s2 =	stileid.u32  }
0x22a: {  	s1 =	rddreg [dreg:$0x1];
	p0 =	sne.s32 s2, $0x0  }
0x22b: {  	s3 =	rddreg [dreg:$0x2];
	[bflag:$0x3] =	sbarrier.arrive $0xFFFF;
	s2 =	simm.s32 @!p0 $0x1C07  }
0x22c: {  	[timem:s3], [sflag:s2] =	dma.local @!p0 [hbm:s0], s1  }
0x22d: {  	s0 =	simm.s32 @!p0 $0x7  }
0x22e: {  	_ =	swait.ge @!p0 [sflag:s0], s1  }
0x22f: {  	s1 =	ssub.s32 @!p0 $0x0, s1;
	[sflag:s0] =	ssyncset.done @!p0 $0x0  }
0x230: {  	[sflag:s0] =	ssyncadd.s32 @!p0 s1  }
0x231: {  	[bflag:$0x3] =	sbarrier.arrive $0xFFFF  }
0x232: {  	_ =	shalt  }

</sc_bundles>
